<compile_context>
chip_gen: v7x
topology: tpu7x:2x2x1
jax: 0.10.2.dev20260603
libtpu: 0.0.44.dev20260713+nightly
codegen_flags: <defaults>
</compile_context>

<pallas_src>
import jax
import jax.numpy as jnp
from jax import lax
from jax.experimental import pallas as pl
from jax.experimental.pallas import tpu as pltpu
from jax.experimental.pallas import tpu_sc as plsc

_B, _S, _D = 4, 4096, 1024
_NC, _NS = 2, 16
_NW = _NC * _NS
_RPW = _S // _NW
_CHR = 16
_NCHUNK = _RPW // _CHR
_NSTEP = _NCHUNK * _B
_NBUF = 4


def _sc_body(x_hbm, pos_hbm, out_hbm, b0, b1, b2, b3, pos0, pos1, *sems):
    bufs = (b0, b1, b2, b3)
    pos_buf = (pos0, pos1)
    xsem, osem, psem = sems[0:4], sems[4:8], sems[8:10]
    wid = lax.axis_index("s") * _NC + lax.axis_index("c")
    row0 = wid * _RPW

    def rows(step):
        return pl.ds(row0 + (step // _B) * _CHR, _CHR)

    def issue_in(step):
        r = step % _NBUF
        return pltpu.async_copy(x_hbm.at[step % _B, rows(step), :],
                                bufs[r], xsem[r])

    def issue_out(step):
        r = step % _NBUF
        return pltpu.async_copy(bufs[r], out_hbm.at[step % _B, rows(step), :],
                                osem[r])

    def issue_pos(ci):
        return pltpu.async_copy(
            pos_hbm.at[pl.ds(row0 + ci * _CHR, _CHR), :],
            pos_buf[ci % 2], psem[ci % 2])

    pos_dma = [None] * _NCHUNK
    in_dma = [None] * _NSTEP
    out_dma = [None] * _NSTEP
    pos_dma[0] = issue_pos(0)
    in_dma[0] = issue_in(0)
    in_dma[1] = issue_in(1)

    for s in range(_NSTEP):
        ci, b = s // _B, s % _B
        r, pc = s % _NBUF, ci % 2
        if b == 0:
            pos_dma[ci].wait()
            if ci + 1 < _NCHUNK:
                pos_dma[ci + 1] = issue_pos(ci + 1)
        in_dma[s].wait()
        buf, pbuf = bufs[r], pos_buf[pc]

        @plsc.parallel_loop(0, _CHR * _D, 16, unroll=8)
        def _add(i):
            rr = jax.lax.shift_right_logical(i, 10)
            cc = pl.multiple_of(jax.lax.bitwise_and(i, _D - 1), 16)
            plsc.addupdate(buf.at[rr, pl.ds(cc, 16)],
                           pbuf[rr, pl.ds(cc, 16)])

        out_dma[s] = issue_out(s)
        if s + 2 - _NBUF >= 0:
            out_dma[s + 2 - _NBUF].wait()
        if s + 2 < _NSTEP:
            in_dma[s + 2] = issue_in(s + 2)

    out_dma[_NSTEP - 2].wait()
    out_dma[_NSTEP - 1].wait()


def kernel(x, pos_table):
    mesh = plsc.VectorSubcoreMesh(core_axis_name="c", subcore_axis_name="s")
    k = pl.kernel(
        _sc_body,
        out_type=jax.ShapeDtypeStruct((_B, _S, _D), jnp.float32),
        mesh=mesh,
        scratch_types=(
            [pltpu.VMEM((_CHR, _D), jnp.float32)] * (_NBUF + 2)
            + [pltpu.SemaphoreType.DMA] * 10
        ),
    )
    return k(x, pos_table)

# --- scband reference (transcript-rebuilt; emitter-appended) ---
"""Pipeline reference for scband-learnable-positional-encoding-31430570672409 (READ-ONLY COPY).

The authoritative reference and input builder live on the scoring server;
editing this copy changes nothing except your own understanding.
"""

import jax, jax.numpy as jnp
import numpy as np

BATCH = 4
SEQ_LEN = 4096
D = 1024
MAX_SEQ_LEN = 4096

def setup_inputs(seed: int = 0) -> dict:
    key = jax.random.key(seed)
    k1, k2 = jax.random.split(key)
    x = jax.random.normal(k1, (BATCH, SEQ_LEN, D), dtype=jnp.float32)
    # learned positional embedding table, init std=0.02 as in the torch module
    pos_table = jax.random.normal(k2, (MAX_SEQ_LEN, D), dtype=jnp.float32) * 0.02
    return {"x": x, "pos_table": pos_table}

def reference(x, pos_table):
    seq_len = x.shape[1]
    positions = jnp.arange(seq_len)  # [S]
    pos_emb = jnp.take(pos_table, positions, axis=0)  # [S, D] embedding lookup
    out = x + pos_emb[None, :, :]  # broadcast over batch
    # dropout p=0.0 -> identity (eval-mode equivalent)
    return out

if __name__ == "__main__":
    import jax
    _d = setup_inputs()
    print(jax.jit(kernel)(*tuple(_d.values())))

</pallas_src>

<mosaic_0001>
#map = affine_map<(d0, d1) -> (0, 0, 0)>
#map1 = affine_map<(d0, d1) -> (0, 0)>
module attributes {stable_mosaic.version = 14 : i64} {
  func.func @_sc_body(%arg0: i32, %arg1: i32, %arg2: memref<4x4096x1024xf32, #tpu.memory_space<hbm>>, %arg3: memref<4096x1024xf32, #tpu.memory_space<hbm>>, %arg4: memref<4x4096x1024xf32, #tpu.memory_space<hbm>>, %arg5: memref<16x1024xf32, #tpu.memory_space<vmem>>, %arg6: memref<16x1024xf32, #tpu.memory_space<vmem>>, %arg7: memref<16x1024xf32, #tpu.memory_space<vmem>>, %arg8: memref<16x1024xf32, #tpu.memory_space<vmem>>, %arg9: memref<16x1024xf32, #tpu.memory_space<vmem>>, %arg10: memref<16x1024xf32, #tpu.memory_space<vmem>>, %arg11: memref<!tpu.dma_semaphore, #tpu.memory_space<semaphore_mem>>, %arg12: memref<!tpu.dma_semaphore, #tpu.memory_space<semaphore_mem>>, %arg13: memref<!tpu.dma_semaphore, #tpu.memory_space<semaphore_mem>>, %arg14: memref<!tpu.dma_semaphore, #tpu.memory_space<semaphore_mem>>, %arg15: memref<!tpu.dma_semaphore, #tpu.memory_space<semaphore_mem>>, %arg16: memref<!tpu.dma_semaphore, #tpu.memory_space<semaphore_mem>>, %arg17: memref<!tpu.dma_semaphore, #tpu.memory_space<semaphore_mem>>, %arg18: memref<!tpu.dma_semaphore, #tpu.memory_space<semaphore_mem>>, %arg19: memref<!tpu.dma_semaphore, #tpu.memory_space<semaphore_mem>>, %arg20: memref<!tpu.dma_semaphore, #tpu.memory_space<semaphore_mem>>) attributes {dimension_semantics = [#tpu.dimension_semantics<core_parallel>, #tpu.dimension_semantics<subcore_parallel>], iteration_bounds = array<i64: 2, 16>, scalar_prefetch = 0 : i64, scratch_operands = 16 : i64, tpu.core_type = #tpu.core_type<sc_vector_subcore>, window_params = [{transform_indices = #map}, {transform_indices = #map1}, {transform_indices = #map}]} {
    %mul3A = arith.constant 2 : i32
    %mul3A_0 = arith.muli %arg1, %mul3A : i32
    %add3A = arith.addi %mul3A_0, %arg0 : i32
    %mul3A_1 = arith.constant 128 : i32
    %mul3A_2 = arith.muli %add3A, %mul3A_1 : i32
    %add3A_3 = arith.constant 0 : i32
    %add3A_4 = arith.addi %mul3A_2, %add3A_3 : i32
    %dma_start3A = arith.constant 0 : i32
    %dma_start3A_5 = tpu.memref_slice %arg3[%add3A_4, %dma_start3A] : memref<4096x1024xf32, #tpu.memory_space<hbm>> -> memref<16x1024xf32, #tpu.memory_space<hbm>>
    %dma_start3A_6 = arith.constant 0 : i32
    %dma_start3A_7 = tpu.memref_slice %arg3[%add3A_4, %dma_start3A_6] : memref<4096x1024xf32, #tpu.memory_space<hbm>> -> memref<16x1024xf32, #tpu.memory_space<hbm>>
    tpu.enqueue_dma source(%dma_start3A_7 : memref<16x1024xf32, #tpu.memory_space<hbm>>) target(%arg9 : memref<16x1024xf32, #tpu.memory_space<vmem>>) target_semaphore(%arg19 : memref<!tpu.dma_semaphore, #tpu.memory_space<semaphore_mem>>)
    %add3A_8 = arith.constant 0 : i32
    %add3A_9 = arith.addi %mul3A_2, %add3A_8 : i32
    %dma_start3A_10 = arith.constant 0 : i32
    %dma_start3A_11 = arith.constant 0 : i32
    %dma_start3A_12 = tpu.memref_slice %arg2[%dma_start3A_10, %add3A_9, %dma_start3A_11] : memref<4x4096x1024xf32, #tpu.memory_space<hbm>> -> memref<1x16x1024xf32, #tpu.memory_space<hbm>>
    %dma_start3A_13 = tpu.memref_squeeze %dma_start3A_12 : memref<1x16x1024xf32, #tpu.memory_space<hbm>> -> memref<16x1024xf32, #tpu.memory_space<hbm>>
    %dma_start3A_14 = arith.constant 0 : i32
    %dma_start3A_15 = tpu.memref_slice %arg2[%dma_start3A_10, %add3A_9, %dma_start3A_14] : memref<4x4096x1024xf32, #tpu.memory_space<hbm>> -> memref<1x16x1024xf32, #tpu.memory_space<hbm>>
    %dma_start3A_16 = tpu.memref_squeeze %dma_start3A_15 : memref<1x16x1024xf32, #tpu.memory_space<hbm>> -> memref<16x1024xf32, #tpu.memory_space<hbm>>
    tpu.enqueue_dma source(%dma_start3A_16 : memref<16x1024xf32, #tpu.memory_space<hbm>>) target(%arg5 : memref<16x1024xf32, #tpu.memory_space<vmem>>) target_semaphore(%arg11 : memref<!tpu.dma_semaphore, #tpu.memory_space<semaphore_mem>>)
    %add3A_17 = arith.constant 0 : i32
    %add3A_18 = arith.addi %mul3A_2, %add3A_17 : i32
    %dma_start3A_19 = arith.constant 1 : i32
    %dma_start3A_20 = arith.constant 0 : i32
    %dma_start3A_21 = tpu.memref_slice %arg2[%dma_start3A_19, %add3A_18, %dma_start3A_20] : memref<4x4096x1024xf32, #tpu.memory_space<hbm>> -> memref<1x16x1024xf32, #tpu.memory_space<hbm>>
    %dma_start3A_22 = tpu.memref_squeeze %dma_start3A_21 : memref<1x16x1024xf32, #tpu.memory_space<hbm>> -> memref<16x1024xf32, #tpu.memory_space<hbm>>
    %dma_start3A_23 = arith.constant 0 : i32
    %dma_start3A_24 = tpu.memref_slice %arg2[%dma_start3A_19, %add3A_18, %dma_start3A_23] : memref<4x4096x1024xf32, #tpu.memory_space<hbm>> -> memref<1x16x1024xf32, #tpu.memory_space<hbm>>
    %dma_start3A_25 = tpu.memref_squeeze %dma_start3A_24 : memref<1x16x1024xf32, #tpu.memory_space<hbm>> -> memref<16x1024xf32, #tpu.memory_space<hbm>>
    tpu.enqueue_dma source(%dma_start3A_25 : memref<16x1024xf32, #tpu.memory_space<hbm>>) target(%arg6 : memref<16x1024xf32, #tpu.memory_space<vmem>>) target_semaphore(%arg12 : memref<!tpu.dma_semaphore, #tpu.memory_space<semaphore_mem>>)
    %dma_wait3A = arith.constant 0 : i32
    %dma_wait3A_26 = tpu.memref_slice %arg3[%add3A_4, %dma_wait3A] : memref<4096x1024xf32, #tpu.memory_space<hbm>> -> memref<16x1024xf32, #tpu.memory_space<hbm>>
    %dma_wait3A_27 = arith.constant 0 : i32
    %dma_wait3A_28 = tpu.memref_slice %arg3[%add3A_4, %dma_wait3A_27] : memref<4096x1024xf32, #tpu.memory_space<hbm>> -> memref<16x1024xf32, #tpu.memory_space<hbm>>
    tpu.wait_dma2 semaphore(%arg19 : memref<!tpu.dma_semaphore, #tpu.memory_space<semaphore_mem>>) src(%dma_wait3A_28 : memref<16x1024xf32, #tpu.memory_space<hbm>>) dst(%arg9 : memref<16x1024xf32, #tpu.memory_space<vmem>>)
    %add3A_29 = arith.constant 16 : i32
    %add3A_30 = arith.addi %mul3A_2, %add3A_29 : i32
    %dma_start3A_31 = arith.constant 0 : i32
    %dma_start3A_32 = tpu.memref_slice %arg3[%add3A_30, %dma_start3A_31] : memref<4096x1024xf32, #tpu.memory_space<hbm>> -> memref<16x1024xf32, #tpu.memory_space<hbm>>
    %dma_start3A_33 = arith.constant 0 : i32
    %dma_start3A_34 = tpu.memref_slice %arg3[%add3A_30, %dma_start3A_33] : memref<4096x1024xf32, #tpu.memory_space<hbm>> -> memref<16x1024xf32, #tpu.memory_space<hbm>>
    tpu.enqueue_dma source(%dma_start3A_34 : memref<16x1024xf32, #tpu.memory_space<hbm>>) target(%arg10 : memref<16x1024xf32, #tpu.memory_space<vmem>>) target_semaphore(%arg20 : memref<!tpu.dma_semaphore, #tpu.memory_space<semaphore_mem>>)
    %dma_wait3A_35 = arith.constant 0 : i32
    %dma_wait3A_36 = arith.constant 0 : i32
    %dma_wait3A_37 = tpu.memref_slice %arg2[%dma_wait3A_35, %add3A_9, %dma_wait3A_36] : memref<4x4096x1024xf32, #tpu.memory_space<hbm>> -> memref<1x16x1024xf32, #tpu.memory_space<hbm>>
    %dma_wait3A_38 = tpu.memref_squeeze %dma_wait3A_37 : memref<1x16x1024xf32, #tpu.memory_space<hbm>> -> memref<16x1024xf32, #tpu.memory_space<hbm>>
    %dma_wait3A_39 = arith.constant 0 : i32
    %dma_wait3A_40 = tpu.memref_slice %arg2[%dma_wait3A_35, %add3A_9, %dma_wait3A_39] : memref<4x4096x1024xf32, #tpu.memory_space<hbm>> -> memref<1x16x1024xf32, #tpu.memory_space<hbm>>
    %dma_wait3A_41 = tpu.memref_squeeze %dma_wait3A_40 : memref<1x16x1024xf32, #tpu.memory_space<hbm>> -> memref<16x1024xf32, #tpu.memory_space<hbm>>
    tpu.wait_dma2 semaphore(%arg11 : memref<!tpu.dma_semaphore, #tpu.memory_space<semaphore_mem>>) src(%dma_wait3A_41 : memref<16x1024xf32, #tpu.memory_space<hbm>>) dst(%arg5 : memref<16x1024xf32, #tpu.memory_space<vmem>>)
    %parallel_loop3A = arith.constant 0 : i32
    %parallel_loop3A_42 = arith.constant 16384 : i32
    %parallel_loop3A_43 = arith.constant 16 : i32
    scf.for %parallel_loop3A_1200 = %parallel_loop3A to %parallel_loop3A_42 step %parallel_loop3A_43  : i32 {
      %parallel_loop3A_1201 = arith.constant 10 : i32
      %parallel_loop3A_1202 = arith.shrui %parallel_loop3A_1200, %parallel_loop3A_1201 : i32
      %parallel_loop3A_1203 = arith.constant 1023 : i32
      %parallel_loop3A_1204 = arith.andi %parallel_loop3A_1200, %parallel_loop3A_1203 : i32
      %parallel_loop3A_1205 = tpu.assume_multiple %parallel_loop3A_1204, 16 : i32
      %parallel_loop3A_1206 = arith.index_cast %parallel_loop3A_1202 : i32 to index
      %parallel_loop3A_1207 = arith.index_cast %parallel_loop3A_1205 : i32 to index
      %parallel_loop3A_1208 = tpu.vector_load %arg9[%parallel_loop3A_1206, %parallel_loop3A_1207] {strides = array<i32>} : memref<16x1024xf32, #tpu.memory_space<vmem>>, vector<1x16xf32>,
      %parallel_loop3A_1209 = vector.shape_cast %parallel_loop3A_1208 : vector<1x16xf32> to vector<16xf32>
      %parallel_loop3A_1210 = arith.index_cast %parallel_loop3A_1202 : i32 to index
      %parallel_loop3A_1211 = arith.index_cast %parallel_loop3A_1205 : i32 to index
      %parallel_loop3A_1212 = tpu.vector_load %arg5[%parallel_loop3A_1210, %parallel_loop3A_1211] {strides = array<i32>} : memref<16x1024xf32, #tpu.memory_space<vmem>>, vector<1x16xf32>,
      %parallel_loop3A_1213 = vector.shape_cast %parallel_loop3A_1212 : vector<1x16xf32> to vector<16xf32>
      %parallel_loop3A_1214 = vector.shape_cast %parallel_loop3A_1209 : vector<16xf32> to vector<1x16xf32>
      tpu.vector_store %arg5[%parallel_loop3A_1210, %parallel_loop3A_1211], %parallel_loop3A_1214 {add = true, strides = array<i32>} : memref<16x1024xf32, #tpu.memory_space<vmem>>, vector<1x16xf32>,
    } {sc.loop_unroll_factor = 8 : i64, sc.parallel_access}
    %add3A_44 = arith.constant 0 : i32
    %add3A_45 = arith.addi %mul3A_2, %add3A_44 : i32
    %dma_start3A_46 = arith.constant 0 : i32
    %dma_start3A_47 = arith.constant 0 : i32
    %dma_start3A_48 = tpu.memref_slice %arg4[%dma_start3A_46, %add3A_45, %dma_start3A_47] : memref<4x4096x1024xf32, #tpu.memory_space<hbm>> -> memref<1x16x1024xf32, #tpu.memory_space<hbm>>
    %dma_start3A_49 = tpu.memref_squeeze %dma_start3A_48 : memref<1x16x1024xf32, #tpu.memory_space<hbm>> -> memref<16x1024xf32, #tpu.memory_space<hbm>>
    %dma_start3A_50 = arith.constant 0 : i32
    %dma_start3A_51 = tpu.memref_slice %arg4[%dma_start3A_46, %add3A_45, %dma_start3A_50] : memref<4x4096x1024xf32, #tpu.memory_space<hbm>> -> memref<1x16x1024xf32, #tpu.memory_space<hbm>>
    %dma_start3A_52 = tpu.memref_squeeze %dma_start3A_51 : memref<1x16x1024xf32, #tpu.memory_space<hbm>> -> memref<16x1024xf32, #tpu.memory_space<hbm>>
    tpu.enqueue_dma source(%arg5 : memref<16x1024xf32, #tpu.memory_space<vmem>>) target(%dma_start3A_52 : memref<16x1024xf32, #tpu.memory_space<hbm>>) target_semaphore(%arg15 : memref<!tpu.dma_semaphore, #tpu.memory_space<semaphore_mem>>)
    %add3A_53 = arith.constant 0 : i32
    %add3A_54 = arith.addi %mul3A_2, %add3A_53 : i32
    %dma_start3A_55 = arith.constant 2 : i32
    %dma_start3A_56 = arith.constant 0 : i32
    %dma_start3A_57 = tpu.memref_slice %arg2[%dma_start3A_55, %add3A_54, %dma_start3A_56] : memref<4x4096x1024xf32, #tpu.memory_space<hbm>> -> memref<1x16x1024xf32, #tpu.memory_space<hbm>>
    %dma_start3A_58 = tpu.memref_squeeze %dma_start3A_57 : memref<1x16x1024xf32, #tpu.memory_space<hbm>> -> memref<16x1024xf32, #tpu.memory_space<hbm>>
    %dma_start3A_59 = arith.constant 0 : i32
    %dma_start3A_60 = tpu.memref_slice %arg2[%dma_start3A_55, %add3A_54, %dma_start3A_59] : memref<4x4096x1024xf32, #tpu.memory_space<hbm>> -> memref<1x16x1024xf32, #tpu.memory_space<hbm>>
    %dma_start3A_61 = tpu.memref_squeeze %dma_start3A_60 : memref<1x16x1024xf32, #tpu.memory_space<hbm>> -> memref<16x1024xf32, #tpu.memory_space<hbm>>
    tpu.enqueue_dma source(%dma_start3A_61 : memref<16x1024xf32, #tpu.memory_space<hbm>>) target(%arg7 : memref<16x1024xf32, #tpu.memory_space<vmem>>) target_semaphore(%arg13 : memref<!tpu.dma_semaphore, #tpu.memory_space<semaphore_mem>>)
    %dma_wait3A_62 = arith.constant 1 : i32
    %dma_wait3A_63 = arith.constant 0 : i32
    %dma_wait3A_64 = tpu.memref_slice %arg2[%dma_wait3A_62, %add3A_18, %dma_wait3A_63] : memref<4x4096x1024xf32, #tpu.memory_space<hbm>> -> memref<1x16x1024xf32, #tpu.memory_space<hbm>>
    %dma_wait3A_65 = tpu.memref_squeeze %dma_wait3A_64 : memref<1x16x1024xf32, #tpu.memory_space<hbm>> -> memref<16x1024xf32, #tpu.memory_space<hbm>>
    %dma_wait3A_66 = arith.constant 0 : i32
    %dma_wait3A_67 = tpu.memref_slice %arg2[%dma_wait3A_62, %add3A_18, %dma_wait3A_66] : memref<4x4096x1024xf32, #tpu.memory_space<hbm>> -> memref<1x16x1024xf32, #tpu.memory_space<hbm>>
    %dma_wait3A_68 = tpu.memref_squeeze %dma_wait3A_67 : memref<1x16x1024xf32, #tpu.memory_space<hbm>> -> memref<16x1024xf32, #tpu.memory_space<hbm>>
    tpu.wait_dma2 semaphore(%arg12 : memref<!tpu.dma_semaphore, #tpu.memory_space<semaphore_mem>>) src(%dma_wait3A_68 : memref<16x1024xf32, #tpu.memory_space<hbm>>) dst(%arg6 : memref<16x1024xf32, #tpu.memory_space<vmem>>)
    %parallel_loop3A_69 = arith.constant 0 : i32
    %parallel_loop3A_70 = arith.constant 16384 : i32
    %parallel_loop3A_71 = arith.constant 16 : i32
    scf.for %parallel_loop3A_1200 = %parallel_loop3A_69 to %parallel_loop3A_70 step %parallel_loop3A_71  : i32 {
      %parallel_loop3A_1201 = arith.constant 10 : i32
      %parallel_loop3A_1202 = arith.shrui %parallel_loop3A_1200, %parallel_loop3A_1201 : i32
      %parallel_loop3A_1203 = arith.constant 1023 : i32
      %parallel_loop3A_1204 = arith.andi %parallel_loop3A_1200, %parallel_loop3A_1203 : i32
      %parallel_loop3A_1205 = tpu.assume_multiple %parallel_loop3A_1204, 16 : i32
      %parallel_loop3A_1206 = arith.index_cast %parallel_loop3A_1202 : i32 to index
      %parallel_loop3A_1207 = arith.index_cast %parallel_loop3A_1205 : i32 to index
      %parallel_loop3A_1208 = tpu.vector_load %arg9[%parallel_loop3A_1206, %parallel_loop3A_1207] {strides = array<i32>} : memref<16x1024xf32, #tpu.memory_space<vmem>>, vector<1x16xf32>,
      %parallel_loop3A_1209 = vector.shape_cast %parallel_loop3A_1208 : vector<1x16xf32> to vector<16xf32>
      %parallel_loop3A_1210 = arith.index_cast %parallel_loop3A_1202 : i32 to index
      %parallel_loop3A_1211 = arith.index_cast %parallel_loop3A_1205 : i32 to index
      %parallel_loop3A_1212 = tpu.vector_load %arg6[%parallel_loop3A_1210, %parallel_loop3A_1211] {strides = array<i32>} : memref<16x1024xf32, #tpu.memory_space<vmem>>, vector<1x16xf32>,
      %parallel_loop3A_1213 = vector.shape_cast %parallel_loop3A_1212 : vector<1x16xf32> to vector<16xf32>
      %parallel_loop3A_1214 = vector.shape_cast %parallel_loop3A_1209 : vector<16xf32> to vector<1x16xf32>
      tpu.vector_store %arg6[%parallel_loop3A_1210, %parallel_loop3A_1211], %parallel_loop3A_1214 {add = true, strides = array<i32>} : memref<16x1024xf32, #tpu.memory_space<vmem>>, vector<1x16xf32>,
    } {sc.loop_unroll_factor = 8 : i64, sc.parallel_access}
    %add3A_72 = arith.constant 0 : i32
    %add3A_73 = arith.addi %mul3A_2, %add3A_72 : i32
    %dma_start3A_74 = arith.constant 1 : i32
    %dma_start3A_75 = arith.constant 0 : i32
    %dma_start3A_76 = tpu.memref_slice %arg4[%dma_start3A_74, %add3A_73, %dma_start3A_75] : memref<4x4096x1024xf32, #tpu.memory_space<hbm>> -> memref<1x16x1024xf32, #tpu.memory_space<hbm>>
    %dma_start3A_77 = tpu.memref_squeeze %dma_start3A_76 : memref<1x16x1024xf32, #tpu.memory_space<hbm>> -> memref<16x1024xf32, #tpu.memory_space<hbm>>
    %dma_start3A_78 = arith.constant 0 : i32
    %dma_start3A_79 = tpu.memref_slice %arg4[%dma_start3A_74, %add3A_73, %dma_start3A_78] : memref<4x4096x1024xf32, #tpu.memory_space<hbm>> -> memref<1x16x1024xf32, #tpu.memory_space<hbm>>
    %dma_start3A_80 = tpu.memref_squeeze %dma_start3A_79 : memref<1x16x1024xf32, #tpu.memory_space<hbm>> -> memref<16x1024xf32, #tpu.memory_space<hbm>>
    tpu.enqueue_dma source(%arg6 : memref<16x1024xf32, #tpu.memory_space<vmem>>) target(%dma_start3A_80 : memref<16x1024xf32, #tpu.memory_space<hbm>>) target_semaphore(%arg16 : memref<!tpu.dma_semaphore, #tpu.memory_space<semaphore_mem>>)
    %add3A_81 = arith.constant 0 : i32
    %add3A_82 = arith.addi %mul3A_2, %add3A_81 : i32
    %dma_start3A_83 = arith.constant 3 : i32
    %dma_start3A_84 = arith.constant 0 : i32
    %dma_start3A_85 = tpu.memref_slice %arg2[%dma_start3A_83, %add3A_82, %dma_start3A_84] : memref<4x4096x1024xf32, #tpu.memory_space<hbm>> -> memref<1x16x1024xf32, #tpu.memory_space<hbm>>
    %dma_start3A_86 = tpu.memref_squeeze %dma_start3A_85 : memref<1x16x1024xf32, #tpu.memory_space<hbm>> -> memref<16x1024xf32, #tpu.memory_space<hbm>>
    %dma_start3A_87 = arith.constant 0 : i32
    %dma_start3A_88 = tpu.memref_slice %arg2[%dma_start3A_83, %add3A_82, %dma_start3A_87] : memref<4x4096x1024xf32, #tpu.memory_space<hbm>> -> memref<1x16x1024xf32, #tpu.memory_space<hbm>>
    %dma_start3A_89 = tpu.memref_squeeze %dma_start3A_88 : memref<1x16x1024xf32, #tpu.memory_space<hbm>> -> memref<16x1024xf32, #tpu.memory_space<hbm>>
    tpu.enqueue_dma source(%dma_start3A_89 : memref<16x1024xf32, #tpu.memory_space<hbm>>) target(%arg8 : memref<16x1024xf32, #tpu.memory_space<vmem>>) target_semaphore(%arg14 : memref<!tpu.dma_semaphore, #tpu.memory_space<semaphore_mem>>)
    %dma_wait3A_90 = arith.constant 2 : i32
    %dma_wait3A_91 = arith.constant 0 : i32
    %dma_wait3A_92 = tpu.memref_slice %arg2[%dma_wait3A_90, %add3A_54, %dma_wait3A_91] : memref<4x4096x1024xf32, #tpu.memory_space<hbm>> -> memref<1x16x1024xf32, #tpu.memory_space<hbm>>
    %dma_wait3A_93 = tpu.memref_squeeze %dma_wait3A_92 : memref<1x16x1024xf32, #tpu.memory_space<hbm>> -> memref<16x1024xf32, #tpu.memory_space<hbm>>
    %dma_wait3A_94 = arith.constant 0 : i32
    %dma_wait3A_95 = tpu.memref_slice %arg2[%dma_wait3A_90, %add3A_54, %dma_wait3A_94] : memref<4x4096x1024xf32, #tpu.memory_space<hbm>> -> memref<1x16x1024xf32, #tpu.memory_space<hbm>>
    %dma_wait3A_96 = tpu.memref_squeeze %dma_wait3A_95 : memref<1x16x1024xf32, #tpu.memory_space<hbm>> -> memref<16x1024xf32, #tpu.memory_space<hbm>>
    tpu.wait_dma2 semaphore(%arg13 : memref<!tpu.dma_semaphore, #tpu.memory_space<semaphore_mem>>) src(%dma_wait3A_96 : memref<16x1024xf32, #tpu.memory_space<hbm>>) dst(%arg7 : memref<16x1024xf32, #tpu.memory_space<vmem>>)
    %parallel_loop3A_97 = arith.constant 0 : i32
    %parallel_loop3A_98 = arith.constant 16384 : i32
    %parallel_loop3A_99 = arith.constant 16 : i32
    scf.for %parallel_loop3A_1200 = %parallel_loop3A_97 to %parallel_loop3A_98 step %parallel_loop3A_99  : i32 {
      %parallel_loop3A_1201 = arith.constant 10 : i32
      %parallel_loop3A_1202 = arith.shrui %parallel_loop3A_1200, %parallel_loop3A_1201 : i32
      %parallel_loop3A_1203 = arith.constant 1023 : i32
      %parallel_loop3A_1204 = arith.andi %parallel_loop3A_1200, %parallel_loop3A_1203 : i32
      %parallel_loop3A_1205 = tpu.assume_multiple %parallel_loop3A_1204, 16 : i32
      %parallel_loop3A_1206 = arith.index_cast %parallel_loop3A_1202 : i32 to index
      %parallel_loop3A_1207 = arith.index_cast %parallel_loop3A_1205 : i32 to index
      %parallel_loop3A_1208 = tpu.vector_load %arg9[%parallel_loop3A_1206, %parallel_loop3A_1207] {strides = array<i32>} : memref<16x1024xf32, #tpu.memory_space<vmem>>, vector<1x16xf32>,
      %parallel_loop3A_1209 = vector.shape_cast %parallel_loop3A_1208 : vector<1x16xf32> to vector<16xf32>
      %parallel_loop3A_1210 = arith.index_cast %parallel_loop3A_1202 : i32 to index
      %parallel_loop3A_1211 = arith.index_cast %parallel_loop3A_1205 : i32 to index
      %parallel_loop3A_1212 = tpu.vector_load %arg7[%parallel_loop3A_1210, %parallel_loop3A_1211] {strides = array<i32>} : memref<16x1024xf32, #tpu.memory_space<vmem>>, vector<1x16xf32>,
      %parallel_loop3A_1213 = vector.shape_cast %parallel_loop3A_1212 : vector<1x16xf32> to vector<16xf32>
      %parallel_loop3A_1214 = vector.shape_cast %parallel_loop3A_1209 : vector<16xf32> to vector<1x16xf32>
      tpu.vector_store %arg7[%parallel_loop3A_1210, %parallel_loop3A_1211], %parallel_loop3A_1214 {add = true, strides = array<i32>} : memref<16x1024xf32, #tpu.memory_space<vmem>>, vector<1x16xf32>,
    } {sc.loop_unroll_factor = 8 : i64, sc.parallel_access}
    %add3A_100 = arith.constant 0 : i32
    %add3A_101 = arith.addi %mul3A_2, %add3A_100 : i32
    %dma_start3A_102 = arith.constant 2 : i32
    %dma_start3A_103 = arith.constant 0 : i32
    %dma_start3A_104 = tpu.memref_slice %arg4[%dma_start3A_102, %add3A_101, %dma_start3A_103] : memref<4x4096x1024xf32, #tpu.memory_space<hbm>> -> memref<1x16x1024xf32, #tpu.memory_space<hbm>>
    %dma_start3A_105 = tpu.memref_squeeze %dma_start3A_104 : memref<1x16x1024xf32, #tpu.memory_space<hbm>> -> memref<16x1024xf32, #tpu.memory_space<hbm>>
    %dma_start3A_106 = arith.constant 0 : i32
    %dma_start3A_107 = tpu.memref_slice %arg4[%dma_start3A_102, %add3A_101, %dma_start3A_106] : memref<4x4096x1024xf32, #tpu.memory_space<hbm>> -> memref<1x16x1024xf32, #tpu.memory_space<hbm>>
    %dma_start3A_108 = tpu.memref_squeeze %dma_start3A_107 : memref<1x16x1024xf32, #tpu.memory_space<hbm>> -> memref<16x1024xf32, #tpu.memory_space<hbm>>
    tpu.enqueue_dma source(%arg7 : memref<16x1024xf32, #tpu.memory_space<vmem>>) target(%dma_start3A_108 : memref<16x1024xf32, #tpu.memory_space<hbm>>) target_semaphore(%arg17 : memref<!tpu.dma_semaphore, #tpu.memory_space<semaphore_mem>>)
    %dma_wait3A_109 = arith.constant 0 : i32
    %dma_wait3A_110 = arith.constant 0 : i32
    %dma_wait3A_111 = tpu.memref_slice %arg4[%dma_wait3A_109, %add3A_45, %dma_wait3A_110] : memref<4x4096x1024xf32, #tpu.memory_space<hbm>> -> memref<1x16x1024xf32, #tpu.memory_space<hbm>>
    %dma_wait3A_112 = tpu.memref_squeeze %dma_wait3A_111 : memref<1x16x1024xf32, #tpu.memory_space<hbm>> -> memref<16x1024xf32, #tpu.memory_space<hbm>>
    %dma_wait3A_113 = arith.constant 0 : i32
    %dma_wait3A_114 = tpu.memref_slice %arg4[%dma_wait3A_109, %add3A_45, %dma_wait3A_113] : memref<4x4096x1024xf32, #tpu.memory_space<hbm>> -> memref<1x16x1024xf32, #tpu.memory_space<hbm>>
    %dma_wait3A_115 = tpu.memref_squeeze %dma_wait3A_114 : memref<1x16x1024xf32, #tpu.memory_space<hbm>> -> memref<16x1024xf32, #tpu.memory_space<hbm>>
    tpu.wait_dma2 semaphore(%arg15 : memref<!tpu.dma_semaphore, #tpu.memory_space<semaphore_mem>>) src(%arg5 : memref<16x1024xf32, #tpu.memory_space<vmem>>) dst(%dma_wait3A_115 : memref<16x1024xf32, #tpu.memory_space<hbm>>)
    %add3A_116 = arith.constant 16 : i32
    %add3A_117 = arith.addi %mul3A_2, %add3A_116 : i32
    %dma_start3A_118 = arith.constant 0 : i32
    %dma_start3A_119 = arith.constant 0 : i32
    %dma_start3A_120 = tpu.memref_slice %arg2[%dma_start3A_118, %add3A_117, %dma_start3A_119] : memref<4x4096x1024xf32, #tpu.memory_space<hbm>> -> memref<1x16x1024xf32, #tpu.memory_space<hbm>>
    %dma_start3A_121 = tpu.memref_squeeze %dma_start3A_120 : memref<1x16x1024xf32, #tpu.memory_space<hbm>> -> memref<16x1024xf32, #tpu.memory_space<hbm>>
    %dma_start3A_122 = arith.constant 0 : i32
    %dma_start3A_123 = tpu.memref_slice %arg2[%dma_start3A_118, %add3A_117, %dma_start3A_122] : memref<4x4096x1024xf32, #tpu.memory_space<hbm>> -> memref<1x16x1024xf32, #tpu.memory_space<hbm>>
    %dma_start3A_124 = tpu.memref_squeeze %dma_start3A_123 : memref<1x16x1024xf32, #tpu.memory_space<hbm>> -> memref<16x1024xf32, #tpu.memory_space<hbm>>
    tpu.enqueue_dma source(%dma_start3A_124 : memref<16x1024xf32, #tpu.memory_space<hbm>>) target(%arg5 : memref<16x1024xf32, #tpu.memory_space<vmem>>) target_semaphore(%arg11 : memref<!tpu.dma_semaphore, #tpu.memory_space<semaphore_mem>>)
    %dma_wait3A_125 = arith.constant 3 : i32
    %dma_wait3A_126 = arith.constant 0 : i32
    %dma_wait3A_127 = tpu.memref_slice %arg2[%dma_wait3A_125, %add3A_82, %dma_wait3A_126] : memref<4x4096x1024xf32, #tpu.memory_space<hbm>> -> memref<1x16x1024xf32, #tpu.memory_space<hbm>>
    %dma_wait3A_128 = tpu.memref_squeeze %dma_wait3A_127 : memref<1x16x1024xf32, #tpu.memory_space<hbm>> -> memref<16x1024xf32, #tpu.memory_space<hbm>>
    %dma_wait3A_129 = arith.constant 0 : i32
    %dma_wait3A_130 = tpu.memref_slice %arg2[%dma_wait3A_125, %add3A_82, %dma_wait3A_129] : memref<4x4096x1024xf32, #tpu.memory_space<hbm>> -> memref<1x16x1024xf32, #tpu.memory_space<hbm>>
    %dma_wait3A_131 = tpu.memref_squeeze %dma_wait3A_130 : memref<1x16x1024xf32, #tpu.memory_space<hbm>> -> memref<16x1024xf32, #tpu.memory_space<hbm>>
    tpu.wait_dma2 semaphore(%arg14 : memref<!tpu.dma_semaphore, #tpu.memory_space<semaphore_mem>>) src(%dma_wait3A_131 : memref<16x1024xf32, #tpu.memory_space<hbm>>) dst(%arg8 : memref<16x1024xf32, #tpu.memory_space<vmem>>)
    %parallel_loop3A_132 = arith.constant 0 : i32
    %parallel_loop3A_133 = arith.constant 16384 : i32
    %parallel_loop3A_134 = arith.constant 16 : i32
    scf.for %parallel_loop3A_1200 = %parallel_loop3A_132 to %parallel_loop3A_133 step %parallel_loop3A_134  : i32 {
      %parallel_loop3A_1201 = arith.constant 10 : i32
      %parallel_loop3A_1202 = arith.shrui %parallel_loop3A_1200, %parallel_loop3A_1201 : i32
      %parallel_loop3A_1203 = arith.constant 1023 : i32
      %parallel_loop3A_1204 = arith.andi %parallel_loop3A_1200, %parallel_loop3A_1203 : i32
      %parallel_loop3A_1205 = tpu.assume_multiple %parallel_loop3A_1204, 16 : i32
      %parallel_loop3A_1206 = arith.index_cast %parallel_loop3A_1202 : i32 to index
      %parallel_loop3A_1207 = arith.index_cast %parallel_loop3A_1205 : i32 to index
      %parallel_loop3A_1208 = tpu.vector_load %arg9[%parallel_loop3A_1206, %parallel_loop3A_1207] {strides = array<i32>} : memref<16x1024xf32, #tpu.memory_space<vmem>>, vector<1x16xf32>,
      %parallel_loop3A_1209 = vector.shape_cast %parallel_loop3A_1208 : vector<1x16xf32> to vector<16xf32>
      %parallel_loop3A_1210 = arith.index_cast %parallel_loop3A_1202 : i32 to index
      %parallel_loop3A_1211 = arith.index_cast %parallel_loop3A_1205 : i32 to index
      %parallel_loop3A_1212 = tpu.vector_load %arg8[%parallel_loop3A_1210, %parallel_loop3A_1211] {strides = array<i32>} : memref<16x1024xf32, #tpu.memory_space<vmem>>, vector<1x16xf32>,
      %parallel_loop3A_1213 = vector.shape_cast %parallel_loop3A_1212 : vector<1x16xf32> to vector<16xf32>
      %parallel_loop3A_1214 = vector.shape_cast %parallel_loop3A_1209 : vector<16xf32> to vector<1x16xf32>
      tpu.vector_store %arg8[%parallel_loop3A_1210, %parallel_loop3A_1211], %parallel_loop3A_1214 {add = true, strides = array<i32>} : memref<16x1024xf32, #tpu.memory_space<vmem>>, vector<1x16xf32>,
    } {sc.loop_unroll_factor = 8 : i64, sc.parallel_access}
    %add3A_135 = arith.constant 0 : i32
    %add3A_136 = arith.addi %mul3A_2, %add3A_135 : i32
    %dma_start3A_137 = arith.constant 3 : i32
    %dma_start3A_138 = arith.constant 0 : i32
    %dma_start3A_139 = tpu.memref_slice %arg4[%dma_start3A_137, %add3A_136, %dma_start3A_138] : memref<4x4096x1024xf32, #tpu.memory_space<hbm>> -> memref<1x16x1024xf32, #tpu.memory_space<hbm>>
    %dma_start3A_140 = tpu.memref_squeeze %dma_start3A_139 : memref<1x16x1024xf32, #tpu.memory_space<hbm>> -> memref<16x1024xf32, #tpu.memory_space<hbm>>
    %dma_start3A_141 = arith.constant 0 : i32
    %dma_start3A_142 = tpu.memref_slice %arg4[%dma_start3A_137, %add3A_136, %dma_start3A_141] : memref<4x4096x1024xf32, #tpu.memory_space<hbm>> -> memref<1x16x1024xf32, #tpu.memory_space<hbm>>
    %dma_start3A_143 = tpu.memref_squeeze %dma_start3A_142 : memref<1x16x1024xf32, #tpu.memory_space<hbm>> -> memref<16x1024xf32, #tpu.memory_space<hbm>>
    tpu.enqueue_dma source(%arg8 : memref<16x1024xf32, #tpu.memory_space<vmem>>) target(%dma_start3A_143 : memref<16x1024xf32, #tpu.memory_space<hbm>>) target_semaphore(%arg18 : memref<!tpu.dma_semaphore, #tpu.memory_space<semaphore_mem>>)
    %dma_wait3A_144 = arith.constant 1 : i32
    %dma_wait3A_145 = arith.constant 0 : i32
    %dma_wait3A_146 = tpu.memref_slice %arg4[%dma_wait3A_144, %add3A_73, %dma_wait3A_145] : memref<4x4096x1024xf32, #tpu.memory_space<hbm>> -> memref<1x16x1024xf32, #tpu.memory_space<hbm>>
    %dma_wait3A_147 = tpu.memref_squeeze %dma_wait3A_146 : memref<1x16x1024xf32, #tpu.memory_space<hbm>> -> memref<16x1024xf32, #tpu.memory_space<hbm>>
    %dma_wait3A_148 = arith.constant 0 : i32
    %dma_wait3A_149 = tpu.memref_slice %arg4[%dma_wait3A_144, %add3A_73, %dma_wait3A_148] : memref<4x4096x1024xf32, #tpu.memory_space<hbm>> -> memref<1x16x1024xf32, #tpu.memory_space<hbm>>
    %dma_wait3A_150 = tpu.memref_squeeze %dma_wait3A_149 : memref<1x16x1024xf32, #tpu.memory_space<hbm>> -> memref<16x1024xf32, #tpu.memory_space<hbm>>
    tpu.wait_dma2 semaphore(%arg16 : memref<!tpu.dma_semaphore, #tpu.memory_space<semaphore_mem>>) src(%arg6 : memref<16x1024xf32, #tpu.memory_space<vmem>>) dst(%dma_wait3A_150 : memref<16x1024xf32, #tpu.memory_space<hbm>>)
    %add3A_151 = arith.constant 16 : i32
    %add3A_152 = arith.addi %mul3A_2, %add3A_151 : i32
    %dma_start3A_153 = arith.constant 1 : i32
    %dma_start3A_154 = arith.constant 0 : i32
    %dma_start3A_155 = tpu.memref_slice %arg2[%dma_start3A_153, %add3A_152, %dma_start3A_154] : memref<4x4096x1024xf32, #tpu.memory_space<hbm>> -> memref<1x16x1024xf32, #tpu.memory_space<hbm>>
    %dma_start3A_156 = tpu.memref_squeeze %dma_start3A_155 : memref<1x16x1024xf32, #tpu.memory_space<hbm>> -> memref<16x1024xf32, #tpu.memory_space<hbm>>
    %dma_start3A_157 = arith.constant 0 : i32
    %dma_start3A_158 = tpu.memref_slice %arg2[%dma_start3A_153, %add3A_152, %dma_start3A_157] : memref<4x4096x1024xf32, #tpu.memory_space<hbm>> -> memref<1x16x1024xf32, #tpu.memory_space<hbm>>
    %dma_start3A_159 = tpu.memref_squeeze %dma_start3A_158 : memref<1x16x1024xf32, #tpu.memory_space<hbm>> -> memref<16x1024xf32, #tpu.memory_space<hbm>>
    tpu.enqueue_dma source(%dma_start3A_159 : memref<16x1024xf32, #tpu.memory_space<hbm>>) target(%arg6 : memref<16x1024xf32, #tpu.memory_space<vmem>>) target_semaphore(%arg12 : memref<!tpu.dma_semaphore, #tpu.memory_space<semaphore_mem>>)
    %dma_wait3A_160 = arith.constant 0 : i32
    %dma_wait3A_161 = tpu.memref_slice %arg3[%add3A_30, %dma_wait3A_160] : memref<4096x1024xf32, #tpu.memory_space<hbm>> -> memref<16x1024xf32, #tpu.memory_space<hbm>>
    %dma_wait3A_162 = arith.constant 0 : i32
    %dma_wait3A_163 = tpu.memref_slice %arg3[%add3A_30, %dma_wait3A_162] : memref<4096x1024xf32, #tpu.memory_space<hbm>> -> memref<16x1024xf32, #tpu.memory_space<hbm>>
    tpu.wait_dma2 semaphore(%arg20 : memref<!tpu.dma_semaphore, #tpu.memory_space<semaphore_mem>>) src(%dma_wait3A_163 : memref<16x1024xf32, #tpu.memory_space<hbm>>) dst(%arg10 : memref<16x1024xf32, #tpu.memory_space<vmem>>)
    %add3A_164 = arith.constant 32 : i32
    %add3A_165 = arith.addi %mul3A_2, %add3A_164 : i32
    %dma_start3A_166 = arith.constant 0 : i32
    %dma_start3A_167 = tpu.memref_slice %arg3[%add3A_165, %dma_start3A_166] : memref<4096x1024xf32, #tpu.memory_space<hbm>> -> memref<16x1024xf32, #tpu.memory_space<hbm>>
    %dma_start3A_168 = arith.constant 0 : i32
    %dma_start3A_169 = tpu.memref_slice %arg3[%add3A_165, %dma_start3A_168] : memref<4096x1024xf32, #tpu.memory_space<hbm>> -> memref<16x1024xf32, #tpu.memory_space<hbm>>
    tpu.enqueue_dma source(%dma_start3A_169 : memref<16x1024xf32, #tpu.memory_space<hbm>>) target(%arg9 : memref<16x1024xf32, #tpu.memory_space<vmem>>) target_semaphore(%arg19 : memref<!tpu.dma_semaphore, #tpu.memory_space<semaphore_mem>>)
    %dma_wait3A_170 = arith.constant 0 : i32
    %dma_wait3A_171 = arith.constant 0 : i32
    %dma_wait3A_172 = tpu.memref_slice %arg2[%dma_wait3A_170, %add3A_117, %dma_wait3A_171] : memref<4x4096x1024xf32, #tpu.memory_space<hbm>> -> memref<1x16x1024xf32, #tpu.memory_space<hbm>>
    %dma_wait3A_173 = tpu.memref_squeeze %dma_wait3A_172 : memref<1x16x1024xf32, #tpu.memory_space<hbm>> -> memref<16x1024xf32, #tpu.memory_space<hbm>>
    %dma_wait3A_174 = arith.constant 0 : i32
    %dma_wait3A_175 = tpu.memref_slice %arg2[%dma_wait3A_170, %add3A_117, %dma_wait3A_174] : memref<4x4096x1024xf32, #tpu.memory_space<hbm>> -> memref<1x16x1024xf32, #tpu.memory_space<hbm>>
    %dma_wait3A_176 = tpu.memref_squeeze %dma_wait3A_175 : memref<1x16x1024xf32, #tpu.memory_space<hbm>> -> memref<16x1024xf32, #tpu.memory_space<hbm>>
    tpu.wait_dma2 semaphore(%arg11 : memref<!tpu.dma_semaphore, #tpu.memory_space<semaphore_mem>>) src(%dma_wait3A_176 : memref<16x1024xf32, #tpu.memory_space<hbm>>) dst(%arg5 : memref<16x1024xf32, #tpu.memory_space<vmem>>)
    %parallel_loop3A_177 = arith.constant 0 : i32
    %parallel_loop3A_178 = arith.constant 16384 : i32
    %parallel_loop3A_179 = arith.constant 16 : i32
    scf.for %parallel_loop3A_1200 = %parallel_loop3A_177 to %parallel_loop3A_178 step %parallel_loop3A_179  : i32 {
      %parallel_loop3A_1201 = arith.constant 10 : i32
      %parallel_loop3A_1202 = arith.shrui %parallel_loop3A_1200, %parallel_loop3A_1201 : i32
      %parallel_loop3A_1203 = arith.constant 1023 : i32
      %parallel_loop3A_1204 = arith.andi %parallel_loop3A_1200, %parallel_loop3A_1203 : i32
      %parallel_loop3A_1205 = tpu.assume_multiple %parallel_loop3A_1204, 16 : i32
      %parallel_loop3A_1206 = arith.index_cast %parallel_loop3A_1202 : i32 to index
      %parallel_loop3A_1207 = arith.index_cast %parallel_loop3A_1205 : i32 to index
      %parallel_loop3A_1208 = tpu.vector_load %arg10[%parallel_loop3A_1206, %parallel_loop3A_1207] {strides = array<i32>} : memref<16x1024xf32, #tpu.memory_space<vmem>>, vector<1x16xf32>,
      %parallel_loop3A_1209 = vector.shape_cast %parallel_loop3A_1208 : vector<1x16xf32> to vector<16xf32>
      %parallel_loop3A_1210 = arith.index_cast %parallel_loop3A_1202 : i32 to index
      %parallel_loop3A_1211 = arith.index_cast %parallel_loop3A_1205 : i32 to index
      %parallel_loop3A_1212 = tpu.vector_load %arg5[%parallel_loop3A_1210, %parallel_loop3A_1211] {strides = array<i32>} : memref<16x1024xf32, #tpu.memory_space<vmem>>, vector<1x16xf32>,
      %parallel_loop3A_1213 = vector.shape_cast %parallel_loop3A_1212 : vector<1x16xf32> to vector<16xf32>
      %parallel_loop3A_1214 = vector.shape_cast %parallel_loop3A_1209 : vector<16xf32> to vector<1x16xf32>
      tpu.vector_store %arg5[%parallel_loop3A_1210, %parallel_loop3A_1211], %parallel_loop3A_1214 {add = true, strides = array<i32>} : memref<16x1024xf32, #tpu.memory_space<vmem>>, vector<1x16xf32>,
    } {sc.loop_unroll_factor = 8 : i64, sc.parallel_access}
    %add3A_180 = arith.constant 16 : i32
    %add3A_181 = arith.addi %mul3A_2, %add3A_180 : i32
    %dma_start3A_182 = arith.constant 0 : i32
    %dma_start3A_183 = arith.constant 0 : i32
    %dma_start3A_184 = tpu.memref_slice %arg4[%dma_start3A_182, %add3A_181, %dma_start3A_183] : memref<4x4096x1024xf32, #tpu.memory_space<hbm>> -> memref<1x16x1024xf32, #tpu.memory_space<hbm>>
    %dma_start3A_185 = tpu.memref_squeeze %dma_start3A_184 : memref<1x16x1024xf32, #tpu.memory_space<hbm>> -> memref<16x1024xf32, #tpu.memory_space<hbm>>
    %dma_start3A_186 = arith.constant 0 : i32
    %dma_start3A_187 = tpu.memref_slice %arg4[%dma_start3A_182, %add3A_181, %dma_start3A_186] : memref<4x4096x1024xf32, #tpu.memory_space<hbm>> -> memref<1x16x1024xf32, #tpu.memory_space<hbm>>
    %dma_start3A_188 = tpu.memref_squeeze %dma_start3A_187 : memref<1x16x1024xf32, #tpu.memory_space<hbm>> -> memref<16x1024xf32, #tpu.memory_space<hbm>>
    tpu.enqueue_dma source(%arg5 : memref<16x1024xf32, #tpu.memory_space<vmem>>) target(%dma_start3A_188 : memref<16x1024xf32, #tpu.memory_space<hbm>>) target_semaphore(%arg15 : memref<!tpu.dma_semaphore, #tpu.memory_space<semaphore_mem>>)
    %dma_wait3A_189 = arith.constant 2 : i32
    %dma_wait3A_190 = arith.constant 0 : i32
    %dma_wait3A_191 = tpu.memref_slice %arg4[%dma_wait3A_189, %add3A_101, %dma_wait3A_190] : memref<4x4096x1024xf32, #tpu.memory_space<hbm>> -> memref<1x16x1024xf32, #tpu.memory_space<hbm>>
    %dma_wait3A_192 = tpu.memref_squeeze %dma_wait3A_191 : memref<1x16x1024xf32, #tpu.memory_space<hbm>> -> memref<16x1024xf32, #tpu.memory_space<hbm>>
    %dma_wait3A_193 = arith.constant 0 : i32
    %dma_wait3A_194 = tpu.memref_slice %arg4[%dma_wait3A_189, %add3A_101, %dma_wait3A_193] : memref<4x4096x1024xf32, #tpu.memory_space<hbm>> -> memref<1x16x1024xf32, #tpu.memory_space<hbm>>
    %dma_wait3A_195 = tpu.memref_squeeze %dma_wait3A_194 : memref<1x16x1024xf32, #tpu.memory_space<hbm>> -> memref<16x1024xf32, #tpu.memory_space<hbm>>
    tpu.wait_dma2 semaphore(%arg17 : memref<!tpu.dma_semaphore, #tpu.memory_space<semaphore_mem>>) src(%arg7 : memref<16x1024xf32, #tpu.memory_space<vmem>>) dst(%dma_wait3A_195 : memref<16x1024xf32, #tpu.memory_space<hbm>>)
    %add3A_196 = arith.constant 16 : i32
    %add3A_197 = arith.addi %mul3A_2, %add3A_196 : i32
    %dma_start3A_198 = arith.constant 2 : i32
    %dma_start3A_199 = arith.constant 0 : i32
    %dma_start3A_200 = tpu.memref_slice %arg2[%dma_start3A_198, %add3A_197, %dma_start3A_199] : memref<4x4096x1024xf32, #tpu.memory_space<hbm>> -> memref<1x16x1024xf32, #tpu.memory_space<hbm>>
    %dma_start3A_201 = tpu.memref_squeeze %dma_start3A_200 : memref<1x16x1024xf32, #tpu.memory_space<hbm>> -> memref<16x1024xf32, #tpu.memory_space<hbm>>
    %dma_start3A_202 = arith.constant 0 : i32
    %dma_start3A_203 = tpu.memref_slice %arg2[%dma_start3A_198, %add3A_197, %dma_start3A_202] : memref<4x4096x1024xf32, #tpu.memory_space<hbm>> -> memref<1x16x1024xf32, #tpu.memory_space<hbm>>
    %dma_start3A_204 = tpu.memref_squeeze %dma_start3A_203 : memref<1x16x1024xf32, #tpu.memory_space<hbm>> -> memref<16x1024xf32, #tpu.memory_space<hbm>>
    tpu.enqueue_dma source(%dma_start3A_204 : memref<16x1024xf32, #tpu.memory_space<hbm>>) target(%arg7 : memref<16x1024xf32, #tpu.memory_space<vmem>>) target_semaphore(%arg13 : memref<!tpu.dma_semaphore, #tpu.memory_space<semaphore_mem>>)
    %dma_wait3A_205 = arith.constant 1 : i32
    %dma_wait3A_206 = arith.constant 0 : i32
    %dma_wait3A_207 = tpu.memref_slice %arg2[%dma_wait3A_205, %add3A_152, %dma_wait3A_206] : memref<4x4096x1024xf32, #tpu.memory_space<hbm>> -> memref<1x16x1024xf32, #tpu.memory_space<hbm>>
    %dma_wait3A_208 = tpu.memref_squeeze %dma_wait3A_207 : memref<1x16x1024xf32, #tpu.memory_space<hbm>> -> memref<16x1024xf32, #tpu.memory_space<hbm>>
    %dma_wait3A_209 = arith.constant 0 : i32
    %dma_wait3A_210 = tpu.memref_slice %arg2[%dma_wait3A_205, %add3A_152, %dma_wait3A_209] : memref<4x4096x1024xf32, #tpu.memory_space<hbm>> -> memref<1x16x1024xf32, #tpu.memory_space<hbm>>
    %dma_wait3A_211 = tpu.memref_squeeze %dma_wait3A_210 : memref<1x16x1024xf32, #tpu.memory_space<hbm>> -> memref<16x1024xf32, #tpu.memory_space<hbm>>
    tpu.wait_dma2 semaphore(%arg12 : memref<!tpu.dma_semaphore, #tpu.memory_space<semaphore_mem>>) src(%dma_wait3A_211 : memref<16x1024xf32, #tpu.memory_space<hbm>>) dst(%arg6 : memref<16x1024xf32, #tpu.memory_space<vmem>>)
    %parallel_loop3A_212 = arith.constant 0 : i32
    %parallel_loop3A_213 = arith.constant 16384 : i32
    %parallel_loop3A_214 = arith.constant 16 : i32
    scf.for %parallel_loop3A_1200 = %parallel_loop3A_212 to %parallel_loop3A_213 step %parallel_loop3A_214  : i32 {
      %parallel_loop3A_1201 = arith.constant 10 : i32
      %parallel_loop3A_1202 = arith.shrui %parallel_loop3A_1200, %parallel_loop3A_1201 : i32
      %parallel_loop3A_1203 = arith.constant 1023 : i32
      %parallel_loop3A_1204 = arith.andi %parallel_loop3A_1200, %parallel_loop3A_1203 : i32
      %parallel_loop3A_1205 = tpu.assume_multiple %parallel_loop3A_1204, 16 : i32
      %parallel_loop3A_1206 = arith.index_cast %parallel_loop3A_1202 : i32 to index
      %parallel_loop3A_1207 = arith.index_cast %parallel_loop3A_1205 : i32 to index
      %parallel_loop3A_1208 = tpu.vector_load %arg10[%parallel_loop3A_1206, %parallel_loop3A_1207] {strides = array<i32>} : memref<16x1024xf32, #tpu.memory_space<vmem>>, vector<1x16xf32>,
      %parallel_loop3A_1209 = vector.shape_cast %parallel_loop3A_1208 : vector<1x16xf32> to vector<16xf32>
      %parallel_loop3A_1210 = arith.index_cast %parallel_loop3A_1202 : i32 to index
      %parallel_loop3A_1211 = arith.index_cast %parallel_loop3A_1205 : i32 to index
      %parallel_loop3A_1212 = tpu.vector_load %arg6[%parallel_loop3A_1210, %parallel_loop3A_1211] {strides = array<i32>} : memref<16x1024xf32, #tpu.memory_space<vmem>>, vector<1x16xf32>,
      %parallel_loop3A_1213 = vector.shape_cast %parallel_loop3A_1212 : vector<1x16xf32> to vector<16xf32>
      %parallel_loop3A_1214 = vector.shape_cast %parallel_loop3A_1209 : vector<16xf32> to vector<1x16xf32>
      tpu.vector_store %arg6[%parallel_loop3A_1210, %parallel_loop3A_1211], %parallel_loop3A_1214 {add = true, strides = array<i32>} : memref<16x1024xf32, #tpu.memory_space<vmem>>, vector<1x16xf32>,
    } {sc.loop_unroll_factor = 8 : i64, sc.parallel_access}
    %add3A_215 = arith.constant 16 : i32
    %add3A_216 = arith.addi %mul3A_2, %add3A_215 : i32
    %dma_start3A_217 = arith.constant 1 : i32
    %dma_start3A_218 = arith.constant 0 : i32
    %dma_start3A_219 = tpu.memref_slice %arg4[%dma_start3A_217, %add3A_216, %dma_start3A_218] : memref<4x4096x1024xf32, #tpu.memory_space<hbm>> -> memref<1x16x1024xf32, #tpu.memory_space<hbm>>
    %dma_start3A_220 = tpu.memref_squeeze %dma_start3A_219 : memref<1x16x1024xf32, #tpu.memory_space<hbm>> -> memref<16x1024xf32, #tpu.memory_space<hbm>>
    %dma_start3A_221 = arith.constant 0 : i32
    %dma_start3A_222 = tpu.memref_slice %arg4[%dma_start3A_217, %add3A_216, %dma_start3A_221] : memref<4x4096x1024xf32, #tpu.memory_space<hbm>> -> memref<1x16x1024xf32, #tpu.memory_space<hbm>>
    %dma_start3A_223 = tpu.memref_squeeze %dma_start3A_222 : memref<1x16x1024xf32, #tpu.memory_space<hbm>> -> memref<16x1024xf32, #tpu.memory_space<hbm>>
    tpu.enqueue_dma source(%arg6 : memref<16x1024xf32, #tpu.memory_space<vmem>>) target(%dma_start3A_223 : memref<16x1024xf32, #tpu.memory_space<hbm>>) target_semaphore(%arg16 : memref<!tpu.dma_semaphore, #tpu.memory_space<semaphore_mem>>)
    %dma_wait3A_224 = arith.constant 3 : i32
    %dma_wait3A_225 = arith.constant 0 : i32
    %dma_wait3A_226 = tpu.memref_slice %arg4[%dma_wait3A_224, %add3A_136, %dma_wait3A_225] : memref<4x4096x1024xf32, #tpu.memory_space<hbm>> -> memref<1x16x1024xf32, #tpu.memory_space<hbm>>
    %dma_wait3A_227 = tpu.memref_squeeze %dma_wait3A_226 : memref<1x16x1024xf32, #tpu.memory_space<hbm>> -> memref<16x1024xf32, #tpu.memory_space<hbm>>
    %dma_wait3A_228 = arith.constant 0 : i32
    %dma_wait3A_229 = tpu.memref_slice %arg4[%dma_wait3A_224, %add3A_136, %dma_wait3A_228] : memref<4x4096x1024xf32, #tpu.memory_space<hbm>> -> memref<1x16x1024xf32, #tpu.memory_space<hbm>>
    %dma_wait3A_230 = tpu.memref_squeeze %dma_wait3A_229 : memref<1x16x1024xf32, #tpu.memory_space<hbm>> -> memref<16x1024xf32, #tpu.memory_space<hbm>>
    tpu.wait_dma2 semaphore(%arg18 : memref<!tpu.dma_semaphore, #tpu.memory_space<semaphore_mem>>) src(%arg8 : memref<16x1024xf32, #tpu.memory_space<vmem>>) dst(%dma_wait3A_230 : memref<16x1024xf32, #tpu.memory_space<hbm>>)
    %add3A_231 = arith.constant 16 : i32
    %add3A_232 = arith.addi %mul3A_2, %add3A_231 : i32
    %dma_start3A_233 = arith.constant 3 : i32
    %dma_start3A_234 = arith.constant 0 : i32
    %dma_start3A_235 = tpu.memref_slice %arg2[%dma_start3A_233, %add3A_232, %dma_start3A_234] : memref<4x4096x1024xf32, #tpu.memory_space<hbm>> -> memref<1x16x1024xf32, #tpu.memory_space<hbm>>
    %dma_start3A_236 = tpu.memref_squeeze %dma_start3A_235 : memref<1x16x1024xf32, #tpu.memory_space<hbm>> -> memref<16x1024xf32, #tpu.memory_space<hbm>>
    %dma_start3A_237 = arith.constant 0 : i32
    %dma_start3A_238 = tpu.memref_slice %arg2[%dma_start3A_233, %add3A_232, %dma_start3A_237] : memref<4x4096x1024xf32, #tpu.memory_space<hbm>> -> memref<1x16x1024xf32, #tpu.memory_space<hbm>>
    %dma_start3A_239 = tpu.memref_squeeze %dma_start3A_238 : memref<1x16x1024xf32, #tpu.memory_space<hbm>> -> memref<16x1024xf32, #tpu.memory_space<hbm>>
    tpu.enqueue_dma source(%dma_start3A_239 : memref<16x1024xf32, #tpu.memory_space<hbm>>) target(%arg8 : memref<16x1024xf32, #tpu.memory_space<vmem>>) target_semaphore(%arg14 : memref<!tpu.dma_semaphore, #tpu.memory_space<semaphore_mem>>)
    %dma_wait3A_240 = arith.constant 2 : i32
    %dma_wait3A_241 = arith.constant 0 : i32
    %dma_wait3A_242 = tpu.memref_slice %arg2[%dma_wait3A_240, %add3A_197, %dma_wait3A_241] : memref<4x4096x1024xf32, #tpu.memory_space<hbm>> -> memref<1x16x1024xf32, #tpu.memory_space<hbm>>
    %dma_wait3A_243 = tpu.memref_squeeze %dma_wait3A_242 : memref<1x16x1024xf32, #tpu.memory_space<hbm>> -> memref<16x1024xf32, #tpu.memory_space<hbm>>
    %dma_wait3A_244 = arith.constant 0 : i32
    %dma_wait3A_245 = tpu.memref_slice %arg2[%dma_wait3A_240, %add3A_197, %dma_wait3A_244] : memref<4x4096x1024xf32, #tpu.memory_space<hbm>> -> memref<1x16x1024xf32, #tpu.memory_space<hbm>>
    %dma_wait3A_246 = tpu.memref_squeeze %dma_wait3A_245 : memref<1x16x1024xf32, #tpu.memory_space<hbm>> -> memref<16x1024xf32, #tpu.memory_space<hbm>>
    tpu.wait_dma2 semaphore(%arg13 : memref<!tpu.dma_semaphore, #tpu.memory_space<semaphore_mem>>) src(%dma_wait3A_246 : memref<16x1024xf32, #tpu.memory_space<hbm>>) dst(%arg7 : memref<16x1024xf32, #tpu.memory_space<vmem>>)
    %parallel_loop3A_247 = arith.constant 0 : i32
    %parallel_loop3A_248 = arith.constant 16384 : i32
    %parallel_loop3A_249 = arith.constant 16 : i32
    scf.for %parallel_loop3A_1200 = %parallel_loop3A_247 to %parallel_loop3A_248 step %parallel_loop3A_249  : i32 {
      %parallel_loop3A_1201 = arith.constant 10 : i32
      %parallel_loop3A_1202 = arith.shrui %parallel_loop3A_1200, %parallel_loop3A_1201 : i32
      %parallel_loop3A_1203 = arith.constant 1023 : i32
      %parallel_loop3A_1204 = arith.andi %parallel_loop3A_1200, %parallel_loop3A_1203 : i32
      %parallel_loop3A_1205 = tpu.assume_multiple %parallel_loop3A_1204, 16 : i32
      %parallel_loop3A_1206 = arith.index_cast %parallel_loop3A_1202 : i32 to index
      %parallel_loop3A_1207 = arith.index_cast %parallel_loop3A_1205 : i32 to index
      %parallel_loop3A_1208 = tpu.vector_load %arg10[%parallel_loop3A_1206, %parallel_loop3A_1207] {strides = array<i32>} : memref<16x1024xf32, #tpu.memory_space<vmem>>, vector<1x16xf32>,
      %parallel_loop3A_1209 = vector.shape_cast %parallel_loop3A_1208 : vector<1x16xf32> to vector<16xf32>
      %parallel_loop3A_1210 = arith.index_cast %parallel_loop3A_1202 : i32 to index
      %parallel_loop3A_1211 = arith.index_cast %parallel_loop3A_1205 : i32 to index
      %parallel_loop3A_1212 = tpu.vector_load %arg7[%parallel_loop3A_1210, %parallel_loop3A_1211] {strides = array<i32>} : memref<16x1024xf32, #tpu.memory_space<vmem>>, vector<1x16xf32>,
      %parallel_loop3A_1213 = vector.shape_cast %parallel_loop3A_1212 : vector<1x16xf32> to vector<16xf32>
      %parallel_loop3A_1214 = vector.shape_cast %parallel_loop3A_1209 : vector<16xf32> to vector<1x16xf32>
      tpu.vector_store %arg7[%parallel_loop3A_1210, %parallel_loop3A_1211], %parallel_loop3A_1214 {add = true, strides = array<i32>} : memref<16x1024xf32, #tpu.memory_space<vmem>>, vector<1x16xf32>,
    } {sc.loop_unroll_factor = 8 : i64, sc.parallel_access}
    %add3A_250 = arith.constant 16 : i32
    %add3A_251 = arith.addi %mul3A_2, %add3A_250 : i32
    %dma_start3A_252 = arith.constant 2 : i32
    %dma_start3A_253 = arith.constant 0 : i32
    %dma_start3A_254 = tpu.memref_slice %arg4[%dma_start3A_252, %add3A_251, %dma_start3A_253] : memref<4x4096x1024xf32, #tpu.memory_space<hbm>> -> memref<1x16x1024xf32, #tpu.memory_space<hbm>>
    %dma_start3A_255 = tpu.memref_squeeze %dma_start3A_254 : memref<1x16x1024xf32, #tpu.memory_space<hbm>> -> memref<16x1024xf32, #tpu.memory_space<hbm>>
    %dma_start3A_256 = arith.constant 0 : i32
    %dma_start3A_257 = tpu.memref_slice %arg4[%dma_start3A_252, %add3A_251, %dma_start3A_256] : memref<4x4096x1024xf32, #tpu.memory_space<hbm>> -> memref<1x16x1024xf32, #tpu.memory_space<hbm>>
    %dma_start3A_258 = tpu.memref_squeeze %dma_start3A_257 : memref<1x16x1024xf32, #tpu.memory_space<hbm>> -> memref<16x1024xf32, #tpu.memory_space<hbm>>
    tpu.enqueue_dma source(%arg7 : memref<16x1024xf32, #tpu.memory_space<vmem>>) target(%dma_start3A_258 : memref<16x1024xf32, #tpu.memory_space<hbm>>) target_semaphore(%arg17 : memref<!tpu.dma_semaphore, #tpu.memory_space<semaphore_mem>>)
    %dma_wait3A_259 = arith.constant 0 : i32
    %dma_wait3A_260 = arith.constant 0 : i32
    %dma_wait3A_261 = tpu.memref_slice %arg4[%dma_wait3A_259, %add3A_181, %dma_wait3A_260] : memref<4x4096x1024xf32, #tpu.memory_space<hbm>> -> memref<1x16x1024xf32, #tpu.memory_space<hbm>>
    %dma_wait3A_262 = tpu.memref_squeeze %dma_wait3A_261 : memref<1x16x1024xf32, #tpu.memory_space<hbm>> -> memref<16x1024xf32, #tpu.memory_space<hbm>>
    %dma_wait3A_263 = arith.constant 0 : i32
    %dma_wait3A_264 = tpu.memref_slice %arg4[%dma_wait3A_259, %add3A_181, %dma_wait3A_263] : memref<4x4096x1024xf32, #tpu.memory_space<hbm>> -> memref<1x16x1024xf32, #tpu.memory_space<hbm>>
    %dma_wait3A_265 = tpu.memref_squeeze %dma_wait3A_264 : memref<1x16x1024xf32, #tpu.memory_space<hbm>> -> memref<16x1024xf32, #tpu.memory_space<hbm>>
    tpu.wait_dma2 semaphore(%arg15 : memref<!tpu.dma_semaphore, #tpu.memory_space<semaphore_mem>>) src(%arg5 : memref<16x1024xf32, #tpu.memory_space<vmem>>) dst(%dma_wait3A_265 : memref<16x1024xf32, #tpu.memory_space<hbm>>)
    %add3A_266 = arith.constant 32 : i32
    %add3A_267 = arith.addi %mul3A_2, %add3A_266 : i32
    %dma_start3A_268 = arith.constant 0 : i32
    %dma_start3A_269 = arith.constant 0 : i32
    %dma_start3A_270 = tpu.memref_slice %arg2[%dma_start3A_268, %add3A_267, %dma_start3A_269] : memref<4x4096x1024xf32, #tpu.memory_space<hbm>> -> memref<1x16x1024xf32, #tpu.memory_space<hbm>>
    %dma_start3A_271 = tpu.memref_squeeze %dma_start3A_270 : memref<1x16x1024xf32, #tpu.memory_space<hbm>> -> memref<16x1024xf32, #tpu.memory_space<hbm>>
    %dma_start3A_272 = arith.constant 0 : i32
    %dma_start3A_273 = tpu.memref_slice %arg2[%dma_start3A_268, %add3A_267, %dma_start3A_272] : memref<4x4096x1024xf32, #tpu.memory_space<hbm>> -> memref<1x16x1024xf32, #tpu.memory_space<hbm>>
    %dma_start3A_274 = tpu.memref_squeeze %dma_start3A_273 : memref<1x16x1024xf32, #tpu.memory_space<hbm>> -> memref<16x1024xf32, #tpu.memory_space<hbm>>
    tpu.enqueue_dma source(%dma_start3A_274 : memref<16x1024xf32, #tpu.memory_space<hbm>>) target(%arg5 : memref<16x1024xf32, #tpu.memory_space<vmem>>) target_semaphore(%arg11 : memref<!tpu.dma_semaphore, #tpu.memory_space<semaphore_mem>>)
    %dma_wait3A_275 = arith.constant 3 : i32
    %dma_wait3A_276 = arith.constant 0 : i32
    %dma_wait3A_277 = tpu.memref_slice %arg2[%dma_wait3A_275, %add3A_232, %dma_wait3A_276] : memref<4x4096x1024xf32, #tpu.memory_space<hbm>> -> memref<1x16x1024xf32, #tpu.memory_space<hbm>>
    %dma_wait3A_278 = tpu.memref_squeeze %dma_wait3A_277 : memref<1x16x1024xf32, #tpu.memory_space<hbm>> -> memref<16x1024xf32, #tpu.memory_space<hbm>>
    %dma_wait3A_279 = arith.constant 0 : i32
    %dma_wait3A_280 = tpu.memref_slice %arg2[%dma_wait3A_275, %add3A_232, %dma_wait3A_279] : memref<4x4096x1024xf32, #tpu.memory_space<hbm>> -> memref<1x16x1024xf32, #tpu.memory_space<hbm>>
    %dma_wait3A_281 = tpu.memref_squeeze %dma_wait3A_280 : memref<1x16x1024xf32, #tpu.memory_space<hbm>> -> memref<16x1024xf32, #tpu.memory_space<hbm>>
    tpu.wait_dma2 semaphore(%arg14 : memref<!tpu.dma_semaphore, #tpu.memory_space<semaphore_mem>>) src(%dma_wait3A_281 : memref<16x1024xf32, #tpu.memory_space<hbm>>) dst(%arg8 : memref<16x1024xf32, #tpu.memory_space<vmem>>)
    %parallel_loop3A_282 = arith.constant 0 : i32
    %parallel_loop3A_283 = arith.constant 16384 : i32
    %parallel_loop3A_284 = arith.constant 16 : i32
    scf.for %parallel_loop3A_1200 = %parallel_loop3A_282 to %parallel_loop3A_283 step %parallel_loop3A_284  : i32 {
      %parallel_loop3A_1201 = arith.constant 10 : i32
      %parallel_loop3A_1202 = arith.shrui %parallel_loop3A_1200, %parallel_loop3A_1201 : i32
      %parallel_loop3A_1203 = arith.constant 1023 : i32
      %parallel_loop3A_1204 = arith.andi %parallel_loop3A_1200, %parallel_loop3A_1203 : i32
      %parallel_loop3A_1205 = tpu.assume_multiple %parallel_loop3A_1204, 16 : i32
      %parallel_loop3A_1206 = arith.index_cast %parallel_loop3A_1202 : i32 to index
      %parallel_loop3A_1207 = arith.index_cast %parallel_loop3A_1205 : i32 to index
      %parallel_loop3A_1208 = tpu.vector_load %arg10[%parallel_loop3A_1206, %parallel_loop3A_1207] {strides = array<i32>} : memref<16x1024xf32, #tpu.memory_space<vmem>>, vector<1x16xf32>,
      %parallel_loop3A_1209 = vector.shape_cast %parallel_loop3A_1208 : vector<1x16xf32> to vector<16xf32>
      %parallel_loop3A_1210 = arith.index_cast %parallel_loop3A_1202 : i32 to index
      %parallel_loop3A_1211 = arith.index_cast %parallel_loop3A_1205 : i32 to index
      %parallel_loop3A_1212 = tpu.vector_load %arg8[%parallel_loop3A_1210, %parallel_loop3A_1211] {strides = array<i32>} : memref<16x1024xf32, #tpu.memory_space<vmem>>, vector<1x16xf32>,
      %parallel_loop3A_1213 = vector.shape_cast %parallel_loop3A_1212 : vector<1x16xf32> to vector<16xf32>
      %parallel_loop3A_1214 = vector.shape_cast %parallel_loop3A_1209 : vector<16xf32> to vector<1x16xf32>
      tpu.vector_store %arg8[%parallel_loop3A_1210, %parallel_loop3A_1211], %parallel_loop3A_1214 {add = true, strides = array<i32>} : memref<16x1024xf32, #tpu.memory_space<vmem>>, vector<1x16xf32>,
    } {sc.loop_unroll_factor = 8 : i64, sc.parallel_access}
    %add3A_285 = arith.constant 16 : i32
    %add3A_286 = arith.addi %mul3A_2, %add3A_285 : i32
    %dma_start3A_287 = arith.constant 3 : i32
    %dma_start3A_288 = arith.constant 0 : i32
    %dma_start3A_289 = tpu.memref_slice %arg4[%dma_start3A_287, %add3A_286, %dma_start3A_288] : memref<4x4096x1024xf32, #tpu.memory_space<hbm>> -> memref<1x16x1024xf32, #tpu.memory_space<hbm>>
    %dma_start3A_290 = tpu.memref_squeeze %dma_start3A_289 : memref<1x16x1024xf32, #tpu.memory_space<hbm>> -> memref<16x1024xf32, #tpu.memory_space<hbm>>
    %dma_start3A_291 = arith.constant 0 : i32
    %dma_start3A_292 = tpu.memref_slice %arg4[%dma_start3A_287, %add3A_286, %dma_start3A_291] : memref<4x4096x1024xf32, #tpu.memory_space<hbm>> -> memref<1x16x1024xf32, #tpu.memory_space<hbm>>
    %dma_start3A_293 = tpu.memref_squeeze %dma_start3A_292 : memref<1x16x1024xf32, #tpu.memory_space<hbm>> -> memref<16x1024xf32, #tpu.memory_space<hbm>>
    tpu.enqueue_dma source(%arg8 : memref<16x1024xf32, #tpu.memory_space<vmem>>) target(%dma_start3A_293 : memref<16x1024xf32, #tpu.memory_space<hbm>>) target_semaphore(%arg18 : memref<!tpu.dma_semaphore, #tpu.memory_space<semaphore_mem>>)
    %dma_wait3A_294 = arith.constant 1 : i32
    %dma_wait3A_295 = arith.constant 0 : i32
    %dma_wait3A_296 = tpu.memref_slice %arg4[%dma_wait3A_294, %add3A_216, %dma_wait3A_295] : memref<4x4096x1024xf32, #tpu.memory_space<hbm>> -> memref<1x16x1024xf32, #tpu.memory_space<hbm>>
    %dma_wait3A_297 = tpu.memref_squeeze %dma_wait3A_296 : memref<1x16x1024xf32, #tpu.memory_space<hbm>> -> memref<16x1024xf32, #tpu.memory_space<hbm>>
    %dma_wait3A_298 = arith.constant 0 : i32
    %dma_wait3A_299 = tpu.memref_slice %arg4[%dma_wait3A_294, %add3A_216, %dma_wait3A_298] : memref<4x4096x1024xf32, #tpu.memory_space<hbm>> -> memref<1x16x1024xf32, #tpu.memory_space<hbm>>
    %dma_wait3A_300 = tpu.memref_squeeze %dma_wait3A_299 : memref<1x16x1024xf32, #tpu.memory_space<hbm>> -> memref<16x1024xf32, #tpu.memory_space<hbm>>
    tpu.wait_dma2 semaphore(%arg16 : memref<!tpu.dma_semaphore, #tpu.memory_space<semaphore_mem>>) src(%arg6 : memref<16x1024xf32, #tpu.memory_space<vmem>>) dst(%dma_wait3A_300 : memref<16x1024xf32, #tpu.memory_space<hbm>>)
    %add3A_301 = arith.constant 32 : i32
    %add3A_302 = arith.addi %mul3A_2, %add3A_301 : i32
    %dma_start3A_303 = arith.constant 1 : i32
    %dma_start3A_304 = arith.constant 0 : i32
    %dma_start3A_305 = tpu.memref_slice %arg2[%dma_start3A_303, %add3A_302, %dma_start3A_304] : memref<4x4096x1024xf32, #tpu.memory_space<hbm>> -> memref<1x16x1024xf32, #tpu.memory_space<hbm>>
    %dma_start3A_306 = tpu.memref_squeeze %dma_start3A_305 : memref<1x16x1024xf32, #tpu.memory_space<hbm>> -> memref<16x1024xf32, #tpu.memory_space<hbm>>
    %dma_start3A_307 = arith.constant 0 : i32
    %dma_start3A_308 = tpu.memref_slice %arg2[%dma_start3A_303, %add3A_302, %dma_start3A_307] : memref<4x4096x1024xf32, #tpu.memory_space<hbm>> -> memref<1x16x1024xf32, #tpu.memory_space<hbm>>
    %dma_start3A_309 = tpu.memref_squeeze %dma_start3A_308 : memref<1x16x1024xf32, #tpu.memory_space<hbm>> -> memref<16x1024xf32, #tpu.memory_space<hbm>>
    tpu.enqueue_dma source(%dma_start3A_309 : memref<16x1024xf32, #tpu.memory_space<hbm>>) target(%arg6 : memref<16x1024xf32, #tpu.memory_space<vmem>>) target_semaphore(%arg12 : memref<!tpu.dma_semaphore, #tpu.memory_space<semaphore_mem>>)
    %dma_wait3A_310 = arith.constant 0 : i32
    %dma_wait3A_311 = tpu.memref_slice %arg3[%add3A_165, %dma_wait3A_310] : memref<4096x1024xf32, #tpu.memory_space<hbm>> -> memref<16x1024xf32, #tpu.memory_space<hbm>>
    %dma_wait3A_312 = arith.constant 0 : i32
    %dma_wait3A_313 = tpu.memref_slice %arg3[%add3A_165, %dma_wait3A_312] : memref<4096x1024xf32, #tpu.memory_space<hbm>> -> memref<16x1024xf32, #tpu.memory_space<hbm>>
    tpu.wait_dma2 semaphore(%arg19 : memref<!tpu.dma_semaphore, #tpu.memory_space<semaphore_mem>>) src(%dma_wait3A_313 : memref<16x1024xf32, #tpu.memory_space<hbm>>) dst(%arg9 : memref<16x1024xf32, #tpu.memory_space<vmem>>)
    %add3A_314 = arith.constant 48 : i32
    %add3A_315 = arith.addi %mul3A_2, %add3A_314 : i32
    %dma_start3A_316 = arith.constant 0 : i32
    %dma_start3A_317 = tpu.memref_slice %arg3[%add3A_315, %dma_start3A_316] : memref<4096x1024xf32, #tpu.memory_space<hbm>> -> memref<16x1024xf32, #tpu.memory_space<hbm>>
    %dma_start3A_318 = arith.constant 0 : i32
    %dma_start3A_319 = tpu.memref_slice %arg3[%add3A_315, %dma_start3A_318] : memref<4096x1024xf32, #tpu.memory_space<hbm>> -> memref<16x1024xf32, #tpu.memory_space<hbm>>
    tpu.enqueue_dma source(%dma_start3A_319 : memref<16x1024xf32, #tpu.memory_space<hbm>>) target(%arg10 : memref<16x1024xf32, #tpu.memory_space<vmem>>) target_semaphore(%arg20 : memref<!tpu.dma_semaphore, #tpu.memory_space<semaphore_mem>>)
    %dma_wait3A_320 = arith.constant 0 : i32
    %dma_wait3A_321 = arith.constant 0 : i32
    %dma_wait3A_322 = tpu.memref_slice %arg2[%dma_wait3A_320, %add3A_267, %dma_wait3A_321] : memref<4x4096x1024xf32, #tpu.memory_space<hbm>> -> memref<1x16x1024xf32, #tpu.memory_space<hbm>>
    %dma_wait3A_323 = tpu.memref_squeeze %dma_wait3A_322 : memref<1x16x1024xf32, #tpu.memory_space<hbm>> -> memref<16x1024xf32, #tpu.memory_space<hbm>>
    %dma_wait3A_324 = arith.constant 0 : i32
    %dma_wait3A_325 = tpu.memref_slice %arg2[%dma_wait3A_320, %add3A_267, %dma_wait3A_324] : memref<4x4096x1024xf32, #tpu.memory_space<hbm>> -> memref<1x16x1024xf32, #tpu.memory_space<hbm>>
    %dma_wait3A_326 = tpu.memref_squeeze %dma_wait3A_325 : memref<1x16x1024xf32, #tpu.memory_space<hbm>> -> memref<16x1024xf32, #tpu.memory_space<hbm>>
    tpu.wait_dma2 semaphore(%arg11 : memref<!tpu.dma_semaphore, #tpu.memory_space<semaphore_mem>>) src(%dma_wait3A_326 : memref<16x1024xf32, #tpu.memory_space<hbm>>) dst(%arg5 : memref<16x1024xf32, #tpu.memory_space<vmem>>)
    %parallel_loop3A_327 = arith.constant 0 : i32
    %parallel_loop3A_328 = arith.constant 16384 : i32
    %parallel_loop3A_329 = arith.constant 16 : i32
    scf.for %parallel_loop3A_1200 = %parallel_loop3A_327 to %parallel_loop3A_328 step %parallel_loop3A_329  : i32 {
      %parallel_loop3A_1201 = arith.constant 10 : i32
      %parallel_loop3A_1202 = arith.shrui %parallel_loop3A_1200, %parallel_loop3A_1201 : i32
      %parallel_loop3A_1203 = arith.constant 1023 : i32
      %parallel_loop3A_1204 = arith.andi %parallel_loop3A_1200, %parallel_loop3A_1203 : i32
      %parallel_loop3A_1205 = tpu.assume_multiple %parallel_loop3A_1204, 16 : i32
      %parallel_loop3A_1206 = arith.index_cast %parallel_loop3A_1202 : i32 to index
      %parallel_loop3A_1207 = arith.index_cast %parallel_loop3A_1205 : i32 to index
      %parallel_loop3A_1208 = tpu.vector_load %arg9[%parallel_loop3A_1206, %parallel_loop3A_1207] {strides = array<i32>} : memref<16x1024xf32, #tpu.memory_space<vmem>>, vector<1x16xf32>,
      %parallel_loop3A_1209 = vector.shape_cast %parallel_loop3A_1208 : vector<1x16xf32> to vector<16xf32>
      %parallel_loop3A_1210 = arith.index_cast %parallel_loop3A_1202 : i32 to index
      %parallel_loop3A_1211 = arith.index_cast %parallel_loop3A_1205 : i32 to index
      %parallel_loop3A_1212 = tpu.vector_load %arg5[%parallel_loop3A_1210, %parallel_loop3A_1211] {strides = array<i32>} : memref<16x1024xf32, #tpu.memory_space<vmem>>, vector<1x16xf32>,
      %parallel_loop3A_1213 = vector.shape_cast %parallel_loop3A_1212 : vector<1x16xf32> to vector<16xf32>
      %parallel_loop3A_1214 = vector.shape_cast %parallel_loop3A_1209 : vector<16xf32> to vector<1x16xf32>
      tpu.vector_store %arg5[%parallel_loop3A_1210, %parallel_loop3A_1211], %parallel_loop3A_1214 {add = true, strides = array<i32>} : memref<16x1024xf32, #tpu.memory_space<vmem>>, vector<1x16xf32>,
    } {sc.loop_unroll_factor = 8 : i64, sc.parallel_access}
    %add3A_330 = arith.constant 32 : i32
    %add3A_331 = arith.addi %mul3A_2, %add3A_330 : i32
    %dma_start3A_332 = arith.constant 0 : i32
    %dma_start3A_333 = arith.constant 0 : i32
    %dma_start3A_334 = tpu.memref_slice %arg4[%dma_start3A_332, %add3A_331, %dma_start3A_333] : memref<4x4096x1024xf32, #tpu.memory_space<hbm>> -> memref<1x16x1024xf32, #tpu.memory_space<hbm>>
    %dma_start3A_335 = tpu.memref_squeeze %dma_start3A_334 : memref<1x16x1024xf32, #tpu.memory_space<hbm>> -> memref<16x1024xf32, #tpu.memory_space<hbm>>
    %dma_start3A_336 = arith.constant 0 : i32
    %dma_start3A_337 = tpu.memref_slice %arg4[%dma_start3A_332, %add3A_331, %dma_start3A_336] : memref<4x4096x1024xf32, #tpu.memory_space<hbm>> -> memref<1x16x1024xf32, #tpu.memory_space<hbm>>
    %dma_start3A_338 = tpu.memref_squeeze %dma_start3A_337 : memref<1x16x1024xf32, #tpu.memory_space<hbm>> -> memref<16x1024xf32, #tpu.memory_space<hbm>>
    tpu.enqueue_dma source(%arg5 : memref<16x1024xf32, #tpu.memory_space<vmem>>) target(%dma_start3A_338 : memref<16x1024xf32, #tpu.memory_space<hbm>>) target_semaphore(%arg15 : memref<!tpu.dma_semaphore, #tpu.memory_space<semaphore_mem>>)
    %dma_wait3A_339 = arith.constant 2 : i32
    %dma_wait3A_340 = arith.constant 0 : i32
    %dma_wait3A_341 = tpu.memref_slice %arg4[%dma_wait3A_339, %add3A_251, %dma_wait3A_340] : memref<4x4096x1024xf32, #tpu.memory_space<hbm>> -> memref<1x16x1024xf32, #tpu.memory_space<hbm>>
    %dma_wait3A_342 = tpu.memref_squeeze %dma_wait3A_341 : memref<1x16x1024xf32, #tpu.memory_space<hbm>> -> memref<16x1024xf32, #tpu.memory_space<hbm>>
    %dma_wait3A_343 = arith.constant 0 : i32
    %dma_wait3A_344 = tpu.memref_slice %arg4[%dma_wait3A_339, %add3A_251, %dma_wait3A_343] : memref<4x4096x1024xf32, #tpu.memory_space<hbm>> -> memref<1x16x1024xf32, #tpu.memory_space<hbm>>
    %dma_wait3A_345 = tpu.memref_squeeze %dma_wait3A_344 : memref<1x16x1024xf32, #tpu.memory_space<hbm>> -> memref<16x1024xf32, #tpu.memory_space<hbm>>
    tpu.wait_dma2 semaphore(%arg17 : memref<!tpu.dma_semaphore, #tpu.memory_space<semaphore_mem>>) src(%arg7 : memref<16x1024xf32, #tpu.memory_space<vmem>>) dst(%dma_wait3A_345 : memref<16x1024xf32, #tpu.memory_space<hbm>>)
    %add3A_346 = arith.constant 32 : i32
    %add3A_347 = arith.addi %mul3A_2, %add3A_346 : i32
    %dma_start3A_348 = arith.constant 2 : i32
    %dma_start3A_349 = arith.constant 0 : i32
    %dma_start3A_350 = tpu.memref_slice %arg2[%dma_start3A_348, %add3A_347, %dma_start3A_349] : memref<4x4096x1024xf32, #tpu.memory_space<hbm>> -> memref<1x16x1024xf32, #tpu.memory_space<hbm>>
    %dma_start3A_351 = tpu.memref_squeeze %dma_start3A_350 : memref<1x16x1024xf32, #tpu.memory_space<hbm>> -> memref<16x1024xf32, #tpu.memory_space<hbm>>
    %dma_start3A_352 = arith.constant 0 : i32
    %dma_start3A_353 = tpu.memref_slice %arg2[%dma_start3A_348, %add3A_347, %dma_start3A_352] : memref<4x4096x1024xf32, #tpu.memory_space<hbm>> -> memref<1x16x1024xf32, #tpu.memory_space<hbm>>
    %dma_start3A_354 = tpu.memref_squeeze %dma_start3A_353 : memref<1x16x1024xf32, #tpu.memory_space<hbm>> -> memref<16x1024xf32, #tpu.memory_space<hbm>>
    tpu.enqueue_dma source(%dma_start3A_354 : memref<16x1024xf32, #tpu.memory_space<hbm>>) target(%arg7 : memref<16x1024xf32, #tpu.memory_space<vmem>>) target_semaphore(%arg13 : memref<!tpu.dma_semaphore, #tpu.memory_space<semaphore_mem>>)
    %dma_wait3A_355 = arith.constant 1 : i32
    %dma_wait3A_356 = arith.constant 0 : i32
    %dma_wait3A_357 = tpu.memref_slice %arg2[%dma_wait3A_355, %add3A_302, %dma_wait3A_356] : memref<4x4096x1024xf32, #tpu.memory_space<hbm>> -> memref<1x16x1024xf32, #tpu.memory_space<hbm>>
    %dma_wait3A_358 = tpu.memref_squeeze %dma_wait3A_357 : memref<1x16x1024xf32, #tpu.memory_space<hbm>> -> memref<16x1024xf32, #tpu.memory_space<hbm>>
    %dma_wait3A_359 = arith.constant 0 : i32
    %dma_wait3A_360 = tpu.memref_slice %arg2[%dma_wait3A_355, %add3A_302, %dma_wait3A_359] : memref<4x4096x1024xf32, #tpu.memory_space<hbm>> -> memref<1x16x1024xf32, #tpu.memory_space<hbm>>
    %dma_wait3A_361 = tpu.memref_squeeze %dma_wait3A_360 : memref<1x16x1024xf32, #tpu.memory_space<hbm>> -> memref<16x1024xf32, #tpu.memory_space<hbm>>
    tpu.wait_dma2 semaphore(%arg12 : memref<!tpu.dma_semaphore, #tpu.memory_space<semaphore_mem>>) src(%dma_wait3A_361 : memref<16x1024xf32, #tpu.memory_space<hbm>>) dst(%arg6 : memref<16x1024xf32, #tpu.memory_space<vmem>>)
    %parallel_loop3A_362 = arith.constant 0 : i32
    %parallel_loop3A_363 = arith.constant 16384 : i32
    %parallel_loop3A_364 = arith.constant 16 : i32
    scf.for %parallel_loop3A_1200 = %parallel_loop3A_362 to %parallel_loop3A_363 step %parallel_loop3A_364  : i32 {
      %parallel_loop3A_1201 = arith.constant 10 : i32
      %parallel_loop3A_1202 = arith.shrui %parallel_loop3A_1200, %parallel_loop3A_1201 : i32
      %parallel_loop3A_1203 = arith.constant 1023 : i32
      %parallel_loop3A_1204 = arith.andi %parallel_loop3A_1200, %parallel_loop3A_1203 : i32
      %parallel_loop3A_1205 = tpu.assume_multiple %parallel_loop3A_1204, 16 : i32
      %parallel_loop3A_1206 = arith.index_cast %parallel_loop3A_1202 : i32 to index
      %parallel_loop3A_1207 = arith.index_cast %parallel_loop3A_1205 : i32 to index
      %parallel_loop3A_1208 = tpu.vector_load %arg9[%parallel_loop3A_1206, %parallel_loop3A_1207] {strides = array<i32>} : memref<16x1024xf32, #tpu.memory_space<vmem>>, vector<1x16xf32>,
      %parallel_loop3A_1209 = vector.shape_cast %parallel_loop3A_1208 : vector<1x16xf32> to vector<16xf32>
      %parallel_loop3A_1210 = arith.index_cast %parallel_loop3A_1202 : i32 to index
      %parallel_loop3A_1211 = arith.index_cast %parallel_loop3A_1205 : i32 to index
      %parallel_loop3A_1212 = tpu.vector_load %arg6[%parallel_loop3A_1210, %parallel_loop3A_1211] {strides = array<i32>} : memref<16x1024xf32, #tpu.memory_space<vmem>>, vector<1x16xf32>,
      %parallel_loop3A_1213 = vector.shape_cast %parallel_loop3A_1212 : vector<1x16xf32> to vector<16xf32>
      %parallel_loop3A_1214 = vector.shape_cast %parallel_loop3A_1209 : vector<16xf32> to vector<1x16xf32>
      tpu.vector_store %arg6[%parallel_loop3A_1210, %parallel_loop3A_1211], %parallel_loop3A_1214 {add = true, strides = array<i32>} : memref<16x1024xf32, #tpu.memory_space<vmem>>, vector<1x16xf32>,
    } {sc.loop_unroll_factor = 8 : i64, sc.parallel_access}
    %add3A_365 = arith.constant 32 : i32
    %add3A_366 = arith.addi %mul3A_2, %add3A_365 : i32
    %dma_start3A_367 = arith.constant 1 : i32
    %dma_start3A_368 = arith.constant 0 : i32
    %dma_start3A_369 = tpu.memref_slice %arg4[%dma_start3A_367, %add3A_366, %dma_start3A_368] : memref<4x4096x1024xf32, #tpu.memory_space<hbm>> -> memref<1x16x1024xf32, #tpu.memory_space<hbm>>
    %dma_start3A_370 = tpu.memref_squeeze %dma_start3A_369 : memref<1x16x1024xf32, #tpu.memory_space<hbm>> -> memref<16x1024xf32, #tpu.memory_space<hbm>>
    %dma_start3A_371 = arith.constant 0 : i32
    %dma_start3A_372 = tpu.memref_slice %arg4[%dma_start3A_367, %add3A_366, %dma_start3A_371] : memref<4x4096x1024xf32, #tpu.memory_space<hbm>> -> memref<1x16x1024xf32, #tpu.memory_space<hbm>>
    %dma_start3A_373 = tpu.memref_squeeze %dma_start3A_372 : memref<1x16x1024xf32, #tpu.memory_space<hbm>> -> memref<16x1024xf32, #tpu.memory_space<hbm>>
    tpu.enqueue_dma source(%arg6 : memref<16x1024xf32, #tpu.memory_space<vmem>>) target(%dma_start3A_373 : memref<16x1024xf32, #tpu.memory_space<hbm>>) target_semaphore(%arg16 : memref<!tpu.dma_semaphore, #tpu.memory_space<semaphore_mem>>)
    %dma_wait3A_374 = arith.constant 3 : i32
    %dma_wait3A_375 = arith.constant 0 : i32
    %dma_wait3A_376 = tpu.memref_slice %arg4[%dma_wait3A_374, %add3A_286, %dma_wait3A_375] : memref<4x4096x1024xf32, #tpu.memory_space<hbm>> -> memref<1x16x1024xf32, #tpu.memory_space<hbm>>
    %dma_wait3A_377 = tpu.memref_squeeze %dma_wait3A_376 : memref<1x16x1024xf32, #tpu.memory_space<hbm>> -> memref<16x1024xf32, #tpu.memory_space<hbm>>
    %dma_wait3A_378 = arith.constant 0 : i32
    %dma_wait3A_379 = tpu.memref_slice %arg4[%dma_wait3A_374, %add3A_286, %dma_wait3A_378] : memref<4x4096x1024xf32, #tpu.memory_space<hbm>> -> memref<1x16x1024xf32, #tpu.memory_space<hbm>>
    %dma_wait3A_380 = tpu.memref_squeeze %dma_wait3A_379 : memref<1x16x1024xf32, #tpu.memory_space<hbm>> -> memref<16x1024xf32, #tpu.memory_space<hbm>>
    tpu.wait_dma2 semaphore(%arg18 : memref<!tpu.dma_semaphore, #tpu.memory_space<semaphore_mem>>) src(%arg8 : memref<16x1024xf32, #tpu.memory_space<vmem>>) dst(%dma_wait3A_380 : memref<16x1024xf32, #tpu.memory_space<hbm>>)
    %add3A_381 = arith.constant 32 : i32
    %add3A_382 = arith.addi %mul3A_2, %add3A_381 : i32
    %dma_start3A_383 = arith.constant 3 : i32
    %dma_start3A_384 = arith.constant 0 : i32
    %dma_start3A_385 = tpu.memref_slice %arg2[%dma_start3A_383, %add3A_382, %dma_start3A_384] : memref<4x4096x1024xf32, #tpu.memory_space<hbm>> -> memref<1x16x1024xf32, #tpu.memory_space<hbm>>
    %dma_start3A_386 = tpu.memref_squeeze %dma_start3A_385 : memref<1x16x1024xf32, #tpu.memory_space<hbm>> -> memref<16x1024xf32, #tpu.memory_space<hbm>>
    %dma_start3A_387 = arith.constant 0 : i32
    %dma_start3A_388 = tpu.memref_slice %arg2[%dma_start3A_383, %add3A_382, %dma_start3A_387] : memref<4x4096x1024xf32, #tpu.memory_space<hbm>> -> memref<1x16x1024xf32, #tpu.memory_space<hbm>>
    %dma_start3A_389 = tpu.memref_squeeze %dma_start3A_388 : memref<1x16x1024xf32, #tpu.memory_space<hbm>> -> memref<16x1024xf32, #tpu.memory_space<hbm>>
    tpu.enqueue_dma source(%dma_start3A_389 : memref<16x1024xf32, #tpu.memory_space<hbm>>) target(%arg8 : memref<16x1024xf32, #tpu.memory_space<vmem>>) target_semaphore(%arg14 : memref<!tpu.dma_semaphore, #tpu.memory_space<semaphore_mem>>)
    %dma_wait3A_390 = arith.constant 2 : i32
    %dma_wait3A_391 = arith.constant 0 : i32
    %dma_wait3A_392 = tpu.memref_slice %arg2[%dma_wait3A_390, %add3A_347, %dma_wait3A_391] : memref<4x4096x1024xf32, #tpu.memory_space<hbm>> -> memref<1x16x1024xf32, #tpu.memory_space<hbm>>
    %dma_wait3A_393 = tpu.memref_squeeze %dma_wait3A_392 : memref<1x16x1024xf32, #tpu.memory_space<hbm>> -> memref<16x1024xf32, #tpu.memory_space<hbm>>
    %dma_wait3A_394 = arith.constant 0 : i32
    %dma_wait3A_395 = tpu.memref_slice %arg2[%dma_wait3A_390, %add3A_347, %dma_wait3A_394] : memref<4x4096x1024xf32, #tpu.memory_space<hbm>> -> memref<1x16x1024xf32, #tpu.memory_space<hbm>>
    %dma_wait3A_396 = tpu.memref_squeeze %dma_wait3A_395 : memref<1x16x1024xf32, #tpu.memory_space<hbm>> -> memref<16x1024xf32, #tpu.memory_space<hbm>>
    tpu.wait_dma2 semaphore(%arg13 : memref<!tpu.dma_semaphore, #tpu.memory_space<semaphore_mem>>) src(%dma_wait3A_396 : memref<16x1024xf32, #tpu.memory_space<hbm>>) dst(%arg7 : memref<16x1024xf32, #tpu.memory_space<vmem>>)
    %parallel_loop3A_397 = arith.constant 0 : i32
    %parallel_loop3A_398 = arith.constant 16384 : i32
    %parallel_loop3A_399 = arith.constant 16 : i32
    scf.for %parallel_loop3A_1200 = %parallel_loop3A_397 to %parallel_loop3A_398 step %parallel_loop3A_399  : i32 {
      %parallel_loop3A_1201 = arith.constant 10 : i32
      %parallel_loop3A_1202 = arith.shrui %parallel_loop3A_1200, %parallel_loop3A_1201 : i32
      %parallel_loop3A_1203 = arith.constant 1023 : i32
      %parallel_loop3A_1204 = arith.andi %parallel_loop3A_1200, %parallel_loop3A_1203 : i32
      %parallel_loop3A_1205 = tpu.assume_multiple %parallel_loop3A_1204, 16 : i32
      %parallel_loop3A_1206 = arith.index_cast %parallel_loop3A_1202 : i32 to index
      %parallel_loop3A_1207 = arith.index_cast %parallel_loop3A_1205 : i32 to index
      %parallel_loop3A_1208 = tpu.vector_load %arg9[%parallel_loop3A_1206, %parallel_loop3A_1207] {strides = array<i32>} : memref<16x1024xf32, #tpu.memory_space<vmem>>, vector<1x16xf32>,
      %parallel_loop3A_1209 = vector.shape_cast %parallel_loop3A_1208 : vector<1x16xf32> to vector<16xf32>
      %parallel_loop3A_1210 = arith.index_cast %parallel_loop3A_1202 : i32 to index
      %parallel_loop3A_1211 = arith.index_cast %parallel_loop3A_1205 : i32 to index
      %parallel_loop3A_1212 = tpu.vector_load %arg7[%parallel_loop3A_1210, %parallel_loop3A_1211] {strides = array<i32>} : memref<16x1024xf32, #tpu.memory_space<vmem>>, vector<1x16xf32>,
      %parallel_loop3A_1213 = vector.shape_cast %parallel_loop3A_1212 : vector<1x16xf32> to vector<16xf32>
      %parallel_loop3A_1214 = vector.shape_cast %parallel_loop3A_1209 : vector<16xf32> to vector<1x16xf32>
      tpu.vector_store %arg7[%parallel_loop3A_1210, %parallel_loop3A_1211], %parallel_loop3A_1214 {add = true, strides = array<i32>} : memref<16x1024xf32, #tpu.memory_space<vmem>>, vector<1x16xf32>,
    } {sc.loop_unroll_factor = 8 : i64, sc.parallel_access}
    %add3A_400 = arith.constant 32 : i32
    %add3A_401 = arith.addi %mul3A_2, %add3A_400 : i32
    %dma_start3A_402 = arith.constant 2 : i32
    %dma_start3A_403 = arith.constant 0 : i32
    %dma_start3A_404 = tpu.memref_slice %arg4[%dma_start3A_402, %add3A_401, %dma_start3A_403] : memref<4x4096x1024xf32, #tpu.memory_space<hbm>> -> memref<1x16x1024xf32, #tpu.memory_space<hbm>>
    %dma_start3A_405 = tpu.memref_squeeze %dma_start3A_404 : memref<1x16x1024xf32, #tpu.memory_space<hbm>> -> memref<16x1024xf32, #tpu.memory_space<hbm>>
    %dma_start3A_406 = arith.constant 0 : i32
    %dma_start3A_407 = tpu.memref_slice %arg4[%dma_start3A_402, %add3A_401, %dma_start3A_406] : memref<4x4096x1024xf32, #tpu.memory_space<hbm>> -> memref<1x16x1024xf32, #tpu.memory_space<hbm>>
    %dma_start3A_408 = tpu.memref_squeeze %dma_start3A_407 : memref<1x16x1024xf32, #tpu.memory_space<hbm>> -> memref<16x1024xf32, #tpu.memory_space<hbm>>
    tpu.enqueue_dma source(%arg7 : memref<16x1024xf32, #tpu.memory_space<vmem>>) target(%dma_start3A_408 : memref<16x1024xf32, #tpu.memory_space<hbm>>) target_semaphore(%arg17 : memref<!tpu.dma_semaphore, #tpu.memory_space<semaphore_mem>>)
    %dma_wait3A_409 = arith.constant 0 : i32
    %dma_wait3A_410 = arith.constant 0 : i32
    %dma_wait3A_411 = tpu.memref_slice %arg4[%dma_wait3A_409, %add3A_331, %dma_wait3A_410] : memref<4x4096x1024xf32, #tpu.memory_space<hbm>> -> memref<1x16x1024xf32, #tpu.memory_space<hbm>>
    %dma_wait3A_412 = tpu.memref_squeeze %dma_wait3A_411 : memref<1x16x1024xf32, #tpu.memory_space<hbm>> -> memref<16x1024xf32, #tpu.memory_space<hbm>>
    %dma_wait3A_413 = arith.constant 0 : i32
    %dma_wait3A_414 = tpu.memref_slice %arg4[%dma_wait3A_409, %add3A_331, %dma_wait3A_413] : memref<4x4096x1024xf32, #tpu.memory_space<hbm>> -> memref<1x16x1024xf32, #tpu.memory_space<hbm>>
    %dma_wait3A_415 = tpu.memref_squeeze %dma_wait3A_414 : memref<1x16x1024xf32, #tpu.memory_space<hbm>> -> memref<16x1024xf32, #tpu.memory_space<hbm>>
    tpu.wait_dma2 semaphore(%arg15 : memref<!tpu.dma_semaphore, #tpu.memory_space<semaphore_mem>>) src(%arg5 : memref<16x1024xf32, #tpu.memory_space<vmem>>) dst(%dma_wait3A_415 : memref<16x1024xf32, #tpu.memory_space<hbm>>)
    %add3A_416 = arith.constant 48 : i32
    %add3A_417 = arith.addi %mul3A_2, %add3A_416 : i32
    %dma_start3A_418 = arith.constant 0 : i32
    %dma_start3A_419 = arith.constant 0 : i32
    %dma_start3A_420 = tpu.memref_slice %arg2[%dma_start3A_418, %add3A_417, %dma_start3A_419] : memref<4x4096x1024xf32, #tpu.memory_space<hbm>> -> memref<1x16x1024xf32, #tpu.memory_space<hbm>>
    %dma_start3A_421 = tpu.memref_squeeze %dma_start3A_420 : memref<1x16x1024xf32, #tpu.memory_space<hbm>> -> memref<16x1024xf32, #tpu.memory_space<hbm>>
    %dma_start3A_422 = arith.constant 0 : i32
    %dma_start3A_423 = tpu.memref_slice %arg2[%dma_start3A_418, %add3A_417, %dma_start3A_422] : memref<4x4096x1024xf32, #tpu.memory_space<hbm>> -> memref<1x16x1024xf32, #tpu.memory_space<hbm>>
    %dma_start3A_424 = tpu.memref_squeeze %dma_start3A_423 : memref<1x16x1024xf32, #tpu.memory_space<hbm>> -> memref<16x1024xf32, #tpu.memory_space<hbm>>
    tpu.enqueue_dma source(%dma_start3A_424 : memref<16x1024xf32, #tpu.memory_space<hbm>>) target(%arg5 : memref<16x1024xf32, #tpu.memory_space<vmem>>) target_semaphore(%arg11 : memref<!tpu.dma_semaphore, #tpu.memory_space<semaphore_mem>>)
    %dma_wait3A_425 = arith.constant 3 : i32
    %dma_wait3A_426 = arith.constant 0 : i32
    %dma_wait3A_427 = tpu.memref_slice %arg2[%dma_wait3A_425, %add3A_382, %dma_wait3A_426] : memref<4x4096x1024xf32, #tpu.memory_space<hbm>> -> memref<1x16x1024xf32, #tpu.memory_space<hbm>>
    %dma_wait3A_428 = tpu.memref_squeeze %dma_wait3A_427 : memref<1x16x1024xf32, #tpu.memory_space<hbm>> -> memref<16x1024xf32, #tpu.memory_space<hbm>>
    %dma_wait3A_429 = arith.constant 0 : i32
    %dma_wait3A_430 = tpu.memref_slice %arg2[%dma_wait3A_425, %add3A_382, %dma_wait3A_429] : memref<4x4096x1024xf32, #tpu.memory_space<hbm>> -> memref<1x16x1024xf32, #tpu.memory_space<hbm>>
    %dma_wait3A_431 = tpu.memref_squeeze %dma_wait3A_430 : memref<1x16x1024xf32, #tpu.memory_space<hbm>> -> memref<16x1024xf32, #tpu.memory_space<hbm>>
    tpu.wait_dma2 semaphore(%arg14 : memref<!tpu.dma_semaphore, #tpu.memory_space<semaphore_mem>>) src(%dma_wait3A_431 : memref<16x1024xf32, #tpu.memory_space<hbm>>) dst(%arg8 : memref<16x1024xf32, #tpu.memory_space<vmem>>)
    %parallel_loop3A_432 = arith.constant 0 : i32
    %parallel_loop3A_433 = arith.constant 16384 : i32
    %parallel_loop3A_434 = arith.constant 16 : i32
    scf.for %parallel_loop3A_1200 = %parallel_loop3A_432 to %parallel_loop3A_433 step %parallel_loop3A_434  : i32 {
      %parallel_loop3A_1201 = arith.constant 10 : i32
      %parallel_loop3A_1202 = arith.shrui %parallel_loop3A_1200, %parallel_loop3A_1201 : i32
      %parallel_loop3A_1203 = arith.constant 1023 : i32
      %parallel_loop3A_1204 = arith.andi %parallel_loop3A_1200, %parallel_loop3A_1203 : i32
      %parallel_loop3A_1205 = tpu.assume_multiple %parallel_loop3A_1204, 16 : i32
      %parallel_loop3A_1206 = arith.index_cast %parallel_loop3A_1202 : i32 to index
      %parallel_loop3A_1207 = arith.index_cast %parallel_loop3A_1205 : i32 to index
      %parallel_loop3A_1208 = tpu.vector_load %arg9[%parallel_loop3A_1206, %parallel_loop3A_1207] {strides = array<i32>} : memref<16x1024xf32, #tpu.memory_space<vmem>>, vector<1x16xf32>,
      %parallel_loop3A_1209 = vector.shape_cast %parallel_loop3A_1208 : vector<1x16xf32> to vector<16xf32>
      %parallel_loop3A_1210 = arith.index_cast %parallel_loop3A_1202 : i32 to index
      %parallel_loop3A_1211 = arith.index_cast %parallel_loop3A_1205 : i32 to index
      %parallel_loop3A_1212 = tpu.vector_load %arg8[%parallel_loop3A_1210, %parallel_loop3A_1211] {strides = array<i32>} : memref<16x1024xf32, #tpu.memory_space<vmem>>, vector<1x16xf32>,
      %parallel_loop3A_1213 = vector.shape_cast %parallel_loop3A_1212 : vector<1x16xf32> to vector<16xf32>
      %parallel_loop3A_1214 = vector.shape_cast %parallel_loop3A_1209 : vector<16xf32> to vector<1x16xf32>
      tpu.vector_store %arg8[%parallel_loop3A_1210, %parallel_loop3A_1211], %parallel_loop3A_1214 {add = true, strides = array<i32>} : memref<16x1024xf32, #tpu.memory_space<vmem>>, vector<1x16xf32>,
    } {sc.loop_unroll_factor = 8 : i64, sc.parallel_access}
    %add3A_435 = arith.constant 32 : i32
    %add3A_436 = arith.addi %mul3A_2, %add3A_435 : i32
    %dma_start3A_437 = arith.constant 3 : i32
    %dma_start3A_438 = arith.constant 0 : i32
    %dma_start3A_439 = tpu.memref_slice %arg4[%dma_start3A_437, %add3A_436, %dma_start3A_438] : memref<4x4096x1024xf32, #tpu.memory_space<hbm>> -> memref<1x16x1024xf32, #tpu.memory_space<hbm>>
    %dma_start3A_440 = tpu.memref_squeeze %dma_start3A_439 : memref<1x16x1024xf32, #tpu.memory_space<hbm>> -> memref<16x1024xf32, #tpu.memory_space<hbm>>
    %dma_start3A_441 = arith.constant 0 : i32
    %dma_start3A_442 = tpu.memref_slice %arg4[%dma_start3A_437, %add3A_436, %dma_start3A_441] : memref<4x4096x1024xf32, #tpu.memory_space<hbm>> -> memref<1x16x1024xf32, #tpu.memory_space<hbm>>
    %dma_start3A_443 = tpu.memref_squeeze %dma_start3A_442 : memref<1x16x1024xf32, #tpu.memory_space<hbm>> -> memref<16x1024xf32, #tpu.memory_space<hbm>>
    tpu.enqueue_dma source(%arg8 : memref<16x1024xf32, #tpu.memory_space<vmem>>) target(%dma_start3A_443 : memref<16x1024xf32, #tpu.memory_space<hbm>>) target_semaphore(%arg18 : memref<!tpu.dma_semaphore, #tpu.memory_space<semaphore_mem>>)
    %dma_wait3A_444 = arith.constant 1 : i32
    %dma_wait3A_445 = arith.constant 0 : i32
    %dma_wait3A_446 = tpu.memref_slice %arg4[%dma_wait3A_444, %add3A_366, %dma_wait3A_445] : memref<4x4096x1024xf32, #tpu.memory_space<hbm>> -> memref<1x16x1024xf32, #tpu.memory_space<hbm>>
    %dma_wait3A_447 = tpu.memref_squeeze %dma_wait3A_446 : memref<1x16x1024xf32, #tpu.memory_space<hbm>> -> memref<16x1024xf32, #tpu.memory_space<hbm>>
    %dma_wait3A_448 = arith.constant 0 : i32
    %dma_wait3A_449 = tpu.memref_slice %arg4[%dma_wait3A_444, %add3A_366, %dma_wait3A_448] : memref<4x4096x1024xf32, #tpu.memory_space<hbm>> -> memref<1x16x1024xf32, #tpu.memory_space<hbm>>
    %dma_wait3A_450 = tpu.memref_squeeze %dma_wait3A_449 : memref<1x16x1024xf32, #tpu.memory_space<hbm>> -> memref<16x1024xf32, #tpu.memory_space<hbm>>
    tpu.wait_dma2 semaphore(%arg16 : memref<!tpu.dma_semaphore, #tpu.memory_space<semaphore_mem>>) src(%arg6 : memref<16x1024xf32, #tpu.memory_space<vmem>>) dst(%dma_wait3A_450 : memref<16x1024xf32, #tpu.memory_space<hbm>>)
    %add3A_451 = arith.constant 48 : i32
    %add3A_452 = arith.addi %mul3A_2, %add3A_451 : i32
    %dma_start3A_453 = arith.constant 1 : i32
    %dma_start3A_454 = arith.constant 0 : i32
    %dma_start3A_455 = tpu.memref_slice %arg2[%dma_start3A_453, %add3A_452, %dma_start3A_454] : memref<4x4096x1024xf32, #tpu.memory_space<hbm>> -> memref<1x16x1024xf32, #tpu.memory_space<hbm>>
    %dma_start3A_456 = tpu.memref_squeeze %dma_start3A_455 : memref<1x16x1024xf32, #tpu.memory_space<hbm>> -> memref<16x1024xf32, #tpu.memory_space<hbm>>
    %dma_start3A_457 = arith.constant 0 : i32
    %dma_start3A_458 = tpu.memref_slice %arg2[%dma_start3A_453, %add3A_452, %dma_start3A_457] : memref<4x4096x1024xf32, #tpu.memory_space<hbm>> -> memref<1x16x1024xf32, #tpu.memory_space<hbm>>
    %dma_start3A_459 = tpu.memref_squeeze %dma_start3A_458 : memref<1x16x1024xf32, #tpu.memory_space<hbm>> -> memref<16x1024xf32, #tpu.memory_space<hbm>>
    tpu.enqueue_dma source(%dma_start3A_459 : memref<16x1024xf32, #tpu.memory_space<hbm>>) target(%arg6 : memref<16x1024xf32, #tpu.memory_space<vmem>>) target_semaphore(%arg12 : memref<!tpu.dma_semaphore, #tpu.memory_space<semaphore_mem>>)
    %dma_wait3A_460 = arith.constant 0 : i32
    %dma_wait3A_461 = tpu.memref_slice %arg3[%add3A_315, %dma_wait3A_460] : memref<4096x1024xf32, #tpu.memory_space<hbm>> -> memref<16x1024xf32, #tpu.memory_space<hbm>>
    %dma_wait3A_462 = arith.constant 0 : i32
    %dma_wait3A_463 = tpu.memref_slice %arg3[%add3A_315, %dma_wait3A_462] : memref<4096x1024xf32, #tpu.memory_space<hbm>> -> memref<16x1024xf32, #tpu.memory_space<hbm>>
    tpu.wait_dma2 semaphore(%arg20 : memref<!tpu.dma_semaphore, #tpu.memory_space<semaphore_mem>>) src(%dma_wait3A_463 : memref<16x1024xf32, #tpu.memory_space<hbm>>) dst(%arg10 : memref<16x1024xf32, #tpu.memory_space<vmem>>)
    %add3A_464 = arith.constant 64 : i32
    %add3A_465 = arith.addi %mul3A_2, %add3A_464 : i32
    %dma_start3A_466 = arith.constant 0 : i32
    %dma_start3A_467 = tpu.memref_slice %arg3[%add3A_465, %dma_start3A_466] : memref<4096x1024xf32, #tpu.memory_space<hbm>> -> memref<16x1024xf32, #tpu.memory_space<hbm>>
    %dma_start3A_468 = arith.constant 0 : i32
    %dma_start3A_469 = tpu.memref_slice %arg3[%add3A_465, %dma_start3A_468] : memref<4096x1024xf32, #tpu.memory_space<hbm>> -> memref<16x1024xf32, #tpu.memory_space<hbm>>
    tpu.enqueue_dma source(%dma_start3A_469 : memref<16x1024xf32, #tpu.memory_space<hbm>>) target(%arg9 : memref<16x1024xf32, #tpu.memory_space<vmem>>) target_semaphore(%arg19 : memref<!tpu.dma_semaphore, #tpu.memory_space<semaphore_mem>>)
    %dma_wait3A_470 = arith.constant 0 : i32
    %dma_wait3A_471 = arith.constant 0 : i32
    %dma_wait3A_472 = tpu.memref_slice %arg2[%dma_wait3A_470, %add3A_417, %dma_wait3A_471] : memref<4x4096x1024xf32, #tpu.memory_space<hbm>> -> memref<1x16x1024xf32, #tpu.memory_space<hbm>>
    %dma_wait3A_473 = tpu.memref_squeeze %dma_wait3A_472 : memref<1x16x1024xf32, #tpu.memory_space<hbm>> -> memref<16x1024xf32, #tpu.memory_space<hbm>>
    %dma_wait3A_474 = arith.constant 0 : i32
    %dma_wait3A_475 = tpu.memref_slice %arg2[%dma_wait3A_470, %add3A_417, %dma_wait3A_474] : memref<4x4096x1024xf32, #tpu.memory_space<hbm>> -> memref<1x16x1024xf32, #tpu.memory_space<hbm>>
    %dma_wait3A_476 = tpu.memref_squeeze %dma_wait3A_475 : memref<1x16x1024xf32, #tpu.memory_space<hbm>> -> memref<16x1024xf32, #tpu.memory_space<hbm>>
    tpu.wait_dma2 semaphore(%arg11 : memref<!tpu.dma_semaphore, #tpu.memory_space<semaphore_mem>>) src(%dma_wait3A_476 : memref<16x1024xf32, #tpu.memory_space<hbm>>) dst(%arg5 : memref<16x1024xf32, #tpu.memory_space<vmem>>)
    %parallel_loop3A_477 = arith.constant 0 : i32
    %parallel_loop3A_478 = arith.constant 16384 : i32
    %parallel_loop3A_479 = arith.constant 16 : i32
    scf.for %parallel_loop3A_1200 = %parallel_loop3A_477 to %parallel_loop3A_478 step %parallel_loop3A_479  : i32 {
      %parallel_loop3A_1201 = arith.constant 10 : i32
      %parallel_loop3A_1202 = arith.shrui %parallel_loop3A_1200, %parallel_loop3A_1201 : i32
      %parallel_loop3A_1203 = arith.constant 1023 : i32
      %parallel_loop3A_1204 = arith.andi %parallel_loop3A_1200, %parallel_loop3A_1203 : i32
      %parallel_loop3A_1205 = tpu.assume_multiple %parallel_loop3A_1204, 16 : i32
      %parallel_loop3A_1206 = arith.index_cast %parallel_loop3A_1202 : i32 to index
      %parallel_loop3A_1207 = arith.index_cast %parallel_loop3A_1205 : i32 to index
      %parallel_loop3A_1208 = tpu.vector_load %arg10[%parallel_loop3A_1206, %parallel_loop3A_1207] {strides = array<i32>} : memref<16x1024xf32, #tpu.memory_space<vmem>>, vector<1x16xf32>,
      %parallel_loop3A_1209 = vector.shape_cast %parallel_loop3A_1208 : vector<1x16xf32> to vector<16xf32>
      %parallel_loop3A_1210 = arith.index_cast %parallel_loop3A_1202 : i32 to index
      %parallel_loop3A_1211 = arith.index_cast %parallel_loop3A_1205 : i32 to index
      %parallel_loop3A_1212 = tpu.vector_load %arg5[%parallel_loop3A_1210, %parallel_loop3A_1211] {strides = array<i32>} : memref<16x1024xf32, #tpu.memory_space<vmem>>, vector<1x16xf32>,
      %parallel_loop3A_1213 = vector.shape_cast %parallel_loop3A_1212 : vector<1x16xf32> to vector<16xf32>
      %parallel_loop3A_1214 = vector.shape_cast %parallel_loop3A_1209 : vector<16xf32> to vector<1x16xf32>
      tpu.vector_store %arg5[%parallel_loop3A_1210, %parallel_loop3A_1211], %parallel_loop3A_1214 {add = true, strides = array<i32>} : memref<16x1024xf32, #tpu.memory_space<vmem>>, vector<1x16xf32>,
    } {sc.loop_unroll_factor = 8 : i64, sc.parallel_access}
    %add3A_480 = arith.constant 48 : i32
    %add3A_481 = arith.addi %mul3A_2, %add3A_480 : i32
    %dma_start3A_482 = arith.constant 0 : i32
    %dma_start3A_483 = arith.constant 0 : i32
    %dma_start3A_484 = tpu.memref_slice %arg4[%dma_start3A_482, %add3A_481, %dma_start3A_483] : memref<4x4096x1024xf32, #tpu.memory_space<hbm>> -> memref<1x16x1024xf32, #tpu.memory_space<hbm>>
    %dma_start3A_485 = tpu.memref_squeeze %dma_start3A_484 : memref<1x16x1024xf32, #tpu.memory_space<hbm>> -> memref<16x1024xf32, #tpu.memory_space<hbm>>
    %dma_start3A_486 = arith.constant 0 : i32
    %dma_start3A_487 = tpu.memref_slice %arg4[%dma_start3A_482, %add3A_481, %dma_start3A_486] : memref<4x4096x1024xf32, #tpu.memory_space<hbm>> -> memref<1x16x1024xf32, #tpu.memory_space<hbm>>
    %dma_start3A_488 = tpu.memref_squeeze %dma_start3A_487 : memref<1x16x1024xf32, #tpu.memory_space<hbm>> -> memref<16x1024xf32, #tpu.memory_space<hbm>>
    tpu.enqueue_dma source(%arg5 : memref<16x1024xf32, #tpu.memory_space<vmem>>) target(%dma_start3A_488 : memref<16x1024xf32, #tpu.memory_space<hbm>>) target_semaphore(%arg15 : memref<!tpu.dma_semaphore, #tpu.memory_space<semaphore_mem>>)
    %dma_wait3A_489 = arith.constant 2 : i32
    %dma_wait3A_490 = arith.constant 0 : i32
    %dma_wait3A_491 = tpu.memref_slice %arg4[%dma_wait3A_489, %add3A_401, %dma_wait3A_490] : memref<4x4096x1024xf32, #tpu.memory_space<hbm>> -> memref<1x16x1024xf32, #tpu.memory_space<hbm>>
    %dma_wait3A_492 = tpu.memref_squeeze %dma_wait3A_491 : memref<1x16x1024xf32, #tpu.memory_space<hbm>> -> memref<16x1024xf32, #tpu.memory_space<hbm>>
    %dma_wait3A_493 = arith.constant 0 : i32
    %dma_wait3A_494 = tpu.memref_slice %arg4[%dma_wait3A_489, %add3A_401, %dma_wait3A_493] : memref<4x4096x1024xf32, #tpu.memory_space<hbm>> -> memref<1x16x1024xf32, #tpu.memory_space<hbm>>
    %dma_wait3A_495 = tpu.memref_squeeze %dma_wait3A_494 : memref<1x16x1024xf32, #tpu.memory_space<hbm>> -> memref<16x1024xf32, #tpu.memory_space<hbm>>
    tpu.wait_dma2 semaphore(%arg17 : memref<!tpu.dma_semaphore, #tpu.memory_space<semaphore_mem>>) src(%arg7 : memref<16x1024xf32, #tpu.memory_space<vmem>>) dst(%dma_wait3A_495 : memref<16x1024xf32, #tpu.memory_space<hbm>>)
    %add3A_496 = arith.constant 48 : i32
    %add3A_497 = arith.addi %mul3A_2, %add3A_496 : i32
    %dma_start3A_498 = arith.constant 2 : i32
    %dma_start3A_499 = arith.constant 0 : i32
    %dma_start3A_500 = tpu.memref_slice %arg2[%dma_start3A_498, %add3A_497, %dma_start3A_499] : memref<4x4096x1024xf32, #tpu.memory_space<hbm>> -> memref<1x16x1024xf32, #tpu.memory_space<hbm>>
    %dma_start3A_501 = tpu.memref_squeeze %dma_start3A_500 : memref<1x16x1024xf32, #tpu.memory_space<hbm>> -> memref<16x1024xf32, #tpu.memory_space<hbm>>
    %dma_start3A_502 = arith.constant 0 : i32
    %dma_start3A_503 = tpu.memref_slice %arg2[%dma_start3A_498, %add3A_497, %dma_start3A_502] : memref<4x4096x1024xf32, #tpu.memory_space<hbm>> -> memref<1x16x1024xf32, #tpu.memory_space<hbm>>
    %dma_start3A_504 = tpu.memref_squeeze %dma_start3A_503 : memref<1x16x1024xf32, #tpu.memory_space<hbm>> -> memref<16x1024xf32, #tpu.memory_space<hbm>>
    tpu.enqueue_dma source(%dma_start3A_504 : memref<16x1024xf32, #tpu.memory_space<hbm>>) target(%arg7 : memref<16x1024xf32, #tpu.memory_space<vmem>>) target_semaphore(%arg13 : memref<!tpu.dma_semaphore, #tpu.memory_space<semaphore_mem>>)
    %dma_wait3A_505 = arith.constant 1 : i32
    %dma_wait3A_506 = arith.constant 0 : i32
    %dma_wait3A_507 = tpu.memref_slice %arg2[%dma_wait3A_505, %add3A_452, %dma_wait3A_506] : memref<4x4096x1024xf32, #tpu.memory_space<hbm>> -> memref<1x16x1024xf32, #tpu.memory_space<hbm>>
    %dma_wait3A_508 = tpu.memref_squeeze %dma_wait3A_507 : memref<1x16x1024xf32, #tpu.memory_space<hbm>> -> memref<16x1024xf32, #tpu.memory_space<hbm>>
    %dma_wait3A_509 = arith.constant 0 : i32
    %dma_wait3A_510 = tpu.memref_slice %arg2[%dma_wait3A_505, %add3A_452, %dma_wait3A_509] : memref<4x4096x1024xf32, #tpu.memory_space<hbm>> -> memref<1x16x1024xf32, #tpu.memory_space<hbm>>
    %dma_wait3A_511 = tpu.memref_squeeze %dma_wait3A_510 : memref<1x16x1024xf32, #tpu.memory_space<hbm>> -> memref<16x1024xf32, #tpu.memory_space<hbm>>
    tpu.wait_dma2 semaphore(%arg12 : memref<!tpu.dma_semaphore, #tpu.memory_space<semaphore_mem>>) src(%dma_wait3A_511 : memref<16x1024xf32, #tpu.memory_space<hbm>>) dst(%arg6 : memref<16x1024xf32, #tpu.memory_space<vmem>>)
    %parallel_loop3A_512 = arith.constant 0 : i32
    %parallel_loop3A_513 = arith.constant 16384 : i32
    %parallel_loop3A_514 = arith.constant 16 : i32
    scf.for %parallel_loop3A_1200 = %parallel_loop3A_512 to %parallel_loop3A_513 step %parallel_loop3A_514  : i32 {
      %parallel_loop3A_1201 = arith.constant 10 : i32
      %parallel_loop3A_1202 = arith.shrui %parallel_loop3A_1200, %parallel_loop3A_1201 : i32
      %parallel_loop3A_1203 = arith.constant 1023 : i32
      %parallel_loop3A_1204 = arith.andi %parallel_loop3A_1200, %parallel_loop3A_1203 : i32
      %parallel_loop3A_1205 = tpu.assume_multiple %parallel_loop3A_1204, 16 : i32
      %parallel_loop3A_1206 = arith.index_cast %parallel_loop3A_1202 : i32 to index
      %parallel_loop3A_1207 = arith.index_cast %parallel_loop3A_1205 : i32 to index
      %parallel_loop3A_1208 = tpu.vector_load %arg10[%parallel_loop3A_1206, %parallel_loop3A_1207] {strides = array<i32>} : memref<16x1024xf32, #tpu.memory_space<vmem>>, vector<1x16xf32>,
      %parallel_loop3A_1209 = vector.shape_cast %parallel_loop3A_1208 : vector<1x16xf32> to vector<16xf32>
      %parallel_loop3A_1210 = arith.index_cast %parallel_loop3A_1202 : i32 to index
      %parallel_loop3A_1211 = arith.index_cast %parallel_loop3A_1205 : i32 to index
      %parallel_loop3A_1212 = tpu.vector_load %arg6[%parallel_loop3A_1210, %parallel_loop3A_1211] {strides = array<i32>} : memref<16x1024xf32, #tpu.memory_space<vmem>>, vector<1x16xf32>,
      %parallel_loop3A_1213 = vector.shape_cast %parallel_loop3A_1212 : vector<1x16xf32> to vector<16xf32>
      %parallel_loop3A_1214 = vector.shape_cast %parallel_loop3A_1209 : vector<16xf32> to vector<1x16xf32>
      tpu.vector_store %arg6[%parallel_loop3A_1210, %parallel_loop3A_1211], %parallel_loop3A_1214 {add = true, strides = array<i32>} : memref<16x1024xf32, #tpu.memory_space<vmem>>, vector<1x16xf32>,
    } {sc.loop_unroll_factor = 8 : i64, sc.parallel_access}
    %add3A_515 = arith.constant 48 : i32
    %add3A_516 = arith.addi %mul3A_2, %add3A_515 : i32
    %dma_start3A_517 = arith.constant 1 : i32
    %dma_start3A_518 = arith.constant 0 : i32
    %dma_start3A_519 = tpu.memref_slice %arg4[%dma_start3A_517, %add3A_516, %dma_start3A_518] : memref<4x4096x1024xf32, #tpu.memory_space<hbm>> -> memref<1x16x1024xf32, #tpu.memory_space<hbm>>
    %dma_start3A_520 = tpu.memref_squeeze %dma_start3A_519 : memref<1x16x1024xf32, #tpu.memory_space<hbm>> -> memref<16x1024xf32, #tpu.memory_space<hbm>>
    %dma_start3A_521 = arith.constant 0 : i32
    %dma_start3A_522 = tpu.memref_slice %arg4[%dma_start3A_517, %add3A_516, %dma_start3A_521] : memref<4x4096x1024xf32, #tpu.memory_space<hbm>> -> memref<1x16x1024xf32, #tpu.memory_space<hbm>>
    %dma_start3A_523 = tpu.memref_squeeze %dma_start3A_522 : memref<1x16x1024xf32, #tpu.memory_space<hbm>> -> memref<16x1024xf32, #tpu.memory_space<hbm>>
    tpu.enqueue_dma source(%arg6 : memref<16x1024xf32, #tpu.memory_space<vmem>>) target(%dma_start3A_523 : memref<16x1024xf32, #tpu.memory_space<hbm>>) target_semaphore(%arg16 : memref<!tpu.dma_semaphore, #tpu.memory_space<semaphore_mem>>)
    %dma_wait3A_524 = arith.constant 3 : i32
    %dma_wait3A_525 = arith.constant 0 : i32
    %dma_wait3A_526 = tpu.memref_slice %arg4[%dma_wait3A_524, %add3A_436, %dma_wait3A_525] : memref<4x4096x1024xf32, #tpu.memory_space<hbm>> -> memref<1x16x1024xf32, #tpu.memory_space<hbm>>
    %dma_wait3A_527 = tpu.memref_squeeze %dma_wait3A_526 : memref<1x16x1024xf32, #tpu.memory_space<hbm>> -> memref<16x1024xf32, #tpu.memory_space<hbm>>
    %dma_wait3A_528 = arith.constant 0 : i32
    %dma_wait3A_529 = tpu.memref_slice %arg4[%dma_wait3A_524, %add3A_436, %dma_wait3A_528] : memref<4x4096x1024xf32, #tpu.memory_space<hbm>> -> memref<1x16x1024xf32, #tpu.memory_space<hbm>>
    %dma_wait3A_530 = tpu.memref_squeeze %dma_wait3A_529 : memref<1x16x1024xf32, #tpu.memory_space<hbm>> -> memref<16x1024xf32, #tpu.memory_space<hbm>>
    tpu.wait_dma2 semaphore(%arg18 : memref<!tpu.dma_semaphore, #tpu.memory_space<semaphore_mem>>) src(%arg8 : memref<16x1024xf32, #tpu.memory_space<vmem>>) dst(%dma_wait3A_530 : memref<16x1024xf32, #tpu.memory_space<hbm>>)
    %add3A_531 = arith.constant 48 : i32
    %add3A_532 = arith.addi %mul3A_2, %add3A_531 : i32
    %dma_start3A_533 = arith.constant 3 : i32
    %dma_start3A_534 = arith.constant 0 : i32
    %dma_start3A_535 = tpu.memref_slice %arg2[%dma_start3A_533, %add3A_532, %dma_start3A_534] : memref<4x4096x1024xf32, #tpu.memory_space<hbm>> -> memref<1x16x1024xf32, #tpu.memory_space<hbm>>
    %dma_start3A_536 = tpu.memref_squeeze %dma_start3A_535 : memref<1x16x1024xf32, #tpu.memory_space<hbm>> -> memref<16x1024xf32, #tpu.memory_space<hbm>>
    %dma_start3A_537 = arith.constant 0 : i32
    %dma_start3A_538 = tpu.memref_slice %arg2[%dma_start3A_533, %add3A_532, %dma_start3A_537] : memref<4x4096x1024xf32, #tpu.memory_space<hbm>> -> memref<1x16x1024xf32, #tpu.memory_space<hbm>>
    %dma_start3A_539 = tpu.memref_squeeze %dma_start3A_538 : memref<1x16x1024xf32, #tpu.memory_space<hbm>> -> memref<16x1024xf32, #tpu.memory_space<hbm>>
    tpu.enqueue_dma source(%dma_start3A_539 : memref<16x1024xf32, #tpu.memory_space<hbm>>) target(%arg8 : memref<16x1024xf32, #tpu.memory_space<vmem>>) target_semaphore(%arg14 : memref<!tpu.dma_semaphore, #tpu.memory_space<semaphore_mem>>)
    %dma_wait3A_540 = arith.constant 2 : i32
    %dma_wait3A_541 = arith.constant 0 : i32
    %dma_wait3A_542 = tpu.memref_slice %arg2[%dma_wait3A_540, %add3A_497, %dma_wait3A_541] : memref<4x4096x1024xf32, #tpu.memory_space<hbm>> -> memref<1x16x1024xf32, #tpu.memory_space<hbm>>
    %dma_wait3A_543 = tpu.memref_squeeze %dma_wait3A_542 : memref<1x16x1024xf32, #tpu.memory_space<hbm>> -> memref<16x1024xf32, #tpu.memory_space<hbm>>
    %dma_wait3A_544 = arith.constant 0 : i32
    %dma_wait3A_545 = tpu.memref_slice %arg2[%dma_wait3A_540, %add3A_497, %dma_wait3A_544] : memref<4x4096x1024xf32, #tpu.memory_space<hbm>> -> memref<1x16x1024xf32, #tpu.memory_space<hbm>>
    %dma_wait3A_546 = tpu.memref_squeeze %dma_wait3A_545 : memref<1x16x1024xf32, #tpu.memory_space<hbm>> -> memref<16x1024xf32, #tpu.memory_space<hbm>>
    tpu.wait_dma2 semaphore(%arg13 : memref<!tpu.dma_semaphore, #tpu.memory_space<semaphore_mem>>) src(%dma_wait3A_546 : memref<16x1024xf32, #tpu.memory_space<hbm>>) dst(%arg7 : memref<16x1024xf32, #tpu.memory_space<vmem>>)
    %parallel_loop3A_547 = arith.constant 0 : i32
    %parallel_loop3A_548 = arith.constant 16384 : i32
    %parallel_loop3A_549 = arith.constant 16 : i32
    scf.for %parallel_loop3A_1200 = %parallel_loop3A_547 to %parallel_loop3A_548 step %parallel_loop3A_549  : i32 {
      %parallel_loop3A_1201 = arith.constant 10 : i32
      %parallel_loop3A_1202 = arith.shrui %parallel_loop3A_1200, %parallel_loop3A_1201 : i32
      %parallel_loop3A_1203 = arith.constant 1023 : i32
      %parallel_loop3A_1204 = arith.andi %parallel_loop3A_1200, %parallel_loop3A_1203 : i32
      %parallel_loop3A_1205 = tpu.assume_multiple %parallel_loop3A_1204, 16 : i32
      %parallel_loop3A_1206 = arith.index_cast %parallel_loop3A_1202 : i32 to index
      %parallel_loop3A_1207 = arith.index_cast %parallel_loop3A_1205 : i32 to index
      %parallel_loop3A_1208 = tpu.vector_load %arg10[%parallel_loop3A_1206, %parallel_loop3A_1207] {strides = array<i32>} : memref<16x1024xf32, #tpu.memory_space<vmem>>, vector<1x16xf32>,
      %parallel_loop3A_1209 = vector.shape_cast %parallel_loop3A_1208 : vector<1x16xf32> to vector<16xf32>
      %parallel_loop3A_1210 = arith.index_cast %parallel_loop3A_1202 : i32 to index
      %parallel_loop3A_1211 = arith.index_cast %parallel_loop3A_1205 : i32 to index
      %parallel_loop3A_1212 = tpu.vector_load %arg7[%parallel_loop3A_1210, %parallel_loop3A_1211] {strides = array<i32>} : memref<16x1024xf32, #tpu.memory_space<vmem>>, vector<1x16xf32>,
      %parallel_loop3A_1213 = vector.shape_cast %parallel_loop3A_1212 : vector<1x16xf32> to vector<16xf32>
      %parallel_loop3A_1214 = vector.shape_cast %parallel_loop3A_1209 : vector<16xf32> to vector<1x16xf32>
      tpu.vector_store %arg7[%parallel_loop3A_1210, %parallel_loop3A_1211], %parallel_loop3A_1214 {add = true, strides = array<i32>} : memref<16x1024xf32, #tpu.memory_space<vmem>>, vector<1x16xf32>,
    } {sc.loop_unroll_factor = 8 : i64, sc.parallel_access}
    %add3A_550 = arith.constant 48 : i32
    %add3A_551 = arith.addi %mul3A_2, %add3A_550 : i32
    %dma_start3A_552 = arith.constant 2 : i32
    %dma_start3A_553 = arith.constant 0 : i32
    %dma_start3A_554 = tpu.memref_slice %arg4[%dma_start3A_552, %add3A_551, %dma_start3A_553] : memref<4x4096x1024xf32, #tpu.memory_space<hbm>> -> memref<1x16x1024xf32, #tpu.memory_space<hbm>>
    %dma_start3A_555 = tpu.memref_squeeze %dma_start3A_554 : memref<1x16x1024xf32, #tpu.memory_space<hbm>> -> memref<16x1024xf32, #tpu.memory_space<hbm>>
    %dma_start3A_556 = arith.constant 0 : i32
    %dma_start3A_557 = tpu.memref_slice %arg4[%dma_start3A_552, %add3A_551, %dma_start3A_556] : memref<4x4096x1024xf32, #tpu.memory_space<hbm>> -> memref<1x16x1024xf32, #tpu.memory_space<hbm>>
    %dma_start3A_558 = tpu.memref_squeeze %dma_start3A_557 : memref<1x16x1024xf32, #tpu.memory_space<hbm>> -> memref<16x1024xf32, #tpu.memory_space<hbm>>
    tpu.enqueue_dma source(%arg7 : memref<16x1024xf32, #tpu.memory_space<vmem>>) target(%dma_start3A_558 : memref<16x1024xf32, #tpu.memory_space<hbm>>) target_semaphore(%arg17 : memref<!tpu.dma_semaphore, #tpu.memory_space<semaphore_mem>>)
    %dma_wait3A_559 = arith.constant 0 : i32
    %dma_wait3A_560 = arith.constant 0 : i32
    %dma_wait3A_561 = tpu.memref_slice %arg4[%dma_wait3A_559, %add3A_481, %dma_wait3A_560] : memref<4x4096x1024xf32, #tpu.memory_space<hbm>> -> memref<1x16x1024xf32, #tpu.memory_space<hbm>>
    %dma_wait3A_562 = tpu.memref_squeeze %dma_wait3A_561 : memref<1x16x1024xf32, #tpu.memory_space<hbm>> -> memref<16x1024xf32, #tpu.memory_space<hbm>>
    %dma_wait3A_563 = arith.constant 0 : i32
    %dma_wait3A_564 = tpu.memref_slice %arg4[%dma_wait3A_559, %add3A_481, %dma_wait3A_563] : memref<4x4096x1024xf32, #tpu.memory_space<hbm>> -> memref<1x16x1024xf32, #tpu.memory_space<hbm>>
    %dma_wait3A_565 = tpu.memref_squeeze %dma_wait3A_564 : memref<1x16x1024xf32, #tpu.memory_space<hbm>> -> memref<16x1024xf32, #tpu.memory_space<hbm>>
    tpu.wait_dma2 semaphore(%arg15 : memref<!tpu.dma_semaphore, #tpu.memory_space<semaphore_mem>>) src(%arg5 : memref<16x1024xf32, #tpu.memory_space<vmem>>) dst(%dma_wait3A_565 : memref<16x1024xf32, #tpu.memory_space<hbm>>)
    %add3A_566 = arith.constant 64 : i32
    %add3A_567 = arith.addi %mul3A_2, %add3A_566 : i32
    %dma_start3A_568 = arith.constant 0 : i32
    %dma_start3A_569 = arith.constant 0 : i32
    %dma_start3A_570 = tpu.memref_slice %arg2[%dma_start3A_568, %add3A_567, %dma_start3A_569] : memref<4x4096x1024xf32, #tpu.memory_space<hbm>> -> memref<1x16x1024xf32, #tpu.memory_space<hbm>>
    %dma_start3A_571 = tpu.memref_squeeze %dma_start3A_570 : memref<1x16x1024xf32, #tpu.memory_space<hbm>> -> memref<16x1024xf32, #tpu.memory_space<hbm>>
    %dma_start3A_572 = arith.constant 0 : i32
    %dma_start3A_573 = tpu.memref_slice %arg2[%dma_start3A_568, %add3A_567, %dma_start3A_572] : memref<4x4096x1024xf32, #tpu.memory_space<hbm>> -> memref<1x16x1024xf32, #tpu.memory_space<hbm>>
    %dma_start3A_574 = tpu.memref_squeeze %dma_start3A_573 : memref<1x16x1024xf32, #tpu.memory_space<hbm>> -> memref<16x1024xf32, #tpu.memory_space<hbm>>
    tpu.enqueue_dma source(%dma_start3A_574 : memref<16x1024xf32, #tpu.memory_space<hbm>>) target(%arg5 : memref<16x1024xf32, #tpu.memory_space<vmem>>) target_semaphore(%arg11 : memref<!tpu.dma_semaphore, #tpu.memory_space<semaphore_mem>>)
    %dma_wait3A_575 = arith.constant 3 : i32
    %dma_wait3A_576 = arith.constant 0 : i32
    %dma_wait3A_577 = tpu.memref_slice %arg2[%dma_wait3A_575, %add3A_532, %dma_wait3A_576] : memref<4x4096x1024xf32, #tpu.memory_space<hbm>> -> memref<1x16x1024xf32, #tpu.memory_space<hbm>>
    %dma_wait3A_578 = tpu.memref_squeeze %dma_wait3A_577 : memref<1x16x1024xf32, #tpu.memory_space<hbm>> -> memref<16x1024xf32, #tpu.memory_space<hbm>>
    %dma_wait3A_579 = arith.constant 0 : i32
    %dma_wait3A_580 = tpu.memref_slice %arg2[%dma_wait3A_575, %add3A_532, %dma_wait3A_579] : memref<4x4096x1024xf32, #tpu.memory_space<hbm>> -> memref<1x16x1024xf32, #tpu.memory_space<hbm>>
    %dma_wait3A_581 = tpu.memref_squeeze %dma_wait3A_580 : memref<1x16x1024xf32, #tpu.memory_space<hbm>> -> memref<16x1024xf32, #tpu.memory_space<hbm>>
    tpu.wait_dma2 semaphore(%arg14 : memref<!tpu.dma_semaphore, #tpu.memory_space<semaphore_mem>>) src(%dma_wait3A_581 : memref<16x1024xf32, #tpu.memory_space<hbm>>) dst(%arg8 : memref<16x1024xf32, #tpu.memory_space<vmem>>)
    %parallel_loop3A_582 = arith.constant 0 : i32
    %parallel_loop3A_583 = arith.constant 16384 : i32
    %parallel_loop3A_584 = arith.constant 16 : i32
    scf.for %parallel_loop3A_1200 = %parallel_loop3A_582 to %parallel_loop3A_583 step %parallel_loop3A_584  : i32 {
      %parallel_loop3A_1201 = arith.constant 10 : i32
      %parallel_loop3A_1202 = arith.shrui %parallel_loop3A_1200, %parallel_loop3A_1201 : i32
      %parallel_loop3A_1203 = arith.constant 1023 : i32
      %parallel_loop3A_1204 = arith.andi %parallel_loop3A_1200, %parallel_loop3A_1203 : i32
      %parallel_loop3A_1205 = tpu.assume_multiple %parallel_loop3A_1204, 16 : i32
      %parallel_loop3A_1206 = arith.index_cast %parallel_loop3A_1202 : i32 to index
      %parallel_loop3A_1207 = arith.index_cast %parallel_loop3A_1205 : i32 to index
      %parallel_loop3A_1208 = tpu.vector_load %arg10[%parallel_loop3A_1206, %parallel_loop3A_1207] {strides = array<i32>} : memref<16x1024xf32, #tpu.memory_space<vmem>>, vector<1x16xf32>,
      %parallel_loop3A_1209 = vector.shape_cast %parallel_loop3A_1208 : vector<1x16xf32> to vector<16xf32>
      %parallel_loop3A_1210 = arith.index_cast %parallel_loop3A_1202 : i32 to index
      %parallel_loop3A_1211 = arith.index_cast %parallel_loop3A_1205 : i32 to index
      %parallel_loop3A_1212 = tpu.vector_load %arg8[%parallel_loop3A_1210, %parallel_loop3A_1211] {strides = array<i32>} : memref<16x1024xf32, #tpu.memory_space<vmem>>, vector<1x16xf32>,
      %parallel_loop3A_1213 = vector.shape_cast %parallel_loop3A_1212 : vector<1x16xf32> to vector<16xf32>
      %parallel_loop3A_1214 = vector.shape_cast %parallel_loop3A_1209 : vector<16xf32> to vector<1x16xf32>
      tpu.vector_store %arg8[%parallel_loop3A_1210, %parallel_loop3A_1211], %parallel_loop3A_1214 {add = true, strides = array<i32>} : memref<16x1024xf32, #tpu.memory_space<vmem>>, vector<1x16xf32>,
    } {sc.loop_unroll_factor = 8 : i64, sc.parallel_access}
    %add3A_585 = arith.constant 48 : i32
    %add3A_586 = arith.addi %mul3A_2, %add3A_585 : i32
    %dma_start3A_587 = arith.constant 3 : i32
    %dma_start3A_588 = arith.constant 0 : i32
    %dma_start3A_589 = tpu.memref_slice %arg4[%dma_start3A_587, %add3A_586, %dma_start3A_588] : memref<4x4096x1024xf32, #tpu.memory_space<hbm>> -> memref<1x16x1024xf32, #tpu.memory_space<hbm>>
    %dma_start3A_590 = tpu.memref_squeeze %dma_start3A_589 : memref<1x16x1024xf32, #tpu.memory_space<hbm>> -> memref<16x1024xf32, #tpu.memory_space<hbm>>
    %dma_start3A_591 = arith.constant 0 : i32
    %dma_start3A_592 = tpu.memref_slice %arg4[%dma_start3A_587, %add3A_586, %dma_start3A_591] : memref<4x4096x1024xf32, #tpu.memory_space<hbm>> -> memref<1x16x1024xf32, #tpu.memory_space<hbm>>
    %dma_start3A_593 = tpu.memref_squeeze %dma_start3A_592 : memref<1x16x1024xf32, #tpu.memory_space<hbm>> -> memref<16x1024xf32, #tpu.memory_space<hbm>>
    tpu.enqueue_dma source(%arg8 : memref<16x1024xf32, #tpu.memory_space<vmem>>) target(%dma_start3A_593 : memref<16x1024xf32, #tpu.memory_space<hbm>>) target_semaphore(%arg18 : memref<!tpu.dma_semaphore, #tpu.memory_space<semaphore_mem>>)
    %dma_wait3A_594 = arith.constant 1 : i32
    %dma_wait3A_595 = arith.constant 0 : i32
    %dma_wait3A_596 = tpu.memref_slice %arg4[%dma_wait3A_594, %add3A_516, %dma_wait3A_595] : memref<4x4096x1024xf32, #tpu.memory_space<hbm>> -> memref<1x16x1024xf32, #tpu.memory_space<hbm>>
    %dma_wait3A_597 = tpu.memref_squeeze %dma_wait3A_596 : memref<1x16x1024xf32, #tpu.memory_space<hbm>> -> memref<16x1024xf32, #tpu.memory_space<hbm>>
    %dma_wait3A_598 = arith.constant 0 : i32
    %dma_wait3A_599 = tpu.memref_slice %arg4[%dma_wait3A_594, %add3A_516, %dma_wait3A_598] : memref<4x4096x1024xf32, #tpu.memory_space<hbm>> -> memref<1x16x1024xf32, #tpu.memory_space<hbm>>
    %dma_wait3A_600 = tpu.memref_squeeze %dma_wait3A_599 : memref<1x16x1024xf32, #tpu.memory_space<hbm>> -> memref<16x1024xf32, #tpu.memory_space<hbm>>
    tpu.wait_dma2 semaphore(%arg16 : memref<!tpu.dma_semaphore, #tpu.memory_space<semaphore_mem>>) src(%arg6 : memref<16x1024xf32, #tpu.memory_space<vmem>>) dst(%dma_wait3A_600 : memref<16x1024xf32, #tpu.memory_space<hbm>>)
    %add3A_601 = arith.constant 64 : i32
    %add3A_602 = arith.addi %mul3A_2, %add3A_601 : i32
    %dma_start3A_603 = arith.constant 1 : i32
    %dma_start3A_604 = arith.constant 0 : i32
    %dma_start3A_605 = tpu.memref_slice %arg2[%dma_start3A_603, %add3A_602, %dma_start3A_604] : memref<4x4096x1024xf32, #tpu.memory_space<hbm>> -> memref<1x16x1024xf32, #tpu.memory_space<hbm>>
    %dma_start3A_606 = tpu.memref_squeeze %dma_start3A_605 : memref<1x16x1024xf32, #tpu.memory_space<hbm>> -> memref<16x1024xf32, #tpu.memory_space<hbm>>
    %dma_start3A_607 = arith.constant 0 : i32
    %dma_start3A_608 = tpu.memref_slice %arg2[%dma_start3A_603, %add3A_602, %dma_start3A_607] : memref<4x4096x1024xf32, #tpu.memory_space<hbm>> -> memref<1x16x1024xf32, #tpu.memory_space<hbm>>
    %dma_start3A_609 = tpu.memref_squeeze %dma_start3A_608 : memref<1x16x1024xf32, #tpu.memory_space<hbm>> -> memref<16x1024xf32, #tpu.memory_space<hbm>>
    tpu.enqueue_dma source(%dma_start3A_609 : memref<16x1024xf32, #tpu.memory_space<hbm>>) target(%arg6 : memref<16x1024xf32, #tpu.memory_space<vmem>>) target_semaphore(%arg12 : memref<!tpu.dma_semaphore, #tpu.memory_space<semaphore_mem>>)
    %dma_wait3A_610 = arith.constant 0 : i32
    %dma_wait3A_611 = tpu.memref_slice %arg3[%add3A_465, %dma_wait3A_610] : memref<4096x1024xf32, #tpu.memory_space<hbm>> -> memref<16x1024xf32, #tpu.memory_space<hbm>>
    %dma_wait3A_612 = arith.constant 0 : i32
    %dma_wait3A_613 = tpu.memref_slice %arg3[%add3A_465, %dma_wait3A_612] : memref<4096x1024xf32, #tpu.memory_space<hbm>> -> memref<16x1024xf32, #tpu.memory_space<hbm>>
    tpu.wait_dma2 semaphore(%arg19 : memref<!tpu.dma_semaphore, #tpu.memory_space<semaphore_mem>>) src(%dma_wait3A_613 : memref<16x1024xf32, #tpu.memory_space<hbm>>) dst(%arg9 : memref<16x1024xf32, #tpu.memory_space<vmem>>)
    %add3A_614 = arith.constant 80 : i32
    %add3A_615 = arith.addi %mul3A_2, %add3A_614 : i32
    %dma_start3A_616 = arith.constant 0 : i32
    %dma_start3A_617 = tpu.memref_slice %arg3[%add3A_615, %dma_start3A_616] : memref<4096x1024xf32, #tpu.memory_space<hbm>> -> memref<16x1024xf32, #tpu.memory_space<hbm>>
    %dma_start3A_618 = arith.constant 0 : i32
    %dma_start3A_619 = tpu.memref_slice %arg3[%add3A_615, %dma_start3A_618] : memref<4096x1024xf32, #tpu.memory_space<hbm>> -> memref<16x1024xf32, #tpu.memory_space<hbm>>
    tpu.enqueue_dma source(%dma_start3A_619 : memref<16x1024xf32, #tpu.memory_space<hbm>>) target(%arg10 : memref<16x1024xf32, #tpu.memory_space<vmem>>) target_semaphore(%arg20 : memref<!tpu.dma_semaphore, #tpu.memory_space<semaphore_mem>>)
    %dma_wait3A_620 = arith.constant 0 : i32
    %dma_wait3A_621 = arith.constant 0 : i32
    %dma_wait3A_622 = tpu.memref_slice %arg2[%dma_wait3A_620, %add3A_567, %dma_wait3A_621] : memref<4x4096x1024xf32, #tpu.memory_space<hbm>> -> memref<1x16x1024xf32, #tpu.memory_space<hbm>>
    %dma_wait3A_623 = tpu.memref_squeeze %dma_wait3A_622 : memref<1x16x1024xf32, #tpu.memory_space<hbm>> -> memref<16x1024xf32, #tpu.memory_space<hbm>>
    %dma_wait3A_624 = arith.constant 0 : i32
    %dma_wait3A_625 = tpu.memref_slice %arg2[%dma_wait3A_620, %add3A_567, %dma_wait3A_624] : memref<4x4096x1024xf32, #tpu.memory_space<hbm>> -> memref<1x16x1024xf32, #tpu.memory_space<hbm>>
    %dma_wait3A_626 = tpu.memref_squeeze %dma_wait3A_625 : memref<1x16x1024xf32, #tpu.memory_space<hbm>> -> memref<16x1024xf32, #tpu.memory_space<hbm>>
    tpu.wait_dma2 semaphore(%arg11 : memref<!tpu.dma_semaphore, #tpu.memory_space<semaphore_mem>>) src(%dma_wait3A_626 : memref<16x1024xf32, #tpu.memory_space<hbm>>) dst(%arg5 : memref<16x1024xf32, #tpu.memory_space<vmem>>)
    %parallel_loop3A_627 = arith.constant 0 : i32
    %parallel_loop3A_628 = arith.constant 16384 : i32
    %parallel_loop3A_629 = arith.constant 16 : i32
    scf.for %parallel_loop3A_1200 = %parallel_loop3A_627 to %parallel_loop3A_628 step %parallel_loop3A_629  : i32 {
      %parallel_loop3A_1201 = arith.constant 10 : i32
      %parallel_loop3A_1202 = arith.shrui %parallel_loop3A_1200, %parallel_loop3A_1201 : i32
      %parallel_loop3A_1203 = arith.constant 1023 : i32
      %parallel_loop3A_1204 = arith.andi %parallel_loop3A_1200, %parallel_loop3A_1203 : i32
      %parallel_loop3A_1205 = tpu.assume_multiple %parallel_loop3A_1204, 16 : i32
      %parallel_loop3A_1206 = arith.index_cast %parallel_loop3A_1202 : i32 to index
      %parallel_loop3A_1207 = arith.index_cast %parallel_loop3A_1205 : i32 to index
      %parallel_loop3A_1208 = tpu.vector_load %arg9[%parallel_loop3A_1206, %parallel_loop3A_1207] {strides = array<i32>} : memref<16x1024xf32, #tpu.memory_space<vmem>>, vector<1x16xf32>,
      %parallel_loop3A_1209 = vector.shape_cast %parallel_loop3A_1208 : vector<1x16xf32> to vector<16xf32>
      %parallel_loop3A_1210 = arith.index_cast %parallel_loop3A_1202 : i32 to index
      %parallel_loop3A_1211 = arith.index_cast %parallel_loop3A_1205 : i32 to index
      %parallel_loop3A_1212 = tpu.vector_load %arg5[%parallel_loop3A_1210, %parallel_loop3A_1211] {strides = array<i32>} : memref<16x1024xf32, #tpu.memory_space<vmem>>, vector<1x16xf32>,
      %parallel_loop3A_1213 = vector.shape_cast %parallel_loop3A_1212 : vector<1x16xf32> to vector<16xf32>
      %parallel_loop3A_1214 = vector.shape_cast %parallel_loop3A_1209 : vector<16xf32> to vector<1x16xf32>
      tpu.vector_store %arg5[%parallel_loop3A_1210, %parallel_loop3A_1211], %parallel_loop3A_1214 {add = true, strides = array<i32>} : memref<16x1024xf32, #tpu.memory_space<vmem>>, vector<1x16xf32>,
    } {sc.loop_unroll_factor = 8 : i64, sc.parallel_access}
    %add3A_630 = arith.constant 64 : i32
    %add3A_631 = arith.addi %mul3A_2, %add3A_630 : i32
    %dma_start3A_632 = arith.constant 0 : i32
    %dma_start3A_633 = arith.constant 0 : i32
    %dma_start3A_634 = tpu.memref_slice %arg4[%dma_start3A_632, %add3A_631, %dma_start3A_633] : memref<4x4096x1024xf32, #tpu.memory_space<hbm>> -> memref<1x16x1024xf32, #tpu.memory_space<hbm>>
    %dma_start3A_635 = tpu.memref_squeeze %dma_start3A_634 : memref<1x16x1024xf32, #tpu.memory_space<hbm>> -> memref<16x1024xf32, #tpu.memory_space<hbm>>
    %dma_start3A_636 = arith.constant 0 : i32
    %dma_start3A_637 = tpu.memref_slice %arg4[%dma_start3A_632, %add3A_631, %dma_start3A_636] : memref<4x4096x1024xf32, #tpu.memory_space<hbm>> -> memref<1x16x1024xf32, #tpu.memory_space<hbm>>
    %dma_start3A_638 = tpu.memref_squeeze %dma_start3A_637 : memref<1x16x1024xf32, #tpu.memory_space<hbm>> -> memref<16x1024xf32, #tpu.memory_space<hbm>>
    tpu.enqueue_dma source(%arg5 : memref<16x1024xf32, #tpu.memory_space<vmem>>) target(%dma_start3A_638 : memref<16x1024xf32, #tpu.memory_space<hbm>>) target_semaphore(%arg15 : memref<!tpu.dma_semaphore, #tpu.memory_space<semaphore_mem>>)
    %dma_wait3A_639 = arith.constant 2 : i32
    %dma_wait3A_640 = arith.constant 0 : i32
    %dma_wait3A_641 = tpu.memref_slice %arg4[%dma_wait3A_639, %add3A_551, %dma_wait3A_640] : memref<4x4096x1024xf32, #tpu.memory_space<hbm>> -> memref<1x16x1024xf32, #tpu.memory_space<hbm>>
    %dma_wait3A_642 = tpu.memref_squeeze %dma_wait3A_641 : memref<1x16x1024xf32, #tpu.memory_space<hbm>> -> memref<16x1024xf32, #tpu.memory_space<hbm>>
    %dma_wait3A_643 = arith.constant 0 : i32
    %dma_wait3A_644 = tpu.memref_slice %arg4[%dma_wait3A_639, %add3A_551, %dma_wait3A_643] : memref<4x4096x1024xf32, #tpu.memory_space<hbm>> -> memref<1x16x1024xf32, #tpu.memory_space<hbm>>
    %dma_wait3A_645 = tpu.memref_squeeze %dma_wait3A_644 : memref<1x16x1024xf32, #tpu.memory_space<hbm>> -> memref<16x1024xf32, #tpu.memory_space<hbm>>
    tpu.wait_dma2 semaphore(%arg17 : memref<!tpu.dma_semaphore, #tpu.memory_space<semaphore_mem>>) src(%arg7 : memref<16x1024xf32, #tpu.memory_space<vmem>>) dst(%dma_wait3A_645 : memref<16x1024xf32, #tpu.memory_space<hbm>>)
    %add3A_646 = arith.constant 64 : i32
    %add3A_647 = arith.addi %mul3A_2, %add3A_646 : i32
    %dma_start3A_648 = arith.constant 2 : i32
    %dma_start3A_649 = arith.constant 0 : i32
    %dma_start3A_650 = tpu.memref_slice %arg2[%dma_start3A_648, %add3A_647, %dma_start3A_649] : memref<4x4096x1024xf32, #tpu.memory_space<hbm>> -> memref<1x16x1024xf32, #tpu.memory_space<hbm>>
    %dma_start3A_651 = tpu.memref_squeeze %dma_start3A_650 : memref<1x16x1024xf32, #tpu.memory_space<hbm>> -> memref<16x1024xf32, #tpu.memory_space<hbm>>
    %dma_start3A_652 = arith.constant 0 : i32
    %dma_start3A_653 = tpu.memref_slice %arg2[%dma_start3A_648, %add3A_647, %dma_start3A_652] : memref<4x4096x1024xf32, #tpu.memory_space<hbm>> -> memref<1x16x1024xf32, #tpu.memory_space<hbm>>
    %dma_start3A_654 = tpu.memref_squeeze %dma_start3A_653 : memref<1x16x1024xf32, #tpu.memory_space<hbm>> -> memref<16x1024xf32, #tpu.memory_space<hbm>>
    tpu.enqueue_dma source(%dma_start3A_654 : memref<16x1024xf32, #tpu.memory_space<hbm>>) target(%arg7 : memref<16x1024xf32, #tpu.memory_space<vmem>>) target_semaphore(%arg13 : memref<!tpu.dma_semaphore, #tpu.memory_space<semaphore_mem>>)
    %dma_wait3A_655 = arith.constant 1 : i32
    %dma_wait3A_656 = arith.constant 0 : i32
    %dma_wait3A_657 = tpu.memref_slice %arg2[%dma_wait3A_655, %add3A_602, %dma_wait3A_656] : memref<4x4096x1024xf32, #tpu.memory_space<hbm>> -> memref<1x16x1024xf32, #tpu.memory_space<hbm>>
    %dma_wait3A_658 = tpu.memref_squeeze %dma_wait3A_657 : memref<1x16x1024xf32, #tpu.memory_space<hbm>> -> memref<16x1024xf32, #tpu.memory_space<hbm>>
    %dma_wait3A_659 = arith.constant 0 : i32
    %dma_wait3A_660 = tpu.memref_slice %arg2[%dma_wait3A_655, %add3A_602, %dma_wait3A_659] : memref<4x4096x1024xf32, #tpu.memory_space<hbm>> -> memref<1x16x1024xf32, #tpu.memory_space<hbm>>
    %dma_wait3A_661 = tpu.memref_squeeze %dma_wait3A_660 : memref<1x16x1024xf32, #tpu.memory_space<hbm>> -> memref<16x1024xf32, #tpu.memory_space<hbm>>
    tpu.wait_dma2 semaphore(%arg12 : memref<!tpu.dma_semaphore, #tpu.memory_space<semaphore_mem>>) src(%dma_wait3A_661 : memref<16x1024xf32, #tpu.memory_space<hbm>>) dst(%arg6 : memref<16x1024xf32, #tpu.memory_space<vmem>>)
    %parallel_loop3A_662 = arith.constant 0 : i32
    %parallel_loop3A_663 = arith.constant 16384 : i32
    %parallel_loop3A_664 = arith.constant 16 : i32
    scf.for %parallel_loop3A_1200 = %parallel_loop3A_662 to %parallel_loop3A_663 step %parallel_loop3A_664  : i32 {
      %parallel_loop3A_1201 = arith.constant 10 : i32
      %parallel_loop3A_1202 = arith.shrui %parallel_loop3A_1200, %parallel_loop3A_1201 : i32
      %parallel_loop3A_1203 = arith.constant 1023 : i32
      %parallel_loop3A_1204 = arith.andi %parallel_loop3A_1200, %parallel_loop3A_1203 : i32
      %parallel_loop3A_1205 = tpu.assume_multiple %parallel_loop3A_1204, 16 : i32
      %parallel_loop3A_1206 = arith.index_cast %parallel_loop3A_1202 : i32 to index
      %parallel_loop3A_1207 = arith.index_cast %parallel_loop3A_1205 : i32 to index
      %parallel_loop3A_1208 = tpu.vector_load %arg9[%parallel_loop3A_1206, %parallel_loop3A_1207] {strides = array<i32>} : memref<16x1024xf32, #tpu.memory_space<vmem>>, vector<1x16xf32>,
      %parallel_loop3A_1209 = vector.shape_cast %parallel_loop3A_1208 : vector<1x16xf32> to vector<16xf32>
      %parallel_loop3A_1210 = arith.index_cast %parallel_loop3A_1202 : i32 to index
      %parallel_loop3A_1211 = arith.index_cast %parallel_loop3A_1205 : i32 to index
      %parallel_loop3A_1212 = tpu.vector_load %arg6[%parallel_loop3A_1210, %parallel_loop3A_1211] {strides = array<i32>} : memref<16x1024xf32, #tpu.memory_space<vmem>>, vector<1x16xf32>,
      %parallel_loop3A_1213 = vector.shape_cast %parallel_loop3A_1212 : vector<1x16xf32> to vector<16xf32>
      %parallel_loop3A_1214 = vector.shape_cast %parallel_loop3A_1209 : vector<16xf32> to vector<1x16xf32>
      tpu.vector_store %arg6[%parallel_loop3A_1210, %parallel_loop3A_1211], %parallel_loop3A_1214 {add = true, strides = array<i32>} : memref<16x1024xf32, #tpu.memory_space<vmem>>, vector<1x16xf32>,
    } {sc.loop_unroll_factor = 8 : i64, sc.parallel_access}
    %add3A_665 = arith.constant 64 : i32
    %add3A_666 = arith.addi %mul3A_2, %add3A_665 : i32
    %dma_start3A_667 = arith.constant 1 : i32
    %dma_start3A_668 = arith.constant 0 : i32
    %dma_start3A_669 = tpu.memref_slice %arg4[%dma_start3A_667, %add3A_666, %dma_start3A_668] : memref<4x4096x1024xf32, #tpu.memory_space<hbm>> -> memref<1x16x1024xf32, #tpu.memory_space<hbm>>
    %dma_start3A_670 = tpu.memref_squeeze %dma_start3A_669 : memref<1x16x1024xf32, #tpu.memory_space<hbm>> -> memref<16x1024xf32, #tpu.memory_space<hbm>>
    %dma_start3A_671 = arith.constant 0 : i32
    %dma_start3A_672 = tpu.memref_slice %arg4[%dma_start3A_667, %add3A_666, %dma_start3A_671] : memref<4x4096x1024xf32, #tpu.memory_space<hbm>> -> memref<1x16x1024xf32, #tpu.memory_space<hbm>>
    %dma_start3A_673 = tpu.memref_squeeze %dma_start3A_672 : memref<1x16x1024xf32, #tpu.memory_space<hbm>> -> memref<16x1024xf32, #tpu.memory_space<hbm>>
    tpu.enqueue_dma source(%arg6 : memref<16x1024xf32, #tpu.memory_space<vmem>>) target(%dma_start3A_673 : memref<16x1024xf32, #tpu.memory_space<hbm>>) target_semaphore(%arg16 : memref<!tpu.dma_semaphore, #tpu.memory_space<semaphore_mem>>)
    %dma_wait3A_674 = arith.constant 3 : i32
    %dma_wait3A_675 = arith.constant 0 : i32
    %dma_wait3A_676 = tpu.memref_slice %arg4[%dma_wait3A_674, %add3A_586, %dma_wait3A_675] : memref<4x4096x1024xf32, #tpu.memory_space<hbm>> -> memref<1x16x1024xf32, #tpu.memory_space<hbm>>
    %dma_wait3A_677 = tpu.memref_squeeze %dma_wait3A_676 : memref<1x16x1024xf32, #tpu.memory_space<hbm>> -> memref<16x1024xf32, #tpu.memory_space<hbm>>
    %dma_wait3A_678 = arith.constant 0 : i32
    %dma_wait3A_679 = tpu.memref_slice %arg4[%dma_wait3A_674, %add3A_586, %dma_wait3A_678] : memref<4x4096x1024xf32, #tpu.memory_space<hbm>> -> memref<1x16x1024xf32, #tpu.memory_space<hbm>>
    %dma_wait3A_680 = tpu.memref_squeeze %dma_wait3A_679 : memref<1x16x1024xf32, #tpu.memory_space<hbm>> -> memref<16x1024xf32, #tpu.memory_space<hbm>>
    tpu.wait_dma2 semaphore(%arg18 : memref<!tpu.dma_semaphore, #tpu.memory_space<semaphore_mem>>) src(%arg8 : memref<16x1024xf32, #tpu.memory_space<vmem>>) dst(%dma_wait3A_680 : memref<16x1024xf32, #tpu.memory_space<hbm>>)
    %add3A_681 = arith.constant 64 : i32
    %add3A_682 = arith.addi %mul3A_2, %add3A_681 : i32
    %dma_start3A_683 = arith.constant 3 : i32
    %dma_start3A_684 = arith.constant 0 : i32
    %dma_start3A_685 = tpu.memref_slice %arg2[%dma_start3A_683, %add3A_682, %dma_start3A_684] : memref<4x4096x1024xf32, #tpu.memory_space<hbm>> -> memref<1x16x1024xf32, #tpu.memory_space<hbm>>
    %dma_start3A_686 = tpu.memref_squeeze %dma_start3A_685 : memref<1x16x1024xf32, #tpu.memory_space<hbm>> -> memref<16x1024xf32, #tpu.memory_space<hbm>>
    %dma_start3A_687 = arith.constant 0 : i32
    %dma_start3A_688 = tpu.memref_slice %arg2[%dma_start3A_683, %add3A_682, %dma_start3A_687] : memref<4x4096x1024xf32, #tpu.memory_space<hbm>> -> memref<1x16x1024xf32, #tpu.memory_space<hbm>>
    %dma_start3A_689 = tpu.memref_squeeze %dma_start3A_688 : memref<1x16x1024xf32, #tpu.memory_space<hbm>> -> memref<16x1024xf32, #tpu.memory_space<hbm>>
    tpu.enqueue_dma source(%dma_start3A_689 : memref<16x1024xf32, #tpu.memory_space<hbm>>) target(%arg8 : memref<16x1024xf32, #tpu.memory_space<vmem>>) target_semaphore(%arg14 : memref<!tpu.dma_semaphore, #tpu.memory_space<semaphore_mem>>)
    %dma_wait3A_690 = arith.constant 2 : i32
    %dma_wait3A_691 = arith.constant 0 : i32
    %dma_wait3A_692 = tpu.memref_slice %arg2[%dma_wait3A_690, %add3A_647, %dma_wait3A_691] : memref<4x4096x1024xf32, #tpu.memory_space<hbm>> -> memref<1x16x1024xf32, #tpu.memory_space<hbm>>
    %dma_wait3A_693 = tpu.memref_squeeze %dma_wait3A_692 : memref<1x16x1024xf32, #tpu.memory_space<hbm>> -> memref<16x1024xf32, #tpu.memory_space<hbm>>
    %dma_wait3A_694 = arith.constant 0 : i32
    %dma_wait3A_695 = tpu.memref_slice %arg2[%dma_wait3A_690, %add3A_647, %dma_wait3A_694] : memref<4x4096x1024xf32, #tpu.memory_space<hbm>> -> memref<1x16x1024xf32, #tpu.memory_space<hbm>>
    %dma_wait3A_696 = tpu.memref_squeeze %dma_wait3A_695 : memref<1x16x1024xf32, #tpu.memory_space<hbm>> -> memref<16x1024xf32, #tpu.memory_space<hbm>>
    tpu.wait_dma2 semaphore(%arg13 : memref<!tpu.dma_semaphore, #tpu.memory_space<semaphore_mem>>) src(%dma_wait3A_696 : memref<16x1024xf32, #tpu.memory_space<hbm>>) dst(%arg7 : memref<16x1024xf32, #tpu.memory_space<vmem>>)
    %parallel_loop3A_697 = arith.constant 0 : i32
    %parallel_loop3A_698 = arith.constant 16384 : i32
    %parallel_loop3A_699 = arith.constant 16 : i32
    scf.for %parallel_loop3A_1200 = %parallel_loop3A_697 to %parallel_loop3A_698 step %parallel_loop3A_699  : i32 {
      %parallel_loop3A_1201 = arith.constant 10 : i32
      %parallel_loop3A_1202 = arith.shrui %parallel_loop3A_1200, %parallel_loop3A_1201 : i32
      %parallel_loop3A_1203 = arith.constant 1023 : i32
      %parallel_loop3A_1204 = arith.andi %parallel_loop3A_1200, %parallel_loop3A_1203 : i32
      %parallel_loop3A_1205 = tpu.assume_multiple %parallel_loop3A_1204, 16 : i32
      %parallel_loop3A_1206 = arith.index_cast %parallel_loop3A_1202 : i32 to index
      %parallel_loop3A_1207 = arith.index_cast %parallel_loop3A_1205 : i32 to index
      %parallel_loop3A_1208 = tpu.vector_load %arg9[%parallel_loop3A_1206, %parallel_loop3A_1207] {strides = array<i32>} : memref<16x1024xf32, #tpu.memory_space<vmem>>, vector<1x16xf32>,
      %parallel_loop3A_1209 = vector.shape_cast %parallel_loop3A_1208 : vector<1x16xf32> to vector<16xf32>
      %parallel_loop3A_1210 = arith.index_cast %parallel_loop3A_1202 : i32 to index
      %parallel_loop3A_1211 = arith.index_cast %parallel_loop3A_1205 : i32 to index
      %parallel_loop3A_1212 = tpu.vector_load %arg7[%parallel_loop3A_1210, %parallel_loop3A_1211] {strides = array<i32>} : memref<16x1024xf32, #tpu.memory_space<vmem>>, vector<1x16xf32>,
      %parallel_loop3A_1213 = vector.shape_cast %parallel_loop3A_1212 : vector<1x16xf32> to vector<16xf32>
      %parallel_loop3A_1214 = vector.shape_cast %parallel_loop3A_1209 : vector<16xf32> to vector<1x16xf32>
      tpu.vector_store %arg7[%parallel_loop3A_1210, %parallel_loop3A_1211], %parallel_loop3A_1214 {add = true, strides = array<i32>} : memref<16x1024xf32, #tpu.memory_space<vmem>>, vector<1x16xf32>,
    } {sc.loop_unroll_factor = 8 : i64, sc.parallel_access}
    %add3A_700 = arith.constant 64 : i32
    %add3A_701 = arith.addi %mul3A_2, %add3A_700 : i32
    %dma_start3A_702 = arith.constant 2 : i32
    %dma_start3A_703 = arith.constant 0 : i32
    %dma_start3A_704 = tpu.memref_slice %arg4[%dma_start3A_702, %add3A_701, %dma_start3A_703] : memref<4x4096x1024xf32, #tpu.memory_space<hbm>> -> memref<1x16x1024xf32, #tpu.memory_space<hbm>>
    %dma_start3A_705 = tpu.memref_squeeze %dma_start3A_704 : memref<1x16x1024xf32, #tpu.memory_space<hbm>> -> memref<16x1024xf32, #tpu.memory_space<hbm>>
    %dma_start3A_706 = arith.constant 0 : i32
    %dma_start3A_707 = tpu.memref_slice %arg4[%dma_start3A_702, %add3A_701, %dma_start3A_706] : memref<4x4096x1024xf32, #tpu.memory_space<hbm>> -> memref<1x16x1024xf32, #tpu.memory_space<hbm>>
    %dma_start3A_708 = tpu.memref_squeeze %dma_start3A_707 : memref<1x16x1024xf32, #tpu.memory_space<hbm>> -> memref<16x1024xf32, #tpu.memory_space<hbm>>
    tpu.enqueue_dma source(%arg7 : memref<16x1024xf32, #tpu.memory_space<vmem>>) target(%dma_start3A_708 : memref<16x1024xf32, #tpu.memory_space<hbm>>) target_semaphore(%arg17 : memref<!tpu.dma_semaphore, #tpu.memory_space<semaphore_mem>>)
    %dma_wait3A_709 = arith.constant 0 : i32
    %dma_wait3A_710 = arith.constant 0 : i32
    %dma_wait3A_711 = tpu.memref_slice %arg4[%dma_wait3A_709, %add3A_631, %dma_wait3A_710] : memref<4x4096x1024xf32, #tpu.memory_space<hbm>> -> memref<1x16x1024xf32, #tpu.memory_space<hbm>>
    %dma_wait3A_712 = tpu.memref_squeeze %dma_wait3A_711 : memref<1x16x1024xf32, #tpu.memory_space<hbm>> -> memref<16x1024xf32, #tpu.memory_space<hbm>>
    %dma_wait3A_713 = arith.constant 0 : i32
    %dma_wait3A_714 = tpu.memref_slice %arg4[%dma_wait3A_709, %add3A_631, %dma_wait3A_713] : memref<4x4096x1024xf32, #tpu.memory_space<hbm>> -> memref<1x16x1024xf32, #tpu.memory_space<hbm>>
    %dma_wait3A_715 = tpu.memref_squeeze %dma_wait3A_714 : memref<1x16x1024xf32, #tpu.memory_space<hbm>> -> memref<16x1024xf32, #tpu.memory_space<hbm>>
    tpu.wait_dma2 semaphore(%arg15 : memref<!tpu.dma_semaphore, #tpu.memory_space<semaphore_mem>>) src(%arg5 : memref<16x1024xf32, #tpu.memory_space<vmem>>) dst(%dma_wait3A_715 : memref<16x1024xf32, #tpu.memory_space<hbm>>)
    %add3A_716 = arith.constant 80 : i32
    %add3A_717 = arith.addi %mul3A_2, %add3A_716 : i32
    %dma_start3A_718 = arith.constant 0 : i32
    %dma_start3A_719 = arith.constant 0 : i32
    %dma_start3A_720 = tpu.memref_slice %arg2[%dma_start3A_718, %add3A_717, %dma_start3A_719] : memref<4x4096x1024xf32, #tpu.memory_space<hbm>> -> memref<1x16x1024xf32, #tpu.memory_space<hbm>>
    %dma_start3A_721 = tpu.memref_squeeze %dma_start3A_720 : memref<1x16x1024xf32, #tpu.memory_space<hbm>> -> memref<16x1024xf32, #tpu.memory_space<hbm>>
    %dma_start3A_722 = arith.constant 0 : i32
    %dma_start3A_723 = tpu.memref_slice %arg2[%dma_start3A_718, %add3A_717, %dma_start3A_722] : memref<4x4096x1024xf32, #tpu.memory_space<hbm>> -> memref<1x16x1024xf32, #tpu.memory_space<hbm>>
    %dma_start3A_724 = tpu.memref_squeeze %dma_start3A_723 : memref<1x16x1024xf32, #tpu.memory_space<hbm>> -> memref<16x1024xf32, #tpu.memory_space<hbm>>
    tpu.enqueue_dma source(%dma_start3A_724 : memref<16x1024xf32, #tpu.memory_space<hbm>>) target(%arg5 : memref<16x1024xf32, #tpu.memory_space<vmem>>) target_semaphore(%arg11 : memref<!tpu.dma_semaphore, #tpu.memory_space<semaphore_mem>>)
    %dma_wait3A_725 = arith.constant 3 : i32
    %dma_wait3A_726 = arith.constant 0 : i32
    %dma_wait3A_727 = tpu.memref_slice %arg2[%dma_wait3A_725, %add3A_682, %dma_wait3A_726] : memref<4x4096x1024xf32, #tpu.memory_space<hbm>> -> memref<1x16x1024xf32, #tpu.memory_space<hbm>>
    %dma_wait3A_728 = tpu.memref_squeeze %dma_wait3A_727 : memref<1x16x1024xf32, #tpu.memory_space<hbm>> -> memref<16x1024xf32, #tpu.memory_space<hbm>>
    %dma_wait3A_729 = arith.constant 0 : i32
    %dma_wait3A_730 = tpu.memref_slice %arg2[%dma_wait3A_725, %add3A_682, %dma_wait3A_729] : memref<4x4096x1024xf32, #tpu.memory_space<hbm>> -> memref<1x16x1024xf32, #tpu.memory_space<hbm>>
    %dma_wait3A_731 = tpu.memref_squeeze %dma_wait3A_730 : memref<1x16x1024xf32, #tpu.memory_space<hbm>> -> memref<16x1024xf32, #tpu.memory_space<hbm>>
    tpu.wait_dma2 semaphore(%arg14 : memref<!tpu.dma_semaphore, #tpu.memory_space<semaphore_mem>>) src(%dma_wait3A_731 : memref<16x1024xf32, #tpu.memory_space<hbm>>) dst(%arg8 : memref<16x1024xf32, #tpu.memory_space<vmem>>)
    %parallel_loop3A_732 = arith.constant 0 : i32
    %parallel_loop3A_733 = arith.constant 16384 : i32
    %parallel_loop3A_734 = arith.constant 16 : i32
    scf.for %parallel_loop3A_1200 = %parallel_loop3A_732 to %parallel_loop3A_733 step %parallel_loop3A_734  : i32 {
      %parallel_loop3A_1201 = arith.constant 10 : i32
      %parallel_loop3A_1202 = arith.shrui %parallel_loop3A_1200, %parallel_loop3A_1201 : i32
      %parallel_loop3A_1203 = arith.constant 1023 : i32
      %parallel_loop3A_1204 = arith.andi %parallel_loop3A_1200, %parallel_loop3A_1203 : i32
      %parallel_loop3A_1205 = tpu.assume_multiple %parallel_loop3A_1204, 16 : i32
      %parallel_loop3A_1206 = arith.index_cast %parallel_loop3A_1202 : i32 to index
      %parallel_loop3A_1207 = arith.index_cast %parallel_loop3A_1205 : i32 to index
      %parallel_loop3A_1208 = tpu.vector_load %arg9[%parallel_loop3A_1206, %parallel_loop3A_1207] {strides = array<i32>} : memref<16x1024xf32, #tpu.memory_space<vmem>>, vector<1x16xf32>,
      %parallel_loop3A_1209 = vector.shape_cast %parallel_loop3A_1208 : vector<1x16xf32> to vector<16xf32>
      %parallel_loop3A_1210 = arith.index_cast %parallel_loop3A_1202 : i32 to index
      %parallel_loop3A_1211 = arith.index_cast %parallel_loop3A_1205 : i32 to index
      %parallel_loop3A_1212 = tpu.vector_load %arg8[%parallel_loop3A_1210, %parallel_loop3A_1211] {strides = array<i32>} : memref<16x1024xf32, #tpu.memory_space<vmem>>, vector<1x16xf32>,
      %parallel_loop3A_1213 = vector.shape_cast %parallel_loop3A_1212 : vector<1x16xf32> to vector<16xf32>
      %parallel_loop3A_1214 = vector.shape_cast %parallel_loop3A_1209 : vector<16xf32> to vector<1x16xf32>
      tpu.vector_store %arg8[%parallel_loop3A_1210, %parallel_loop3A_1211], %parallel_loop3A_1214 {add = true, strides = array<i32>} : memref<16x1024xf32, #tpu.memory_space<vmem>>, vector<1x16xf32>,
    } {sc.loop_unroll_factor = 8 : i64, sc.parallel_access}
    %add3A_735 = arith.constant 64 : i32
    %add3A_736 = arith.addi %mul3A_2, %add3A_735 : i32
    %dma_start3A_737 = arith.constant 3 : i32
    %dma_start3A_738 = arith.constant 0 : i32
    %dma_start3A_739 = tpu.memref_slice %arg4[%dma_start3A_737, %add3A_736, %dma_start3A_738] : memref<4x4096x1024xf32, #tpu.memory_space<hbm>> -> memref<1x16x1024xf32, #tpu.memory_space<hbm>>
    %dma_start3A_740 = tpu.memref_squeeze %dma_start3A_739 : memref<1x16x1024xf32, #tpu.memory_space<hbm>> -> memref<16x1024xf32, #tpu.memory_space<hbm>>
    %dma_start3A_741 = arith.constant 0 : i32
    %dma_start3A_742 = tpu.memref_slice %arg4[%dma_start3A_737, %add3A_736, %dma_start3A_741] : memref<4x4096x1024xf32, #tpu.memory_space<hbm>> -> memref<1x16x1024xf32, #tpu.memory_space<hbm>>
    %dma_start3A_743 = tpu.memref_squeeze %dma_start3A_742 : memref<1x16x1024xf32, #tpu.memory_space<hbm>> -> memref<16x1024xf32, #tpu.memory_space<hbm>>
    tpu.enqueue_dma source(%arg8 : memref<16x1024xf32, #tpu.memory_space<vmem>>) target(%dma_start3A_743 : memref<16x1024xf32, #tpu.memory_space<hbm>>) target_semaphore(%arg18 : memref<!tpu.dma_semaphore, #tpu.memory_space<semaphore_mem>>)
    %dma_wait3A_744 = arith.constant 1 : i32
    %dma_wait3A_745 = arith.constant 0 : i32
    %dma_wait3A_746 = tpu.memref_slice %arg4[%dma_wait3A_744, %add3A_666, %dma_wait3A_745] : memref<4x4096x1024xf32, #tpu.memory_space<hbm>> -> memref<1x16x1024xf32, #tpu.memory_space<hbm>>
    %dma_wait3A_747 = tpu.memref_squeeze %dma_wait3A_746 : memref<1x16x1024xf32, #tpu.memory_space<hbm>> -> memref<16x1024xf32, #tpu.memory_space<hbm>>
    %dma_wait3A_748 = arith.constant 0 : i32
    %dma_wait3A_749 = tpu.memref_slice %arg4[%dma_wait3A_744, %add3A_666, %dma_wait3A_748] : memref<4x4096x1024xf32, #tpu.memory_space<hbm>> -> memref<1x16x1024xf32, #tpu.memory_space<hbm>>
    %dma_wait3A_750 = tpu.memref_squeeze %dma_wait3A_749 : memref<1x16x1024xf32, #tpu.memory_space<hbm>> -> memref<16x1024xf32, #tpu.memory_space<hbm>>
    tpu.wait_dma2 semaphore(%arg16 : memref<!tpu.dma_semaphore, #tpu.memory_space<semaphore_mem>>) src(%arg6 : memref<16x1024xf32, #tpu.memory_space<vmem>>) dst(%dma_wait3A_750 : memref<16x1024xf32, #tpu.memory_space<hbm>>)
    %add3A_751 = arith.constant 80 : i32
    %add3A_752 = arith.addi %mul3A_2, %add3A_751 : i32
    %dma_start3A_753 = arith.constant 1 : i32
    %dma_start3A_754 = arith.constant 0 : i32
    %dma_start3A_755 = tpu.memref_slice %arg2[%dma_start3A_753, %add3A_752, %dma_start3A_754] : memref<4x4096x1024xf32, #tpu.memory_space<hbm>> -> memref<1x16x1024xf32, #tpu.memory_space<hbm>>
    %dma_start3A_756 = tpu.memref_squeeze %dma_start3A_755 : memref<1x16x1024xf32, #tpu.memory_space<hbm>> -> memref<16x1024xf32, #tpu.memory_space<hbm>>
    %dma_start3A_757 = arith.constant 0 : i32
    %dma_start3A_758 = tpu.memref_slice %arg2[%dma_start3A_753, %add3A_752, %dma_start3A_757] : memref<4x4096x1024xf32, #tpu.memory_space<hbm>> -> memref<1x16x1024xf32, #tpu.memory_space<hbm>>
    %dma_start3A_759 = tpu.memref_squeeze %dma_start3A_758 : memref<1x16x1024xf32, #tpu.memory_space<hbm>> -> memref<16x1024xf32, #tpu.memory_space<hbm>>
    tpu.enqueue_dma source(%dma_start3A_759 : memref<16x1024xf32, #tpu.memory_space<hbm>>) target(%arg6 : memref<16x1024xf32, #tpu.memory_space<vmem>>) target_semaphore(%arg12 : memref<!tpu.dma_semaphore, #tpu.memory_space<semaphore_mem>>)
    %dma_wait3A_760 = arith.constant 0 : i32
    %dma_wait3A_761 = tpu.memref_slice %arg3[%add3A_615, %dma_wait3A_760] : memref<4096x1024xf32, #tpu.memory_space<hbm>> -> memref<16x1024xf32, #tpu.memory_space<hbm>>
    %dma_wait3A_762 = arith.constant 0 : i32
    %dma_wait3A_763 = tpu.memref_slice %arg3[%add3A_615, %dma_wait3A_762] : memref<4096x1024xf32, #tpu.memory_space<hbm>> -> memref<16x1024xf32, #tpu.memory_space<hbm>>
    tpu.wait_dma2 semaphore(%arg20 : memref<!tpu.dma_semaphore, #tpu.memory_space<semaphore_mem>>) src(%dma_wait3A_763 : memref<16x1024xf32, #tpu.memory_space<hbm>>) dst(%arg10 : memref<16x1024xf32, #tpu.memory_space<vmem>>)
    %add3A_764 = arith.constant 96 : i32
    %add3A_765 = arith.addi %mul3A_2, %add3A_764 : i32
    %dma_start3A_766 = arith.constant 0 : i32
    %dma_start3A_767 = tpu.memref_slice %arg3[%add3A_765, %dma_start3A_766] : memref<4096x1024xf32, #tpu.memory_space<hbm>> -> memref<16x1024xf32, #tpu.memory_space<hbm>>
    %dma_start3A_768 = arith.constant 0 : i32
    %dma_start3A_769 = tpu.memref_slice %arg3[%add3A_765, %dma_start3A_768] : memref<4096x1024xf32, #tpu.memory_space<hbm>> -> memref<16x1024xf32, #tpu.memory_space<hbm>>
    tpu.enqueue_dma source(%dma_start3A_769 : memref<16x1024xf32, #tpu.memory_space<hbm>>) target(%arg9 : memref<16x1024xf32, #tpu.memory_space<vmem>>) target_semaphore(%arg19 : memref<!tpu.dma_semaphore, #tpu.memory_space<semaphore_mem>>)
    %dma_wait3A_770 = arith.constant 0 : i32
    %dma_wait3A_771 = arith.constant 0 : i32
    %dma_wait3A_772 = tpu.memref_slice %arg2[%dma_wait3A_770, %add3A_717, %dma_wait3A_771] : memref<4x4096x1024xf32, #tpu.memory_space<hbm>> -> memref<1x16x1024xf32, #tpu.memory_space<hbm>>
    %dma_wait3A_773 = tpu.memref_squeeze %dma_wait3A_772 : memref<1x16x1024xf32, #tpu.memory_space<hbm>> -> memref<16x1024xf32, #tpu.memory_space<hbm>>
    %dma_wait3A_774 = arith.constant 0 : i32
    %dma_wait3A_775 = tpu.memref_slice %arg2[%dma_wait3A_770, %add3A_717, %dma_wait3A_774] : memref<4x4096x1024xf32, #tpu.memory_space<hbm>> -> memref<1x16x1024xf32, #tpu.memory_space<hbm>>
    %dma_wait3A_776 = tpu.memref_squeeze %dma_wait3A_775 : memref<1x16x1024xf32, #tpu.memory_space<hbm>> -> memref<16x1024xf32, #tpu.memory_space<hbm>>
    tpu.wait_dma2 semaphore(%arg11 : memref<!tpu.dma_semaphore, #tpu.memory_space<semaphore_mem>>) src(%dma_wait3A_776 : memref<16x1024xf32, #tpu.memory_space<hbm>>) dst(%arg5 : memref<16x1024xf32, #tpu.memory_space<vmem>>)
    %parallel_loop3A_777 = arith.constant 0 : i32
    %parallel_loop3A_778 = arith.constant 16384 : i32
    %parallel_loop3A_779 = arith.constant 16 : i32
    scf.for %parallel_loop3A_1200 = %parallel_loop3A_777 to %parallel_loop3A_778 step %parallel_loop3A_779  : i32 {
      %parallel_loop3A_1201 = arith.constant 10 : i32
      %parallel_loop3A_1202 = arith.shrui %parallel_loop3A_1200, %parallel_loop3A_1201 : i32
      %parallel_loop3A_1203 = arith.constant 1023 : i32
      %parallel_loop3A_1204 = arith.andi %parallel_loop3A_1200, %parallel_loop3A_1203 : i32
      %parallel_loop3A_1205 = tpu.assume_multiple %parallel_loop3A_1204, 16 : i32
      %parallel_loop3A_1206 = arith.index_cast %parallel_loop3A_1202 : i32 to index
      %parallel_loop3A_1207 = arith.index_cast %parallel_loop3A_1205 : i32 to index
      %parallel_loop3A_1208 = tpu.vector_load %arg10[%parallel_loop3A_1206, %parallel_loop3A_1207] {strides = array<i32>} : memref<16x1024xf32, #tpu.memory_space<vmem>>, vector<1x16xf32>,
      %parallel_loop3A_1209 = vector.shape_cast %parallel_loop3A_1208 : vector<1x16xf32> to vector<16xf32>
      %parallel_loop3A_1210 = arith.index_cast %parallel_loop3A_1202 : i32 to index
      %parallel_loop3A_1211 = arith.index_cast %parallel_loop3A_1205 : i32 to index
      %parallel_loop3A_1212 = tpu.vector_load %arg5[%parallel_loop3A_1210, %parallel_loop3A_1211] {strides = array<i32>} : memref<16x1024xf32, #tpu.memory_space<vmem>>, vector<1x16xf32>,
      %parallel_loop3A_1213 = vector.shape_cast %parallel_loop3A_1212 : vector<1x16xf32> to vector<16xf32>
      %parallel_loop3A_1214 = vector.shape_cast %parallel_loop3A_1209 : vector<16xf32> to vector<1x16xf32>
      tpu.vector_store %arg5[%parallel_loop3A_1210, %parallel_loop3A_1211], %parallel_loop3A_1214 {add = true, strides = array<i32>} : memref<16x1024xf32, #tpu.memory_space<vmem>>, vector<1x16xf32>,
    } {sc.loop_unroll_factor = 8 : i64, sc.parallel_access}
    %add3A_780 = arith.constant 80 : i32
    %add3A_781 = arith.addi %mul3A_2, %add3A_780 : i32
    %dma_start3A_782 = arith.constant 0 : i32
    %dma_start3A_783 = arith.constant 0 : i32
    %dma_start3A_784 = tpu.memref_slice %arg4[%dma_start3A_782, %add3A_781, %dma_start3A_783] : memref<4x4096x1024xf32, #tpu.memory_space<hbm>> -> memref<1x16x1024xf32, #tpu.memory_space<hbm>>
    %dma_start3A_785 = tpu.memref_squeeze %dma_start3A_784 : memref<1x16x1024xf32, #tpu.memory_space<hbm>> -> memref<16x1024xf32, #tpu.memory_space<hbm>>
    %dma_start3A_786 = arith.constant 0 : i32
    %dma_start3A_787 = tpu.memref_slice %arg4[%dma_start3A_782, %add3A_781, %dma_start3A_786] : memref<4x4096x1024xf32, #tpu.memory_space<hbm>> -> memref<1x16x1024xf32, #tpu.memory_space<hbm>>
    %dma_start3A_788 = tpu.memref_squeeze %dma_start3A_787 : memref<1x16x1024xf32, #tpu.memory_space<hbm>> -> memref<16x1024xf32, #tpu.memory_space<hbm>>
    tpu.enqueue_dma source(%arg5 : memref<16x1024xf32, #tpu.memory_space<vmem>>) target(%dma_start3A_788 : memref<16x1024xf32, #tpu.memory_space<hbm>>) target_semaphore(%arg15 : memref<!tpu.dma_semaphore, #tpu.memory_space<semaphore_mem>>)
    %dma_wait3A_789 = arith.constant 2 : i32
    %dma_wait3A_790 = arith.constant 0 : i32
    %dma_wait3A_791 = tpu.memref_slice %arg4[%dma_wait3A_789, %add3A_701, %dma_wait3A_790] : memref<4x4096x1024xf32, #tpu.memory_space<hbm>> -> memref<1x16x1024xf32, #tpu.memory_space<hbm>>
    %dma_wait3A_792 = tpu.memref_squeeze %dma_wait3A_791 : memref<1x16x1024xf32, #tpu.memory_space<hbm>> -> memref<16x1024xf32, #tpu.memory_space<hbm>>
    %dma_wait3A_793 = arith.constant 0 : i32
    %dma_wait3A_794 = tpu.memref_slice %arg4[%dma_wait3A_789, %add3A_701, %dma_wait3A_793] : memref<4x4096x1024xf32, #tpu.memory_space<hbm>> -> memref<1x16x1024xf32, #tpu.memory_space<hbm>>
    %dma_wait3A_795 = tpu.memref_squeeze %dma_wait3A_794 : memref<1x16x1024xf32, #tpu.memory_space<hbm>> -> memref<16x1024xf32, #tpu.memory_space<hbm>>
    tpu.wait_dma2 semaphore(%arg17 : memref<!tpu.dma_semaphore, #tpu.memory_space<semaphore_mem>>) src(%arg7 : memref<16x1024xf32, #tpu.memory_space<vmem>>) dst(%dma_wait3A_795 : memref<16x1024xf32, #tpu.memory_space<hbm>>)
    %add3A_796 = arith.constant 80 : i32
    %add3A_797 = arith.addi %mul3A_2, %add3A_796 : i32
    %dma_start3A_798 = arith.constant 2 : i32
    %dma_start3A_799 = arith.constant 0 : i32
    %dma_start3A_800 = tpu.memref_slice %arg2[%dma_start3A_798, %add3A_797, %dma_start3A_799] : memref<4x4096x1024xf32, #tpu.memory_space<hbm>> -> memref<1x16x1024xf32, #tpu.memory_space<hbm>>
    %dma_start3A_801 = tpu.memref_squeeze %dma_start3A_800 : memref<1x16x1024xf32, #tpu.memory_space<hbm>> -> memref<16x1024xf32, #tpu.memory_space<hbm>>
    %dma_start3A_802 = arith.constant 0 : i32
    %dma_start3A_803 = tpu.memref_slice %arg2[%dma_start3A_798, %add3A_797, %dma_start3A_802] : memref<4x4096x1024xf32, #tpu.memory_space<hbm>> -> memref<1x16x1024xf32, #tpu.memory_space<hbm>>
    %dma_start3A_804 = tpu.memref_squeeze %dma_start3A_803 : memref<1x16x1024xf32, #tpu.memory_space<hbm>> -> memref<16x1024xf32, #tpu.memory_space<hbm>>
    tpu.enqueue_dma source(%dma_start3A_804 : memref<16x1024xf32, #tpu.memory_space<hbm>>) target(%arg7 : memref<16x1024xf32, #tpu.memory_space<vmem>>) target_semaphore(%arg13 : memref<!tpu.dma_semaphore, #tpu.memory_space<semaphore_mem>>)
    %dma_wait3A_805 = arith.constant 1 : i32
    %dma_wait3A_806 = arith.constant 0 : i32
    %dma_wait3A_807 = tpu.memref_slice %arg2[%dma_wait3A_805, %add3A_752, %dma_wait3A_806] : memref<4x4096x1024xf32, #tpu.memory_space<hbm>> -> memref<1x16x1024xf32, #tpu.memory_space<hbm>>
    %dma_wait3A_808 = tpu.memref_squeeze %dma_wait3A_807 : memref<1x16x1024xf32, #tpu.memory_space<hbm>> -> memref<16x1024xf32, #tpu.memory_space<hbm>>
    %dma_wait3A_809 = arith.constant 0 : i32
    %dma_wait3A_810 = tpu.memref_slice %arg2[%dma_wait3A_805, %add3A_752, %dma_wait3A_809] : memref<4x4096x1024xf32, #tpu.memory_space<hbm>> -> memref<1x16x1024xf32, #tpu.memory_space<hbm>>
    %dma_wait3A_811 = tpu.memref_squeeze %dma_wait3A_810 : memref<1x16x1024xf32, #tpu.memory_space<hbm>> -> memref<16x1024xf32, #tpu.memory_space<hbm>>
    tpu.wait_dma2 semaphore(%arg12 : memref<!tpu.dma_semaphore, #tpu.memory_space<semaphore_mem>>) src(%dma_wait3A_811 : memref<16x1024xf32, #tpu.memory_space<hbm>>) dst(%arg6 : memref<16x1024xf32, #tpu.memory_space<vmem>>)
    %parallel_loop3A_812 = arith.constant 0 : i32
    %parallel_loop3A_813 = arith.constant 16384 : i32
    %parallel_loop3A_814 = arith.constant 16 : i32
    scf.for %parallel_loop3A_1200 = %parallel_loop3A_812 to %parallel_loop3A_813 step %parallel_loop3A_814  : i32 {
      %parallel_loop3A_1201 = arith.constant 10 : i32
      %parallel_loop3A_1202 = arith.shrui %parallel_loop3A_1200, %parallel_loop3A_1201 : i32
      %parallel_loop3A_1203 = arith.constant 1023 : i32
      %parallel_loop3A_1204 = arith.andi %parallel_loop3A_1200, %parallel_loop3A_1203 : i32
      %parallel_loop3A_1205 = tpu.assume_multiple %parallel_loop3A_1204, 16 : i32
      %parallel_loop3A_1206 = arith.index_cast %parallel_loop3A_1202 : i32 to index
      %parallel_loop3A_1207 = arith.index_cast %parallel_loop3A_1205 : i32 to index
      %parallel_loop3A_1208 = tpu.vector_load %arg10[%parallel_loop3A_1206, %parallel_loop3A_1207] {strides = array<i32>} : memref<16x1024xf32, #tpu.memory_space<vmem>>, vector<1x16xf32>,
      %parallel_loop3A_1209 = vector.shape_cast %parallel_loop3A_1208 : vector<1x16xf32> to vector<16xf32>
      %parallel_loop3A_1210 = arith.index_cast %parallel_loop3A_1202 : i32 to index
      %parallel_loop3A_1211 = arith.index_cast %parallel_loop3A_1205 : i32 to index
      %parallel_loop3A_1212 = tpu.vector_load %arg6[%parallel_loop3A_1210, %parallel_loop3A_1211] {strides = array<i32>} : memref<16x1024xf32, #tpu.memory_space<vmem>>, vector<1x16xf32>,
      %parallel_loop3A_1213 = vector.shape_cast %parallel_loop3A_1212 : vector<1x16xf32> to vector<16xf32>
      %parallel_loop3A_1214 = vector.shape_cast %parallel_loop3A_1209 : vector<16xf32> to vector<1x16xf32>
      tpu.vector_store %arg6[%parallel_loop3A_1210, %parallel_loop3A_1211], %parallel_loop3A_1214 {add = true, strides = array<i32>} : memref<16x1024xf32, #tpu.memory_space<vmem>>, vector<1x16xf32>,
    } {sc.loop_unroll_factor = 8 : i64, sc.parallel_access}
    %add3A_815 = arith.constant 80 : i32
    %add3A_816 = arith.addi %mul3A_2, %add3A_815 : i32
    %dma_start3A_817 = arith.constant 1 : i32
    %dma_start3A_818 = arith.constant 0 : i32
    %dma_start3A_819 = tpu.memref_slice %arg4[%dma_start3A_817, %add3A_816, %dma_start3A_818] : memref<4x4096x1024xf32, #tpu.memory_space<hbm>> -> memref<1x16x1024xf32, #tpu.memory_space<hbm>>
    %dma_start3A_820 = tpu.memref_squeeze %dma_start3A_819 : memref<1x16x1024xf32, #tpu.memory_space<hbm>> -> memref<16x1024xf32, #tpu.memory_space<hbm>>
    %dma_start3A_821 = arith.constant 0 : i32
    %dma_start3A_822 = tpu.memref_slice %arg4[%dma_start3A_817, %add3A_816, %dma_start3A_821] : memref<4x4096x1024xf32, #tpu.memory_space<hbm>> -> memref<1x16x1024xf32, #tpu.memory_space<hbm>>
    %dma_start3A_823 = tpu.memref_squeeze %dma_start3A_822 : memref<1x16x1024xf32, #tpu.memory_space<hbm>> -> memref<16x1024xf32, #tpu.memory_space<hbm>>
    tpu.enqueue_dma source(%arg6 : memref<16x1024xf32, #tpu.memory_space<vmem>>) target(%dma_start3A_823 : memref<16x1024xf32, #tpu.memory_space<hbm>>) target_semaphore(%arg16 : memref<!tpu.dma_semaphore, #tpu.memory_space<semaphore_mem>>)
    %dma_wait3A_824 = arith.constant 3 : i32
    %dma_wait3A_825 = arith.constant 0 : i32
    %dma_wait3A_826 = tpu.memref_slice %arg4[%dma_wait3A_824, %add3A_736, %dma_wait3A_825] : memref<4x4096x1024xf32, #tpu.memory_space<hbm>> -> memref<1x16x1024xf32, #tpu.memory_space<hbm>>
    %dma_wait3A_827 = tpu.memref_squeeze %dma_wait3A_826 : memref<1x16x1024xf32, #tpu.memory_space<hbm>> -> memref<16x1024xf32, #tpu.memory_space<hbm>>
    %dma_wait3A_828 = arith.constant 0 : i32
    %dma_wait3A_829 = tpu.memref_slice %arg4[%dma_wait3A_824, %add3A_736, %dma_wait3A_828] : memref<4x4096x1024xf32, #tpu.memory_space<hbm>> -> memref<1x16x1024xf32, #tpu.memory_space<hbm>>
    %dma_wait3A_830 = tpu.memref_squeeze %dma_wait3A_829 : memref<1x16x1024xf32, #tpu.memory_space<hbm>> -> memref<16x1024xf32, #tpu.memory_space<hbm>>
    tpu.wait_dma2 semaphore(%arg18 : memref<!tpu.dma_semaphore, #tpu.memory_space<semaphore_mem>>) src(%arg8 : memref<16x1024xf32, #tpu.memory_space<vmem>>) dst(%dma_wait3A_830 : memref<16x1024xf32, #tpu.memory_space<hbm>>)
    %add3A_831 = arith.constant 80 : i32
    %add3A_832 = arith.addi %mul3A_2, %add3A_831 : i32
    %dma_start3A_833 = arith.constant 3 : i32
    %dma_start3A_834 = arith.constant 0 : i32
    %dma_start3A_835 = tpu.memref_slice %arg2[%dma_start3A_833, %add3A_832, %dma_start3A_834] : memref<4x4096x1024xf32, #tpu.memory_space<hbm>> -> memref<1x16x1024xf32, #tpu.memory_space<hbm>>
    %dma_start3A_836 = tpu.memref_squeeze %dma_start3A_835 : memref<1x16x1024xf32, #tpu.memory_space<hbm>> -> memref<16x1024xf32, #tpu.memory_space<hbm>>
    %dma_start3A_837 = arith.constant 0 : i32
    %dma_start3A_838 = tpu.memref_slice %arg2[%dma_start3A_833, %add3A_832, %dma_start3A_837] : memref<4x4096x1024xf32, #tpu.memory_space<hbm>> -> memref<1x16x1024xf32, #tpu.memory_space<hbm>>
    %dma_start3A_839 = tpu.memref_squeeze %dma_start3A_838 : memref<1x16x1024xf32, #tpu.memory_space<hbm>> -> memref<16x1024xf32, #tpu.memory_space<hbm>>
    tpu.enqueue_dma source(%dma_start3A_839 : memref<16x1024xf32, #tpu.memory_space<hbm>>) target(%arg8 : memref<16x1024xf32, #tpu.memory_space<vmem>>) target_semaphore(%arg14 : memref<!tpu.dma_semaphore, #tpu.memory_space<semaphore_mem>>)
    %dma_wait3A_840 = arith.constant 2 : i32
    %dma_wait3A_841 = arith.constant 0 : i32
    %dma_wait3A_842 = tpu.memref_slice %arg2[%dma_wait3A_840, %add3A_797, %dma_wait3A_841] : memref<4x4096x1024xf32, #tpu.memory_space<hbm>> -> memref<1x16x1024xf32, #tpu.memory_space<hbm>>
    %dma_wait3A_843 = tpu.memref_squeeze %dma_wait3A_842 : memref<1x16x1024xf32, #tpu.memory_space<hbm>> -> memref<16x1024xf32, #tpu.memory_space<hbm>>
    %dma_wait3A_844 = arith.constant 0 : i32
    %dma_wait3A_845 = tpu.memref_slice %arg2[%dma_wait3A_840, %add3A_797, %dma_wait3A_844] : memref<4x4096x1024xf32, #tpu.memory_space<hbm>> -> memref<1x16x1024xf32, #tpu.memory_space<hbm>>
    %dma_wait3A_846 = tpu.memref_squeeze %dma_wait3A_845 : memref<1x16x1024xf32, #tpu.memory_space<hbm>> -> memref<16x1024xf32, #tpu.memory_space<hbm>>
    tpu.wait_dma2 semaphore(%arg13 : memref<!tpu.dma_semaphore, #tpu.memory_space<semaphore_mem>>) src(%dma_wait3A_846 : memref<16x1024xf32, #tpu.memory_space<hbm>>) dst(%arg7 : memref<16x1024xf32, #tpu.memory_space<vmem>>)
    %parallel_loop3A_847 = arith.constant 0 : i32
    %parallel_loop3A_848 = arith.constant 16384 : i32
    %parallel_loop3A_849 = arith.constant 16 : i32
    scf.for %parallel_loop3A_1200 = %parallel_loop3A_847 to %parallel_loop3A_848 step %parallel_loop3A_849  : i32 {
      %parallel_loop3A_1201 = arith.constant 10 : i32
      %parallel_loop3A_1202 = arith.shrui %parallel_loop3A_1200, %parallel_loop3A_1201 : i32
      %parallel_loop3A_1203 = arith.constant 1023 : i32
      %parallel_loop3A_1204 = arith.andi %parallel_loop3A_1200, %parallel_loop3A_1203 : i32
      %parallel_loop3A_1205 = tpu.assume_multiple %parallel_loop3A_1204, 16 : i32
      %parallel_loop3A_1206 = arith.index_cast %parallel_loop3A_1202 : i32 to index
      %parallel_loop3A_1207 = arith.index_cast %parallel_loop3A_1205 : i32 to index
      %parallel_loop3A_1208 = tpu.vector_load %arg10[%parallel_loop3A_1206, %parallel_loop3A_1207] {strides = array<i32>} : memref<16x1024xf32, #tpu.memory_space<vmem>>, vector<1x16xf32>,
      %parallel_loop3A_1209 = vector.shape_cast %parallel_loop3A_1208 : vector<1x16xf32> to vector<16xf32>
      %parallel_loop3A_1210 = arith.index_cast %parallel_loop3A_1202 : i32 to index
      %parallel_loop3A_1211 = arith.index_cast %parallel_loop3A_1205 : i32 to index
      %parallel_loop3A_1212 = tpu.vector_load %arg7[%parallel_loop3A_1210, %parallel_loop3A_1211] {strides = array<i32>} : memref<16x1024xf32, #tpu.memory_space<vmem>>, vector<1x16xf32>,
      %parallel_loop3A_1213 = vector.shape_cast %parallel_loop3A_1212 : vector<1x16xf32> to vector<16xf32>
      %parallel_loop3A_1214 = vector.shape_cast %parallel_loop3A_1209 : vector<16xf32> to vector<1x16xf32>
      tpu.vector_store %arg7[%parallel_loop3A_1210, %parallel_loop3A_1211], %parallel_loop3A_1214 {add = true, strides = array<i32>} : memref<16x1024xf32, #tpu.memory_space<vmem>>, vector<1x16xf32>,
    } {sc.loop_unroll_factor = 8 : i64, sc.parallel_access}
    %add3A_850 = arith.constant 80 : i32
    %add3A_851 = arith.addi %mul3A_2, %add3A_850 : i32
    %dma_start3A_852 = arith.constant 2 : i32
    %dma_start3A_853 = arith.constant 0 : i32
    %dma_start3A_854 = tpu.memref_slice %arg4[%dma_start3A_852, %add3A_851, %dma_start3A_853] : memref<4x4096x1024xf32, #tpu.memory_space<hbm>> -> memref<1x16x1024xf32, #tpu.memory_space<hbm>>
    %dma_start3A_855 = tpu.memref_squeeze %dma_start3A_854 : memref<1x16x1024xf32, #tpu.memory_space<hbm>> -> memref<16x1024xf32, #tpu.memory_space<hbm>>
    %dma_start3A_856 = arith.constant 0 : i32
    %dma_start3A_857 = tpu.memref_slice %arg4[%dma_start3A_852, %add3A_851, %dma_start3A_856] : memref<4x4096x1024xf32, #tpu.memory_space<hbm>> -> memref<1x16x1024xf32, #tpu.memory_space<hbm>>
    %dma_start3A_858 = tpu.memref_squeeze %dma_start3A_857 : memref<1x16x1024xf32, #tpu.memory_space<hbm>> -> memref<16x1024xf32, #tpu.memory_space<hbm>>
    tpu.enqueue_dma source(%arg7 : memref<16x1024xf32, #tpu.memory_space<vmem>>) target(%dma_start3A_858 : memref<16x1024xf32, #tpu.memory_space<hbm>>) target_semaphore(%arg17 : memref<!tpu.dma_semaphore, #tpu.memory_space<semaphore_mem>>)
    %dma_wait3A_859 = arith.constant 0 : i32
    %dma_wait3A_860 = arith.constant 0 : i32
    %dma_wait3A_861 = tpu.memref_slice %arg4[%dma_wait3A_859, %add3A_781, %dma_wait3A_860] : memref<4x4096x1024xf32, #tpu.memory_space<hbm>> -> memref<1x16x1024xf32, #tpu.memory_space<hbm>>
    %dma_wait3A_862 = tpu.memref_squeeze %dma_wait3A_861 : memref<1x16x1024xf32, #tpu.memory_space<hbm>> -> memref<16x1024xf32, #tpu.memory_space<hbm>>
    %dma_wait3A_863 = arith.constant 0 : i32
    %dma_wait3A_864 = tpu.memref_slice %arg4[%dma_wait3A_859, %add3A_781, %dma_wait3A_863] : memref<4x4096x1024xf32, #tpu.memory_space<hbm>> -> memref<1x16x1024xf32, #tpu.memory_space<hbm>>
    %dma_wait3A_865 = tpu.memref_squeeze %dma_wait3A_864 : memref<1x16x1024xf32, #tpu.memory_space<hbm>> -> memref<16x1024xf32, #tpu.memory_space<hbm>>
    tpu.wait_dma2 semaphore(%arg15 : memref<!tpu.dma_semaphore, #tpu.memory_space<semaphore_mem>>) src(%arg5 : memref<16x1024xf32, #tpu.memory_space<vmem>>) dst(%dma_wait3A_865 : memref<16x1024xf32, #tpu.memory_space<hbm>>)
    %add3A_866 = arith.constant 96 : i32
    %add3A_867 = arith.addi %mul3A_2, %add3A_866 : i32
    %dma_start3A_868 = arith.constant 0 : i32
    %dma_start3A_869 = arith.constant 0 : i32
    %dma_start3A_870 = tpu.memref_slice %arg2[%dma_start3A_868, %add3A_867, %dma_start3A_869] : memref<4x4096x1024xf32, #tpu.memory_space<hbm>> -> memref<1x16x1024xf32, #tpu.memory_space<hbm>>
    %dma_start3A_871 = tpu.memref_squeeze %dma_start3A_870 : memref<1x16x1024xf32, #tpu.memory_space<hbm>> -> memref<16x1024xf32, #tpu.memory_space<hbm>>
    %dma_start3A_872 = arith.constant 0 : i32
    %dma_start3A_873 = tpu.memref_slice %arg2[%dma_start3A_868, %add3A_867, %dma_start3A_872] : memref<4x4096x1024xf32, #tpu.memory_space<hbm>> -> memref<1x16x1024xf32, #tpu.memory_space<hbm>>
    %dma_start3A_874 = tpu.memref_squeeze %dma_start3A_873 : memref<1x16x1024xf32, #tpu.memory_space<hbm>> -> memref<16x1024xf32, #tpu.memory_space<hbm>>
    tpu.enqueue_dma source(%dma_start3A_874 : memref<16x1024xf32, #tpu.memory_space<hbm>>) target(%arg5 : memref<16x1024xf32, #tpu.memory_space<vmem>>) target_semaphore(%arg11 : memref<!tpu.dma_semaphore, #tpu.memory_space<semaphore_mem>>)
    %dma_wait3A_875 = arith.constant 3 : i32
    %dma_wait3A_876 = arith.constant 0 : i32
    %dma_wait3A_877 = tpu.memref_slice %arg2[%dma_wait3A_875, %add3A_832, %dma_wait3A_876] : memref<4x4096x1024xf32, #tpu.memory_space<hbm>> -> memref<1x16x1024xf32, #tpu.memory_space<hbm>>
    %dma_wait3A_878 = tpu.memref_squeeze %dma_wait3A_877 : memref<1x16x1024xf32, #tpu.memory_space<hbm>> -> memref<16x1024xf32, #tpu.memory_space<hbm>>
    %dma_wait3A_879 = arith.constant 0 : i32
    %dma_wait3A_880 = tpu.memref_slice %arg2[%dma_wait3A_875, %add3A_832, %dma_wait3A_879] : memref<4x4096x1024xf32, #tpu.memory_space<hbm>> -> memref<1x16x1024xf32, #tpu.memory_space<hbm>>
    %dma_wait3A_881 = tpu.memref_squeeze %dma_wait3A_880 : memref<1x16x1024xf32, #tpu.memory_space<hbm>> -> memref<16x1024xf32, #tpu.memory_space<hbm>>
    tpu.wait_dma2 semaphore(%arg14 : memref<!tpu.dma_semaphore, #tpu.memory_space<semaphore_mem>>) src(%dma_wait3A_881 : memref<16x1024xf32, #tpu.memory_space<hbm>>) dst(%arg8 : memref<16x1024xf32, #tpu.memory_space<vmem>>)
    %parallel_loop3A_882 = arith.constant 0 : i32
    %parallel_loop3A_883 = arith.constant 16384 : i32
    %parallel_loop3A_884 = arith.constant 16 : i32
    scf.for %parallel_loop3A_1200 = %parallel_loop3A_882 to %parallel_loop3A_883 step %parallel_loop3A_884  : i32 {
      %parallel_loop3A_1201 = arith.constant 10 : i32
      %parallel_loop3A_1202 = arith.shrui %parallel_loop3A_1200, %parallel_loop3A_1201 : i32
      %parallel_loop3A_1203 = arith.constant 1023 : i32
      %parallel_loop3A_1204 = arith.andi %parallel_loop3A_1200, %parallel_loop3A_1203 : i32
      %parallel_loop3A_1205 = tpu.assume_multiple %parallel_loop3A_1204, 16 : i32
      %parallel_loop3A_1206 = arith.index_cast %parallel_loop3A_1202 : i32 to index
      %parallel_loop3A_1207 = arith.index_cast %parallel_loop3A_1205 : i32 to index
      %parallel_loop3A_1208 = tpu.vector_load %arg10[%parallel_loop3A_1206, %parallel_loop3A_1207] {strides = array<i32>} : memref<16x1024xf32, #tpu.memory_space<vmem>>, vector<1x16xf32>,
      %parallel_loop3A_1209 = vector.shape_cast %parallel_loop3A_1208 : vector<1x16xf32> to vector<16xf32>
      %parallel_loop3A_1210 = arith.index_cast %parallel_loop3A_1202 : i32 to index
      %parallel_loop3A_1211 = arith.index_cast %parallel_loop3A_1205 : i32 to index
      %parallel_loop3A_1212 = tpu.vector_load %arg8[%parallel_loop3A_1210, %parallel_loop3A_1211] {strides = array<i32>} : memref<16x1024xf32, #tpu.memory_space<vmem>>, vector<1x16xf32>,
      %parallel_loop3A_1213 = vector.shape_cast %parallel_loop3A_1212 : vector<1x16xf32> to vector<16xf32>
      %parallel_loop3A_1214 = vector.shape_cast %parallel_loop3A_1209 : vector<16xf32> to vector<1x16xf32>
      tpu.vector_store %arg8[%parallel_loop3A_1210, %parallel_loop3A_1211], %parallel_loop3A_1214 {add = true, strides = array<i32>} : memref<16x1024xf32, #tpu.memory_space<vmem>>, vector<1x16xf32>,
    } {sc.loop_unroll_factor = 8 : i64, sc.parallel_access}
    %add3A_885 = arith.constant 80 : i32
    %add3A_886 = arith.addi %mul3A_2, %add3A_885 : i32
    %dma_start3A_887 = arith.constant 3 : i32
    %dma_start3A_888 = arith.constant 0 : i32
    %dma_start3A_889 = tpu.memref_slice %arg4[%dma_start3A_887, %add3A_886, %dma_start3A_888] : memref<4x4096x1024xf32, #tpu.memory_space<hbm>> -> memref<1x16x1024xf32, #tpu.memory_space<hbm>>
    %dma_start3A_890 = tpu.memref_squeeze %dma_start3A_889 : memref<1x16x1024xf32, #tpu.memory_space<hbm>> -> memref<16x1024xf32, #tpu.memory_space<hbm>>
    %dma_start3A_891 = arith.constant 0 : i32
    %dma_start3A_892 = tpu.memref_slice %arg4[%dma_start3A_887, %add3A_886, %dma_start3A_891] : memref<4x4096x1024xf32, #tpu.memory_space<hbm>> -> memref<1x16x1024xf32, #tpu.memory_space<hbm>>
    %dma_start3A_893 = tpu.memref_squeeze %dma_start3A_892 : memref<1x16x1024xf32, #tpu.memory_space<hbm>> -> memref<16x1024xf32, #tpu.memory_space<hbm>>
    tpu.enqueue_dma source(%arg8 : memref<16x1024xf32, #tpu.memory_space<vmem>>) target(%dma_start3A_893 : memref<16x1024xf32, #tpu.memory_space<hbm>>) target_semaphore(%arg18 : memref<!tpu.dma_semaphore, #tpu.memory_space<semaphore_mem>>)
    %dma_wait3A_894 = arith.constant 1 : i32
    %dma_wait3A_895 = arith.constant 0 : i32
    %dma_wait3A_896 = tpu.memref_slice %arg4[%dma_wait3A_894, %add3A_816, %dma_wait3A_895] : memref<4x4096x1024xf32, #tpu.memory_space<hbm>> -> memref<1x16x1024xf32, #tpu.memory_space<hbm>>
    %dma_wait3A_897 = tpu.memref_squeeze %dma_wait3A_896 : memref<1x16x1024xf32, #tpu.memory_space<hbm>> -> memref<16x1024xf32, #tpu.memory_space<hbm>>
    %dma_wait3A_898 = arith.constant 0 : i32
    %dma_wait3A_899 = tpu.memref_slice %arg4[%dma_wait3A_894, %add3A_816, %dma_wait3A_898] : memref<4x4096x1024xf32, #tpu.memory_space<hbm>> -> memref<1x16x1024xf32, #tpu.memory_space<hbm>>
    %dma_wait3A_900 = tpu.memref_squeeze %dma_wait3A_899 : memref<1x16x1024xf32, #tpu.memory_space<hbm>> -> memref<16x1024xf32, #tpu.memory_space<hbm>>
    tpu.wait_dma2 semaphore(%arg16 : memref<!tpu.dma_semaphore, #tpu.memory_space<semaphore_mem>>) src(%arg6 : memref<16x1024xf32, #tpu.memory_space<vmem>>) dst(%dma_wait3A_900 : memref<16x1024xf32, #tpu.memory_space<hbm>>)
    %add3A_901 = arith.constant 96 : i32
    %add3A_902 = arith.addi %mul3A_2, %add3A_901 : i32
    %dma_start3A_903 = arith.constant 1 : i32
    %dma_start3A_904 = arith.constant 0 : i32
    %dma_start3A_905 = tpu.memref_slice %arg2[%dma_start3A_903, %add3A_902, %dma_start3A_904] : memref<4x4096x1024xf32, #tpu.memory_space<hbm>> -> memref<1x16x1024xf32, #tpu.memory_space<hbm>>
    %dma_start3A_906 = tpu.memref_squeeze %dma_start3A_905 : memref<1x16x1024xf32, #tpu.memory_space<hbm>> -> memref<16x1024xf32, #tpu.memory_space<hbm>>
    %dma_start3A_907 = arith.constant 0 : i32
    %dma_start3A_908 = tpu.memref_slice %arg2[%dma_start3A_903, %add3A_902, %dma_start3A_907] : memref<4x4096x1024xf32, #tpu.memory_space<hbm>> -> memref<1x16x1024xf32, #tpu.memory_space<hbm>>
    %dma_start3A_909 = tpu.memref_squeeze %dma_start3A_908 : memref<1x16x1024xf32, #tpu.memory_space<hbm>> -> memref<16x1024xf32, #tpu.memory_space<hbm>>
    tpu.enqueue_dma source(%dma_start3A_909 : memref<16x1024xf32, #tpu.memory_space<hbm>>) target(%arg6 : memref<16x1024xf32, #tpu.memory_space<vmem>>) target_semaphore(%arg12 : memref<!tpu.dma_semaphore, #tpu.memory_space<semaphore_mem>>)
    %dma_wait3A_910 = arith.constant 0 : i32
    %dma_wait3A_911 = tpu.memref_slice %arg3[%add3A_765, %dma_wait3A_910] : memref<4096x1024xf32, #tpu.memory_space<hbm>> -> memref<16x1024xf32, #tpu.memory_space<hbm>>
    %dma_wait3A_912 = arith.constant 0 : i32
    %dma_wait3A_913 = tpu.memref_slice %arg3[%add3A_765, %dma_wait3A_912] : memref<4096x1024xf32, #tpu.memory_space<hbm>> -> memref<16x1024xf32, #tpu.memory_space<hbm>>
    tpu.wait_dma2 semaphore(%arg19 : memref<!tpu.dma_semaphore, #tpu.memory_space<semaphore_mem>>) src(%dma_wait3A_913 : memref<16x1024xf32, #tpu.memory_space<hbm>>) dst(%arg9 : memref<16x1024xf32, #tpu.memory_space<vmem>>)
    %add3A_914 = arith.constant 112 : i32
    %add3A_915 = arith.addi %mul3A_2, %add3A_914 : i32
    %dma_start3A_916 = arith.constant 0 : i32
    %dma_start3A_917 = tpu.memref_slice %arg3[%add3A_915, %dma_start3A_916] : memref<4096x1024xf32, #tpu.memory_space<hbm>> -> memref<16x1024xf32, #tpu.memory_space<hbm>>
    %dma_start3A_918 = arith.constant 0 : i32
    %dma_start3A_919 = tpu.memref_slice %arg3[%add3A_915, %dma_start3A_918] : memref<4096x1024xf32, #tpu.memory_space<hbm>> -> memref<16x1024xf32, #tpu.memory_space<hbm>>
    tpu.enqueue_dma source(%dma_start3A_919 : memref<16x1024xf32, #tpu.memory_space<hbm>>) target(%arg10 : memref<16x1024xf32, #tpu.memory_space<vmem>>) target_semaphore(%arg20 : memref<!tpu.dma_semaphore, #tpu.memory_space<semaphore_mem>>)
    %dma_wait3A_920 = arith.constant 0 : i32
    %dma_wait3A_921 = arith.constant 0 : i32
    %dma_wait3A_922 = tpu.memref_slice %arg2[%dma_wait3A_920, %add3A_867, %dma_wait3A_921] : memref<4x4096x1024xf32, #tpu.memory_space<hbm>> -> memref<1x16x1024xf32, #tpu.memory_space<hbm>>
    %dma_wait3A_923 = tpu.memref_squeeze %dma_wait3A_922 : memref<1x16x1024xf32, #tpu.memory_space<hbm>> -> memref<16x1024xf32, #tpu.memory_space<hbm>>
    %dma_wait3A_924 = arith.constant 0 : i32
    %dma_wait3A_925 = tpu.memref_slice %arg2[%dma_wait3A_920, %add3A_867, %dma_wait3A_924] : memref<4x4096x1024xf32, #tpu.memory_space<hbm>> -> memref<1x16x1024xf32, #tpu.memory_space<hbm>>
    %dma_wait3A_926 = tpu.memref_squeeze %dma_wait3A_925 : memref<1x16x1024xf32, #tpu.memory_space<hbm>> -> memref<16x1024xf32, #tpu.memory_space<hbm>>
    tpu.wait_dma2 semaphore(%arg11 : memref<!tpu.dma_semaphore, #tpu.memory_space<semaphore_mem>>) src(%dma_wait3A_926 : memref<16x1024xf32, #tpu.memory_space<hbm>>) dst(%arg5 : memref<16x1024xf32, #tpu.memory_space<vmem>>)
    %parallel_loop3A_927 = arith.constant 0 : i32
    %parallel_loop3A_928 = arith.constant 16384 : i32
    %parallel_loop3A_929 = arith.constant 16 : i32
    scf.for %parallel_loop3A_1200 = %parallel_loop3A_927 to %parallel_loop3A_928 step %parallel_loop3A_929  : i32 {
      %parallel_loop3A_1201 = arith.constant 10 : i32
      %parallel_loop3A_1202 = arith.shrui %parallel_loop3A_1200, %parallel_loop3A_1201 : i32
      %parallel_loop3A_1203 = arith.constant 1023 : i32
      %parallel_loop3A_1204 = arith.andi %parallel_loop3A_1200, %parallel_loop3A_1203 : i32
      %parallel_loop3A_1205 = tpu.assume_multiple %parallel_loop3A_1204, 16 : i32
      %parallel_loop3A_1206 = arith.index_cast %parallel_loop3A_1202 : i32 to index
      %parallel_loop3A_1207 = arith.index_cast %parallel_loop3A_1205 : i32 to index
      %parallel_loop3A_1208 = tpu.vector_load %arg9[%parallel_loop3A_1206, %parallel_loop3A_1207] {strides = array<i32>} : memref<16x1024xf32, #tpu.memory_space<vmem>>, vector<1x16xf32>,
      %parallel_loop3A_1209 = vector.shape_cast %parallel_loop3A_1208 : vector<1x16xf32> to vector<16xf32>
      %parallel_loop3A_1210 = arith.index_cast %parallel_loop3A_1202 : i32 to index
      %parallel_loop3A_1211 = arith.index_cast %parallel_loop3A_1205 : i32 to index
      %parallel_loop3A_1212 = tpu.vector_load %arg5[%parallel_loop3A_1210, %parallel_loop3A_1211] {strides = array<i32>} : memref<16x1024xf32, #tpu.memory_space<vmem>>, vector<1x16xf32>,
      %parallel_loop3A_1213 = vector.shape_cast %parallel_loop3A_1212 : vector<1x16xf32> to vector<16xf32>
      %parallel_loop3A_1214 = vector.shape_cast %parallel_loop3A_1209 : vector<16xf32> to vector<1x16xf32>
      tpu.vector_store %arg5[%parallel_loop3A_1210, %parallel_loop3A_1211], %parallel_loop3A_1214 {add = true, strides = array<i32>} : memref<16x1024xf32, #tpu.memory_space<vmem>>, vector<1x16xf32>,
    } {sc.loop_unroll_factor = 8 : i64, sc.parallel_access}
    %add3A_930 = arith.constant 96 : i32
    %add3A_931 = arith.addi %mul3A_2, %add3A_930 : i32
    %dma_start3A_932 = arith.constant 0 : i32
    %dma_start3A_933 = arith.constant 0 : i32
    %dma_start3A_934 = tpu.memref_slice %arg4[%dma_start3A_932, %add3A_931, %dma_start3A_933] : memref<4x4096x1024xf32, #tpu.memory_space<hbm>> -> memref<1x16x1024xf32, #tpu.memory_space<hbm>>
    %dma_start3A_935 = tpu.memref_squeeze %dma_start3A_934 : memref<1x16x1024xf32, #tpu.memory_space<hbm>> -> memref<16x1024xf32, #tpu.memory_space<hbm>>
    %dma_start3A_936 = arith.constant 0 : i32
    %dma_start3A_937 = tpu.memref_slice %arg4[%dma_start3A_932, %add3A_931, %dma_start3A_936] : memref<4x4096x1024xf32, #tpu.memory_space<hbm>> -> memref<1x16x1024xf32, #tpu.memory_space<hbm>>
    %dma_start3A_938 = tpu.memref_squeeze %dma_start3A_937 : memref<1x16x1024xf32, #tpu.memory_space<hbm>> -> memref<16x1024xf32, #tpu.memory_space<hbm>>
    tpu.enqueue_dma source(%arg5 : memref<16x1024xf32, #tpu.memory_space<vmem>>) target(%dma_start3A_938 : memref<16x1024xf32, #tpu.memory_space<hbm>>) target_semaphore(%arg15 : memref<!tpu.dma_semaphore, #tpu.memory_space<semaphore_mem>>)
    %dma_wait3A_939 = arith.constant 2 : i32
    %dma_wait3A_940 = arith.constant 0 : i32
    %dma_wait3A_941 = tpu.memref_slice %arg4[%dma_wait3A_939, %add3A_851, %dma_wait3A_940] : memref<4x4096x1024xf32, #tpu.memory_space<hbm>> -> memref<1x16x1024xf32, #tpu.memory_space<hbm>>
    %dma_wait3A_942 = tpu.memref_squeeze %dma_wait3A_941 : memref<1x16x1024xf32, #tpu.memory_space<hbm>> -> memref<16x1024xf32, #tpu.memory_space<hbm>>
    %dma_wait3A_943 = arith.constant 0 : i32
    %dma_wait3A_944 = tpu.memref_slice %arg4[%dma_wait3A_939, %add3A_851, %dma_wait3A_943] : memref<4x4096x1024xf32, #tpu.memory_space<hbm>> -> memref<1x16x1024xf32, #tpu.memory_space<hbm>>
    %dma_wait3A_945 = tpu.memref_squeeze %dma_wait3A_944 : memref<1x16x1024xf32, #tpu.memory_space<hbm>> -> memref<16x1024xf32, #tpu.memory_space<hbm>>
    tpu.wait_dma2 semaphore(%arg17 : memref<!tpu.dma_semaphore, #tpu.memory_space<semaphore_mem>>) src(%arg7 : memref<16x1024xf32, #tpu.memory_space<vmem>>) dst(%dma_wait3A_945 : memref<16x1024xf32, #tpu.memory_space<hbm>>)
    %add3A_946 = arith.constant 96 : i32
    %add3A_947 = arith.addi %mul3A_2, %add3A_946 : i32
    %dma_start3A_948 = arith.constant 2 : i32
    %dma_start3A_949 = arith.constant 0 : i32
    %dma_start3A_950 = tpu.memref_slice %arg2[%dma_start3A_948, %add3A_947, %dma_start3A_949] : memref<4x4096x1024xf32, #tpu.memory_space<hbm>> -> memref<1x16x1024xf32, #tpu.memory_space<hbm>>
    %dma_start3A_951 = tpu.memref_squeeze %dma_start3A_950 : memref<1x16x1024xf32, #tpu.memory_space<hbm>> -> memref<16x1024xf32, #tpu.memory_space<hbm>>
    %dma_start3A_952 = arith.constant 0 : i32
    %dma_start3A_953 = tpu.memref_slice %arg2[%dma_start3A_948, %add3A_947, %dma_start3A_952] : memref<4x4096x1024xf32, #tpu.memory_space<hbm>> -> memref<1x16x1024xf32, #tpu.memory_space<hbm>>
    %dma_start3A_954 = tpu.memref_squeeze %dma_start3A_953 : memref<1x16x1024xf32, #tpu.memory_space<hbm>> -> memref<16x1024xf32, #tpu.memory_space<hbm>>
    tpu.enqueue_dma source(%dma_start3A_954 : memref<16x1024xf32, #tpu.memory_space<hbm>>) target(%arg7 : memref<16x1024xf32, #tpu.memory_space<vmem>>) target_semaphore(%arg13 : memref<!tpu.dma_semaphore, #tpu.memory_space<semaphore_mem>>)
    %dma_wait3A_955 = arith.constant 1 : i32
    %dma_wait3A_956 = arith.constant 0 : i32
    %dma_wait3A_957 = tpu.memref_slice %arg2[%dma_wait3A_955, %add3A_902, %dma_wait3A_956] : memref<4x4096x1024xf32, #tpu.memory_space<hbm>> -> memref<1x16x1024xf32, #tpu.memory_space<hbm>>
    %dma_wait3A_958 = tpu.memref_squeeze %dma_wait3A_957 : memref<1x16x1024xf32, #tpu.memory_space<hbm>> -> memref<16x1024xf32, #tpu.memory_space<hbm>>
    %dma_wait3A_959 = arith.constant 0 : i32
    %dma_wait3A_960 = tpu.memref_slice %arg2[%dma_wait3A_955, %add3A_902, %dma_wait3A_959] : memref<4x4096x1024xf32, #tpu.memory_space<hbm>> -> memref<1x16x1024xf32, #tpu.memory_space<hbm>>
    %dma_wait3A_961 = tpu.memref_squeeze %dma_wait3A_960 : memref<1x16x1024xf32, #tpu.memory_space<hbm>> -> memref<16x1024xf32, #tpu.memory_space<hbm>>
    tpu.wait_dma2 semaphore(%arg12 : memref<!tpu.dma_semaphore, #tpu.memory_space<semaphore_mem>>) src(%dma_wait3A_961 : memref<16x1024xf32, #tpu.memory_space<hbm>>) dst(%arg6 : memref<16x1024xf32, #tpu.memory_space<vmem>>)
    %parallel_loop3A_962 = arith.constant 0 : i32
    %parallel_loop3A_963 = arith.constant 16384 : i32
    %parallel_loop3A_964 = arith.constant 16 : i32
    scf.for %parallel_loop3A_1200 = %parallel_loop3A_962 to %parallel_loop3A_963 step %parallel_loop3A_964  : i32 {
      %parallel_loop3A_1201 = arith.constant 10 : i32
      %parallel_loop3A_1202 = arith.shrui %parallel_loop3A_1200, %parallel_loop3A_1201 : i32
      %parallel_loop3A_1203 = arith.constant 1023 : i32
      %parallel_loop3A_1204 = arith.andi %parallel_loop3A_1200, %parallel_loop3A_1203 : i32
      %parallel_loop3A_1205 = tpu.assume_multiple %parallel_loop3A_1204, 16 : i32
      %parallel_loop3A_1206 = arith.index_cast %parallel_loop3A_1202 : i32 to index
      %parallel_loop3A_1207 = arith.index_cast %parallel_loop3A_1205 : i32 to index
      %parallel_loop3A_1208 = tpu.vector_load %arg9[%parallel_loop3A_1206, %parallel_loop3A_1207] {strides = array<i32>} : memref<16x1024xf32, #tpu.memory_space<vmem>>, vector<1x16xf32>,
      %parallel_loop3A_1209 = vector.shape_cast %parallel_loop3A_1208 : vector<1x16xf32> to vector<16xf32>
      %parallel_loop3A_1210 = arith.index_cast %parallel_loop3A_1202 : i32 to index
      %parallel_loop3A_1211 = arith.index_cast %parallel_loop3A_1205 : i32 to index
      %parallel_loop3A_1212 = tpu.vector_load %arg6[%parallel_loop3A_1210, %parallel_loop3A_1211] {strides = array<i32>} : memref<16x1024xf32, #tpu.memory_space<vmem>>, vector<1x16xf32>,
      %parallel_loop3A_1213 = vector.shape_cast %parallel_loop3A_1212 : vector<1x16xf32> to vector<16xf32>
      %parallel_loop3A_1214 = vector.shape_cast %parallel_loop3A_1209 : vector<16xf32> to vector<1x16xf32>
      tpu.vector_store %arg6[%parallel_loop3A_1210, %parallel_loop3A_1211], %parallel_loop3A_1214 {add = true, strides = array<i32>} : memref<16x1024xf32, #tpu.memory_space<vmem>>, vector<1x16xf32>,
    } {sc.loop_unroll_factor = 8 : i64, sc.parallel_access}
    %add3A_965 = arith.constant 96 : i32
    %add3A_966 = arith.addi %mul3A_2, %add3A_965 : i32
    %dma_start3A_967 = arith.constant 1 : i32
    %dma_start3A_968 = arith.constant 0 : i32
    %dma_start3A_969 = tpu.memref_slice %arg4[%dma_start3A_967, %add3A_966, %dma_start3A_968] : memref<4x4096x1024xf32, #tpu.memory_space<hbm>> -> memref<1x16x1024xf32, #tpu.memory_space<hbm>>
    %dma_start3A_970 = tpu.memref_squeeze %dma_start3A_969 : memref<1x16x1024xf32, #tpu.memory_space<hbm>> -> memref<16x1024xf32, #tpu.memory_space<hbm>>
    %dma_start3A_971 = arith.constant 0 : i32
    %dma_start3A_972 = tpu.memref_slice %arg4[%dma_start3A_967, %add3A_966, %dma_start3A_971] : memref<4x4096x1024xf32, #tpu.memory_space<hbm>> -> memref<1x16x1024xf32, #tpu.memory_space<hbm>>
    %dma_start3A_973 = tpu.memref_squeeze %dma_start3A_972 : memref<1x16x1024xf32, #tpu.memory_space<hbm>> -> memref<16x1024xf32, #tpu.memory_space<hbm>>
    tpu.enqueue_dma source(%arg6 : memref<16x1024xf32, #tpu.memory_space<vmem>>) target(%dma_start3A_973 : memref<16x1024xf32, #tpu.memory_space<hbm>>) target_semaphore(%arg16 : memref<!tpu.dma_semaphore, #tpu.memory_space<semaphore_mem>>)
    %dma_wait3A_974 = arith.constant 3 : i32
    %dma_wait3A_975 = arith.constant 0 : i32
    %dma_wait3A_976 = tpu.memref_slice %arg4[%dma_wait3A_974, %add3A_886, %dma_wait3A_975] : memref<4x4096x1024xf32, #tpu.memory_space<hbm>> -> memref<1x16x1024xf32, #tpu.memory_space<hbm>>
    %dma_wait3A_977 = tpu.memref_squeeze %dma_wait3A_976 : memref<1x16x1024xf32, #tpu.memory_space<hbm>> -> memref<16x1024xf32, #tpu.memory_space<hbm>>
    %dma_wait3A_978 = arith.constant 0 : i32
    %dma_wait3A_979 = tpu.memref_slice %arg4[%dma_wait3A_974, %add3A_886, %dma_wait3A_978] : memref<4x4096x1024xf32, #tpu.memory_space<hbm>> -> memref<1x16x1024xf32, #tpu.memory_space<hbm>>
    %dma_wait3A_980 = tpu.memref_squeeze %dma_wait3A_979 : memref<1x16x1024xf32, #tpu.memory_space<hbm>> -> memref<16x1024xf32, #tpu.memory_space<hbm>>
    tpu.wait_dma2 semaphore(%arg18 : memref<!tpu.dma_semaphore, #tpu.memory_space<semaphore_mem>>) src(%arg8 : memref<16x1024xf32, #tpu.memory_space<vmem>>) dst(%dma_wait3A_980 : memref<16x1024xf32, #tpu.memory_space<hbm>>)
    %add3A_981 = arith.constant 96 : i32
    %add3A_982 = arith.addi %mul3A_2, %add3A_981 : i32
    %dma_start3A_983 = arith.constant 3 : i32
    %dma_start3A_984 = arith.constant 0 : i32
    %dma_start3A_985 = tpu.memref_slice %arg2[%dma_start3A_983, %add3A_982, %dma_start3A_984] : memref<4x4096x1024xf32, #tpu.memory_space<hbm>> -> memref<1x16x1024xf32, #tpu.memory_space<hbm>>
    %dma_start3A_986 = tpu.memref_squeeze %dma_start3A_985 : memref<1x16x1024xf32, #tpu.memory_space<hbm>> -> memref<16x1024xf32, #tpu.memory_space<hbm>>
    %dma_start3A_987 = arith.constant 0 : i32
    %dma_start3A_988 = tpu.memref_slice %arg2[%dma_start3A_983, %add3A_982, %dma_start3A_987] : memref<4x4096x1024xf32, #tpu.memory_space<hbm>> -> memref<1x16x1024xf32, #tpu.memory_space<hbm>>
    %dma_start3A_989 = tpu.memref_squeeze %dma_start3A_988 : memref<1x16x1024xf32, #tpu.memory_space<hbm>> -> memref<16x1024xf32, #tpu.memory_space<hbm>>
    tpu.enqueue_dma source(%dma_start3A_989 : memref<16x1024xf32, #tpu.memory_space<hbm>>) target(%arg8 : memref<16x1024xf32, #tpu.memory_space<vmem>>) target_semaphore(%arg14 : memref<!tpu.dma_semaphore, #tpu.memory_space<semaphore_mem>>)
    %dma_wait3A_990 = arith.constant 2 : i32
    %dma_wait3A_991 = arith.constant 0 : i32
    %dma_wait3A_992 = tpu.memref_slice %arg2[%dma_wait3A_990, %add3A_947, %dma_wait3A_991] : memref<4x4096x1024xf32, #tpu.memory_space<hbm>> -> memref<1x16x1024xf32, #tpu.memory_space<hbm>>
    %dma_wait3A_993 = tpu.memref_squeeze %dma_wait3A_992 : memref<1x16x1024xf32, #tpu.memory_space<hbm>> -> memref<16x1024xf32, #tpu.memory_space<hbm>>
    %dma_wait3A_994 = arith.constant 0 : i32
    %dma_wait3A_995 = tpu.memref_slice %arg2[%dma_wait3A_990, %add3A_947, %dma_wait3A_994] : memref<4x4096x1024xf32, #tpu.memory_space<hbm>> -> memref<1x16x1024xf32, #tpu.memory_space<hbm>>
    %dma_wait3A_996 = tpu.memref_squeeze %dma_wait3A_995 : memref<1x16x1024xf32, #tpu.memory_space<hbm>> -> memref<16x1024xf32, #tpu.memory_space<hbm>>
    tpu.wait_dma2 semaphore(%arg13 : memref<!tpu.dma_semaphore, #tpu.memory_space<semaphore_mem>>) src(%dma_wait3A_996 : memref<16x1024xf32, #tpu.memory_space<hbm>>) dst(%arg7 : memref<16x1024xf32, #tpu.memory_space<vmem>>)
    %parallel_loop3A_997 = arith.constant 0 : i32
    %parallel_loop3A_998 = arith.constant 16384 : i32
    %parallel_loop3A_999 = arith.constant 16 : i32
    scf.for %parallel_loop3A_1200 = %parallel_loop3A_997 to %parallel_loop3A_998 step %parallel_loop3A_999  : i32 {
      %parallel_loop3A_1201 = arith.constant 10 : i32
      %parallel_loop3A_1202 = arith.shrui %parallel_loop3A_1200, %parallel_loop3A_1201 : i32
      %parallel_loop3A_1203 = arith.constant 1023 : i32
      %parallel_loop3A_1204 = arith.andi %parallel_loop3A_1200, %parallel_loop3A_1203 : i32
      %parallel_loop3A_1205 = tpu.assume_multiple %parallel_loop3A_1204, 16 : i32
      %parallel_loop3A_1206 = arith.index_cast %parallel_loop3A_1202 : i32 to index
      %parallel_loop3A_1207 = arith.index_cast %parallel_loop3A_1205 : i32 to index
      %parallel_loop3A_1208 = tpu.vector_load %arg9[%parallel_loop3A_1206, %parallel_loop3A_1207] {strides = array<i32>} : memref<16x1024xf32, #tpu.memory_space<vmem>>, vector<1x16xf32>,
      %parallel_loop3A_1209 = vector.shape_cast %parallel_loop3A_1208 : vector<1x16xf32> to vector<16xf32>
      %parallel_loop3A_1210 = arith.index_cast %parallel_loop3A_1202 : i32 to index
      %parallel_loop3A_1211 = arith.index_cast %parallel_loop3A_1205 : i32 to index
      %parallel_loop3A_1212 = tpu.vector_load %arg7[%parallel_loop3A_1210, %parallel_loop3A_1211] {strides = array<i32>} : memref<16x1024xf32, #tpu.memory_space<vmem>>, vector<1x16xf32>,
      %parallel_loop3A_1213 = vector.shape_cast %parallel_loop3A_1212 : vector<1x16xf32> to vector<16xf32>
      %parallel_loop3A_1214 = vector.shape_cast %parallel_loop3A_1209 : vector<16xf32> to vector<1x16xf32>
      tpu.vector_store %arg7[%parallel_loop3A_1210, %parallel_loop3A_1211], %parallel_loop3A_1214 {add = true, strides = array<i32>} : memref<16x1024xf32, #tpu.memory_space<vmem>>, vector<1x16xf32>,
    } {sc.loop_unroll_factor = 8 : i64, sc.parallel_access}
    %add3A_1000 = arith.constant 96 : i32
    %add3A_1001 = arith.addi %mul3A_2, %add3A_1000 : i32
    %dma_start3A_1002 = arith.constant 2 : i32
    %dma_start3A_1003 = arith.constant 0 : i32
    %dma_start3A_1004 = tpu.memref_slice %arg4[%dma_start3A_1002, %add3A_1001, %dma_start3A_1003] : memref<4x4096x1024xf32, #tpu.memory_space<hbm>> -> memref<1x16x1024xf32, #tpu.memory_space<hbm>>
    %dma_start3A_1005 = tpu.memref_squeeze %dma_start3A_1004 : memref<1x16x1024xf32, #tpu.memory_space<hbm>> -> memref<16x1024xf32, #tpu.memory_space<hbm>>
    %dma_start3A_1006 = arith.constant 0 : i32
    %dma_start3A_1007 = tpu.memref_slice %arg4[%dma_start3A_1002, %add3A_1001, %dma_start3A_1006] : memref<4x4096x1024xf32, #tpu.memory_space<hbm>> -> memref<1x16x1024xf32, #tpu.memory_space<hbm>>
    %dma_start3A_1008 = tpu.memref_squeeze %dma_start3A_1007 : memref<1x16x1024xf32, #tpu.memory_space<hbm>> -> memref<16x1024xf32, #tpu.memory_space<hbm>>
    tpu.enqueue_dma source(%arg7 : memref<16x1024xf32, #tpu.memory_space<vmem>>) target(%dma_start3A_1008 : memref<16x1024xf32, #tpu.memory_space<hbm>>) target_semaphore(%arg17 : memref<!tpu.dma_semaphore, #tpu.memory_space<semaphore_mem>>)
    %dma_wait3A_1009 = arith.constant 0 : i32
    %dma_wait3A_1010 = arith.constant 0 : i32
    %dma_wait3A_1011 = tpu.memref_slice %arg4[%dma_wait3A_1009, %add3A_931, %dma_wait3A_1010] : memref<4x4096x1024xf32, #tpu.memory_space<hbm>> -> memref<1x16x1024xf32, #tpu.memory_space<hbm>>
    %dma_wait3A_1012 = tpu.memref_squeeze %dma_wait3A_1011 : memref<1x16x1024xf32, #tpu.memory_space<hbm>> -> memref<16x1024xf32, #tpu.memory_space<hbm>>
    %dma_wait3A_1013 = arith.constant 0 : i32
    %dma_wait3A_1014 = tpu.memref_slice %arg4[%dma_wait3A_1009, %add3A_931, %dma_wait3A_1013] : memref<4x4096x1024xf32, #tpu.memory_space<hbm>> -> memref<1x16x1024xf32, #tpu.memory_space<hbm>>
    %dma_wait3A_1015 = tpu.memref_squeeze %dma_wait3A_1014 : memref<1x16x1024xf32, #tpu.memory_space<hbm>> -> memref<16x1024xf32, #tpu.memory_space<hbm>>
    tpu.wait_dma2 semaphore(%arg15 : memref<!tpu.dma_semaphore, #tpu.memory_space<semaphore_mem>>) src(%arg5 : memref<16x1024xf32, #tpu.memory_space<vmem>>) dst(%dma_wait3A_1015 : memref<16x1024xf32, #tpu.memory_space<hbm>>)
    %add3A_1016 = arith.constant 112 : i32
    %add3A_1017 = arith.addi %mul3A_2, %add3A_1016 : i32
    %dma_start3A_1018 = arith.constant 0 : i32
    %dma_start3A_1019 = arith.constant 0 : i32
    %dma_start3A_1020 = tpu.memref_slice %arg2[%dma_start3A_1018, %add3A_1017, %dma_start3A_1019] : memref<4x4096x1024xf32, #tpu.memory_space<hbm>> -> memref<1x16x1024xf32, #tpu.memory_space<hbm>>
    %dma_start3A_1021 = tpu.memref_squeeze %dma_start3A_1020 : memref<1x16x1024xf32, #tpu.memory_space<hbm>> -> memref<16x1024xf32, #tpu.memory_space<hbm>>
    %dma_start3A_1022 = arith.constant 0 : i32
    %dma_start3A_1023 = tpu.memref_slice %arg2[%dma_start3A_1018, %add3A_1017, %dma_start3A_1022] : memref<4x4096x1024xf32, #tpu.memory_space<hbm>> -> memref<1x16x1024xf32, #tpu.memory_space<hbm>>
    %dma_start3A_1024 = tpu.memref_squeeze %dma_start3A_1023 : memref<1x16x1024xf32, #tpu.memory_space<hbm>> -> memref<16x1024xf32, #tpu.memory_space<hbm>>
    tpu.enqueue_dma source(%dma_start3A_1024 : memref<16x1024xf32, #tpu.memory_space<hbm>>) target(%arg5 : memref<16x1024xf32, #tpu.memory_space<vmem>>) target_semaphore(%arg11 : memref<!tpu.dma_semaphore, #tpu.memory_space<semaphore_mem>>)
    %dma_wait3A_1025 = arith.constant 3 : i32
    %dma_wait3A_1026 = arith.constant 0 : i32
    %dma_wait3A_1027 = tpu.memref_slice %arg2[%dma_wait3A_1025, %add3A_982, %dma_wait3A_1026] : memref<4x4096x1024xf32, #tpu.memory_space<hbm>> -> memref<1x16x1024xf32, #tpu.memory_space<hbm>>
    %dma_wait3A_1028 = tpu.memref_squeeze %dma_wait3A_1027 : memref<1x16x1024xf32, #tpu.memory_space<hbm>> -> memref<16x1024xf32, #tpu.memory_space<hbm>>
    %dma_wait3A_1029 = arith.constant 0 : i32
    %dma_wait3A_1030 = tpu.memref_slice %arg2[%dma_wait3A_1025, %add3A_982, %dma_wait3A_1029] : memref<4x4096x1024xf32, #tpu.memory_space<hbm>> -> memref<1x16x1024xf32, #tpu.memory_space<hbm>>
    %dma_wait3A_1031 = tpu.memref_squeeze %dma_wait3A_1030 : memref<1x16x1024xf32, #tpu.memory_space<hbm>> -> memref<16x1024xf32, #tpu.memory_space<hbm>>
    tpu.wait_dma2 semaphore(%arg14 : memref<!tpu.dma_semaphore, #tpu.memory_space<semaphore_mem>>) src(%dma_wait3A_1031 : memref<16x1024xf32, #tpu.memory_space<hbm>>) dst(%arg8 : memref<16x1024xf32, #tpu.memory_space<vmem>>)
    %parallel_loop3A_1032 = arith.constant 0 : i32
    %parallel_loop3A_1033 = arith.constant 16384 : i32
    %parallel_loop3A_1034 = arith.constant 16 : i32
    scf.for %parallel_loop3A_1200 = %parallel_loop3A_1032 to %parallel_loop3A_1033 step %parallel_loop3A_1034  : i32 {
      %parallel_loop3A_1201 = arith.constant 10 : i32
      %parallel_loop3A_1202 = arith.shrui %parallel_loop3A_1200, %parallel_loop3A_1201 : i32
      %parallel_loop3A_1203 = arith.constant 1023 : i32
      %parallel_loop3A_1204 = arith.andi %parallel_loop3A_1200, %parallel_loop3A_1203 : i32
      %parallel_loop3A_1205 = tpu.assume_multiple %parallel_loop3A_1204, 16 : i32
      %parallel_loop3A_1206 = arith.index_cast %parallel_loop3A_1202 : i32 to index
      %parallel_loop3A_1207 = arith.index_cast %parallel_loop3A_1205 : i32 to index
      %parallel_loop3A_1208 = tpu.vector_load %arg9[%parallel_loop3A_1206, %parallel_loop3A_1207] {strides = array<i32>} : memref<16x1024xf32, #tpu.memory_space<vmem>>, vector<1x16xf32>,
      %parallel_loop3A_1209 = vector.shape_cast %parallel_loop3A_1208 : vector<1x16xf32> to vector<16xf32>
      %parallel_loop3A_1210 = arith.index_cast %parallel_loop3A_1202 : i32 to index
      %parallel_loop3A_1211 = arith.index_cast %parallel_loop3A_1205 : i32 to index
      %parallel_loop3A_1212 = tpu.vector_load %arg8[%parallel_loop3A_1210, %parallel_loop3A_1211] {strides = array<i32>} : memref<16x1024xf32, #tpu.memory_space<vmem>>, vector<1x16xf32>,
      %parallel_loop3A_1213 = vector.shape_cast %parallel_loop3A_1212 : vector<1x16xf32> to vector<16xf32>
      %parallel_loop3A_1214 = vector.shape_cast %parallel_loop3A_1209 : vector<16xf32> to vector<1x16xf32>
      tpu.vector_store %arg8[%parallel_loop3A_1210, %parallel_loop3A_1211], %parallel_loop3A_1214 {add = true, strides = array<i32>} : memref<16x1024xf32, #tpu.memory_space<vmem>>, vector<1x16xf32>,
    } {sc.loop_unroll_factor = 8 : i64, sc.parallel_access}
    %add3A_1035 = arith.constant 96 : i32
    %add3A_1036 = arith.addi %mul3A_2, %add3A_1035 : i32
    %dma_start3A_1037 = arith.constant 3 : i32
    %dma_start3A_1038 = arith.constant 0 : i32
    %dma_start3A_1039 = tpu.memref_slice %arg4[%dma_start3A_1037, %add3A_1036, %dma_start3A_1038] : memref<4x4096x1024xf32, #tpu.memory_space<hbm>> -> memref<1x16x1024xf32, #tpu.memory_space<hbm>>
    %dma_start3A_1040 = tpu.memref_squeeze %dma_start3A_1039 : memref<1x16x1024xf32, #tpu.memory_space<hbm>> -> memref<16x1024xf32, #tpu.memory_space<hbm>>
    %dma_start3A_1041 = arith.constant 0 : i32
    %dma_start3A_1042 = tpu.memref_slice %arg4[%dma_start3A_1037, %add3A_1036, %dma_start3A_1041] : memref<4x4096x1024xf32, #tpu.memory_space<hbm>> -> memref<1x16x1024xf32, #tpu.memory_space<hbm>>
    %dma_start3A_1043 = tpu.memref_squeeze %dma_start3A_1042 : memref<1x16x1024xf32, #tpu.memory_space<hbm>> -> memref<16x1024xf32, #tpu.memory_space<hbm>>
    tpu.enqueue_dma source(%arg8 : memref<16x1024xf32, #tpu.memory_space<vmem>>) target(%dma_start3A_1043 : memref<16x1024xf32, #tpu.memory_space<hbm>>) target_semaphore(%arg18 : memref<!tpu.dma_semaphore, #tpu.memory_space<semaphore_mem>>)
    %dma_wait3A_1044 = arith.constant 1 : i32
    %dma_wait3A_1045 = arith.constant 0 : i32
    %dma_wait3A_1046 = tpu.memref_slice %arg4[%dma_wait3A_1044, %add3A_966, %dma_wait3A_1045] : memref<4x4096x1024xf32, #tpu.memory_space<hbm>> -> memref<1x16x1024xf32, #tpu.memory_space<hbm>>
    %dma_wait3A_1047 = tpu.memref_squeeze %dma_wait3A_1046 : memref<1x16x1024xf32, #tpu.memory_space<hbm>> -> memref<16x1024xf32, #tpu.memory_space<hbm>>
    %dma_wait3A_1048 = arith.constant 0 : i32
    %dma_wait3A_1049 = tpu.memref_slice %arg4[%dma_wait3A_1044, %add3A_966, %dma_wait3A_1048] : memref<4x4096x1024xf32, #tpu.memory_space<hbm>> -> memref<1x16x1024xf32, #tpu.memory_space<hbm>>
    %dma_wait3A_1050 = tpu.memref_squeeze %dma_wait3A_1049 : memref<1x16x1024xf32, #tpu.memory_space<hbm>> -> memref<16x1024xf32, #tpu.memory_space<hbm>>
    tpu.wait_dma2 semaphore(%arg16 : memref<!tpu.dma_semaphore, #tpu.memory_space<semaphore_mem>>) src(%arg6 : memref<16x1024xf32, #tpu.memory_space<vmem>>) dst(%dma_wait3A_1050 : memref<16x1024xf32, #tpu.memory_space<hbm>>)
    %add3A_1051 = arith.constant 112 : i32
    %add3A_1052 = arith.addi %mul3A_2, %add3A_1051 : i32
    %dma_start3A_1053 = arith.constant 1 : i32
    %dma_start3A_1054 = arith.constant 0 : i32
    %dma_start3A_1055 = tpu.memref_slice %arg2[%dma_start3A_1053, %add3A_1052, %dma_start3A_1054] : memref<4x4096x1024xf32, #tpu.memory_space<hbm>> -> memref<1x16x1024xf32, #tpu.memory_space<hbm>>
    %dma_start3A_1056 = tpu.memref_squeeze %dma_start3A_1055 : memref<1x16x1024xf32, #tpu.memory_space<hbm>> -> memref<16x1024xf32, #tpu.memory_space<hbm>>
    %dma_start3A_1057 = arith.constant 0 : i32
    %dma_start3A_1058 = tpu.memref_slice %arg2[%dma_start3A_1053, %add3A_1052, %dma_start3A_1057] : memref<4x4096x1024xf32, #tpu.memory_space<hbm>> -> memref<1x16x1024xf32, #tpu.memory_space<hbm>>
    %dma_start3A_1059 = tpu.memref_squeeze %dma_start3A_1058 : memref<1x16x1024xf32, #tpu.memory_space<hbm>> -> memref<16x1024xf32, #tpu.memory_space<hbm>>
    tpu.enqueue_dma source(%dma_start3A_1059 : memref<16x1024xf32, #tpu.memory_space<hbm>>) target(%arg6 : memref<16x1024xf32, #tpu.memory_space<vmem>>) target_semaphore(%arg12 : memref<!tpu.dma_semaphore, #tpu.memory_space<semaphore_mem>>)
    %dma_wait3A_1060 = arith.constant 0 : i32
    %dma_wait3A_1061 = tpu.memref_slice %arg3[%add3A_915, %dma_wait3A_1060] : memref<4096x1024xf32, #tpu.memory_space<hbm>> -> memref<16x1024xf32, #tpu.memory_space<hbm>>
    %dma_wait3A_1062 = arith.constant 0 : i32
    %dma_wait3A_1063 = tpu.memref_slice %arg3[%add3A_915, %dma_wait3A_1062] : memref<4096x1024xf32, #tpu.memory_space<hbm>> -> memref<16x1024xf32, #tpu.memory_space<hbm>>
    tpu.wait_dma2 semaphore(%arg20 : memref<!tpu.dma_semaphore, #tpu.memory_space<semaphore_mem>>) src(%dma_wait3A_1063 : memref<16x1024xf32, #tpu.memory_space<hbm>>) dst(%arg10 : memref<16x1024xf32, #tpu.memory_space<vmem>>)
    %dma_wait3A_1064 = arith.constant 0 : i32
    %dma_wait3A_1065 = arith.constant 0 : i32
    %dma_wait3A_1066 = tpu.memref_slice %arg2[%dma_wait3A_1064, %add3A_1017, %dma_wait3A_1065] : memref<4x4096x1024xf32, #tpu.memory_space<hbm>> -> memref<1x16x1024xf32, #tpu.memory_space<hbm>>
    %dma_wait3A_1067 = tpu.memref_squeeze %dma_wait3A_1066 : memref<1x16x1024xf32, #tpu.memory_space<hbm>> -> memref<16x1024xf32, #tpu.memory_space<hbm>>
    %dma_wait3A_1068 = arith.constant 0 : i32
    %dma_wait3A_1069 = tpu.memref_slice %arg2[%dma_wait3A_1064, %add3A_1017, %dma_wait3A_1068] : memref<4x4096x1024xf32, #tpu.memory_space<hbm>> -> memref<1x16x1024xf32, #tpu.memory_space<hbm>>
    %dma_wait3A_1070 = tpu.memref_squeeze %dma_wait3A_1069 : memref<1x16x1024xf32, #tpu.memory_space<hbm>> -> memref<16x1024xf32, #tpu.memory_space<hbm>>
    tpu.wait_dma2 semaphore(%arg11 : memref<!tpu.dma_semaphore, #tpu.memory_space<semaphore_mem>>) src(%dma_wait3A_1070 : memref<16x1024xf32, #tpu.memory_space<hbm>>) dst(%arg5 : memref<16x1024xf32, #tpu.memory_space<vmem>>)
    %parallel_loop3A_1071 = arith.constant 0 : i32
    %parallel_loop3A_1072 = arith.constant 16384 : i32
    %parallel_loop3A_1073 = arith.constant 16 : i32
    scf.for %parallel_loop3A_1200 = %parallel_loop3A_1071 to %parallel_loop3A_1072 step %parallel_loop3A_1073  : i32 {
      %parallel_loop3A_1201 = arith.constant 10 : i32
      %parallel_loop3A_1202 = arith.shrui %parallel_loop3A_1200, %parallel_loop3A_1201 : i32
      %parallel_loop3A_1203 = arith.constant 1023 : i32
      %parallel_loop3A_1204 = arith.andi %parallel_loop3A_1200, %parallel_loop3A_1203 : i32
      %parallel_loop3A_1205 = tpu.assume_multiple %parallel_loop3A_1204, 16 : i32
      %parallel_loop3A_1206 = arith.index_cast %parallel_loop3A_1202 : i32 to index
      %parallel_loop3A_1207 = arith.index_cast %parallel_loop3A_1205 : i32 to index
      %parallel_loop3A_1208 = tpu.vector_load %arg10[%parallel_loop3A_1206, %parallel_loop3A_1207] {strides = array<i32>} : memref<16x1024xf32, #tpu.memory_space<vmem>>, vector<1x16xf32>,
      %parallel_loop3A_1209 = vector.shape_cast %parallel_loop3A_1208 : vector<1x16xf32> to vector<16xf32>
      %parallel_loop3A_1210 = arith.index_cast %parallel_loop3A_1202 : i32 to index
      %parallel_loop3A_1211 = arith.index_cast %parallel_loop3A_1205 : i32 to index
      %parallel_loop3A_1212 = tpu.vector_load %arg5[%parallel_loop3A_1210, %parallel_loop3A_1211] {strides = array<i32>} : memref<16x1024xf32, #tpu.memory_space<vmem>>, vector<1x16xf32>,
      %parallel_loop3A_1213 = vector.shape_cast %parallel_loop3A_1212 : vector<1x16xf32> to vector<16xf32>
      %parallel_loop3A_1214 = vector.shape_cast %parallel_loop3A_1209 : vector<16xf32> to vector<1x16xf32>
      tpu.vector_store %arg5[%parallel_loop3A_1210, %parallel_loop3A_1211], %parallel_loop3A_1214 {add = true, strides = array<i32>} : memref<16x1024xf32, #tpu.memory_space<vmem>>, vector<1x16xf32>,
    } {sc.loop_unroll_factor = 8 : i64, sc.parallel_access}
    %add3A_1074 = arith.constant 112 : i32
    %add3A_1075 = arith.addi %mul3A_2, %add3A_1074 : i32
    %dma_start3A_1076 = arith.constant 0 : i32
    %dma_start3A_1077 = arith.constant 0 : i32
    %dma_start3A_1078 = tpu.memref_slice %arg4[%dma_start3A_1076, %add3A_1075, %dma_start3A_1077] : memref<4x4096x1024xf32, #tpu.memory_space<hbm>> -> memref<1x16x1024xf32, #tpu.memory_space<hbm>>
    %dma_start3A_1079 = tpu.memref_squeeze %dma_start3A_1078 : memref<1x16x1024xf32, #tpu.memory_space<hbm>> -> memref<16x1024xf32, #tpu.memory_space<hbm>>
    %dma_start3A_1080 = arith.constant 0 : i32
    %dma_start3A_1081 = tpu.memref_slice %arg4[%dma_start3A_1076, %add3A_1075, %dma_start3A_1080] : memref<4x4096x1024xf32, #tpu.memory_space<hbm>> -> memref<1x16x1024xf32, #tpu.memory_space<hbm>>
    %dma_start3A_1082 = tpu.memref_squeeze %dma_start3A_1081 : memref<1x16x1024xf32, #tpu.memory_space<hbm>> -> memref<16x1024xf32, #tpu.memory_space<hbm>>
    tpu.enqueue_dma source(%arg5 : memref<16x1024xf32, #tpu.memory_space<vmem>>) target(%dma_start3A_1082 : memref<16x1024xf32, #tpu.memory_space<hbm>>) target_semaphore(%arg15 : memref<!tpu.dma_semaphore, #tpu.memory_space<semaphore_mem>>)
    %dma_wait3A_1083 = arith.constant 2 : i32
    %dma_wait3A_1084 = arith.constant 0 : i32
    %dma_wait3A_1085 = tpu.memref_slice %arg4[%dma_wait3A_1083, %add3A_1001, %dma_wait3A_1084] : memref<4x4096x1024xf32, #tpu.memory_space<hbm>> -> memref<1x16x1024xf32, #tpu.memory_space<hbm>>
    %dma_wait3A_1086 = tpu.memref_squeeze %dma_wait3A_1085 : memref<1x16x1024xf32, #tpu.memory_space<hbm>> -> memref<16x1024xf32, #tpu.memory_space<hbm>>
    %dma_wait3A_1087 = arith.constant 0 : i32
    %dma_wait3A_1088 = tpu.memref_slice %arg4[%dma_wait3A_1083, %add3A_1001, %dma_wait3A_1087] : memref<4x4096x1024xf32, #tpu.memory_space<hbm>> -> memref<1x16x1024xf32, #tpu.memory_space<hbm>>
    %dma_wait3A_1089 = tpu.memref_squeeze %dma_wait3A_1088 : memref<1x16x1024xf32, #tpu.memory_space<hbm>> -> memref<16x1024xf32, #tpu.memory_space<hbm>>
    tpu.wait_dma2 semaphore(%arg17 : memref<!tpu.dma_semaphore, #tpu.memory_space<semaphore_mem>>) src(%arg7 : memref<16x1024xf32, #tpu.memory_space<vmem>>) dst(%dma_wait3A_1089 : memref<16x1024xf32, #tpu.memory_space<hbm>>)
    %add3A_1090 = arith.constant 112 : i32
    %add3A_1091 = arith.addi %mul3A_2, %add3A_1090 : i32
    %dma_start3A_1092 = arith.constant 2 : i32
    %dma_start3A_1093 = arith.constant 0 : i32
    %dma_start3A_1094 = tpu.memref_slice %arg2[%dma_start3A_1092, %add3A_1091, %dma_start3A_1093] : memref<4x4096x1024xf32, #tpu.memory_space<hbm>> -> memref<1x16x1024xf32, #tpu.memory_space<hbm>>
    %dma_start3A_1095 = tpu.memref_squeeze %dma_start3A_1094 : memref<1x16x1024xf32, #tpu.memory_space<hbm>> -> memref<16x1024xf32, #tpu.memory_space<hbm>>
    %dma_start3A_1096 = arith.constant 0 : i32
    %dma_start3A_1097 = tpu.memref_slice %arg2[%dma_start3A_1092, %add3A_1091, %dma_start3A_1096] : memref<4x4096x1024xf32, #tpu.memory_space<hbm>> -> memref<1x16x1024xf32, #tpu.memory_space<hbm>>
    %dma_start3A_1098 = tpu.memref_squeeze %dma_start3A_1097 : memref<1x16x1024xf32, #tpu.memory_space<hbm>> -> memref<16x1024xf32, #tpu.memory_space<hbm>>
    tpu.enqueue_dma source(%dma_start3A_1098 : memref<16x1024xf32, #tpu.memory_space<hbm>>) target(%arg7 : memref<16x1024xf32, #tpu.memory_space<vmem>>) target_semaphore(%arg13 : memref<!tpu.dma_semaphore, #tpu.memory_space<semaphore_mem>>)
    %dma_wait3A_1099 = arith.constant 1 : i32
    %dma_wait3A_1100 = arith.constant 0 : i32
    %dma_wait3A_1101 = tpu.memref_slice %arg2[%dma_wait3A_1099, %add3A_1052, %dma_wait3A_1100] : memref<4x4096x1024xf32, #tpu.memory_space<hbm>> -> memref<1x16x1024xf32, #tpu.memory_space<hbm>>
    %dma_wait3A_1102 = tpu.memref_squeeze %dma_wait3A_1101 : memref<1x16x1024xf32, #tpu.memory_space<hbm>> -> memref<16x1024xf32, #tpu.memory_space<hbm>>
    %dma_wait3A_1103 = arith.constant 0 : i32
    %dma_wait3A_1104 = tpu.memref_slice %arg2[%dma_wait3A_1099, %add3A_1052, %dma_wait3A_1103] : memref<4x4096x1024xf32, #tpu.memory_space<hbm>> -> memref<1x16x1024xf32, #tpu.memory_space<hbm>>
    %dma_wait3A_1105 = tpu.memref_squeeze %dma_wait3A_1104 : memref<1x16x1024xf32, #tpu.memory_space<hbm>> -> memref<16x1024xf32, #tpu.memory_space<hbm>>
    tpu.wait_dma2 semaphore(%arg12 : memref<!tpu.dma_semaphore, #tpu.memory_space<semaphore_mem>>) src(%dma_wait3A_1105 : memref<16x1024xf32, #tpu.memory_space<hbm>>) dst(%arg6 : memref<16x1024xf32, #tpu.memory_space<vmem>>)
    %parallel_loop3A_1106 = arith.constant 0 : i32
    %parallel_loop3A_1107 = arith.constant 16384 : i32
    %parallel_loop3A_1108 = arith.constant 16 : i32
    scf.for %parallel_loop3A_1200 = %parallel_loop3A_1106 to %parallel_loop3A_1107 step %parallel_loop3A_1108  : i32 {
      %parallel_loop3A_1201 = arith.constant 10 : i32
      %parallel_loop3A_1202 = arith.shrui %parallel_loop3A_1200, %parallel_loop3A_1201 : i32
      %parallel_loop3A_1203 = arith.constant 1023 : i32
      %parallel_loop3A_1204 = arith.andi %parallel_loop3A_1200, %parallel_loop3A_1203 : i32
      %parallel_loop3A_1205 = tpu.assume_multiple %parallel_loop3A_1204, 16 : i32
      %parallel_loop3A_1206 = arith.index_cast %parallel_loop3A_1202 : i32 to index
      %parallel_loop3A_1207 = arith.index_cast %parallel_loop3A_1205 : i32 to index
      %parallel_loop3A_1208 = tpu.vector_load %arg10[%parallel_loop3A_1206, %parallel_loop3A_1207] {strides = array<i32>} : memref<16x1024xf32, #tpu.memory_space<vmem>>, vector<1x16xf32>,
      %parallel_loop3A_1209 = vector.shape_cast %parallel_loop3A_1208 : vector<1x16xf32> to vector<16xf32>
      %parallel_loop3A_1210 = arith.index_cast %parallel_loop3A_1202 : i32 to index
      %parallel_loop3A_1211 = arith.index_cast %parallel_loop3A_1205 : i32 to index
      %parallel_loop3A_1212 = tpu.vector_load %arg6[%parallel_loop3A_1210, %parallel_loop3A_1211] {strides = array<i32>} : memref<16x1024xf32, #tpu.memory_space<vmem>>, vector<1x16xf32>,
      %parallel_loop3A_1213 = vector.shape_cast %parallel_loop3A_1212 : vector<1x16xf32> to vector<16xf32>
      %parallel_loop3A_1214 = vector.shape_cast %parallel_loop3A_1209 : vector<16xf32> to vector<1x16xf32>
      tpu.vector_store %arg6[%parallel_loop3A_1210, %parallel_loop3A_1211], %parallel_loop3A_1214 {add = true, strides = array<i32>} : memref<16x1024xf32, #tpu.memory_space<vmem>>, vector<1x16xf32>,
    } {sc.loop_unroll_factor = 8 : i64, sc.parallel_access}
    %add3A_1109 = arith.constant 112 : i32
    %add3A_1110 = arith.addi %mul3A_2, %add3A_1109 : i32
    %dma_start3A_1111 = arith.constant 1 : i32
    %dma_start3A_1112 = arith.constant 0 : i32
    %dma_start3A_1113 = tpu.memref_slice %arg4[%dma_start3A_1111, %add3A_1110, %dma_start3A_1112] : memref<4x4096x1024xf32, #tpu.memory_space<hbm>> -> memref<1x16x1024xf32, #tpu.memory_space<hbm>>
    %dma_start3A_1114 = tpu.memref_squeeze %dma_start3A_1113 : memref<1x16x1024xf32, #tpu.memory_space<hbm>> -> memref<16x1024xf32, #tpu.memory_space<hbm>>
    %dma_start3A_1115 = arith.constant 0 : i32
    %dma_start3A_1116 = tpu.memref_slice %arg4[%dma_start3A_1111, %add3A_1110, %dma_start3A_1115] : memref<4x4096x1024xf32, #tpu.memory_space<hbm>> -> memref<1x16x1024xf32, #tpu.memory_space<hbm>>
    %dma_start3A_1117 = tpu.memref_squeeze %dma_start3A_1116 : memref<1x16x1024xf32, #tpu.memory_space<hbm>> -> memref<16x1024xf32, #tpu.memory_space<hbm>>
    tpu.enqueue_dma source(%arg6 : memref<16x1024xf32, #tpu.memory_space<vmem>>) target(%dma_start3A_1117 : memref<16x1024xf32, #tpu.memory_space<hbm>>) target_semaphore(%arg16 : memref<!tpu.dma_semaphore, #tpu.memory_space<semaphore_mem>>)
    %dma_wait3A_1118 = arith.constant 3 : i32
    %dma_wait3A_1119 = arith.constant 0 : i32
    %dma_wait3A_1120 = tpu.memref_slice %arg4[%dma_wait3A_1118, %add3A_1036, %dma_wait3A_1119] : memref<4x4096x1024xf32, #tpu.memory_space<hbm>> -> memref<1x16x1024xf32, #tpu.memory_space<hbm>>
    %dma_wait3A_1121 = tpu.memref_squeeze %dma_wait3A_1120 : memref<1x16x1024xf32, #tpu.memory_space<hbm>> -> memref<16x1024xf32, #tpu.memory_space<hbm>>
    %dma_wait3A_1122 = arith.constant 0 : i32
    %dma_wait3A_1123 = tpu.memref_slice %arg4[%dma_wait3A_1118, %add3A_1036, %dma_wait3A_1122] : memref<4x4096x1024xf32, #tpu.memory_space<hbm>> -> memref<1x16x1024xf32, #tpu.memory_space<hbm>>
    %dma_wait3A_1124 = tpu.memref_squeeze %dma_wait3A_1123 : memref<1x16x1024xf32, #tpu.memory_space<hbm>> -> memref<16x1024xf32, #tpu.memory_space<hbm>>
    tpu.wait_dma2 semaphore(%arg18 : memref<!tpu.dma_semaphore, #tpu.memory_space<semaphore_mem>>) src(%arg8 : memref<16x1024xf32, #tpu.memory_space<vmem>>) dst(%dma_wait3A_1124 : memref<16x1024xf32, #tpu.memory_space<hbm>>)
    %add3A_1125 = arith.constant 112 : i32
    %add3A_1126 = arith.addi %mul3A_2, %add3A_1125 : i32
    %dma_start3A_1127 = arith.constant 3 : i32
    %dma_start3A_1128 = arith.constant 0 : i32
    %dma_start3A_1129 = tpu.memref_slice %arg2[%dma_start3A_1127, %add3A_1126, %dma_start3A_1128] : memref<4x4096x1024xf32, #tpu.memory_space<hbm>> -> memref<1x16x1024xf32, #tpu.memory_space<hbm>>
    %dma_start3A_1130 = tpu.memref_squeeze %dma_start3A_1129 : memref<1x16x1024xf32, #tpu.memory_space<hbm>> -> memref<16x1024xf32, #tpu.memory_space<hbm>>
    %dma_start3A_1131 = arith.constant 0 : i32
    %dma_start3A_1132 = tpu.memref_slice %arg2[%dma_start3A_1127, %add3A_1126, %dma_start3A_1131] : memref<4x4096x1024xf32, #tpu.memory_space<hbm>> -> memref<1x16x1024xf32, #tpu.memory_space<hbm>>
    %dma_start3A_1133 = tpu.memref_squeeze %dma_start3A_1132 : memref<1x16x1024xf32, #tpu.memory_space<hbm>> -> memref<16x1024xf32, #tpu.memory_space<hbm>>
    tpu.enqueue_dma source(%dma_start3A_1133 : memref<16x1024xf32, #tpu.memory_space<hbm>>) target(%arg8 : memref<16x1024xf32, #tpu.memory_space<vmem>>) target_semaphore(%arg14 : memref<!tpu.dma_semaphore, #tpu.memory_space<semaphore_mem>>)
    %dma_wait3A_1134 = arith.constant 2 : i32
    %dma_wait3A_1135 = arith.constant 0 : i32
    %dma_wait3A_1136 = tpu.memref_slice %arg2[%dma_wait3A_1134, %add3A_1091, %dma_wait3A_1135] : memref<4x4096x1024xf32, #tpu.memory_space<hbm>> -> memref<1x16x1024xf32, #tpu.memory_space<hbm>>
    %dma_wait3A_1137 = tpu.memref_squeeze %dma_wait3A_1136 : memref<1x16x1024xf32, #tpu.memory_space<hbm>> -> memref<16x1024xf32, #tpu.memory_space<hbm>>
    %dma_wait3A_1138 = arith.constant 0 : i32
    %dma_wait3A_1139 = tpu.memref_slice %arg2[%dma_wait3A_1134, %add3A_1091, %dma_wait3A_1138] : memref<4x4096x1024xf32, #tpu.memory_space<hbm>> -> memref<1x16x1024xf32, #tpu.memory_space<hbm>>
    %dma_wait3A_1140 = tpu.memref_squeeze %dma_wait3A_1139 : memref<1x16x1024xf32, #tpu.memory_space<hbm>> -> memref<16x1024xf32, #tpu.memory_space<hbm>>
    tpu.wait_dma2 semaphore(%arg13 : memref<!tpu.dma_semaphore, #tpu.memory_space<semaphore_mem>>) src(%dma_wait3A_1140 : memref<16x1024xf32, #tpu.memory_space<hbm>>) dst(%arg7 : memref<16x1024xf32, #tpu.memory_space<vmem>>)
    %parallel_loop3A_1141 = arith.constant 0 : i32
    %parallel_loop3A_1142 = arith.constant 16384 : i32
    %parallel_loop3A_1143 = arith.constant 16 : i32
    scf.for %parallel_loop3A_1200 = %parallel_loop3A_1141 to %parallel_loop3A_1142 step %parallel_loop3A_1143  : i32 {
      %parallel_loop3A_1201 = arith.constant 10 : i32
      %parallel_loop3A_1202 = arith.shrui %parallel_loop3A_1200, %parallel_loop3A_1201 : i32
      %parallel_loop3A_1203 = arith.constant 1023 : i32
      %parallel_loop3A_1204 = arith.andi %parallel_loop3A_1200, %parallel_loop3A_1203 : i32
      %parallel_loop3A_1205 = tpu.assume_multiple %parallel_loop3A_1204, 16 : i32
      %parallel_loop3A_1206 = arith.index_cast %parallel_loop3A_1202 : i32 to index
      %parallel_loop3A_1207 = arith.index_cast %parallel_loop3A_1205 : i32 to index
      %parallel_loop3A_1208 = tpu.vector_load %arg10[%parallel_loop3A_1206, %parallel_loop3A_1207] {strides = array<i32>} : memref<16x1024xf32, #tpu.memory_space<vmem>>, vector<1x16xf32>,
      %parallel_loop3A_1209 = vector.shape_cast %parallel_loop3A_1208 : vector<1x16xf32> to vector<16xf32>
      %parallel_loop3A_1210 = arith.index_cast %parallel_loop3A_1202 : i32 to index
      %parallel_loop3A_1211 = arith.index_cast %parallel_loop3A_1205 : i32 to index
      %parallel_loop3A_1212 = tpu.vector_load %arg7[%parallel_loop3A_1210, %parallel_loop3A_1211] {strides = array<i32>} : memref<16x1024xf32, #tpu.memory_space<vmem>>, vector<1x16xf32>,
      %parallel_loop3A_1213 = vector.shape_cast %parallel_loop3A_1212 : vector<1x16xf32> to vector<16xf32>
      %parallel_loop3A_1214 = vector.shape_cast %parallel_loop3A_1209 : vector<16xf32> to vector<1x16xf32>
      tpu.vector_store %arg7[%parallel_loop3A_1210, %parallel_loop3A_1211], %parallel_loop3A_1214 {add = true, strides = array<i32>} : memref<16x1024xf32, #tpu.memory_space<vmem>>, vector<1x16xf32>,
    } {sc.loop_unroll_factor = 8 : i64, sc.parallel_access}
    %add3A_1144 = arith.constant 112 : i32
    %add3A_1145 = arith.addi %mul3A_2, %add3A_1144 : i32
    %dma_start3A_1146 = arith.constant 2 : i32
    %dma_start3A_1147 = arith.constant 0 : i32
    %dma_start3A_1148 = tpu.memref_slice %arg4[%dma_start3A_1146, %add3A_1145, %dma_start3A_1147] : memref<4x4096x1024xf32, #tpu.memory_space<hbm>> -> memref<1x16x1024xf32, #tpu.memory_space<hbm>>
    %dma_start3A_1149 = tpu.memref_squeeze %dma_start3A_1148 : memref<1x16x1024xf32, #tpu.memory_space<hbm>> -> memref<16x1024xf32, #tpu.memory_space<hbm>>
    %dma_start3A_1150 = arith.constant 0 : i32
    %dma_start3A_1151 = tpu.memref_slice %arg4[%dma_start3A_1146, %add3A_1145, %dma_start3A_1150] : memref<4x4096x1024xf32, #tpu.memory_space<hbm>> -> memref<1x16x1024xf32, #tpu.memory_space<hbm>>
    %dma_start3A_1152 = tpu.memref_squeeze %dma_start3A_1151 : memref<1x16x1024xf32, #tpu.memory_space<hbm>> -> memref<16x1024xf32, #tpu.memory_space<hbm>>
    tpu.enqueue_dma source(%arg7 : memref<16x1024xf32, #tpu.memory_space<vmem>>) target(%dma_start3A_1152 : memref<16x1024xf32, #tpu.memory_space<hbm>>) target_semaphore(%arg17 : memref<!tpu.dma_semaphore, #tpu.memory_space<semaphore_mem>>)
    %dma_wait3A_1153 = arith.constant 0 : i32
    %dma_wait3A_1154 = arith.constant 0 : i32
    %dma_wait3A_1155 = tpu.memref_slice %arg4[%dma_wait3A_1153, %add3A_1075, %dma_wait3A_1154] : memref<4x4096x1024xf32, #tpu.memory_space<hbm>> -> memref<1x16x1024xf32, #tpu.memory_space<hbm>>
    %dma_wait3A_1156 = tpu.memref_squeeze %dma_wait3A_1155 : memref<1x16x1024xf32, #tpu.memory_space<hbm>> -> memref<16x1024xf32, #tpu.memory_space<hbm>>
    %dma_wait3A_1157 = arith.constant 0 : i32
    %dma_wait3A_1158 = tpu.memref_slice %arg4[%dma_wait3A_1153, %add3A_1075, %dma_wait3A_1157] : memref<4x4096x1024xf32, #tpu.memory_space<hbm>> -> memref<1x16x1024xf32, #tpu.memory_space<hbm>>
    %dma_wait3A_1159 = tpu.memref_squeeze %dma_wait3A_1158 : memref<1x16x1024xf32, #tpu.memory_space<hbm>> -> memref<16x1024xf32, #tpu.memory_space<hbm>>
    tpu.wait_dma2 semaphore(%arg15 : memref<!tpu.dma_semaphore, #tpu.memory_space<semaphore_mem>>) src(%arg5 : memref<16x1024xf32, #tpu.memory_space<vmem>>) dst(%dma_wait3A_1159 : memref<16x1024xf32, #tpu.memory_space<hbm>>)
    %dma_wait3A_1160 = arith.constant 3 : i32
    %dma_wait3A_1161 = arith.constant 0 : i32
    %dma_wait3A_1162 = tpu.memref_slice %arg2[%dma_wait3A_1160, %add3A_1126, %dma_wait3A_1161] : memref<4x4096x1024xf32, #tpu.memory_space<hbm>> -> memref<1x16x1024xf32, #tpu.memory_space<hbm>>
    %dma_wait3A_1163 = tpu.memref_squeeze %dma_wait3A_1162 : memref<1x16x1024xf32, #tpu.memory_space<hbm>> -> memref<16x1024xf32, #tpu.memory_space<hbm>>
    %dma_wait3A_1164 = arith.constant 0 : i32
    %dma_wait3A_1165 = tpu.memref_slice %arg2[%dma_wait3A_1160, %add3A_1126, %dma_wait3A_1164] : memref<4x4096x1024xf32, #tpu.memory_space<hbm>> -> memref<1x16x1024xf32, #tpu.memory_space<hbm>>
    %dma_wait3A_1166 = tpu.memref_squeeze %dma_wait3A_1165 : memref<1x16x1024xf32, #tpu.memory_space<hbm>> -> memref<16x1024xf32, #tpu.memory_space<hbm>>
    tpu.wait_dma2 semaphore(%arg14 : memref<!tpu.dma_semaphore, #tpu.memory_space<semaphore_mem>>) src(%dma_wait3A_1166 : memref<16x1024xf32, #tpu.memory_space<hbm>>) dst(%arg8 : memref<16x1024xf32, #tpu.memory_space<vmem>>)
    %parallel_loop3A_1167 = arith.constant 0 : i32
    %parallel_loop3A_1168 = arith.constant 16384 : i32
    %parallel_loop3A_1169 = arith.constant 16 : i32
    scf.for %parallel_loop3A_1200 = %parallel_loop3A_1167 to %parallel_loop3A_1168 step %parallel_loop3A_1169  : i32 {
      %parallel_loop3A_1201 = arith.constant 10 : i32
      %parallel_loop3A_1202 = arith.shrui %parallel_loop3A_1200, %parallel_loop3A_1201 : i32
      %parallel_loop3A_1203 = arith.constant 1023 : i32
      %parallel_loop3A_1204 = arith.andi %parallel_loop3A_1200, %parallel_loop3A_1203 : i32
      %parallel_loop3A_1205 = tpu.assume_multiple %parallel_loop3A_1204, 16 : i32
      %parallel_loop3A_1206 = arith.index_cast %parallel_loop3A_1202 : i32 to index
      %parallel_loop3A_1207 = arith.index_cast %parallel_loop3A_1205 : i32 to index
      %parallel_loop3A_1208 = tpu.vector_load %arg10[%parallel_loop3A_1206, %parallel_loop3A_1207] {strides = array<i32>} : memref<16x1024xf32, #tpu.memory_space<vmem>>, vector<1x16xf32>,
      %parallel_loop3A_1209 = vector.shape_cast %parallel_loop3A_1208 : vector<1x16xf32> to vector<16xf32>
      %parallel_loop3A_1210 = arith.index_cast %parallel_loop3A_1202 : i32 to index
      %parallel_loop3A_1211 = arith.index_cast %parallel_loop3A_1205 : i32 to index
      %parallel_loop3A_1212 = tpu.vector_load %arg8[%parallel_loop3A_1210, %parallel_loop3A_1211] {strides = array<i32>} : memref<16x1024xf32, #tpu.memory_space<vmem>>, vector<1x16xf32>,
      %parallel_loop3A_1213 = vector.shape_cast %parallel_loop3A_1212 : vector<1x16xf32> to vector<16xf32>
      %parallel_loop3A_1214 = vector.shape_cast %parallel_loop3A_1209 : vector<16xf32> to vector<1x16xf32>
      tpu.vector_store %arg8[%parallel_loop3A_1210, %parallel_loop3A_1211], %parallel_loop3A_1214 {add = true, strides = array<i32>} : memref<16x1024xf32, #tpu.memory_space<vmem>>, vector<1x16xf32>,
    } {sc.loop_unroll_factor = 8 : i64, sc.parallel_access}
    %add3A_1170 = arith.constant 112 : i32
    %add3A_1171 = arith.addi %mul3A_2, %add3A_1170 : i32
    %dma_start3A_1172 = arith.constant 3 : i32
    %dma_start3A_1173 = arith.constant 0 : i32
    %dma_start3A_1174 = tpu.memref_slice %arg4[%dma_start3A_1172, %add3A_1171, %dma_start3A_1173] : memref<4x4096x1024xf32, #tpu.memory_space<hbm>> -> memref<1x16x1024xf32, #tpu.memory_space<hbm>>
    %dma_start3A_1175 = tpu.memref_squeeze %dma_start3A_1174 : memref<1x16x1024xf32, #tpu.memory_space<hbm>> -> memref<16x1024xf32, #tpu.memory_space<hbm>>
    %dma_start3A_1176 = arith.constant 0 : i32
    %dma_start3A_1177 = tpu.memref_slice %arg4[%dma_start3A_1172, %add3A_1171, %dma_start3A_1176] : memref<4x4096x1024xf32, #tpu.memory_space<hbm>> -> memref<1x16x1024xf32, #tpu.memory_space<hbm>>
    %dma_start3A_1178 = tpu.memref_squeeze %dma_start3A_1177 : memref<1x16x1024xf32, #tpu.memory_space<hbm>> -> memref<16x1024xf32, #tpu.memory_space<hbm>>
    tpu.enqueue_dma source(%arg8 : memref<16x1024xf32, #tpu.memory_space<vmem>>) target(%dma_start3A_1178 : memref<16x1024xf32, #tpu.memory_space<hbm>>) target_semaphore(%arg18 : memref<!tpu.dma_semaphore, #tpu.memory_space<semaphore_mem>>)
    %dma_wait3A_1179 = arith.constant 1 : i32
    %dma_wait3A_1180 = arith.constant 0 : i32
    %dma_wait3A_1181 = tpu.memref_slice %arg4[%dma_wait3A_1179, %add3A_1110, %dma_wait3A_1180] : memref<4x4096x1024xf32, #tpu.memory_space<hbm>> -> memref<1x16x1024xf32, #tpu.memory_space<hbm>>
    %dma_wait3A_1182 = tpu.memref_squeeze %dma_wait3A_1181 : memref<1x16x1024xf32, #tpu.memory_space<hbm>> -> memref<16x1024xf32, #tpu.memory_space<hbm>>
    %dma_wait3A_1183 = arith.constant 0 : i32
    %dma_wait3A_1184 = tpu.memref_slice %arg4[%dma_wait3A_1179, %add3A_1110, %dma_wait3A_1183] : memref<4x4096x1024xf32, #tpu.memory_space<hbm>> -> memref<1x16x1024xf32, #tpu.memory_space<hbm>>
    %dma_wait3A_1185 = tpu.memref_squeeze %dma_wait3A_1184 : memref<1x16x1024xf32, #tpu.memory_space<hbm>> -> memref<16x1024xf32, #tpu.memory_space<hbm>>
    tpu.wait_dma2 semaphore(%arg16 : memref<!tpu.dma_semaphore, #tpu.memory_space<semaphore_mem>>) src(%arg6 : memref<16x1024xf32, #tpu.memory_space<vmem>>) dst(%dma_wait3A_1185 : memref<16x1024xf32, #tpu.memory_space<hbm>>)
    %dma_wait3A_1186 = arith.constant 2 : i32
    %dma_wait3A_1187 = arith.constant 0 : i32
    %dma_wait3A_1188 = tpu.memref_slice %arg4[%dma_wait3A_1186, %add3A_1145, %dma_wait3A_1187] : memref<4x4096x1024xf32, #tpu.memory_space<hbm>> -> memref<1x16x1024xf32, #tpu.memory_space<hbm>>
    %dma_wait3A_1189 = tpu.memref_squeeze %dma_wait3A_1188 : memref<1x16x1024xf32, #tpu.memory_space<hbm>> -> memref<16x1024xf32, #tpu.memory_space<hbm>>
    %dma_wait3A_1190 = arith.constant 0 : i32
    %dma_wait3A_1191 = tpu.memref_slice %arg4[%dma_wait3A_1186, %add3A_1145, %dma_wait3A_1190] : memref<4x4096x1024xf32, #tpu.memory_space<hbm>> -> memref<1x16x1024xf32, #tpu.memory_space<hbm>>
    %dma_wait3A_1192 = tpu.memref_squeeze %dma_wait3A_1191 : memref<1x16x1024xf32, #tpu.memory_space<hbm>> -> memref<16x1024xf32, #tpu.memory_space<hbm>>
    tpu.wait_dma2 semaphore(%arg17 : memref<!tpu.dma_semaphore, #tpu.memory_space<semaphore_mem>>) src(%arg7 : memref<16x1024xf32, #tpu.memory_space<vmem>>) dst(%dma_wait3A_1192 : memref<16x1024xf32, #tpu.memory_space<hbm>>)
    %dma_wait3A_1193 = arith.constant 3 : i32
    %dma_wait3A_1194 = arith.constant 0 : i32
    %dma_wait3A_1195 = tpu.memref_slice %arg4[%dma_wait3A_1193, %add3A_1171, %dma_wait3A_1194] : memref<4x4096x1024xf32, #tpu.memory_space<hbm>> -> memref<1x16x1024xf32, #tpu.memory_space<hbm>>
    %dma_wait3A_1196 = tpu.memref_squeeze %dma_wait3A_1195 : memref<1x16x1024xf32, #tpu.memory_space<hbm>> -> memref<16x1024xf32, #tpu.memory_space<hbm>>
    %dma_wait3A_1197 = arith.constant 0 : i32
    %dma_wait3A_1198 = tpu.memref_slice %arg4[%dma_wait3A_1193, %add3A_1171, %dma_wait3A_1197] : memref<4x4096x1024xf32, #tpu.memory_space<hbm>> -> memref<1x16x1024xf32, #tpu.memory_space<hbm>>
    %dma_wait3A_1199 = tpu.memref_squeeze %dma_wait3A_1198 : memref<1x16x1024xf32, #tpu.memory_space<hbm>> -> memref<16x1024xf32, #tpu.memory_space<hbm>>
    tpu.wait_dma2 semaphore(%arg18 : memref<!tpu.dma_semaphore, #tpu.memory_space<semaphore_mem>>) src(%arg8 : memref<16x1024xf32, #tpu.memory_space<vmem>>) dst(%dma_wait3A_1199 : memref<16x1024xf32, #tpu.memory_space<hbm>>)
    return
  }
}

</mosaic_0001>

<sc_bundles>
// kernel: kernel.3.cloned.1.call-start
scs
__scs_entry_jumppad:
0x0: {  	(pc) =	sbr.rel $0x88, $3  }
0x1: {  	(tag) =	ssettag $0x0;
	lr =	simm.s32 $0x1  }
0x2: {  	[smem:$0x3F9F] =	sst lr;
	_ =	strace $0xD0000000  }
0x3: {  	_ = 	snop  }
0x4: {  	_ = 	snop  }
0x5: {  	_ = 	snop  }
0x6: {  	_ = 	snop  }
0x7: {  	_ = 	snop  }
__scs_overlays_trampoline_lowered:
0x8: {  	[smem:$0x3FAE] =	sst s0  }
0x9: {  	[smem:$0x3FAF] =	sst s1  }
0xa: {  	[smem:$0x3FB0] =	sst s2  }
0xb: {  	[smem:$0x3FB1] =	sst s3  }
0xc: {  	[smem:$0x3FB2] =	sst s4  }
0xd: {  	[smem:$0x3FB3] =	sst s5  }
0xe: {  	[smem:$0x3FB4] =	sst s6  }
0xf: {  	[smem:$0x3FB5] =	sst s7  }
0x10: {  	[smem:$0x3FB6] =	sst s8  }
0x11: {  	[smem:$0x3FB7] =	sst s9;
	s0 =	simm.s32 @!p0 $0x0  }
0x12: {  	s1 =	sld [smem:$0x3F9D];
	s0 =	simm.s32 @p0 $0x1  }
0x13: {  	[smem:$0x3FB8] =	sst s0;
	s0 =	simm.s32 @!p1 $0x0  }
0x14: {  	s2 =	sld [smem:$0x3F9C];
	s0 =	simm.s32 @p1 $0x1  }
0x15: {  	[smem:$0x3FB9] =	sst s0;
	s0 =	simm.s32 @!p2 $0x0  }
0x16: {  	s3 =	sld [smem:$0x3FDB];
	s0 =	simm.s32 @p2 $0x1  }
0x17: {  	s4 =	simm.s32 $0x1BF5;
	[smem:$0x3FBB] =	sst s0  }
0x18: {  	s0 =	sld [smem:$0x3F9E];
	_ =	swait.ge [sflag:s4], $0x0  }
0x19: {  	s7 =	sld [smem:$0x3F9F]  }
0x1a: {  	s8 =	sadd.s32 $0xFFFFE003, lr  }
0x1b: {  	s9 =	sadd.s32 $0xFFFFFEF7, lr;
	s5 =	simm.s32 $0xFFFFFFFF;
	p2 =	slt.u32 s8, $0xFFFFF086  }
0x1c: {  	p1 =	slt.u32 s9, $0xF7A;
	s5 =	simm.s32 @!p2 $0x0  }
0x1d: {  	s5 =	simm.s32 @p1 $0x1;
	p0 =	seq.s32 s7, s2  }
0x1e: {  	s7 =	smul.u32 @!p0 $0xF7A, s2;
	p2 =	seq.s32 @!p0 s5, $0x0  }
0x1f: {  	s9 =	smul.u32 $0xF7A, s1;
	s8 =	simm.s32 @!p0 $0x1BF5;
	p2 =	por !p2, p0  }
0x20: {  	[sflag:s8] =	ssyncset.s32 @!p0 $0xFFFFF086;
	s6 =	sadd.s32 @!p0 s3, s7;
	s7 =	simm.s32 @!p0 $0x108  }
0x21: {  	s3 =	sadd.s32 s3, s9;
	s6 =	sadd.s32 @!p0 $0x88, s6;
	s7 =	simm.s32 @p2 $0x1082  }
0x22: {  	[simem:s7], [sflag:s8] =	dma.local @!p0 [hbm:s6], $0xF7A  }
0x23: {  	s9 =	sor.u32 $0xD0000000, s2;
	s6 =	simm.s32 $0x108;
	_ =	swait.ge @!p0 [sflag:s8], $0x0  }
0x24: {  	s3 =	sadd.s32 $0x88, s3;
	s6 =	simm.s32 @!p1 $0x1082;
	[sflag:s4] =	ssyncset.s32 $0xFFFFF086  }
0x25: {  	[simem:s6], [sflag:s4] =	dma.local [hbm:s3], $0xF7A  }
0x26: {  	[smem:$0x3F9F] =	sst s1;
	(tag) =	ssettag s2;
	_ =	strace s9  }
0x27: {  	s1 =	sld [smem:$0x3FAF]  }
0x28: {  	s2 =	sld [smem:$0x3FB0]  }
0x29: {  	s4 =	sld [smem:$0x3FB2]  }
0x2a: {  	p0 =	seq.s32 s5, $0x0;
	s5 =	sld [smem:$0x3FB3]  }
0x2b: {  	s6 =	sld [smem:$0x3FB4]  }
0x2c: {  	s7 =	sld [smem:$0x3FB5]  }
0x2d: {  	s3 =	simm.s32 $0x108;
	s8 =	sld [smem:$0x3FB6]  }
0x2e: {  	s3 =	simm.s32 @!p0 $0x1082;
	s9 =	sld [smem:$0x3FB7]  }
0x2f: {  	lr =	sadd.s32 s0, s3;
	s0 =	sld [smem:$0x3FAE]  }
0x30: {  	s3 =	sld [smem:$0x3FB1]  }
0x31: {  	[smem:$0x3FBA] =	sst s10  }
0x32: {  	s10 =	sld [smem:$0x3FB8];
	_ =	sdelay $0x3  }
0x33: {  	p0 =	seq.s32 s10, $0x1;
	s10 =	sld [smem:$0x3FBA];
	_ =	sdelay $0x3  }
0x34: {  	[smem:$0x3FBA] =	sst s10  }
0x35: {  	s10 =	sld [smem:$0x3FB9];
	_ =	sdelay $0x3  }
0x36: {  	p1 =	seq.s32 s10, $0x1;
	s10 =	sld [smem:$0x3FBA];
	_ =	sdelay $0x3  }
0x37: {  	[smem:$0x3FBA] =	sst s10  }
0x38: {  	s10 =	sld [smem:$0x3FBB]  }
0x39: {  	_ = 	snop;
	(pc) =	sbr.ind lr, $3  }
0x3a: {  	_ = 	snop  }
0x3b: {  	_ = 	snop  }
0x3c: {  	p2 =	seq.s32 s10, $0x1;
	s10 =	sld [smem:$0x3FBA]  }
0x3d: {  	_ =	shalt  }
0x3e: {  	_ =	shalt  }
0x3f: {  	_ =	shalt  }
0x40: {  	_ =	shalt  }
0x41: {  	_ =	shalt  }
0x42: {  	_ =	shalt  }
0x43: {  	_ =	shalt  }
0x44: {  	_ =	shalt  }
0x45: {  	_ =	shalt  }
0x46: {  	_ =	shalt  }
0x47: {  	_ =	shalt  }
0x48: {  	_ =	shalt  }
0x49: {  	_ =	shalt  }
0x4a: {  	_ =	shalt  }
0x4b: {  	_ =	shalt  }
0x4c: {  	_ =	shalt  }
0x4d: {  	_ =	shalt  }
0x4e: {  	_ =	shalt  }
0x4f: {  	_ =	shalt  }
0x50: {  	_ =	shalt  }
0x51: {  	_ =	shalt  }
0x52: {  	_ =	shalt  }
0x53: {  	_ =	shalt  }
0x54: {  	_ =	shalt  }
0x55: {  	_ =	shalt  }
0x56: {  	_ =	shalt  }
0x57: {  	_ =	shalt  }
0x58: {  	_ =	shalt  }
0x59: {  	_ =	shalt  }
0x5a: {  	_ =	shalt  }
0x5b: {  	_ =	shalt  }
0x5c: {  	_ =	shalt  }
0x5d: {  	_ =	shalt  }
0x5e: {  	_ =	shalt  }
0x5f: {  	_ =	shalt  }
0x60: {  	_ =	shalt  }
0x61: {  	_ =	shalt  }
0x62: {  	_ =	shalt  }
0x63: {  	_ =	shalt  }
0x64: {  	_ =	shalt  }
0x65: {  	_ =	shalt  }
0x66: {  	_ =	shalt  }
0x67: {  	_ =	shalt  }
0x68: {  	_ =	shalt  }
0x69: {  	_ =	shalt  }
0x6a: {  	_ =	shalt  }
0x6b: {  	_ =	shalt  }
0x6c: {  	_ =	shalt  }
0x6d: {  	_ =	shalt  }
0x6e: {  	_ =	shalt  }
0x6f: {  	_ =	shalt  }
0x70: {  	_ =	shalt  }
0x71: {  	_ =	shalt  }
0x72: {  	_ =	shalt  }
0x73: {  	_ =	shalt  }
0x74: {  	_ =	shalt  }
0x75: {  	_ =	shalt  }
0x76: {  	_ =	shalt  }
0x77: {  	_ =	shalt  }
0x78: {  	_ =	shalt  }
0x79: {  	_ =	shalt  }
0x7a: {  	_ =	shalt  }
0x7b: {  	_ =	shalt  }
0x7c: {  	_ =	shalt  }
0x7d: {  	_ =	shalt  }
0x7e: {  	_ =	shalt  }
0x7f: {  	_ =	shalt  }
0x80: {  	_ =	shalt  }
0x81: {  	_ =	shalt  }
0x82: {  	_ =	shalt  }
0x83: {  	_ =	shalt  }
0x84: {  	_ =	shalt  }
0x85: {  	_ =	shalt  }
0x86: {  	_ =	shalt  }
0x87: {  	_ =	shalt  }
.Lfunc_end0:
.L_simem_size_0:
called_computation_lowered:
.L_overlay_start_0:
0x88: {  	s2 =	sld [smem:$0x3FD9]  }
0x89: {  	s3 =	sld [smem:$0x3FFE];
	_ =	sdelay $0x1  }
0x8a: {  	s1 =	srdreg.scid  }
0x8b: {  	s0 =	sand.u32 $0x1, s1  }
0x8c: {  	s18 =	sshll.u32 s0, $0xA;
	s2 =	sadd.s32 s3, s2  }
0x8d: {  	s2 =	sadd.s32 s2, s18  }
0x8e: {  	[smem:$0x3FC6] =	sst s2  }
0x8f: {  	_ = 	snop  }
0x90: {  	s2 =	sld [smem:$0x3FC9]  }
0x91: {  	s19 =	sld [smem:$0x3FC8]  }
0x92: {  	s4 =	sld [smem:$0x3FD0];
	(tm) =	ssettm $0x1  }
0x93: {  	s5 =	sld [smem:$0x3FFB];
	_ =	sdelay $0x3  }
0x94: {  	_ =	strace s5  }
0x95: {  	s5 =	sld [smem:$0x3FFC];
	_ =	sdelay $0x3  }
0x96: {  	_ =	strace s5  }
0x97: {  	s5 =	sld [smem:$0x3FFD];
	_ =	sdelay $0x3  }
0x98: {  	_ =	strace s5  }
0x99: {  	_ =	strace $0x8FFFFFFF  }
0x9a: {  	s20 =	sld [smem:$0x3FDB];
	_ =	sdelay $0x1  }
0x9b: {  	s6 =	simm.s32 $_scs_section_size  }
0x9c: {  	s7 =	simm.s32 $_size__tile_overlayer_lowered;
	s8 =	simm.s32 $_tile_overlayer_lowered  }
0x9d: {  	s23 =	simm.s32 $0x1BFF;
	s22 =	sshll.u32 s8, $0x1;
	s5 =	sadd.s32 s6, s20  }
0x9e: {  	s9 =	simm.s32 $0x0;
	s21 =	sshll.u32 s7, $0x1;
	s7 =	sadd.s32 s22, s5  }
0x9f: {  	[timem:s9], [sflag:s23] =	dma.local [hbm:s7], s21  }
0xa0: {  	_ =	swait.ge [sflag:s23], s21  }
0xa1: {  	s6 =	ssub.s32 $0x0, s21;
	[sflag:s23] =	ssyncset.done $0x0  }
0xa2: {  	[sflag:s23] =	ssyncadd.s32 s6;
	_ =	sdelay $0x1  }
0xa3: {  	s24 =	simm.s32 $0x1B8B  }
0xa4: {  	_ =	swait.ge [sflag:s24], $0x1  }
0xa5: {  	[sflag:s24] =	ssyncset.done $0x0  }
0xa6: {  	s25 =	simm.s32 $0x1B8E;
	[sflag:s24] =	ssyncadd.s32 $0xFFFFFFFF  }
0xa7: {  	s26 =	simm.s32 $execute0_lowered;
	[smem:$0x3FD2] =	sst s25  }
0xa8: {  	s6 =	sshll.u32 s26, $0x1;
	_ =	strace $0x80000046;
	[dreg:$0x1] =	wrdreg $0xFFFFFFFF  }
0xa9: {  	s28 =	simm.s32 $_size_execute0_lowered;
	s5 =	sadd.s32 s5, s6;
	[dreg:$0x0] =	wrdreg $0x0  }
0xaa: {  	s6 =	sshll.u32 s28, $0x1;
	[dreg:$0x2] =	wrdreg s5  }
0xab: {  	[dreg:$0x3] =	wrdreg s6  }
0xac: {  	[dreg:$0x4] =	wrdreg $0xC0  }
0xad: {  	_ =	task [dreg:s9], $0x5FFFF  }
0xae: {  	[dreg:$0x1] =	wrdreg $0xFFFFFFFF  }
0xaf: {  	[dreg:$0x0] =	wrdreg $0x60  }
0xb0: {  	[dreg:$0x2] =	wrdreg s2  }
0xb1: {  	[dreg:$0x3] =	wrdreg s19  }
0xb2: {  	[dreg:$0x4] =	wrdreg s4  }
0xb3: {  	[dreg:$0x5] =	wrdreg $0x9  }
0xb4: {  	_ =	task.clear_ibuf [dreg:s9], $0x6FFFF;
	_ =	strace $0x90000046  }
0xb5: {  	s29 =	simm.s32 $0x9;
	_ =	strace $0x80000048  }
0xb6: {  	_ =	swait.ge [sflag:s29], $0x1  }
0xb7: {  	[sflag:s29] =	ssyncadd.s32 $0xFFFFFFFF  }
0xb8: {  	_ =	strace $0x90000048  }
0xb9: {  	_ =	sfence  }
0xba: {  	s30 =	sld [smem:$0x0];
	_ =	sdelay $0x2  }
0xbb: {  	s31 =	sshll.u32 s1, $0xD;
	s1 =	sshrl.u32 s1, $0x2  }
0xbc: {  	s3 =	sand.u32 $0x4000, s31;
	s1 =	sadd.s32 s1, s30  }
0xbd: {  	s0 =	sor.u32 s3, s0;
	s1 =	sshll.u32 s1, $0x11  }
0xbe: {  	s0 =	sor.u32 s1, s0  }
0xbf: {  	s0 =	sadd.s32 $0x8F2B, s0  }
0xc0: {  	[sflag:s0] =	ssyncadd.remote.s32 $0x1  }
0xc1: {  	_ =	sfence.sel $0xFFFF  }
0xc2: {  	[dreg:$0x0] =	wrdreg $0xFFFFFFFF;
	(pc) =	sbr.abs _section_cstart, $3  }
0xc3: {  	[dreg:$0x1] =	wrdreg $0xFFFFFFFF  }
0xc4: {  	_ =	task.clear_ibuf [dreg:s9], $0x2FFFF;
	_ =	strace $0x9FFFFFFF  }
0xc5: {  	(tm) =	ssettm $0x7FFFFFFF  }
tec
execute0_lowered:
.L_overlay_start_1:
0x0: {  	(tag) =	ssettag $0x1  }
0x1: {  	s2 =	srdreg.scid  }
0x2: {  	s11 =	rddreg [dreg:$0x0];
	s4 =	stileid.u32;
	s2 =	sand.u32 $0x1, s2  }
0x3: {  	s4 =	sshll.u32 s4, $0xF;
	s3 =	ssub.s32 $0x2, s2;
	s2 =	sshll.u32 s2, $0xE  }
0x4: {  	s0 =	rddreg [dreg:$0x1];
	s8 =	sor.u32 s2, s4  }
0x5: {  	s13 =	rddreg [dreg:$0x2];
	s1 =	simm.s32 $0x0;
	s2 =	sor.u32 $0x80000, s8  }
0x6: {  	[smem:$0x7FF] =	sst s1;
	s21 =	sor.u32 $0x800, s8;
	s22 =	sadd.s32 s11, s2  }
0x7: {  	s24 =	sor.u32 $0x100000, s8;
	s23 =	sadd.s32 s0, s21;
	[dreg:$0x4] =	wrdreg s22  }
0x8: {  	s25 =	sadd.s32 s11, s24;
	[dreg:$0x5] =	wrdreg s23  }
0x9: {  	s26 =	sor.u32 $0x180000, s8;
	s2 =	sadd.s32 s13, s2;
	[dreg:$0x6] =	wrdreg s25  }
0xa: {  	s6 =	sadd.s32 s11, s26;
	[dreg:$0x7] =	wrdreg s2  }
0xb: {  	s5 =	sshrl.u32 s3, $0x1;
	s4 =	sadd.s32 s13, s24;
	[dreg:$0x8] =	wrdreg s6  }
0xc: {  	s9 =	sor.u32 $0x80800, s8;
	s7 =	sadd.s32 s11, s21;
	[dreg:$0x9] =	wrdreg s4  }
0xd: {  	s10 =	sor.u32 $0x1000, s8;
	s12 =	sadd.s32 s11, s9;
	[dreg:$0xa] =	wrdreg s7  }
0xe: {  	s14 =	ssub.s32 s3, s5;
	s15 =	sadd.s32 s0, s10;
	[dreg:$0xc] =	wrdreg s12  }
0xf: {  	s16 =	sor.u32 $0x100800, s8;
	s3 =	sadd.s32 s13, s21;
	[dreg:$0xd] =	wrdreg s15  }
0x10: {  	s18 =	sor.u32 $0x180800, s8;
	s17 =	sadd.s32 s11, s16;
	[dreg:$0xe] =	wrdreg s3  }
0x11: {  	s19 =	sadd.s32 s11, s18;
	[dreg:$0xf] =	wrdreg s17  }
0x12: {  	s20 =	sadd.s32 s13, s16;
	[dreg:$0x11] =	wrdreg s19  }
0x13: {  	s21 =	sadd.s32 s11, s10;
	[dreg:$0x12] =	wrdreg s20  }
0x14: {  	s24 =	sadd.s32 s13, s10;
	[dreg:$0x13] =	wrdreg s21  }
0x15: {  	s2 =	sadd.s32 s13, s26;
	[dreg:$0x15] =	wrdreg s24  }
0x16: {  	s5 =	sor.u32 $0x181000, s8;
	s22 =	sadd.s32 s13, s18;
	[dreg:$0xb] =	wrdreg s2  }
0x17: {  	s16 =	sor.u32 $0x101800, s8;
	s7 =	sadd.s32 s11, s5;
	[dreg:$0x14] =	wrdreg s22  }
0x18: {  	s18 =	sadd.s32 s11, s16;
	[dreg:$0x1a] =	wrdreg s7  }
0x19: {  	s19 =	sadd.s32 s13, s16;
	[smem:$0x7D4] =	sst s18  }
0x1a: {  	s23 =	sor.u32 $0x81000, s8;
	s2 =	sadd.s32 s13, s9;
	[smem:$0x7D5] =	sst s19  }
0x1b: {  	s26 =	sor.u32 $0x101000, s8;
	s25 =	sadd.s32 s11, s23;
	[dreg:$0x10] =	wrdreg s2  }
0x1c: {  	s4 =	sadd.s32 s11, s26;
	[dreg:$0x16] =	wrdreg s25  }
0x1d: {  	s6 =	sor.u32 $0x1800, s8;
	s3 =	sadd.s32 s13, s26;
	[dreg:$0x18] =	wrdreg s4  }
0x1e: {  	s9 =	sadd.s32 s0, s6;
	[dreg:$0x19] =	wrdreg s3  }
0x1f: {  	s10 =	sadd.s32 s11, s6;
	[dreg:$0x1c] =	wrdreg s9  }
0x20: {  	s15 =	sor.u32 $0x81800, s8;
	s12 =	sadd.s32 s13, s6;
	[dreg:$0x1d] =	wrdreg s10  }
0x21: {  	s21 =	sor.u32 $0x181800, s8;
	s17 =	sadd.s32 s11, s15;
	[dreg:$0x1e] =	wrdreg s12  }
0x22: {  	s20 =	sor.u32 $0x2000, s8;
	s22 =	sadd.s32 s11, s21;
	[dreg:$0x1f] =	wrdreg s17  }
0x23: {  	s24 =	sadd.s32 s11, s20;
	[smem:$0x7D6] =	sst s22  }
0x24: {  	s2 =	sadd.s32 s13, s23;
	[smem:$0x7D9] =	sst s24  }
0x25: {  	s3 =	sadd.s32 s13, s21;
	[dreg:$0x17] =	wrdreg s2  }
0x26: {  	s6 =	sor.u32 $0x182000, s8;
	s23 =	sadd.s32 s0, s20;
	[smem:$0x7D7] =	sst s3  }
0x27: {  	s19 =	sor.u32 $0x182800, s8;
	s7 =	sadd.s32 s11, s6;
	[smem:$0x7D8] =	sst s23  }
0x28: {  	s21 =	sadd.s32 s13, s19;
	[smem:$0x7DF] =	sst s7  }
0x29: {  	s22 =	sadd.s32 s0, s8;
	[smem:$0x7E9] =	sst s21  }
0x2a: {  	s25 =	sor.u32 $0x82000, s8;
	s2 =	sadd.s32 s13, s5;
	[smem:$0x7EA] =	sst s22  }
0x2b: {  	s4 =	sor.u32 $0x102000, s8;
	s26 =	sadd.s32 s11, s25;
	[dreg:$0x1b] =	wrdreg s2  }
0x2c: {  	s9 =	sor.u32 $0x2800, s8;
	s5 =	sadd.s32 s11, s4;
	[smem:$0x7DB] =	sst s26  }
0x2d: {  	s10 =	sadd.s32 s0, s9;
	[smem:$0x7DD] =	sst s5  }
0x2e: {  	s17 =	sor.u32 $0x102800, s8;
	s12 =	sadd.s32 s11, s9;
	[smem:$0x7E1] =	sst s10  }
0x2f: {  	s18 =	sadd.s32 s11, s17;
	[smem:$0x7E2] =	sst s12  }
0x30: {  	s23 =	sor.u32 $0x3000, s8;
	s2 =	sadd.s32 s13, s15;
	[smem:$0x7E6] =	sst s18  }
0x31: {  	s7 =	sor.u32 $0x103000, s8;
	s5 =	sadd.s32 s11, s23;
	[smem:$0x7D3] =	sst s2  }
0x32: {  	s10 =	sadd.s32 s11, s7;
	[smem:$0x7ED] =	sst s5  }
0x33: {  	s18 =	sadd.s32 s11, s8;
	[smem:$0x7F1] =	sst s10  }
0x34: {  	s15 =	sor.u32 $0x82800, s8;
	s2 =	sadd.s32 s13, s20;
	[smem:$0x7F7] =	sst s18  }
0x35: {  	s16 =	sadd.s32 s11, s15;
	[smem:$0x7DA] =	sst s2  }
0x36: {  	s3 =	sadd.s32 s13, s15;
	[smem:$0x7E4] =	sst s16  }
0x37: {  	s20 =	sadd.s32 s11, s19;
	[smem:$0x7E5] =	sst s3  }
0x38: {  	s19 =	sadd.s32 s13, s8;
	[smem:$0x7E8] =	sst s20  }
0x39: {  	s28 =	simm.s32 $0xA;
	s2 =	sadd.s32 s13, s25;
	[smem:$0x7F8] =	sst s19  }
0x3a: {  	s24 =	sor.u32 $0x3800, s8;
	s25 =	sadd.s32 s0, s23;
	[smem:$0x7DC] =	sst s2  }
0x3b: {  	s29 =	simm.s32 $0x7;
	s0 =	sadd.s32 s0, s24;
	[smem:$0x7EB] =	sst s25  }
0x3c: {  	s30 =	simm.s32 $0x8;
	s16 =	sadd.s32 s11, s24;
	[smem:$0x7EC] =	sst s0  }
0x3d: {  	s26 =	sor.u32 $0x83000, s8;
	s2 =	sadd.s32 s13, s4;
	[smem:$0x7F5] =	sst s16  }
0x3e: {  	s22 =	sor.u32 $0x183800, s8;
	s0 =	sadd.s32 s13, s26;
	[smem:$0x7DE] =	sst s2  }
0x3f: {  	s31 =	simm.s32 $0x0;
	s25 =	sadd.s32 s11, s22;
	[smem:$0x7F0] =	sst s0  }
0x40: {  	s14 =	smax.u32 s14, $0x1;
	s2 =	sadd.s32 s13, s6;
	[smem:$0x7FC] =	sst s25  }
0x41: {  	s21 =	sor.u32 $0x103800, s8;
	s6 =	sadd.s32 s11, s26;
	[smem:$0x7E0] =	sst s2  }
0x42: {  	s18 =	simm.s32 $0x14000;
	s0 =	sadd.s32 s13, s7;
	[smem:$0x7EF] =	sst s6  }
0x43: {  	s20 =	sor.u32 $0x83800, s8;
	s26 =	sadd.s32 s13, s21;
	[smem:$0x7F2] =	sst s0  }
0x44: {  	s19 =	simm.s32 $0x1;
	s2 =	sadd.s32 s13, s9;
	[smem:$0x7FD] =	sst s26  }
0x45: {  	s16 =	simm.s32 $0x4000;
	s0 =	sadd.s32 s13, s20;
	[smem:$0x7E3] =	sst s2  }
0x46: {  	s9 =	sor.u32 $0x183000, s8;
	s2 =	sadd.s32 s13, s17;
	[smem:$0x7FA] =	sst s0  }
0x47: {  	s25 =	simm.s32 $0x4;
	s12 =	sadd.s32 s11, s9;
	[smem:$0x7E7] =	sst s2  }
0x48: {  	s26 =	simm.s32 $0x6;
	s15 =	sadd.s32 s13, s9;
	[smem:$0x7F3] =	sst s12  }
0x49: {  	s17 =	sadd.s32 s13, s24;
	s24 =	sadd.s32 s11, s21;
	[smem:$0x7F4] =	sst s15  }
0x4a: {  	s21 =	simm.s32 $0x2;
	s2 =	sadd.s32 s13, s23;
	[smem:$0x7F6] =	sst s17  }
0x4b: {  	s23 =	sadd.s32 s11, s20;
	[smem:$0x7FB] =	sst s24;
	s13 =	sadd.s32 s13, s22  }
0x4c: {  	s15 =	simm.s32 $0x10000;
	s17 =	simm.s32 $0x9;
	[smem:$0x7EE] =	sst s2  }
0x4d: {  	s20 =	simm.s32 $0x8000;
	s22 =	simm.s32 $0xC000;
	[smem:$0x7F9] =	sst s23  }
0x4e: {  	s24 =	simm.s32 $0x5;
	s23 =	simm.s32 $0x3;
	_ =	strace $0x80000047  }
.LBB2_1:
0x4f: {  	s0 =	sld [smem:$0x7EA];
	_ =	sdelay $0x1  }
0x50: {  	s8 =	sld [smem:$0x7F7]  }
0x51: {  	[tilespmem:s15], [sflag:$0x9] =	stream.linear.gather [hbm4b:s0+s1], $0x4000, $0x38;
	[tilespmem:$0x18000] =	vst v63  }
0x52: {  	_ = 	snop  }
0x53: {  	[tilespmem:s1], [sflag:$0x1] =	stream.linear.gather [hbm4b:s8+s1], $0x4000, $0x38;
	[tilespmem:$0x18000] =	vst v63  }
0x54: {  	s9 =	rddreg [dreg:$0x4]  }
0x55: {  	[tilespmem:s16], [sflag:$0x2] =	stream.linear.gather [hbm4b:s9+s1], $0x4000, $0x38;
	[tilespmem:$0x18000] =	vst v63  }
0x56: {  	_ =	swait.ge [sflag:s17], $0x4000  }
0x57: {  	[sflag:s17] =	ssyncset.done $0x0  }
0x58: {  	s0 =	simm.s32 $0x0;
	s10 =	rddreg [dreg:$0x5];
	[sflag:s17] =	ssyncadd.s32 $0xFFFFC000  }
0x59: {  	[tilespmem:s18], [sflag:$0xA] =	stream.linear.gather [hbm4b:s10+s1], $0x4000, $0x38;
	[tilespmem:$0x18000] =	vst v63  }
0x5a: {  	s3 =	sand.u32 $0x1C00, s1;
	s2 =	sand.u32 $0x2000, s0;
	_ =	swait.ge [sflag:s19], $0x4000  }
0x5b: {  	s11 =	sand.u32 $0x380, s1;
	s2 =	sor.u32 s2, s3;
	[sflag:s19] =	ssyncset.done $0x0  }
0x5c: {  	s2 =	sor.u32 s11, s2;
	[sflag:s19] =	ssyncadd.s32 $0xFFFFC000  }
0x5d: {  	v0 =	vld [tilespmem:s2+$0x10070]  }
0x5e: {  	v4 =	vld [tilespmem:s2+$0x10000]  }
0x5f: {  	v5 =	vld [tilespmem:s2+$0x10010]  }
0x60: {  	v6 =	vld [tilespmem:s2+$0x10020]  }
0x61: {  	v2 =	vld [tilespmem:s2+$0x10030]  }
0x62: {  	v3 =	vld [tilespmem:s2+$0x10040]  }
0x63: {  	s3 =	sor.u32 $0x70, s2;
	v1 =	vld [tilespmem:s2+$0x10050]  }
0x64: {  	[tilespmem:s3+$0x0] =	vst.add.f32.msk $0xffff, v0  }
0x65: {  	v0 =	vld [tilespmem:s2+$0x10060]  }
0x66: {  	s12 =	sor.u32 $0x10, s2;
	s8 =	sor.u32 $0x20, s2;
	[tilespmem:s2+$0x0] =	vst.add.f32.msk $0xffff, v4  }
0x67: {  	s7 =	sor.u32 $0x30, s2;
	s6 =	sor.u32 $0x40, s2;
	s5 =	sor.u32 $0x50, s2;
	[tilespmem:s12+$0x0] =	vst.add.f32.msk $0xffff, v5  }
0x68: {  	s4 =	sor.u32 $0x60, s2;
	[tilespmem:s8+$0x0] =	vst.add.f32.msk $0xffff, v6;
	s2 =	simm.s32 $0x0;
	s3 =	simm.s32 $0x0  }
.LBB2_2:
0x69: {  	s0 =	sadd.s32 $0x80, s0;
	[tilespmem:s7+$0x0] =	vst.add.f32.msk $0xffff, v2;
	s2 =	sadd.s32 $0x400, s2  }
0x6a: {  	s3 =	sadd.s32 $0x10, s3;
	s7 =	sand.u32 $0x2000, s0;
	s8 =	sand.u32 $0x1C00, s2;
	[tilespmem:s6+$0x0] =	vst.add.f32.msk $0xffff, v3  }
0x6b: {  	p0 =	slt.u32 s0, $0x3F80;
	s6 =	sor.u32 s7, s8;
	s7 =	sand.u32 $0x380, s3;
	[tilespmem:s5+$0x0] =	vst.add.f32.msk $0xffff, v1  }
0x6c: {  	s8 =	sor.u32 s7, s6;
	[tilespmem:s4+$0x0] =	vst.add.f32.msk $0xffff, v0  }
0x6d: {  	s9 =	sor.u32 $0x10, s8;
	s10 =	sor.u32 $0x20, s8;
	s7 =	sor.u32 $0x30, s8;
	v0 =	vld [tilespmem:s8+$0x10070]  }
0x6e: {  	s6 =	sor.u32 $0x40, s8;
	s5 =	sor.u32 $0x50, s8;
	s4 =	sor.u32 $0x60, s8;
	v4 =	vld [tilespmem:s8+$0x10000]  }
0x6f: {  	v5 =	vld [tilespmem:s8+$0x10010]  }
0x70: {  	v6 =	vld [tilespmem:s8+$0x10020]  }
0x71: {  	s11 =	sor.u32 $0x70, s8;
	v2 =	vld [tilespmem:s8+$0x10030]  }
0x72: {  	[tilespmem:s11+$0x0] =	vst.add.f32.msk $0xffff, v0  }
0x73: {  	v3 =	vld [tilespmem:s8+$0x10040]  }
.Ltmp0:
0x74: {  	v1 =	vld [tilespmem:s8+$0x10050];
	(pc) =	sbr.rel @p0 .LBB2_2-.Ltmp0, $4  }
0x75: {  	v0 =	vld [tilespmem:s8+$0x10060]  }
0x76: {  	[tilespmem:s8+$0x0] =	vst.add.f32.msk $0xffff, v4  }
0x77: {  	[tilespmem:s9+$0x0] =	vst.add.f32.msk $0xffff, v5  }
0x78: {  	[tilespmem:s10+$0x0] =	vst.add.f32.msk $0xffff, v6  }
0x79: {  	[tilespmem:s7+$0x0] =	vst.add.f32.msk $0xffff, v2  }
0x7a: {  	[tilespmem:s6+$0x0] =	vst.add.f32.msk $0xffff, v3  }
0x7b: {  	[tilespmem:s5+$0x0] =	vst.add.f32.msk $0xffff, v1  }
0x7c: {  	[tilespmem:s4+$0x0] =	vst.add.f32.msk $0xffff, v0  }
0x7d: {  	s2 =	sld [smem:$0x7F8];
	_ =	sdelay $0x1  }
0x7e: {  	s0 =	simm.s32 $0x0  }
0x7f: {  	[hbm4b:s2+s0] =	stream.linear.scatter [tilespmem:s0], [sflag:$0x5], $0x4000, $0x38;
	[tilespmem:$0x18000] =	vst v63  }
0x80: {  	s8 =	rddreg [dreg:$0x6];
	s2 =	simm.s32 $0x0  }
0x81: {  	[tilespmem:s20], [sflag:$0x3] =	stream.linear.gather [hbm4b:s8+s0], $0x4000, $0x38;
	[tilespmem:$0x18000] =	vst v63  }
0x82: {  	s9 =	sand.u32 $0x1C00, s0;
	s3 =	sand.u32 $0x2000, s2;
	_ =	swait.ge [sflag:s21], $0x4000  }
0x83: {  	s10 =	sand.u32 $0x380, s0;
	s3 =	sor.u32 s3, s9;
	[sflag:s21] =	ssyncset.done $0x0  }
0x84: {  	s3 =	sor.u32 s10, s3;
	[sflag:s21] =	ssyncadd.s32 $0xFFFFC000  }
0x85: {  	v0 =	vld [tilespmem:s3+$0x10070]  }
0x86: {  	v4 =	vld [tilespmem:s3+$0x10000]  }
0x87: {  	v5 =	vld [tilespmem:s3+$0x10010]  }
0x88: {  	v6 =	vld [tilespmem:s3+$0x10020]  }
0x89: {  	v2 =	vld [tilespmem:s3+$0x10030]  }
0x8a: {  	v3 =	vld [tilespmem:s3+$0x10040]  }
0x8b: {  	s4 =	sor.u32 $0x4070, s3;
	v1 =	vld [tilespmem:s3+$0x10060]  }
0x8c: {  	[tilespmem:s4+$0x0] =	vst.add.f32.msk $0xffff, v0  }
0x8d: {  	s11 =	sor.u32 $0x4000, s3;
	v0 =	vld [tilespmem:s3+$0x10050]  }
0x8e: {  	s12 =	sor.u32 $0x4010, s3;
	[tilespmem:s11+$0x0] =	vst.add.f32.msk $0xffff, v4  }
0x8f: {  	s8 =	sor.u32 $0x4020, s3;
	s7 =	sor.u32 $0x4030, s3;
	s6 =	sor.u32 $0x4040, s3;
	[tilespmem:s12+$0x0] =	vst.add.f32.msk $0xffff, v5  }
0x90: {  	s5 =	sor.u32 $0x4060, s3;
	s4 =	sor.u32 $0x4050, s3;
	[tilespmem:s8+$0x0] =	vst.add.f32.msk $0xffff, v6;
	s3 =	simm.s32 $0x0  }
.LBB2_4:
0x91: {  	s2 =	sadd.s32 $0x80, s2;
	[tilespmem:s7+$0x0] =	vst.add.f32.msk $0xffff, v2;
	s0 =	sadd.s32 $0x400, s0  }
0x92: {  	s3 =	sadd.s32 $0x10, s3;
	s7 =	sand.u32 $0x2000, s2;
	s8 =	sand.u32 $0x1C00, s0;
	[tilespmem:s6+$0x0] =	vst.add.f32.msk $0xffff, v3  }
0x93: {  	p0 =	slt.u32 s2, $0x3F80;
	s6 =	sor.u32 s7, s8;
	s7 =	sand.u32 $0x380, s3;
	[tilespmem:s4+$0x0] =	vst.add.f32.msk $0xffff, v0  }
0x94: {  	s8 =	sor.u32 s7, s6;
	[tilespmem:s5+$0x0] =	vst.add.f32.msk $0xffff, v1  }
0x95: {  	s9 =	sor.u32 $0x4000, s8;
	s10 =	sor.u32 $0x4010, s8;
	s11 =	sor.u32 $0x4020, s8;
	v0 =	vld [tilespmem:s8+$0x10070]  }
0x96: {  	s7 =	sor.u32 $0x4030, s8;
	s6 =	sor.u32 $0x4040, s8;
	s4 =	sor.u32 $0x4050, s8;
	v4 =	vld [tilespmem:s8+$0x10000]  }
0x97: {  	s5 =	sor.u32 $0x4060, s8;
	v5 =	vld [tilespmem:s8+$0x10010]  }
0x98: {  	v6 =	vld [tilespmem:s8+$0x10020]  }
0x99: {  	s12 =	sor.u32 $0x4070, s8;
	v2 =	vld [tilespmem:s8+$0x10030]  }
0x9a: {  	[tilespmem:s12+$0x0] =	vst.add.f32.msk $0xffff, v0  }
0x9b: {  	v3 =	vld [tilespmem:s8+$0x10040]  }
.Ltmp1:
0x9c: {  	v0 =	vld [tilespmem:s8+$0x10050];
	(pc) =	sbr.rel @p0 .LBB2_4-.Ltmp1, $4  }
0x9d: {  	v1 =	vld [tilespmem:s8+$0x10060]  }
0x9e: {  	[tilespmem:s9+$0x0] =	vst.add.f32.msk $0xffff, v4  }
0x9f: {  	[tilespmem:s10+$0x0] =	vst.add.f32.msk $0xffff, v5  }
0xa0: {  	[tilespmem:s11+$0x0] =	vst.add.f32.msk $0xffff, v6  }
0xa1: {  	[tilespmem:s7+$0x0] =	vst.add.f32.msk $0xffff, v2  }
0xa2: {  	[tilespmem:s6+$0x0] =	vst.add.f32.msk $0xffff, v3  }
0xa3: {  	[tilespmem:s4+$0x0] =	vst.add.f32.msk $0xffff, v0  }
0xa4: {  	[tilespmem:s5+$0x0] =	vst.add.f32.msk $0xffff, v1  }
0xa5: {  	s0 =	simm.s32 $0x0;
	s2 =	rddreg [dreg:$0x7]  }
0xa6: {  	[hbm4b:s2+s0] =	stream.linear.scatter [tilespmem:s16], [sflag:$0x6], $0x4000, $0x38;
	[tilespmem:$0x18000] =	vst v63  }
0xa7: {  	s8 =	rddreg [dreg:$0x8];
	s2 =	simm.s32 $0x0  }
0xa8: {  	[tilespmem:s22], [sflag:$0x4] =	stream.linear.gather [hbm4b:s8+s0], $0x4000, $0x38;
	[tilespmem:$0x18000] =	vst v63  }
0xa9: {  	s9 =	sand.u32 $0x1C00, s0;
	s3 =	sand.u32 $0x2000, s2;
	_ =	swait.ge [sflag:s23], $0x4000  }
0xaa: {  	s10 =	sand.u32 $0x380, s0;
	s3 =	sor.u32 s3, s9;
	[sflag:s23] =	ssyncset.done $0x0  }
0xab: {  	s3 =	sor.u32 s10, s3;
	[sflag:s23] =	ssyncadd.s32 $0xFFFFC000  }
0xac: {  	v0 =	vld [tilespmem:s3+$0x10070]  }
0xad: {  	v4 =	vld [tilespmem:s3+$0x10000]  }
0xae: {  	v5 =	vld [tilespmem:s3+$0x10010]  }
0xaf: {  	v6 =	vld [tilespmem:s3+$0x10020]  }
0xb0: {  	v2 =	vld [tilespmem:s3+$0x10030]  }
0xb1: {  	v3 =	vld [tilespmem:s3+$0x10040]  }
0xb2: {  	s4 =	sor.u32 $0x8070, s3;
	v1 =	vld [tilespmem:s3+$0x10060]  }
0xb3: {  	[tilespmem:s4+$0x0] =	vst.add.f32.msk $0xffff, v0  }
0xb4: {  	s11 =	sor.u32 $0x8000, s3;
	v0 =	vld [tilespmem:s3+$0x10050]  }
0xb5: {  	s12 =	sor.u32 $0x8010, s3;
	[tilespmem:s11+$0x0] =	vst.add.f32.msk $0xffff, v4  }
0xb6: {  	s8 =	sor.u32 $0x8020, s3;
	s7 =	sor.u32 $0x8030, s3;
	s6 =	sor.u32 $0x8040, s3;
	[tilespmem:s12+$0x0] =	vst.add.f32.msk $0xffff, v5  }
0xb7: {  	s5 =	sor.u32 $0x8060, s3;
	s4 =	sor.u32 $0x8050, s3;
	[tilespmem:s8+$0x0] =	vst.add.f32.msk $0xffff, v6;
	s3 =	simm.s32 $0x0  }
.LBB2_6:
0xb8: {  	s2 =	sadd.s32 $0x80, s2;
	[tilespmem:s7+$0x0] =	vst.add.f32.msk $0xffff, v2;
	s0 =	sadd.s32 $0x400, s0  }
0xb9: {  	s3 =	sadd.s32 $0x10, s3;
	s7 =	sand.u32 $0x2000, s2;
	s8 =	sand.u32 $0x1C00, s0;
	[tilespmem:s6+$0x0] =	vst.add.f32.msk $0xffff, v3  }
0xba: {  	p0 =	slt.u32 s2, $0x3F80;
	s6 =	sor.u32 s7, s8;
	s7 =	sand.u32 $0x380, s3;
	[tilespmem:s4+$0x0] =	vst.add.f32.msk $0xffff, v0  }
0xbb: {  	s8 =	sor.u32 s7, s6;
	[tilespmem:s5+$0x0] =	vst.add.f32.msk $0xffff, v1  }
0xbc: {  	s9 =	sor.u32 $0x8000, s8;
	s10 =	sor.u32 $0x8010, s8;
	s11 =	sor.u32 $0x8020, s8;
	v0 =	vld [tilespmem:s8+$0x10070]  }
0xbd: {  	s7 =	sor.u32 $0x8030, s8;
	s6 =	sor.u32 $0x8040, s8;
	s4 =	sor.u32 $0x8050, s8;
	v4 =	vld [tilespmem:s8+$0x10000]  }
0xbe: {  	s5 =	sor.u32 $0x8060, s8;
	v5 =	vld [tilespmem:s8+$0x10010]  }
0xbf: {  	v6 =	vld [tilespmem:s8+$0x10020]  }
0xc0: {  	s12 =	sor.u32 $0x8070, s8;
	v2 =	vld [tilespmem:s8+$0x10030]  }
0xc1: {  	[tilespmem:s12+$0x0] =	vst.add.f32.msk $0xffff, v0  }
0xc2: {  	v3 =	vld [tilespmem:s8+$0x10040]  }
.Ltmp2:
0xc3: {  	v0 =	vld [tilespmem:s8+$0x10050];
	(pc) =	sbr.rel @p0 .LBB2_6-.Ltmp2, $4  }
0xc4: {  	v1 =	vld [tilespmem:s8+$0x10060]  }
0xc5: {  	[tilespmem:s9+$0x0] =	vst.add.f32.msk $0xffff, v4  }
0xc6: {  	[tilespmem:s10+$0x0] =	vst.add.f32.msk $0xffff, v5  }
0xc7: {  	[tilespmem:s11+$0x0] =	vst.add.f32.msk $0xffff, v6  }
0xc8: {  	[tilespmem:s7+$0x0] =	vst.add.f32.msk $0xffff, v2  }
0xc9: {  	[tilespmem:s6+$0x0] =	vst.add.f32.msk $0xffff, v3  }
0xca: {  	[tilespmem:s4+$0x0] =	vst.add.f32.msk $0xffff, v0  }
0xcb: {  	[tilespmem:s5+$0x0] =	vst.add.f32.msk $0xffff, v1  }
0xcc: {  	s0 =	simm.s32 $0x0;
	s2 =	rddreg [dreg:$0x9]  }
0xcd: {  	[hbm4b:s2+s0] =	stream.linear.scatter [tilespmem:s20], [sflag:$0x7], $0x4000, $0x38;
	[tilespmem:$0x18000] =	vst v63  }
0xce: {  	_ =	swait.ge [sflag:s24], $0x4000  }
0xcf: {  	[sflag:s24] =	ssyncset.done $0x0  }
0xd0: {  	s2 =	simm.s32 $0x0;
	s8 =	rddreg [dreg:$0xa];
	[sflag:s24] =	ssyncadd.s32 $0xFFFFC000  }
0xd1: {  	[tilespmem:s0], [sflag:$0x1] =	stream.linear.gather [hbm4b:s8+s0], $0x4000, $0x38;
	[tilespmem:$0x18000] =	vst v63  }
0xd2: {  	s9 =	sand.u32 $0x1C00, s0;
	s3 =	sand.u32 $0x2000, s2;
	_ =	swait.ge [sflag:s25], $0x4000  }
0xd3: {  	s10 =	sand.u32 $0x380, s0;
	s3 =	sor.u32 s3, s9;
	[sflag:s25] =	ssyncset.done $0x0  }
0xd4: {  	s3 =	sor.u32 s10, s3;
	[sflag:s25] =	ssyncadd.s32 $0xFFFFC000  }
0xd5: {  	v0 =	vld [tilespmem:s3+$0x10070]  }
0xd6: {  	v4 =	vld [tilespmem:s3+$0x10000]  }
0xd7: {  	v5 =	vld [tilespmem:s3+$0x10010]  }
0xd8: {  	v6 =	vld [tilespmem:s3+$0x10020]  }
0xd9: {  	v2 =	vld [tilespmem:s3+$0x10030]  }
0xda: {  	v3 =	vld [tilespmem:s3+$0x10040]  }
0xdb: {  	s4 =	sor.u32 $0xC070, s3;
	v1 =	vld [tilespmem:s3+$0x10060]  }
0xdc: {  	[tilespmem:s4+$0x0] =	vst.add.f32.msk $0xffff, v0  }
0xdd: {  	s11 =	sor.u32 $0xC000, s3;
	v0 =	vld [tilespmem:s3+$0x10050]  }
0xde: {  	s12 =	sor.u32 $0xC010, s3;
	[tilespmem:s11+$0x0] =	vst.add.f32.msk $0xffff, v4  }
0xdf: {  	s8 =	sor.u32 $0xC020, s3;
	s7 =	sor.u32 $0xC030, s3;
	s6 =	sor.u32 $0xC040, s3;
	[tilespmem:s12+$0x0] =	vst.add.f32.msk $0xffff, v5  }
0xe0: {  	s5 =	sor.u32 $0xC060, s3;
	s4 =	sor.u32 $0xC050, s3;
	[tilespmem:s8+$0x0] =	vst.add.f32.msk $0xffff, v6;
	s3 =	simm.s32 $0x0  }
.LBB2_8:
0xe1: {  	s2 =	sadd.s32 $0x80, s2;
	[tilespmem:s7+$0x0] =	vst.add.f32.msk $0xffff, v2;
	s0 =	sadd.s32 $0x400, s0  }
0xe2: {  	s3 =	sadd.s32 $0x10, s3;
	s7 =	sand.u32 $0x2000, s2;
	s8 =	sand.u32 $0x1C00, s0;
	[tilespmem:s6+$0x0] =	vst.add.f32.msk $0xffff, v3  }
0xe3: {  	p0 =	slt.u32 s2, $0x3F80;
	s6 =	sor.u32 s7, s8;
	s7 =	sand.u32 $0x380, s3;
	[tilespmem:s4+$0x0] =	vst.add.f32.msk $0xffff, v0  }
0xe4: {  	s8 =	sor.u32 s7, s6;
	[tilespmem:s5+$0x0] =	vst.add.f32.msk $0xffff, v1  }
0xe5: {  	s9 =	sor.u32 $0xC000, s8;
	s10 =	sor.u32 $0xC010, s8;
	s11 =	sor.u32 $0xC020, s8;
	v0 =	vld [tilespmem:s8+$0x10070]  }
0xe6: {  	s7 =	sor.u32 $0xC030, s8;
	s6 =	sor.u32 $0xC040, s8;
	s4 =	sor.u32 $0xC050, s8;
	v4 =	vld [tilespmem:s8+$0x10000]  }
0xe7: {  	s5 =	sor.u32 $0xC060, s8;
	v5 =	vld [tilespmem:s8+$0x10010]  }
0xe8: {  	v6 =	vld [tilespmem:s8+$0x10020]  }
0xe9: {  	s12 =	sor.u32 $0xC070, s8;
	v2 =	vld [tilespmem:s8+$0x10030]  }
0xea: {  	[tilespmem:s12+$0x0] =	vst.add.f32.msk $0xffff, v0  }
0xeb: {  	v3 =	vld [tilespmem:s8+$0x10040]  }
.Ltmp3:
0xec: {  	v0 =	vld [tilespmem:s8+$0x10050];
	(pc) =	sbr.rel @p0 .LBB2_8-.Ltmp3, $4  }
0xed: {  	v1 =	vld [tilespmem:s8+$0x10060]  }
0xee: {  	[tilespmem:s9+$0x0] =	vst.add.f32.msk $0xffff, v4  }
0xef: {  	[tilespmem:s10+$0x0] =	vst.add.f32.msk $0xffff, v5  }
0xf0: {  	[tilespmem:s11+$0x0] =	vst.add.f32.msk $0xffff, v6  }
0xf1: {  	[tilespmem:s7+$0x0] =	vst.add.f32.msk $0xffff, v2  }
0xf2: {  	[tilespmem:s6+$0x0] =	vst.add.f32.msk $0xffff, v3  }
0xf3: {  	[tilespmem:s4+$0x0] =	vst.add.f32.msk $0xffff, v0  }
0xf4: {  	[tilespmem:s5+$0x0] =	vst.add.f32.msk $0xffff, v1  }
0xf5: {  	s0 =	simm.s32 $0x0;
	s2 =	rddreg [dreg:$0xb]  }
0xf6: {  	[hbm4b:s2+s0] =	stream.linear.scatter [tilespmem:s22], [sflag:$0x8], $0x4000, $0x38;
	[tilespmem:$0x18000] =	vst v63  }
0xf7: {  	_ =	swait.ge [sflag:s26], $0x4000  }
0xf8: {  	[sflag:s26] =	ssyncset.done $0x0  }
0xf9: {  	s8 =	rddreg [dreg:$0xc];
	[sflag:s26] =	ssyncadd.s32 $0xFFFFC000  }
0xfa: {  	[tilespmem:s16], [sflag:$0x2] =	stream.linear.gather [hbm4b:s8+s0], $0x4000, $0x38;
	[tilespmem:$0x18000] =	vst v63  }
0xfb: {  	_ =	swait.ge [sflag:s28], $0x4000  }
0xfc: {  	[sflag:s28] =	ssyncset.done $0x0  }
0xfd: {  	s2 =	simm.s32 $0x0;
	s9 =	rddreg [dreg:$0xd];
	[sflag:s28] =	ssyncadd.s32 $0xFFFFC000  }
0xfe: {  	[tilespmem:s15], [sflag:$0x9] =	stream.linear.gather [hbm4b:s9+s0], $0x4000, $0x38;
	[tilespmem:$0x18000] =	vst v63  }
0xff: {  	s10 =	sand.u32 $0x1C00, s0;
	s3 =	sand.u32 $0x2000, s2;
	_ =	swait.ge [sflag:s19], $0x4000  }
0x100: {  	s11 =	sand.u32 $0x380, s0;
	s3 =	sor.u32 s3, s10;
	[sflag:s19] =	ssyncset.done $0x0  }
0x101: {  	s3 =	sor.u32 s11, s3;
	[sflag:s19] =	ssyncadd.s32 $0xFFFFC000  }
0x102: {  	v0 =	vld [tilespmem:s3+$0x14070]  }
0x103: {  	v4 =	vld [tilespmem:s3+$0x14000]  }
0x104: {  	v5 =	vld [tilespmem:s3+$0x14010]  }
0x105: {  	v6 =	vld [tilespmem:s3+$0x14020]  }
0x106: {  	v2 =	vld [tilespmem:s3+$0x14030]  }
0x107: {  	v3 =	vld [tilespmem:s3+$0x14040]  }
0x108: {  	s4 =	sor.u32 $0x70, s3;
	v1 =	vld [tilespmem:s3+$0x14050]  }
0x109: {  	[tilespmem:s4+$0x0] =	vst.add.f32.msk $0xffff, v0  }
0x10a: {  	v0 =	vld [tilespmem:s3+$0x14060]  }
0x10b: {  	s12 =	sor.u32 $0x10, s3;
	[tilespmem:s3+$0x0] =	vst.add.f32.msk $0xffff, v4  }
0x10c: {  	s8 =	sor.u32 $0x20, s3;
	s7 =	sor.u32 $0x30, s3;
	s6 =	sor.u32 $0x40, s3;
	[tilespmem:s12+$0x0] =	vst.add.f32.msk $0xffff, v5  }
0x10d: {  	s5 =	sor.u32 $0x50, s3;
	s4 =	sor.u32 $0x60, s3;
	[tilespmem:s8+$0x0] =	vst.add.f32.msk $0xffff, v6;
	s3 =	simm.s32 $0x0  }
.LBB2_10:
0x10e: {  	s2 =	sadd.s32 $0x80, s2;
	[tilespmem:s7+$0x0] =	vst.add.f32.msk $0xffff, v2;
	s0 =	sadd.s32 $0x400, s0  }
0x10f: {  	s3 =	sadd.s32 $0x10, s3;
	s7 =	sand.u32 $0x2000, s2;
	s8 =	sand.u32 $0x1C00, s0;
	[tilespmem:s6+$0x0] =	vst.add.f32.msk $0xffff, v3  }
0x110: {  	p0 =	slt.u32 s2, $0x3F80;
	s6 =	sor.u32 s7, s8;
	s7 =	sand.u32 $0x380, s3;
	[tilespmem:s5+$0x0] =	vst.add.f32.msk $0xffff, v1  }
0x111: {  	s8 =	sor.u32 s7, s6;
	[tilespmem:s4+$0x0] =	vst.add.f32.msk $0xffff, v0  }
0x112: {  	s9 =	sor.u32 $0x10, s8;
	s10 =	sor.u32 $0x20, s8;
	s7 =	sor.u32 $0x30, s8;
	v0 =	vld [tilespmem:s8+$0x14070]  }
0x113: {  	s6 =	sor.u32 $0x40, s8;
	s5 =	sor.u32 $0x50, s8;
	s4 =	sor.u32 $0x60, s8;
	v4 =	vld [tilespmem:s8+$0x14000]  }
0x114: {  	v5 =	vld [tilespmem:s8+$0x14010]  }
0x115: {  	v6 =	vld [tilespmem:s8+$0x14020]  }
0x116: {  	s11 =	sor.u32 $0x70, s8;
	v2 =	vld [tilespmem:s8+$0x14030]  }
0x117: {  	[tilespmem:s11+$0x0] =	vst.add.f32.msk $0xffff, v0  }
0x118: {  	v3 =	vld [tilespmem:s8+$0x14040]  }
.Ltmp4:
0x119: {  	v1 =	vld [tilespmem:s8+$0x14050];
	(pc) =	sbr.rel @p0 .LBB2_10-.Ltmp4, $4  }
0x11a: {  	v0 =	vld [tilespmem:s8+$0x14060]  }
0x11b: {  	[tilespmem:s8+$0x0] =	vst.add.f32.msk $0xffff, v4  }
0x11c: {  	[tilespmem:s9+$0x0] =	vst.add.f32.msk $0xffff, v5  }
0x11d: {  	[tilespmem:s10+$0x0] =	vst.add.f32.msk $0xffff, v6  }
0x11e: {  	[tilespmem:s7+$0x0] =	vst.add.f32.msk $0xffff, v2  }
0x11f: {  	[tilespmem:s6+$0x0] =	vst.add.f32.msk $0xffff, v3  }
0x120: {  	[tilespmem:s5+$0x0] =	vst.add.f32.msk $0xffff, v1  }
0x121: {  	[tilespmem:s4+$0x0] =	vst.add.f32.msk $0xffff, v0  }
0x122: {  	s0 =	simm.s32 $0x0;
	s2 =	rddreg [dreg:$0xe]  }
0x123: {  	[hbm4b:s2+s0] =	stream.linear.scatter [tilespmem:s0], [sflag:$0x5], $0x4000, $0x38;
	[tilespmem:$0x18000] =	vst v63  }
0x124: {  	_ =	swait.ge [sflag:s29], $0x4000  }
0x125: {  	[sflag:s29] =	ssyncset.done $0x0  }
0x126: {  	s2 =	simm.s32 $0x0;
	s8 =	rddreg [dreg:$0xf];
	[sflag:s29] =	ssyncadd.s32 $0xFFFFC000  }
0x127: {  	[tilespmem:s20], [sflag:$0x3] =	stream.linear.gather [hbm4b:s8+s0], $0x4000, $0x38;
	[tilespmem:$0x18000] =	vst v63  }
0x128: {  	s9 =	sand.u32 $0x1C00, s0;
	s3 =	sand.u32 $0x2000, s2;
	_ =	swait.ge [sflag:s21], $0x4000  }
0x129: {  	s10 =	sand.u32 $0x380, s0;
	s3 =	sor.u32 s3, s9;
	[sflag:s21] =	ssyncset.done $0x0  }
0x12a: {  	s3 =	sor.u32 s10, s3;
	[sflag:s21] =	ssyncadd.s32 $0xFFFFC000  }
0x12b: {  	v0 =	vld [tilespmem:s3+$0x14070]  }
0x12c: {  	v4 =	vld [tilespmem:s3+$0x14000]  }
0x12d: {  	v5 =	vld [tilespmem:s3+$0x14010]  }
0x12e: {  	v6 =	vld [tilespmem:s3+$0x14020]  }
0x12f: {  	v2 =	vld [tilespmem:s3+$0x14030]  }
0x130: {  	v3 =	vld [tilespmem:s3+$0x14040]  }
0x131: {  	s4 =	sor.u32 $0x4070, s3;
	v1 =	vld [tilespmem:s3+$0x14060]  }
0x132: {  	[tilespmem:s4+$0x0] =	vst.add.f32.msk $0xffff, v0  }
0x133: {  	s11 =	sor.u32 $0x4000, s3;
	v0 =	vld [tilespmem:s3+$0x14050]  }
0x134: {  	s12 =	sor.u32 $0x4010, s3;
	[tilespmem:s11+$0x0] =	vst.add.f32.msk $0xffff, v4  }
0x135: {  	s8 =	sor.u32 $0x4020, s3;
	s7 =	sor.u32 $0x4030, s3;
	s6 =	sor.u32 $0x4040, s3;
	[tilespmem:s12+$0x0] =	vst.add.f32.msk $0xffff, v5  }
0x136: {  	s5 =	sor.u32 $0x4060, s3;
	s4 =	sor.u32 $0x4050, s3;
	[tilespmem:s8+$0x0] =	vst.add.f32.msk $0xffff, v6;
	s3 =	simm.s32 $0x0  }
.LBB2_12:
0x137: {  	s2 =	sadd.s32 $0x80, s2;
	[tilespmem:s7+$0x0] =	vst.add.f32.msk $0xffff, v2;
	s0 =	sadd.s32 $0x400, s0  }
0x138: {  	s3 =	sadd.s32 $0x10, s3;
	s7 =	sand.u32 $0x2000, s2;
	s8 =	sand.u32 $0x1C00, s0;
	[tilespmem:s6+$0x0] =	vst.add.f32.msk $0xffff, v3  }
0x139: {  	p0 =	slt.u32 s2, $0x3F80;
	s6 =	sor.u32 s7, s8;
	s7 =	sand.u32 $0x380, s3;
	[tilespmem:s4+$0x0] =	vst.add.f32.msk $0xffff, v0  }
0x13a: {  	s8 =	sor.u32 s7, s6;
	[tilespmem:s5+$0x0] =	vst.add.f32.msk $0xffff, v1  }
0x13b: {  	s9 =	sor.u32 $0x4000, s8;
	s10 =	sor.u32 $0x4010, s8;
	s11 =	sor.u32 $0x4020, s8;
	v0 =	vld [tilespmem:s8+$0x14070]  }
0x13c: {  	s7 =	sor.u32 $0x4030, s8;
	s6 =	sor.u32 $0x4040, s8;
	s4 =	sor.u32 $0x4050, s8;
	v4 =	vld [tilespmem:s8+$0x14000]  }
0x13d: {  	s5 =	sor.u32 $0x4060, s8;
	v5 =	vld [tilespmem:s8+$0x14010]  }
0x13e: {  	v6 =	vld [tilespmem:s8+$0x14020]  }
0x13f: {  	s12 =	sor.u32 $0x4070, s8;
	v2 =	vld [tilespmem:s8+$0x14030]  }
0x140: {  	[tilespmem:s12+$0x0] =	vst.add.f32.msk $0xffff, v0  }
0x141: {  	v3 =	vld [tilespmem:s8+$0x14040]  }
.Ltmp5:
0x142: {  	v0 =	vld [tilespmem:s8+$0x14050];
	(pc) =	sbr.rel @p0 .LBB2_12-.Ltmp5, $4  }
0x143: {  	v1 =	vld [tilespmem:s8+$0x14060]  }
0x144: {  	[tilespmem:s9+$0x0] =	vst.add.f32.msk $0xffff, v4  }
0x145: {  	[tilespmem:s10+$0x0] =	vst.add.f32.msk $0xffff, v5  }
0x146: {  	[tilespmem:s11+$0x0] =	vst.add.f32.msk $0xffff, v6  }
0x147: {  	[tilespmem:s7+$0x0] =	vst.add.f32.msk $0xffff, v2  }
0x148: {  	[tilespmem:s6+$0x0] =	vst.add.f32.msk $0xffff, v3  }
0x149: {  	[tilespmem:s4+$0x0] =	vst.add.f32.msk $0xffff, v0  }
0x14a: {  	[tilespmem:s5+$0x0] =	vst.add.f32.msk $0xffff, v1  }
0x14b: {  	s0 =	simm.s32 $0x0;
	s2 =	rddreg [dreg:$0x10]  }
0x14c: {  	[hbm4b:s2+s0] =	stream.linear.scatter [tilespmem:s16], [sflag:$0x6], $0x4000, $0x38;
	[tilespmem:$0x18000] =	vst v63  }
0x14d: {  	_ =	swait.ge [sflag:s30], $0x4000  }
0x14e: {  	[sflag:s30] =	ssyncset.done $0x0  }
0x14f: {  	s2 =	simm.s32 $0x0;
	s8 =	rddreg [dreg:$0x11];
	[sflag:s30] =	ssyncadd.s32 $0xFFFFC000  }
0x150: {  	[tilespmem:s22], [sflag:$0x4] =	stream.linear.gather [hbm4b:s8+s0], $0x4000, $0x38;
	[tilespmem:$0x18000] =	vst v63  }
0x151: {  	s9 =	sand.u32 $0x1C00, s0;
	s3 =	sand.u32 $0x2000, s2;
	_ =	swait.ge [sflag:s23], $0x4000  }
0x152: {  	s10 =	sand.u32 $0x380, s0;
	s3 =	sor.u32 s3, s9;
	[sflag:s23] =	ssyncset.done $0x0  }
0x153: {  	s3 =	sor.u32 s10, s3;
	[sflag:s23] =	ssyncadd.s32 $0xFFFFC000  }
0x154: {  	v0 =	vld [tilespmem:s3+$0x14070]  }
0x155: {  	v4 =	vld [tilespmem:s3+$0x14000]  }
0x156: {  	v5 =	vld [tilespmem:s3+$0x14010]  }
0x157: {  	v6 =	vld [tilespmem:s3+$0x14020]  }
0x158: {  	v2 =	vld [tilespmem:s3+$0x14030]  }
0x159: {  	v3 =	vld [tilespmem:s3+$0x14040]  }
0x15a: {  	s4 =	sor.u32 $0x8070, s3;
	v1 =	vld [tilespmem:s3+$0x14060]  }
0x15b: {  	[tilespmem:s4+$0x0] =	vst.add.f32.msk $0xffff, v0  }
0x15c: {  	s11 =	sor.u32 $0x8000, s3;
	v0 =	vld [tilespmem:s3+$0x14050]  }
0x15d: {  	s12 =	sor.u32 $0x8010, s3;
	[tilespmem:s11+$0x0] =	vst.add.f32.msk $0xffff, v4  }
0x15e: {  	s8 =	sor.u32 $0x8020, s3;
	s7 =	sor.u32 $0x8030, s3;
	s6 =	sor.u32 $0x8040, s3;
	[tilespmem:s12+$0x0] =	vst.add.f32.msk $0xffff, v5  }
0x15f: {  	s5 =	sor.u32 $0x8060, s3;
	s4 =	sor.u32 $0x8050, s3;
	[tilespmem:s8+$0x0] =	vst.add.f32.msk $0xffff, v6;
	s3 =	simm.s32 $0x0  }
.LBB2_14:
0x160: {  	s2 =	sadd.s32 $0x80, s2;
	[tilespmem:s7+$0x0] =	vst.add.f32.msk $0xffff, v2;
	s0 =	sadd.s32 $0x400, s0  }
0x161: {  	s3 =	sadd.s32 $0x10, s3;
	s7 =	sand.u32 $0x2000, s2;
	s8 =	sand.u32 $0x1C00, s0;
	[tilespmem:s6+$0x0] =	vst.add.f32.msk $0xffff, v3  }
0x162: {  	p0 =	slt.u32 s2, $0x3F80;
	s6 =	sor.u32 s7, s8;
	s7 =	sand.u32 $0x380, s3;
	[tilespmem:s4+$0x0] =	vst.add.f32.msk $0xffff, v0  }
0x163: {  	s8 =	sor.u32 s7, s6;
	[tilespmem:s5+$0x0] =	vst.add.f32.msk $0xffff, v1  }
0x164: {  	s9 =	sor.u32 $0x8000, s8;
	s10 =	sor.u32 $0x8010, s8;
	s11 =	sor.u32 $0x8020, s8;
	v0 =	vld [tilespmem:s8+$0x14070]  }
0x165: {  	s7 =	sor.u32 $0x8030, s8;
	s6 =	sor.u32 $0x8040, s8;
	s4 =	sor.u32 $0x8050, s8;
	v4 =	vld [tilespmem:s8+$0x14000]  }
0x166: {  	s5 =	sor.u32 $0x8060, s8;
	v5 =	vld [tilespmem:s8+$0x14010]  }
0x167: {  	v6 =	vld [tilespmem:s8+$0x14020]  }
0x168: {  	s12 =	sor.u32 $0x8070, s8;
	v2 =	vld [tilespmem:s8+$0x14030]  }
0x169: {  	[tilespmem:s12+$0x0] =	vst.add.f32.msk $0xffff, v0  }
0x16a: {  	v3 =	vld [tilespmem:s8+$0x14040]  }
.Ltmp6:
0x16b: {  	v0 =	vld [tilespmem:s8+$0x14050];
	(pc) =	sbr.rel @p0 .LBB2_14-.Ltmp6, $4  }
0x16c: {  	v1 =	vld [tilespmem:s8+$0x14060]  }
0x16d: {  	[tilespmem:s9+$0x0] =	vst.add.f32.msk $0xffff, v4  }
0x16e: {  	[tilespmem:s10+$0x0] =	vst.add.f32.msk $0xffff, v5  }
0x16f: {  	[tilespmem:s11+$0x0] =	vst.add.f32.msk $0xffff, v6  }
0x170: {  	[tilespmem:s7+$0x0] =	vst.add.f32.msk $0xffff, v2  }
0x171: {  	[tilespmem:s6+$0x0] =	vst.add.f32.msk $0xffff, v3  }
0x172: {  	[tilespmem:s4+$0x0] =	vst.add.f32.msk $0xffff, v0  }
0x173: {  	[tilespmem:s5+$0x0] =	vst.add.f32.msk $0xffff, v1  }
0x174: {  	s0 =	simm.s32 $0x0;
	s2 =	rddreg [dreg:$0x12]  }
0x175: {  	[hbm4b:s2+s0] =	stream.linear.scatter [tilespmem:s20], [sflag:$0x7], $0x4000, $0x38;
	[tilespmem:$0x18000] =	vst v63  }
0x176: {  	_ =	swait.ge [sflag:s24], $0x4000  }
0x177: {  	[sflag:s24] =	ssyncset.done $0x0  }
0x178: {  	s2 =	simm.s32 $0x0;
	s8 =	rddreg [dreg:$0x13];
	[sflag:s24] =	ssyncadd.s32 $0xFFFFC000  }
0x179: {  	[tilespmem:s0], [sflag:$0x1] =	stream.linear.gather [hbm4b:s8+s0], $0x4000, $0x38;
	[tilespmem:$0x18000] =	vst v63  }
0x17a: {  	s9 =	sand.u32 $0x1C00, s0;
	s3 =	sand.u32 $0x2000, s2;
	_ =	swait.ge [sflag:s25], $0x4000  }
0x17b: {  	s10 =	sand.u32 $0x380, s0;
	s3 =	sor.u32 s3, s9;
	[sflag:s25] =	ssyncset.done $0x0  }
0x17c: {  	s3 =	sor.u32 s10, s3;
	[sflag:s25] =	ssyncadd.s32 $0xFFFFC000  }
0x17d: {  	v0 =	vld [tilespmem:s3+$0x14070]  }
0x17e: {  	v4 =	vld [tilespmem:s3+$0x14000]  }
0x17f: {  	v5 =	vld [tilespmem:s3+$0x14010]  }
0x180: {  	v6 =	vld [tilespmem:s3+$0x14020]  }
0x181: {  	v2 =	vld [tilespmem:s3+$0x14030]  }
0x182: {  	v3 =	vld [tilespmem:s3+$0x14040]  }
0x183: {  	s4 =	sor.u32 $0xC070, s3;
	v1 =	vld [tilespmem:s3+$0x14060]  }
0x184: {  	[tilespmem:s4+$0x0] =	vst.add.f32.msk $0xffff, v0  }
0x185: {  	s11 =	sor.u32 $0xC000, s3;
	v0 =	vld [tilespmem:s3+$0x14050]  }
0x186: {  	s12 =	sor.u32 $0xC010, s3;
	[tilespmem:s11+$0x0] =	vst.add.f32.msk $0xffff, v4  }
0x187: {  	s8 =	sor.u32 $0xC020, s3;
	s7 =	sor.u32 $0xC030, s3;
	s6 =	sor.u32 $0xC040, s3;
	[tilespmem:s12+$0x0] =	vst.add.f32.msk $0xffff, v5  }
0x188: {  	s5 =	sor.u32 $0xC060, s3;
	s4 =	sor.u32 $0xC050, s3;
	[tilespmem:s8+$0x0] =	vst.add.f32.msk $0xffff, v6;
	s3 =	simm.s32 $0x0  }
.LBB2_16:
0x189: {  	s2 =	sadd.s32 $0x80, s2;
	[tilespmem:s7+$0x0] =	vst.add.f32.msk $0xffff, v2;
	s0 =	sadd.s32 $0x400, s0  }
0x18a: {  	s3 =	sadd.s32 $0x10, s3;
	s7 =	sand.u32 $0x2000, s2;
	s8 =	sand.u32 $0x1C00, s0;
	[tilespmem:s6+$0x0] =	vst.add.f32.msk $0xffff, v3  }
0x18b: {  	p0 =	slt.u32 s2, $0x3F80;
	s6 =	sor.u32 s7, s8;
	s7 =	sand.u32 $0x380, s3;
	[tilespmem:s4+$0x0] =	vst.add.f32.msk $0xffff, v0  }
0x18c: {  	s8 =	sor.u32 s7, s6;
	[tilespmem:s5+$0x0] =	vst.add.f32.msk $0xffff, v1  }
0x18d: {  	s9 =	sor.u32 $0xC000, s8;
	s10 =	sor.u32 $0xC010, s8;
	s11 =	sor.u32 $0xC020, s8;
	v0 =	vld [tilespmem:s8+$0x14070]  }
0x18e: {  	s7 =	sor.u32 $0xC030, s8;
	s6 =	sor.u32 $0xC040, s8;
	s4 =	sor.u32 $0xC050, s8;
	v4 =	vld [tilespmem:s8+$0x14000]  }
0x18f: {  	s5 =	sor.u32 $0xC060, s8;
	v5 =	vld [tilespmem:s8+$0x14010]  }
0x190: {  	v6 =	vld [tilespmem:s8+$0x14020]  }
0x191: {  	s12 =	sor.u32 $0xC070, s8;
	v2 =	vld [tilespmem:s8+$0x14030]  }
0x192: {  	[tilespmem:s12+$0x0] =	vst.add.f32.msk $0xffff, v0  }
0x193: {  	v3 =	vld [tilespmem:s8+$0x14040]  }
.Ltmp7:
0x194: {  	v0 =	vld [tilespmem:s8+$0x14050];
	(pc) =	sbr.rel @p0 .LBB2_16-.Ltmp7, $4  }
0x195: {  	v1 =	vld [tilespmem:s8+$0x14060]  }
0x196: {  	[tilespmem:s9+$0x0] =	vst.add.f32.msk $0xffff, v4  }
0x197: {  	[tilespmem:s10+$0x0] =	vst.add.f32.msk $0xffff, v5  }
0x198: {  	[tilespmem:s11+$0x0] =	vst.add.f32.msk $0xffff, v6  }
0x199: {  	[tilespmem:s7+$0x0] =	vst.add.f32.msk $0xffff, v2  }
0x19a: {  	[tilespmem:s6+$0x0] =	vst.add.f32.msk $0xffff, v3  }
0x19b: {  	[tilespmem:s4+$0x0] =	vst.add.f32.msk $0xffff, v0  }
0x19c: {  	[tilespmem:s5+$0x0] =	vst.add.f32.msk $0xffff, v1  }
0x19d: {  	s0 =	simm.s32 $0x0;
	s2 =	rddreg [dreg:$0x14]  }
0x19e: {  	[hbm4b:s2+s0] =	stream.linear.scatter [tilespmem:s22], [sflag:$0x8], $0x4000, $0x38;
	[tilespmem:$0x18000] =	vst v63  }
0x19f: {  	_ =	swait.ge [sflag:s26], $0x4000  }
0x1a0: {  	[sflag:s26] =	ssyncset.done $0x0  }
0x1a1: {  	s8 =	rddreg [dreg:$0x16];
	[sflag:s26] =	ssyncadd.s32 $0xFFFFC000  }
0x1a2: {  	[tilespmem:s16], [sflag:$0x2] =	stream.linear.gather [hbm4b:s8+s0], $0x4000, $0x38;
	[tilespmem:$0x18000] =	vst v63  }
0x1a3: {  	_ =	swait.ge [sflag:s17], $0x4000  }
0x1a4: {  	[sflag:s17] =	ssyncset.done $0x0  }
0x1a5: {  	s2 =	simm.s32 $0x0;
	s9 =	rddreg [dreg:$0x1c];
	[sflag:s17] =	ssyncadd.s32 $0xFFFFC000  }
0x1a6: {  	[tilespmem:s18], [sflag:$0xA] =	stream.linear.gather [hbm4b:s9+s0], $0x4000, $0x38;
	[tilespmem:$0x18000] =	vst v63  }
0x1a7: {  	s10 =	sand.u32 $0x1C00, s0;
	s3 =	sand.u32 $0x2000, s2;
	_ =	swait.ge [sflag:s19], $0x4000  }
0x1a8: {  	s11 =	sand.u32 $0x380, s0;
	s3 =	sor.u32 s3, s10;
	[sflag:s19] =	ssyncset.done $0x0  }
0x1a9: {  	s3 =	sor.u32 s11, s3;
	[sflag:s19] =	ssyncadd.s32 $0xFFFFC000  }
0x1aa: {  	v0 =	vld [tilespmem:s3+$0x10070]  }
0x1ab: {  	v4 =	vld [tilespmem:s3+$0x10000]  }
0x1ac: {  	v5 =	vld [tilespmem:s3+$0x10010]  }
0x1ad: {  	v6 =	vld [tilespmem:s3+$0x10020]  }
0x1ae: {  	v2 =	vld [tilespmem:s3+$0x10030]  }
0x1af: {  	v3 =	vld [tilespmem:s3+$0x10040]  }
0x1b0: {  	s4 =	sor.u32 $0x70, s3;
	v1 =	vld [tilespmem:s3+$0x10050]  }
0x1b1: {  	[tilespmem:s4+$0x0] =	vst.add.f32.msk $0xffff, v0  }
0x1b2: {  	v0 =	vld [tilespmem:s3+$0x10060]  }
0x1b3: {  	s12 =	sor.u32 $0x10, s3;
	[tilespmem:s3+$0x0] =	vst.add.f32.msk $0xffff, v4  }
0x1b4: {  	s8 =	sor.u32 $0x20, s3;
	s7 =	sor.u32 $0x30, s3;
	s6 =	sor.u32 $0x40, s3;
	[tilespmem:s12+$0x0] =	vst.add.f32.msk $0xffff, v5  }
0x1b5: {  	s5 =	sor.u32 $0x50, s3;
	s4 =	sor.u32 $0x60, s3;
	[tilespmem:s8+$0x0] =	vst.add.f32.msk $0xffff, v6;
	s3 =	simm.s32 $0x0  }
.LBB2_18:
0x1b6: {  	s2 =	sadd.s32 $0x80, s2;
	[tilespmem:s7+$0x0] =	vst.add.f32.msk $0xffff, v2;
	s0 =	sadd.s32 $0x400, s0  }
0x1b7: {  	s3 =	sadd.s32 $0x10, s3;
	s7 =	sand.u32 $0x2000, s2;
	s8 =	sand.u32 $0x1C00, s0;
	[tilespmem:s6+$0x0] =	vst.add.f32.msk $0xffff, v3  }
0x1b8: {  	p0 =	slt.u32 s2, $0x3F80;
	s6 =	sor.u32 s7, s8;
	s7 =	sand.u32 $0x380, s3;
	[tilespmem:s5+$0x0] =	vst.add.f32.msk $0xffff, v1  }
0x1b9: {  	s8 =	sor.u32 s7, s6;
	[tilespmem:s4+$0x0] =	vst.add.f32.msk $0xffff, v0  }
0x1ba: {  	s9 =	sor.u32 $0x10, s8;
	s10 =	sor.u32 $0x20, s8;
	s7 =	sor.u32 $0x30, s8;
	v0 =	vld [tilespmem:s8+$0x10070]  }
0x1bb: {  	s6 =	sor.u32 $0x40, s8;
	s5 =	sor.u32 $0x50, s8;
	s4 =	sor.u32 $0x60, s8;
	v4 =	vld [tilespmem:s8+$0x10000]  }
0x1bc: {  	v5 =	vld [tilespmem:s8+$0x10010]  }
0x1bd: {  	v6 =	vld [tilespmem:s8+$0x10020]  }
0x1be: {  	s11 =	sor.u32 $0x70, s8;
	v2 =	vld [tilespmem:s8+$0x10030]  }
0x1bf: {  	[tilespmem:s11+$0x0] =	vst.add.f32.msk $0xffff, v0  }
0x1c0: {  	v3 =	vld [tilespmem:s8+$0x10040]  }
.Ltmp8:
0x1c1: {  	v1 =	vld [tilespmem:s8+$0x10050];
	(pc) =	sbr.rel @p0 .LBB2_18-.Ltmp8, $4  }
0x1c2: {  	v0 =	vld [tilespmem:s8+$0x10060]  }
0x1c3: {  	[tilespmem:s8+$0x0] =	vst.add.f32.msk $0xffff, v4  }
0x1c4: {  	[tilespmem:s9+$0x0] =	vst.add.f32.msk $0xffff, v5  }
0x1c5: {  	[tilespmem:s10+$0x0] =	vst.add.f32.msk $0xffff, v6  }
0x1c6: {  	[tilespmem:s7+$0x0] =	vst.add.f32.msk $0xffff, v2  }
0x1c7: {  	[tilespmem:s6+$0x0] =	vst.add.f32.msk $0xffff, v3  }
0x1c8: {  	[tilespmem:s5+$0x0] =	vst.add.f32.msk $0xffff, v1  }
0x1c9: {  	[tilespmem:s4+$0x0] =	vst.add.f32.msk $0xffff, v0  }
0x1ca: {  	s0 =	simm.s32 $0x0;
	s2 =	rddreg [dreg:$0x15]  }
0x1cb: {  	[hbm4b:s2+s0] =	stream.linear.scatter [tilespmem:s0], [sflag:$0x5], $0x4000, $0x38;
	[tilespmem:$0x18000] =	vst v63  }
0x1cc: {  	_ =	swait.ge [sflag:s29], $0x4000  }
0x1cd: {  	[sflag:s29] =	ssyncset.done $0x0  }
0x1ce: {  	s2 =	simm.s32 $0x0;
	s8 =	rddreg [dreg:$0x18];
	[sflag:s29] =	ssyncadd.s32 $0xFFFFC000  }
0x1cf: {  	[tilespmem:s20], [sflag:$0x3] =	stream.linear.gather [hbm4b:s8+s0], $0x4000, $0x38;
	[tilespmem:$0x18000] =	vst v63  }
0x1d0: {  	s9 =	sand.u32 $0x1C00, s0;
	s3 =	sand.u32 $0x2000, s2;
	_ =	swait.ge [sflag:s21], $0x4000  }
0x1d1: {  	s10 =	sand.u32 $0x380, s0;
	s3 =	sor.u32 s3, s9;
	[sflag:s21] =	ssyncset.done $0x0  }
0x1d2: {  	s3 =	sor.u32 s10, s3;
	[sflag:s21] =	ssyncadd.s32 $0xFFFFC000  }
0x1d3: {  	v0 =	vld [tilespmem:s3+$0x10070]  }
0x1d4: {  	v4 =	vld [tilespmem:s3+$0x10000]  }
0x1d5: {  	v5 =	vld [tilespmem:s3+$0x10010]  }
0x1d6: {  	v6 =	vld [tilespmem:s3+$0x10020]  }
0x1d7: {  	v2 =	vld [tilespmem:s3+$0x10030]  }
0x1d8: {  	v3 =	vld [tilespmem:s3+$0x10040]  }
0x1d9: {  	s4 =	sor.u32 $0x4070, s3;
	v1 =	vld [tilespmem:s3+$0x10060]  }
0x1da: {  	[tilespmem:s4+$0x0] =	vst.add.f32.msk $0xffff, v0  }
0x1db: {  	s11 =	sor.u32 $0x4000, s3;
	v0 =	vld [tilespmem:s3+$0x10050]  }
0x1dc: {  	s12 =	sor.u32 $0x4010, s3;
	[tilespmem:s11+$0x0] =	vst.add.f32.msk $0xffff, v4  }
0x1dd: {  	s8 =	sor.u32 $0x4020, s3;
	s7 =	sor.u32 $0x4030, s3;
	s6 =	sor.u32 $0x4040, s3;
	[tilespmem:s12+$0x0] =	vst.add.f32.msk $0xffff, v5  }
0x1de: {  	s5 =	sor.u32 $0x4060, s3;
	s4 =	sor.u32 $0x4050, s3;
	[tilespmem:s8+$0x0] =	vst.add.f32.msk $0xffff, v6;
	s3 =	simm.s32 $0x0  }
.LBB2_20:
0x1df: {  	s2 =	sadd.s32 $0x80, s2;
	[tilespmem:s7+$0x0] =	vst.add.f32.msk $0xffff, v2;
	s0 =	sadd.s32 $0x400, s0  }
0x1e0: {  	s3 =	sadd.s32 $0x10, s3;
	s7 =	sand.u32 $0x2000, s2;
	s8 =	sand.u32 $0x1C00, s0;
	[tilespmem:s6+$0x0] =	vst.add.f32.msk $0xffff, v3  }
0x1e1: {  	p0 =	slt.u32 s2, $0x3F80;
	s6 =	sor.u32 s7, s8;
	s7 =	sand.u32 $0x380, s3;
	[tilespmem:s4+$0x0] =	vst.add.f32.msk $0xffff, v0  }
0x1e2: {  	s8 =	sor.u32 s7, s6;
	[tilespmem:s5+$0x0] =	vst.add.f32.msk $0xffff, v1  }
0x1e3: {  	s9 =	sor.u32 $0x4000, s8;
	s10 =	sor.u32 $0x4010, s8;
	s11 =	sor.u32 $0x4020, s8;
	v0 =	vld [tilespmem:s8+$0x10070]  }
0x1e4: {  	s7 =	sor.u32 $0x4030, s8;
	s6 =	sor.u32 $0x4040, s8;
	s4 =	sor.u32 $0x4050, s8;
	v4 =	vld [tilespmem:s8+$0x10000]  }
0x1e5: {  	s5 =	sor.u32 $0x4060, s8;
	v5 =	vld [tilespmem:s8+$0x10010]  }
0x1e6: {  	v6 =	vld [tilespmem:s8+$0x10020]  }
0x1e7: {  	s12 =	sor.u32 $0x4070, s8;
	v2 =	vld [tilespmem:s8+$0x10030]  }
0x1e8: {  	[tilespmem:s12+$0x0] =	vst.add.f32.msk $0xffff, v0  }
0x1e9: {  	v3 =	vld [tilespmem:s8+$0x10040]  }
.Ltmp9:
0x1ea: {  	v0 =	vld [tilespmem:s8+$0x10050];
	(pc) =	sbr.rel @p0 .LBB2_20-.Ltmp9, $4  }
0x1eb: {  	v1 =	vld [tilespmem:s8+$0x10060]  }
0x1ec: {  	[tilespmem:s9+$0x0] =	vst.add.f32.msk $0xffff, v4  }
0x1ed: {  	[tilespmem:s10+$0x0] =	vst.add.f32.msk $0xffff, v5  }
0x1ee: {  	[tilespmem:s11+$0x0] =	vst.add.f32.msk $0xffff, v6  }
0x1ef: {  	[tilespmem:s7+$0x0] =	vst.add.f32.msk $0xffff, v2  }
0x1f0: {  	[tilespmem:s6+$0x0] =	vst.add.f32.msk $0xffff, v3  }
0x1f1: {  	[tilespmem:s4+$0x0] =	vst.add.f32.msk $0xffff, v0  }
0x1f2: {  	[tilespmem:s5+$0x0] =	vst.add.f32.msk $0xffff, v1  }
0x1f3: {  	s0 =	simm.s32 $0x0;
	s2 =	rddreg [dreg:$0x17]  }
0x1f4: {  	[hbm4b:s2+s0] =	stream.linear.scatter [tilespmem:s16], [sflag:$0x6], $0x4000, $0x38;
	[tilespmem:$0x18000] =	vst v63  }
0x1f5: {  	_ =	swait.ge [sflag:s30], $0x4000  }
0x1f6: {  	[sflag:s30] =	ssyncset.done $0x0  }
0x1f7: {  	s2 =	simm.s32 $0x0;
	s8 =	rddreg [dreg:$0x1a];
	[sflag:s30] =	ssyncadd.s32 $0xFFFFC000  }
0x1f8: {  	[tilespmem:s22], [sflag:$0x4] =	stream.linear.gather [hbm4b:s8+s0], $0x4000, $0x38;
	[tilespmem:$0x18000] =	vst v63  }
0x1f9: {  	s9 =	sand.u32 $0x1C00, s0;
	s3 =	sand.u32 $0x2000, s2;
	_ =	swait.ge [sflag:s23], $0x4000  }
0x1fa: {  	s10 =	sand.u32 $0x380, s0;
	s3 =	sor.u32 s3, s9;
	[sflag:s23] =	ssyncset.done $0x0  }
0x1fb: {  	s3 =	sor.u32 s10, s3;
	[sflag:s23] =	ssyncadd.s32 $0xFFFFC000  }
0x1fc: {  	v0 =	vld [tilespmem:s3+$0x10070]  }
0x1fd: {  	v4 =	vld [tilespmem:s3+$0x10000]  }
0x1fe: {  	v5 =	vld [tilespmem:s3+$0x10010]  }
0x1ff: {  	v6 =	vld [tilespmem:s3+$0x10020]  }
0x200: {  	v2 =	vld [tilespmem:s3+$0x10030]  }
0x201: {  	v3 =	vld [tilespmem:s3+$0x10040]  }
0x202: {  	s4 =	sor.u32 $0x8070, s3;
	v1 =	vld [tilespmem:s3+$0x10060]  }
0x203: {  	[tilespmem:s4+$0x0] =	vst.add.f32.msk $0xffff, v0  }
0x204: {  	s11 =	sor.u32 $0x8000, s3;
	v0 =	vld [tilespmem:s3+$0x10050]  }
0x205: {  	s12 =	sor.u32 $0x8010, s3;
	[tilespmem:s11+$0x0] =	vst.add.f32.msk $0xffff, v4  }
0x206: {  	s8 =	sor.u32 $0x8020, s3;
	s7 =	sor.u32 $0x8030, s3;
	s6 =	sor.u32 $0x8040, s3;
	[tilespmem:s12+$0x0] =	vst.add.f32.msk $0xffff, v5  }
0x207: {  	s5 =	sor.u32 $0x8060, s3;
	s4 =	sor.u32 $0x8050, s3;
	[tilespmem:s8+$0x0] =	vst.add.f32.msk $0xffff, v6;
	s3 =	simm.s32 $0x0  }
.LBB2_22:
0x208: {  	s2 =	sadd.s32 $0x80, s2;
	[tilespmem:s7+$0x0] =	vst.add.f32.msk $0xffff, v2;
	s0 =	sadd.s32 $0x400, s0  }
0x209: {  	s3 =	sadd.s32 $0x10, s3;
	s7 =	sand.u32 $0x2000, s2;
	s8 =	sand.u32 $0x1C00, s0;
	[tilespmem:s6+$0x0] =	vst.add.f32.msk $0xffff, v3  }
0x20a: {  	p0 =	slt.u32 s2, $0x3F80;
	s6 =	sor.u32 s7, s8;
	s7 =	sand.u32 $0x380, s3;
	[tilespmem:s4+$0x0] =	vst.add.f32.msk $0xffff, v0  }
0x20b: {  	s8 =	sor.u32 s7, s6;
	[tilespmem:s5+$0x0] =	vst.add.f32.msk $0xffff, v1  }
0x20c: {  	s9 =	sor.u32 $0x8000, s8;
	s10 =	sor.u32 $0x8010, s8;
	s11 =	sor.u32 $0x8020, s8;
	v0 =	vld [tilespmem:s8+$0x10070]  }
0x20d: {  	s7 =	sor.u32 $0x8030, s8;
	s6 =	sor.u32 $0x8040, s8;
	s4 =	sor.u32 $0x8050, s8;
	v4 =	vld [tilespmem:s8+$0x10000]  }
0x20e: {  	s5 =	sor.u32 $0x8060, s8;
	v5 =	vld [tilespmem:s8+$0x10010]  }
0x20f: {  	v6 =	vld [tilespmem:s8+$0x10020]  }
0x210: {  	s12 =	sor.u32 $0x8070, s8;
	v2 =	vld [tilespmem:s8+$0x10030]  }
0x211: {  	[tilespmem:s12+$0x0] =	vst.add.f32.msk $0xffff, v0  }
0x212: {  	v3 =	vld [tilespmem:s8+$0x10040]  }
.Ltmp10:
0x213: {  	v0 =	vld [tilespmem:s8+$0x10050];
	(pc) =	sbr.rel @p0 .LBB2_22-.Ltmp10, $4  }
0x214: {  	v1 =	vld [tilespmem:s8+$0x10060]  }
0x215: {  	[tilespmem:s9+$0x0] =	vst.add.f32.msk $0xffff, v4  }
0x216: {  	[tilespmem:s10+$0x0] =	vst.add.f32.msk $0xffff, v5  }
0x217: {  	[tilespmem:s11+$0x0] =	vst.add.f32.msk $0xffff, v6  }
0x218: {  	[tilespmem:s7+$0x0] =	vst.add.f32.msk $0xffff, v2  }
0x219: {  	[tilespmem:s6+$0x0] =	vst.add.f32.msk $0xffff, v3  }
0x21a: {  	[tilespmem:s4+$0x0] =	vst.add.f32.msk $0xffff, v0  }
0x21b: {  	[tilespmem:s5+$0x0] =	vst.add.f32.msk $0xffff, v1  }
0x21c: {  	s0 =	simm.s32 $0x0;
	s2 =	rddreg [dreg:$0x19]  }
0x21d: {  	[hbm4b:s2+s0] =	stream.linear.scatter [tilespmem:s20], [sflag:$0x7], $0x4000, $0x38;
	[tilespmem:$0x18000] =	vst v63  }
0x21e: {  	_ =	swait.ge [sflag:s24], $0x4000  }
0x21f: {  	[sflag:s24] =	ssyncset.done $0x0  }
0x220: {  	s2 =	simm.s32 $0x0;
	s8 =	rddreg [dreg:$0x1d];
	[sflag:s24] =	ssyncadd.s32 $0xFFFFC000  }
0x221: {  	[tilespmem:s0], [sflag:$0x1] =	stream.linear.gather [hbm4b:s8+s0], $0x4000, $0x38;
	[tilespmem:$0x18000] =	vst v63  }
0x222: {  	s9 =	sand.u32 $0x1C00, s0;
	s3 =	sand.u32 $0x2000, s2;
	_ =	swait.ge [sflag:s25], $0x4000  }
0x223: {  	s10 =	sand.u32 $0x380, s0;
	s3 =	sor.u32 s3, s9;
	[sflag:s25] =	ssyncset.done $0x0  }
0x224: {  	s3 =	sor.u32 s10, s3;
	[sflag:s25] =	ssyncadd.s32 $0xFFFFC000  }
0x225: {  	v0 =	vld [tilespmem:s3+$0x10070]  }
0x226: {  	v4 =	vld [tilespmem:s3+$0x10000]  }
0x227: {  	v5 =	vld [tilespmem:s3+$0x10010]  }
0x228: {  	v6 =	vld [tilespmem:s3+$0x10020]  }
0x229: {  	v2 =	vld [tilespmem:s3+$0x10030]  }
0x22a: {  	v3 =	vld [tilespmem:s3+$0x10040]  }
0x22b: {  	s4 =	sor.u32 $0xC070, s3;
	v1 =	vld [tilespmem:s3+$0x10060]  }
0x22c: {  	[tilespmem:s4+$0x0] =	vst.add.f32.msk $0xffff, v0  }
0x22d: {  	s11 =	sor.u32 $0xC000, s3;
	v0 =	vld [tilespmem:s3+$0x10050]  }
0x22e: {  	s12 =	sor.u32 $0xC010, s3;
	[tilespmem:s11+$0x0] =	vst.add.f32.msk $0xffff, v4  }
0x22f: {  	s8 =	sor.u32 $0xC020, s3;
	s7 =	sor.u32 $0xC030, s3;
	s6 =	sor.u32 $0xC040, s3;
	[tilespmem:s12+$0x0] =	vst.add.f32.msk $0xffff, v5  }
0x230: {  	s5 =	sor.u32 $0xC060, s3;
	s4 =	sor.u32 $0xC050, s3;
	[tilespmem:s8+$0x0] =	vst.add.f32.msk $0xffff, v6;
	s3 =	simm.s32 $0x0  }
.LBB2_24:
0x231: {  	s2 =	sadd.s32 $0x80, s2;
	[tilespmem:s7+$0x0] =	vst.add.f32.msk $0xffff, v2;
	s0 =	sadd.s32 $0x400, s0  }
0x232: {  	s3 =	sadd.s32 $0x10, s3;
	s7 =	sand.u32 $0x2000, s2;
	s8 =	sand.u32 $0x1C00, s0;
	[tilespmem:s6+$0x0] =	vst.add.f32.msk $0xffff, v3  }
0x233: {  	p0 =	slt.u32 s2, $0x3F80;
	s6 =	sor.u32 s7, s8;
	s7 =	sand.u32 $0x380, s3;
	[tilespmem:s4+$0x0] =	vst.add.f32.msk $0xffff, v0  }
0x234: {  	s8 =	sor.u32 s7, s6;
	[tilespmem:s5+$0x0] =	vst.add.f32.msk $0xffff, v1  }
0x235: {  	s9 =	sor.u32 $0xC000, s8;
	s10 =	sor.u32 $0xC010, s8;
	s11 =	sor.u32 $0xC020, s8;
	v0 =	vld [tilespmem:s8+$0x10070]  }
0x236: {  	s7 =	sor.u32 $0xC030, s8;
	s6 =	sor.u32 $0xC040, s8;
	s4 =	sor.u32 $0xC050, s8;
	v4 =	vld [tilespmem:s8+$0x10000]  }
0x237: {  	s5 =	sor.u32 $0xC060, s8;
	v5 =	vld [tilespmem:s8+$0x10010]  }
0x238: {  	v6 =	vld [tilespmem:s8+$0x10020]  }
0x239: {  	s12 =	sor.u32 $0xC070, s8;
	v2 =	vld [tilespmem:s8+$0x10030]  }
0x23a: {  	[tilespmem:s12+$0x0] =	vst.add.f32.msk $0xffff, v0  }
0x23b: {  	v3 =	vld [tilespmem:s8+$0x10040]  }
.Ltmp11:
0x23c: {  	v0 =	vld [tilespmem:s8+$0x10050];
	(pc) =	sbr.rel @p0 .LBB2_24-.Ltmp11, $4  }
0x23d: {  	v1 =	vld [tilespmem:s8+$0x10060]  }
0x23e: {  	[tilespmem:s9+$0x0] =	vst.add.f32.msk $0xffff, v4  }
0x23f: {  	[tilespmem:s10+$0x0] =	vst.add.f32.msk $0xffff, v5  }
0x240: {  	[tilespmem:s11+$0x0] =	vst.add.f32.msk $0xffff, v6  }
0x241: {  	[tilespmem:s7+$0x0] =	vst.add.f32.msk $0xffff, v2  }
0x242: {  	[tilespmem:s6+$0x0] =	vst.add.f32.msk $0xffff, v3  }
0x243: {  	[tilespmem:s4+$0x0] =	vst.add.f32.msk $0xffff, v0  }
0x244: {  	[tilespmem:s5+$0x0] =	vst.add.f32.msk $0xffff, v1  }
0x245: {  	s0 =	simm.s32 $0x0;
	s2 =	rddreg [dreg:$0x1b]  }
0x246: {  	[hbm4b:s2+s0] =	stream.linear.scatter [tilespmem:s22], [sflag:$0x8], $0x4000, $0x38;
	[tilespmem:$0x18000] =	vst v63  }
0x247: {  	_ =	swait.ge [sflag:s26], $0x4000  }
0x248: {  	[sflag:s26] =	ssyncset.done $0x0  }
0x249: {  	s8 =	rddreg [dreg:$0x1f];
	[sflag:s26] =	ssyncadd.s32 $0xFFFFC000  }
0x24a: {  	[tilespmem:s16], [sflag:$0x2] =	stream.linear.gather [hbm4b:s8+s0], $0x4000, $0x38;
	[tilespmem:$0x18000] =	vst v63  }
0x24b: {  	_ =	swait.ge [sflag:s28], $0x4000  }
0x24c: {  	s9 =	sld [smem:$0x7D8]  }
0x24d: {  	[sflag:s28] =	ssyncset.done $0x0  }
0x24e: {  	s2 =	simm.s32 $0x0;
	[sflag:s28] =	ssyncadd.s32 $0xFFFFC000  }
0x24f: {  	[tilespmem:s15], [sflag:$0x9] =	stream.linear.gather [hbm4b:s9+s0], $0x4000, $0x38;
	[tilespmem:$0x18000] =	vst v63  }
0x250: {  	s10 =	sand.u32 $0x1C00, s0;
	s3 =	sand.u32 $0x2000, s2;
	_ =	swait.ge [sflag:s19], $0x4000  }
0x251: {  	s11 =	sand.u32 $0x380, s0;
	s3 =	sor.u32 s3, s10;
	[sflag:s19] =	ssyncset.done $0x0  }
0x252: {  	s3 =	sor.u32 s11, s3;
	[sflag:s19] =	ssyncadd.s32 $0xFFFFC000  }
0x253: {  	v0 =	vld [tilespmem:s3+$0x14070]  }
0x254: {  	v4 =	vld [tilespmem:s3+$0x14000]  }
0x255: {  	v5 =	vld [tilespmem:s3+$0x14010]  }
0x256: {  	v6 =	vld [tilespmem:s3+$0x14020]  }
0x257: {  	v2 =	vld [tilespmem:s3+$0x14030]  }
0x258: {  	v3 =	vld [tilespmem:s3+$0x14040]  }
0x259: {  	s4 =	sor.u32 $0x70, s3;
	v1 =	vld [tilespmem:s3+$0x14050]  }
0x25a: {  	[tilespmem:s4+$0x0] =	vst.add.f32.msk $0xffff, v0  }
0x25b: {  	v0 =	vld [tilespmem:s3+$0x14060]  }
0x25c: {  	s12 =	sor.u32 $0x10, s3;
	[tilespmem:s3+$0x0] =	vst.add.f32.msk $0xffff, v4  }
0x25d: {  	s8 =	sor.u32 $0x20, s3;
	s7 =	sor.u32 $0x30, s3;
	s6 =	sor.u32 $0x40, s3;
	[tilespmem:s12+$0x0] =	vst.add.f32.msk $0xffff, v5  }
0x25e: {  	s5 =	sor.u32 $0x50, s3;
	s4 =	sor.u32 $0x60, s3;
	[tilespmem:s8+$0x0] =	vst.add.f32.msk $0xffff, v6;
	s3 =	simm.s32 $0x0  }
.LBB2_26:
0x25f: {  	s2 =	sadd.s32 $0x80, s2;
	[tilespmem:s7+$0x0] =	vst.add.f32.msk $0xffff, v2;
	s0 =	sadd.s32 $0x400, s0  }
0x260: {  	s3 =	sadd.s32 $0x10, s3;
	s7 =	sand.u32 $0x2000, s2;
	s8 =	sand.u32 $0x1C00, s0;
	[tilespmem:s6+$0x0] =	vst.add.f32.msk $0xffff, v3  }
0x261: {  	p0 =	slt.u32 s2, $0x3F80;
	s6 =	sor.u32 s7, s8;
	s7 =	sand.u32 $0x380, s3;
	[tilespmem:s5+$0x0] =	vst.add.f32.msk $0xffff, v1  }
0x262: {  	s8 =	sor.u32 s7, s6;
	[tilespmem:s4+$0x0] =	vst.add.f32.msk $0xffff, v0  }
0x263: {  	s9 =	sor.u32 $0x10, s8;
	s10 =	sor.u32 $0x20, s8;
	s7 =	sor.u32 $0x30, s8;
	v0 =	vld [tilespmem:s8+$0x14070]  }
0x264: {  	s6 =	sor.u32 $0x40, s8;
	s5 =	sor.u32 $0x50, s8;
	s4 =	sor.u32 $0x60, s8;
	v4 =	vld [tilespmem:s8+$0x14000]  }
0x265: {  	v5 =	vld [tilespmem:s8+$0x14010]  }
0x266: {  	v6 =	vld [tilespmem:s8+$0x14020]  }
0x267: {  	s11 =	sor.u32 $0x70, s8;
	v2 =	vld [tilespmem:s8+$0x14030]  }
0x268: {  	[tilespmem:s11+$0x0] =	vst.add.f32.msk $0xffff, v0  }
0x269: {  	v3 =	vld [tilespmem:s8+$0x14040]  }
.Ltmp12:
0x26a: {  	v1 =	vld [tilespmem:s8+$0x14050];
	(pc) =	sbr.rel @p0 .LBB2_26-.Ltmp12, $4  }
0x26b: {  	v0 =	vld [tilespmem:s8+$0x14060]  }
0x26c: {  	[tilespmem:s8+$0x0] =	vst.add.f32.msk $0xffff, v4  }
0x26d: {  	[tilespmem:s9+$0x0] =	vst.add.f32.msk $0xffff, v5  }
0x26e: {  	[tilespmem:s10+$0x0] =	vst.add.f32.msk $0xffff, v6  }
0x26f: {  	[tilespmem:s7+$0x0] =	vst.add.f32.msk $0xffff, v2  }
0x270: {  	[tilespmem:s6+$0x0] =	vst.add.f32.msk $0xffff, v3  }
0x271: {  	[tilespmem:s5+$0x0] =	vst.add.f32.msk $0xffff, v1  }
0x272: {  	[tilespmem:s4+$0x0] =	vst.add.f32.msk $0xffff, v0  }
0x273: {  	s0 =	simm.s32 $0x0;
	s2 =	rddreg [dreg:$0x1e]  }
0x274: {  	[hbm4b:s2+s0] =	stream.linear.scatter [tilespmem:s0], [sflag:$0x5], $0x4000, $0x38;
	[tilespmem:$0x18000] =	vst v63  }
0x275: {  	_ =	swait.ge [sflag:s29], $0x4000  }
0x276: {  	s8 =	sld [smem:$0x7D4]  }
0x277: {  	[sflag:s29] =	ssyncset.done $0x0  }
0x278: {  	s2 =	simm.s32 $0x0;
	[sflag:s29] =	ssyncadd.s32 $0xFFFFC000  }
0x279: {  	[tilespmem:s20], [sflag:$0x3] =	stream.linear.gather [hbm4b:s8+s0], $0x4000, $0x38;
	[tilespmem:$0x18000] =	vst v63  }
0x27a: {  	s9 =	sand.u32 $0x1C00, s0;
	s3 =	sand.u32 $0x2000, s2;
	_ =	swait.ge [sflag:s21], $0x4000  }
0x27b: {  	s10 =	sand.u32 $0x380, s0;
	s3 =	sor.u32 s3, s9;
	[sflag:s21] =	ssyncset.done $0x0  }
0x27c: {  	s3 =	sor.u32 s10, s3;
	[sflag:s21] =	ssyncadd.s32 $0xFFFFC000  }
0x27d: {  	v0 =	vld [tilespmem:s3+$0x14070]  }
0x27e: {  	v4 =	vld [tilespmem:s3+$0x14000]  }
0x27f: {  	v5 =	vld [tilespmem:s3+$0x14010]  }
0x280: {  	v6 =	vld [tilespmem:s3+$0x14020]  }
0x281: {  	v2 =	vld [tilespmem:s3+$0x14030]  }
0x282: {  	v3 =	vld [tilespmem:s3+$0x14040]  }
0x283: {  	s4 =	sor.u32 $0x4070, s3;
	v1 =	vld [tilespmem:s3+$0x14060]  }
0x284: {  	[tilespmem:s4+$0x0] =	vst.add.f32.msk $0xffff, v0  }
0x285: {  	s11 =	sor.u32 $0x4000, s3;
	v0 =	vld [tilespmem:s3+$0x14050]  }
0x286: {  	s12 =	sor.u32 $0x4010, s3;
	[tilespmem:s11+$0x0] =	vst.add.f32.msk $0xffff, v4  }
0x287: {  	s7 =	sor.u32 $0x4030, s3;
	s6 =	sor.u32 $0x4040, s3;
	s8 =	sor.u32 $0x4020, s3;
	[tilespmem:s12+$0x0] =	vst.add.f32.msk $0xffff, v5  }
0x288: {  	s5 =	sor.u32 $0x4060, s3;
	s4 =	sor.u32 $0x4050, s3;
	[tilespmem:s8+$0x0] =	vst.add.f32.msk $0xffff, v6;
	s3 =	simm.s32 $0x0  }
.LBB2_28:
0x289: {  	s2 =	sadd.s32 $0x80, s2;
	[tilespmem:s7+$0x0] =	vst.add.f32.msk $0xffff, v2;
	s0 =	sadd.s32 $0x400, s0  }
0x28a: {  	s3 =	sadd.s32 $0x10, s3;
	s7 =	sand.u32 $0x2000, s2;
	s8 =	sand.u32 $0x1C00, s0;
	[tilespmem:s6+$0x0] =	vst.add.f32.msk $0xffff, v3  }
0x28b: {  	p0 =	slt.u32 s2, $0x3F80;
	s6 =	sor.u32 s7, s8;
	s7 =	sand.u32 $0x380, s3;
	[tilespmem:s4+$0x0] =	vst.add.f32.msk $0xffff, v0  }
0x28c: {  	s8 =	sor.u32 s7, s6;
	[tilespmem:s5+$0x0] =	vst.add.f32.msk $0xffff, v1  }
0x28d: {  	s9 =	sor.u32 $0x4000, s8;
	s10 =	sor.u32 $0x4010, s8;
	s11 =	sor.u32 $0x4020, s8;
	v0 =	vld [tilespmem:s8+$0x14070]  }
0x28e: {  	s7 =	sor.u32 $0x4030, s8;
	s6 =	sor.u32 $0x4040, s8;
	s4 =	sor.u32 $0x4050, s8;
	v4 =	vld [tilespmem:s8+$0x14000]  }
0x28f: {  	s5 =	sor.u32 $0x4060, s8;
	v5 =	vld [tilespmem:s8+$0x14010]  }
0x290: {  	v6 =	vld [tilespmem:s8+$0x14020]  }
0x291: {  	s12 =	sor.u32 $0x4070, s8;
	v2 =	vld [tilespmem:s8+$0x14030]  }
0x292: {  	[tilespmem:s12+$0x0] =	vst.add.f32.msk $0xffff, v0  }
0x293: {  	v3 =	vld [tilespmem:s8+$0x14040]  }
.Ltmp13:
0x294: {  	v0 =	vld [tilespmem:s8+$0x14050];
	(pc) =	sbr.rel @p0 .LBB2_28-.Ltmp13, $4  }
0x295: {  	v1 =	vld [tilespmem:s8+$0x14060]  }
0x296: {  	[tilespmem:s9+$0x0] =	vst.add.f32.msk $0xffff, v4  }
0x297: {  	[tilespmem:s10+$0x0] =	vst.add.f32.msk $0xffff, v5  }
0x298: {  	[tilespmem:s11+$0x0] =	vst.add.f32.msk $0xffff, v6  }
0x299: {  	[tilespmem:s7+$0x0] =	vst.add.f32.msk $0xffff, v2  }
0x29a: {  	[tilespmem:s6+$0x0] =	vst.add.f32.msk $0xffff, v3  }
0x29b: {  	[tilespmem:s4+$0x0] =	vst.add.f32.msk $0xffff, v0  }
0x29c: {  	[tilespmem:s5+$0x0] =	vst.add.f32.msk $0xffff, v1  }
0x29d: {  	s2 =	sld [smem:$0x7D3];
	_ =	sdelay $0x1  }
0x29e: {  	s0 =	simm.s32 $0x0  }
0x29f: {  	[hbm4b:s2+s0] =	stream.linear.scatter [tilespmem:s16], [sflag:$0x6], $0x4000, $0x38;
	[tilespmem:$0x18000] =	vst v63  }
0x2a0: {  	_ =	swait.ge [sflag:s30], $0x4000  }
0x2a1: {  	s8 =	sld [smem:$0x7D6]  }
0x2a2: {  	[sflag:s30] =	ssyncset.done $0x0  }
0x2a3: {  	s2 =	simm.s32 $0x0;
	[sflag:s30] =	ssyncadd.s32 $0xFFFFC000  }
0x2a4: {  	[tilespmem:s22], [sflag:$0x4] =	stream.linear.gather [hbm4b:s8+s0], $0x4000, $0x38;
	[tilespmem:$0x18000] =	vst v63  }
0x2a5: {  	s9 =	sand.u32 $0x1C00, s0;
	s3 =	sand.u32 $0x2000, s2;
	_ =	swait.ge [sflag:s23], $0x4000  }
0x2a6: {  	s10 =	sand.u32 $0x380, s0;
	s3 =	sor.u32 s3, s9;
	[sflag:s23] =	ssyncset.done $0x0  }
0x2a7: {  	s3 =	sor.u32 s10, s3;
	[sflag:s23] =	ssyncadd.s32 $0xFFFFC000  }
0x2a8: {  	v0 =	vld [tilespmem:s3+$0x14070]  }
0x2a9: {  	v4 =	vld [tilespmem:s3+$0x14000]  }
0x2aa: {  	v5 =	vld [tilespmem:s3+$0x14010]  }
0x2ab: {  	v6 =	vld [tilespmem:s3+$0x14020]  }
0x2ac: {  	v2 =	vld [tilespmem:s3+$0x14030]  }
0x2ad: {  	v3 =	vld [tilespmem:s3+$0x14040]  }
0x2ae: {  	s4 =	sor.u32 $0x8070, s3;
	v1 =	vld [tilespmem:s3+$0x14060]  }
0x2af: {  	[tilespmem:s4+$0x0] =	vst.add.f32.msk $0xffff, v0  }
0x2b0: {  	s11 =	sor.u32 $0x8000, s3;
	v0 =	vld [tilespmem:s3+$0x14050]  }
0x2b1: {  	s12 =	sor.u32 $0x8010, s3;
	[tilespmem:s11+$0x0] =	vst.add.f32.msk $0xffff, v4  }
0x2b2: {  	s7 =	sor.u32 $0x8030, s3;
	s6 =	sor.u32 $0x8040, s3;
	s8 =	sor.u32 $0x8020, s3;
	[tilespmem:s12+$0x0] =	vst.add.f32.msk $0xffff, v5  }
0x2b3: {  	s5 =	sor.u32 $0x8060, s3;
	s4 =	sor.u32 $0x8050, s3;
	[tilespmem:s8+$0x0] =	vst.add.f32.msk $0xffff, v6;
	s3 =	simm.s32 $0x0  }
.LBB2_30:
0x2b4: {  	s2 =	sadd.s32 $0x80, s2;
	[tilespmem:s7+$0x0] =	vst.add.f32.msk $0xffff, v2;
	s0 =	sadd.s32 $0x400, s0  }
0x2b5: {  	s3 =	sadd.s32 $0x10, s3;
	s7 =	sand.u32 $0x2000, s2;
	s8 =	sand.u32 $0x1C00, s0;
	[tilespmem:s6+$0x0] =	vst.add.f32.msk $0xffff, v3  }
0x2b6: {  	p0 =	slt.u32 s2, $0x3F80;
	s6 =	sor.u32 s7, s8;
	s7 =	sand.u32 $0x380, s3;
	[tilespmem:s4+$0x0] =	vst.add.f32.msk $0xffff, v0  }
0x2b7: {  	s8 =	sor.u32 s7, s6;
	[tilespmem:s5+$0x0] =	vst.add.f32.msk $0xffff, v1  }
0x2b8: {  	s9 =	sor.u32 $0x8000, s8;
	s10 =	sor.u32 $0x8010, s8;
	s11 =	sor.u32 $0x8020, s8;
	v0 =	vld [tilespmem:s8+$0x14070]  }
0x2b9: {  	s7 =	sor.u32 $0x8030, s8;
	s6 =	sor.u32 $0x8040, s8;
	s4 =	sor.u32 $0x8050, s8;
	v4 =	vld [tilespmem:s8+$0x14000]  }
0x2ba: {  	s5 =	sor.u32 $0x8060, s8;
	v5 =	vld [tilespmem:s8+$0x14010]  }
0x2bb: {  	v6 =	vld [tilespmem:s8+$0x14020]  }
0x2bc: {  	s12 =	sor.u32 $0x8070, s8;
	v2 =	vld [tilespmem:s8+$0x14030]  }
0x2bd: {  	[tilespmem:s12+$0x0] =	vst.add.f32.msk $0xffff, v0  }
0x2be: {  	v3 =	vld [tilespmem:s8+$0x14040]  }
.Ltmp14:
0x2bf: {  	v0 =	vld [tilespmem:s8+$0x14050];
	(pc) =	sbr.rel @p0 .LBB2_30-.Ltmp14, $4  }
0x2c0: {  	v1 =	vld [tilespmem:s8+$0x14060]  }
0x2c1: {  	[tilespmem:s9+$0x0] =	vst.add.f32.msk $0xffff, v4  }
0x2c2: {  	[tilespmem:s10+$0x0] =	vst.add.f32.msk $0xffff, v5  }
0x2c3: {  	[tilespmem:s11+$0x0] =	vst.add.f32.msk $0xffff, v6  }
0x2c4: {  	[tilespmem:s7+$0x0] =	vst.add.f32.msk $0xffff, v2  }
0x2c5: {  	[tilespmem:s6+$0x0] =	vst.add.f32.msk $0xffff, v3  }
0x2c6: {  	[tilespmem:s4+$0x0] =	vst.add.f32.msk $0xffff, v0  }
0x2c7: {  	[tilespmem:s5+$0x0] =	vst.add.f32.msk $0xffff, v1  }
0x2c8: {  	s2 =	sld [smem:$0x7D5];
	_ =	sdelay $0x1  }
0x2c9: {  	s0 =	simm.s32 $0x0  }
0x2ca: {  	[hbm4b:s2+s0] =	stream.linear.scatter [tilespmem:s20], [sflag:$0x7], $0x4000, $0x38;
	[tilespmem:$0x18000] =	vst v63  }
0x2cb: {  	_ =	swait.ge [sflag:s24], $0x4000  }
0x2cc: {  	s8 =	sld [smem:$0x7D9]  }
0x2cd: {  	[sflag:s24] =	ssyncset.done $0x0  }
0x2ce: {  	s2 =	simm.s32 $0x0;
	[sflag:s24] =	ssyncadd.s32 $0xFFFFC000  }
0x2cf: {  	[tilespmem:s0], [sflag:$0x1] =	stream.linear.gather [hbm4b:s8+s0], $0x4000, $0x38;
	[tilespmem:$0x18000] =	vst v63  }
0x2d0: {  	s9 =	sand.u32 $0x1C00, s0;
	s3 =	sand.u32 $0x2000, s2;
	_ =	swait.ge [sflag:s25], $0x4000  }
0x2d1: {  	s10 =	sand.u32 $0x380, s0;
	s3 =	sor.u32 s3, s9;
	[sflag:s25] =	ssyncset.done $0x0  }
0x2d2: {  	s3 =	sor.u32 s10, s3;
	[sflag:s25] =	ssyncadd.s32 $0xFFFFC000  }
0x2d3: {  	v0 =	vld [tilespmem:s3+$0x14070]  }
0x2d4: {  	v4 =	vld [tilespmem:s3+$0x14000]  }
0x2d5: {  	v5 =	vld [tilespmem:s3+$0x14010]  }
0x2d6: {  	v6 =	vld [tilespmem:s3+$0x14020]  }
0x2d7: {  	v2 =	vld [tilespmem:s3+$0x14030]  }
0x2d8: {  	v3 =	vld [tilespmem:s3+$0x14040]  }
0x2d9: {  	s4 =	sor.u32 $0xC070, s3;
	v1 =	vld [tilespmem:s3+$0x14060]  }
0x2da: {  	[tilespmem:s4+$0x0] =	vst.add.f32.msk $0xffff, v0  }
0x2db: {  	s11 =	sor.u32 $0xC000, s3;
	v0 =	vld [tilespmem:s3+$0x14050]  }
0x2dc: {  	s12 =	sor.u32 $0xC010, s3;
	[tilespmem:s11+$0x0] =	vst.add.f32.msk $0xffff, v4  }
0x2dd: {  	s7 =	sor.u32 $0xC030, s3;
	s6 =	sor.u32 $0xC040, s3;
	s8 =	sor.u32 $0xC020, s3;
	[tilespmem:s12+$0x0] =	vst.add.f32.msk $0xffff, v5  }
0x2de: {  	s5 =	sor.u32 $0xC060, s3;
	s4 =	sor.u32 $0xC050, s3;
	[tilespmem:s8+$0x0] =	vst.add.f32.msk $0xffff, v6;
	s3 =	simm.s32 $0x0  }
.LBB2_32:
0x2df: {  	s2 =	sadd.s32 $0x80, s2;
	[tilespmem:s7+$0x0] =	vst.add.f32.msk $0xffff, v2;
	s0 =	sadd.s32 $0x400, s0  }
0x2e0: {  	s3 =	sadd.s32 $0x10, s3;
	s7 =	sand.u32 $0x2000, s2;
	s8 =	sand.u32 $0x1C00, s0;
	[tilespmem:s6+$0x0] =	vst.add.f32.msk $0xffff, v3  }
0x2e1: {  	p0 =	slt.u32 s2, $0x3F80;
	s6 =	sor.u32 s7, s8;
	s7 =	sand.u32 $0x380, s3;
	[tilespmem:s4+$0x0] =	vst.add.f32.msk $0xffff, v0  }
0x2e2: {  	s8 =	sor.u32 s7, s6;
	[tilespmem:s5+$0x0] =	vst.add.f32.msk $0xffff, v1  }
0x2e3: {  	s9 =	sor.u32 $0xC000, s8;
	s10 =	sor.u32 $0xC010, s8;
	s11 =	sor.u32 $0xC020, s8;
	v0 =	vld [tilespmem:s8+$0x14070]  }
0x2e4: {  	s7 =	sor.u32 $0xC030, s8;
	s6 =	sor.u32 $0xC040, s8;
	s4 =	sor.u32 $0xC050, s8;
	v4 =	vld [tilespmem:s8+$0x14000]  }
0x2e5: {  	s5 =	sor.u32 $0xC060, s8;
	v5 =	vld [tilespmem:s8+$0x14010]  }
0x2e6: {  	v6 =	vld [tilespmem:s8+$0x14020]  }
0x2e7: {  	s12 =	sor.u32 $0xC070, s8;
	v2 =	vld [tilespmem:s8+$0x14030]  }
0x2e8: {  	[tilespmem:s12+$0x0] =	vst.add.f32.msk $0xffff, v0  }
0x2e9: {  	v3 =	vld [tilespmem:s8+$0x14040]  }
.Ltmp15:
0x2ea: {  	v0 =	vld [tilespmem:s8+$0x14050];
	(pc) =	sbr.rel @p0 .LBB2_32-.Ltmp15, $4  }
0x2eb: {  	v1 =	vld [tilespmem:s8+$0x14060]  }
0x2ec: {  	[tilespmem:s9+$0x0] =	vst.add.f32.msk $0xffff, v4  }
0x2ed: {  	[tilespmem:s10+$0x0] =	vst.add.f32.msk $0xffff, v5  }
0x2ee: {  	[tilespmem:s11+$0x0] =	vst.add.f32.msk $0xffff, v6  }
0x2ef: {  	[tilespmem:s7+$0x0] =	vst.add.f32.msk $0xffff, v2  }
0x2f0: {  	[tilespmem:s6+$0x0] =	vst.add.f32.msk $0xffff, v3  }
0x2f1: {  	[tilespmem:s4+$0x0] =	vst.add.f32.msk $0xffff, v0  }
0x2f2: {  	[tilespmem:s5+$0x0] =	vst.add.f32.msk $0xffff, v1  }
0x2f3: {  	s2 =	sld [smem:$0x7D7];
	_ =	sdelay $0x1  }
0x2f4: {  	s0 =	simm.s32 $0x0  }
0x2f5: {  	[hbm4b:s2+s0] =	stream.linear.scatter [tilespmem:s22], [sflag:$0x8], $0x4000, $0x38;
	[tilespmem:$0x18000] =	vst v63  }
0x2f6: {  	_ =	swait.ge [sflag:s26], $0x4000  }
0x2f7: {  	s8 =	sld [smem:$0x7DB]  }
0x2f8: {  	[sflag:s26] =	ssyncset.done $0x0  }
0x2f9: {  	[sflag:s26] =	ssyncadd.s32 $0xFFFFC000  }
0x2fa: {  	[tilespmem:s16], [sflag:$0x2] =	stream.linear.gather [hbm4b:s8+s0], $0x4000, $0x38;
	[tilespmem:$0x18000] =	vst v63  }
0x2fb: {  	_ =	swait.ge [sflag:s17], $0x4000  }
0x2fc: {  	s9 =	sld [smem:$0x7E1]  }
0x2fd: {  	[sflag:s17] =	ssyncset.done $0x0  }
0x2fe: {  	s2 =	simm.s32 $0x0;
	[sflag:s17] =	ssyncadd.s32 $0xFFFFC000  }
0x2ff: {  	[tilespmem:s18], [sflag:$0xA] =	stream.linear.gather [hbm4b:s9+s0], $0x4000, $0x38;
	[tilespmem:$0x18000] =	vst v63  }
0x300: {  	s10 =	sand.u32 $0x1C00, s0;
	s3 =	sand.u32 $0x2000, s2;
	_ =	swait.ge [sflag:s19], $0x4000  }
0x301: {  	s11 =	sand.u32 $0x380, s0;
	s3 =	sor.u32 s3, s10;
	[sflag:s19] =	ssyncset.done $0x0  }
0x302: {  	s3 =	sor.u32 s11, s3;
	[sflag:s19] =	ssyncadd.s32 $0xFFFFC000  }
0x303: {  	v0 =	vld [tilespmem:s3+$0x10070]  }
0x304: {  	v4 =	vld [tilespmem:s3+$0x10000]  }
0x305: {  	v5 =	vld [tilespmem:s3+$0x10010]  }
0x306: {  	v6 =	vld [tilespmem:s3+$0x10020]  }
0x307: {  	v2 =	vld [tilespmem:s3+$0x10030]  }
0x308: {  	v3 =	vld [tilespmem:s3+$0x10040]  }
0x309: {  	s4 =	sor.u32 $0x70, s3;
	v1 =	vld [tilespmem:s3+$0x10050]  }
0x30a: {  	[tilespmem:s4+$0x0] =	vst.add.f32.msk $0xffff, v0  }
0x30b: {  	v0 =	vld [tilespmem:s3+$0x10060]  }
0x30c: {  	s12 =	sor.u32 $0x10, s3;
	[tilespmem:s3+$0x0] =	vst.add.f32.msk $0xffff, v4  }
0x30d: {  	s7 =	sor.u32 $0x30, s3;
	s6 =	sor.u32 $0x40, s3;
	s8 =	sor.u32 $0x20, s3;
	[tilespmem:s12+$0x0] =	vst.add.f32.msk $0xffff, v5  }
0x30e: {  	s5 =	sor.u32 $0x50, s3;
	s4 =	sor.u32 $0x60, s3;
	[tilespmem:s8+$0x0] =	vst.add.f32.msk $0xffff, v6;
	s3 =	simm.s32 $0x0  }
.LBB2_34:
0x30f: {  	s2 =	sadd.s32 $0x80, s2;
	[tilespmem:s7+$0x0] =	vst.add.f32.msk $0xffff, v2;
	s0 =	sadd.s32 $0x400, s0  }
0x310: {  	s3 =	sadd.s32 $0x10, s3;
	s7 =	sand.u32 $0x2000, s2;
	s8 =	sand.u32 $0x1C00, s0;
	[tilespmem:s6+$0x0] =	vst.add.f32.msk $0xffff, v3  }
0x311: {  	p0 =	slt.u32 s2, $0x3F80;
	s6 =	sor.u32 s7, s8;
	s7 =	sand.u32 $0x380, s3;
	[tilespmem:s5+$0x0] =	vst.add.f32.msk $0xffff, v1  }
0x312: {  	s8 =	sor.u32 s7, s6;
	[tilespmem:s4+$0x0] =	vst.add.f32.msk $0xffff, v0  }
0x313: {  	s9 =	sor.u32 $0x10, s8;
	s10 =	sor.u32 $0x20, s8;
	s7 =	sor.u32 $0x30, s8;
	v0 =	vld [tilespmem:s8+$0x10070]  }
0x314: {  	s6 =	sor.u32 $0x40, s8;
	s5 =	sor.u32 $0x50, s8;
	s4 =	sor.u32 $0x60, s8;
	v4 =	vld [tilespmem:s8+$0x10000]  }
0x315: {  	v5 =	vld [tilespmem:s8+$0x10010]  }
0x316: {  	v6 =	vld [tilespmem:s8+$0x10020]  }
0x317: {  	s11 =	sor.u32 $0x70, s8;
	v2 =	vld [tilespmem:s8+$0x10030]  }
0x318: {  	[tilespmem:s11+$0x0] =	vst.add.f32.msk $0xffff, v0  }
0x319: {  	v3 =	vld [tilespmem:s8+$0x10040]  }
.Ltmp16:
0x31a: {  	v1 =	vld [tilespmem:s8+$0x10050];
	(pc) =	sbr.rel @p0 .LBB2_34-.Ltmp16, $4  }
0x31b: {  	v0 =	vld [tilespmem:s8+$0x10060]  }
0x31c: {  	[tilespmem:s8+$0x0] =	vst.add.f32.msk $0xffff, v4  }
0x31d: {  	[tilespmem:s9+$0x0] =	vst.add.f32.msk $0xffff, v5  }
0x31e: {  	[tilespmem:s10+$0x0] =	vst.add.f32.msk $0xffff, v6  }
0x31f: {  	[tilespmem:s7+$0x0] =	vst.add.f32.msk $0xffff, v2  }
0x320: {  	[tilespmem:s6+$0x0] =	vst.add.f32.msk $0xffff, v3  }
0x321: {  	[tilespmem:s5+$0x0] =	vst.add.f32.msk $0xffff, v1  }
0x322: {  	[tilespmem:s4+$0x0] =	vst.add.f32.msk $0xffff, v0  }
0x323: {  	s2 =	sld [smem:$0x7DA];
	_ =	sdelay $0x1  }
0x324: {  	s0 =	simm.s32 $0x0  }
0x325: {  	[hbm4b:s2+s0] =	stream.linear.scatter [tilespmem:s0], [sflag:$0x5], $0x4000, $0x38;
	[tilespmem:$0x18000] =	vst v63  }
0x326: {  	_ =	swait.ge [sflag:s29], $0x4000  }
0x327: {  	s8 =	sld [smem:$0x7DD]  }
0x328: {  	[sflag:s29] =	ssyncset.done $0x0  }
0x329: {  	s2 =	simm.s32 $0x0;
	[sflag:s29] =	ssyncadd.s32 $0xFFFFC000  }
0x32a: {  	[tilespmem:s20], [sflag:$0x3] =	stream.linear.gather [hbm4b:s8+s0], $0x4000, $0x38;
	[tilespmem:$0x18000] =	vst v63  }
0x32b: {  	s9 =	sand.u32 $0x1C00, s0;
	s3 =	sand.u32 $0x2000, s2;
	_ =	swait.ge [sflag:s21], $0x4000  }
0x32c: {  	s10 =	sand.u32 $0x380, s0;
	s3 =	sor.u32 s3, s9;
	[sflag:s21] =	ssyncset.done $0x0  }
0x32d: {  	s3 =	sor.u32 s10, s3;
	[sflag:s21] =	ssyncadd.s32 $0xFFFFC000  }
0x32e: {  	v0 =	vld [tilespmem:s3+$0x10070]  }
0x32f: {  	v4 =	vld [tilespmem:s3+$0x10000]  }
0x330: {  	v5 =	vld [tilespmem:s3+$0x10010]  }
0x331: {  	v6 =	vld [tilespmem:s3+$0x10020]  }
0x332: {  	v2 =	vld [tilespmem:s3+$0x10030]  }
0x333: {  	v3 =	vld [tilespmem:s3+$0x10040]  }
0x334: {  	s4 =	sor.u32 $0x4070, s3;
	v1 =	vld [tilespmem:s3+$0x10060]  }
0x335: {  	[tilespmem:s4+$0x0] =	vst.add.f32.msk $0xffff, v0  }
0x336: {  	s11 =	sor.u32 $0x4000, s3;
	v0 =	vld [tilespmem:s3+$0x10050]  }
0x337: {  	s12 =	sor.u32 $0x4010, s3;
	[tilespmem:s11+$0x0] =	vst.add.f32.msk $0xffff, v4  }
0x338: {  	s7 =	sor.u32 $0x4030, s3;
	s6 =	sor.u32 $0x4040, s3;
	s8 =	sor.u32 $0x4020, s3;
	[tilespmem:s12+$0x0] =	vst.add.f32.msk $0xffff, v5  }
0x339: {  	s5 =	sor.u32 $0x4060, s3;
	s4 =	sor.u32 $0x4050, s3;
	[tilespmem:s8+$0x0] =	vst.add.f32.msk $0xffff, v6;
	s3 =	simm.s32 $0x0  }
.LBB2_36:
0x33a: {  	s2 =	sadd.s32 $0x80, s2;
	[tilespmem:s7+$0x0] =	vst.add.f32.msk $0xffff, v2;
	s0 =	sadd.s32 $0x400, s0  }
0x33b: {  	s3 =	sadd.s32 $0x10, s3;
	s7 =	sand.u32 $0x2000, s2;
	s8 =	sand.u32 $0x1C00, s0;
	[tilespmem:s6+$0x0] =	vst.add.f32.msk $0xffff, v3  }
0x33c: {  	p0 =	slt.u32 s2, $0x3F80;
	s6 =	sor.u32 s7, s8;
	s7 =	sand.u32 $0x380, s3;
	[tilespmem:s4+$0x0] =	vst.add.f32.msk $0xffff, v0  }
0x33d: {  	s8 =	sor.u32 s7, s6;
	[tilespmem:s5+$0x0] =	vst.add.f32.msk $0xffff, v1  }
0x33e: {  	s9 =	sor.u32 $0x4000, s8;
	s10 =	sor.u32 $0x4010, s8;
	s11 =	sor.u32 $0x4020, s8;
	v0 =	vld [tilespmem:s8+$0x10070]  }
0x33f: {  	s7 =	sor.u32 $0x4030, s8;
	s6 =	sor.u32 $0x4040, s8;
	s4 =	sor.u32 $0x4050, s8;
	v4 =	vld [tilespmem:s8+$0x10000]  }
0x340: {  	s5 =	sor.u32 $0x4060, s8;
	v5 =	vld [tilespmem:s8+$0x10010]  }
0x341: {  	v6 =	vld [tilespmem:s8+$0x10020]  }
0x342: {  	s12 =	sor.u32 $0x4070, s8;
	v2 =	vld [tilespmem:s8+$0x10030]  }
0x343: {  	[tilespmem:s12+$0x0] =	vst.add.f32.msk $0xffff, v0  }
0x344: {  	v3 =	vld [tilespmem:s8+$0x10040]  }
.Ltmp17:
0x345: {  	v0 =	vld [tilespmem:s8+$0x10050];
	(pc) =	sbr.rel @p0 .LBB2_36-.Ltmp17, $4  }
0x346: {  	v1 =	vld [tilespmem:s8+$0x10060]  }
0x347: {  	[tilespmem:s9+$0x0] =	vst.add.f32.msk $0xffff, v4  }
0x348: {  	[tilespmem:s10+$0x0] =	vst.add.f32.msk $0xffff, v5  }
0x349: {  	[tilespmem:s11+$0x0] =	vst.add.f32.msk $0xffff, v6  }
0x34a: {  	[tilespmem:s7+$0x0] =	vst.add.f32.msk $0xffff, v2  }
0x34b: {  	[tilespmem:s6+$0x0] =	vst.add.f32.msk $0xffff, v3  }
0x34c: {  	[tilespmem:s4+$0x0] =	vst.add.f32.msk $0xffff, v0  }
0x34d: {  	[tilespmem:s5+$0x0] =	vst.add.f32.msk $0xffff, v1  }
0x34e: {  	s2 =	sld [smem:$0x7DC];
	_ =	sdelay $0x1  }
0x34f: {  	s0 =	simm.s32 $0x0  }
0x350: {  	[hbm4b:s2+s0] =	stream.linear.scatter [tilespmem:s16], [sflag:$0x6], $0x4000, $0x38;
	[tilespmem:$0x18000] =	vst v63  }
0x351: {  	_ =	swait.ge [sflag:s30], $0x4000  }
0x352: {  	s8 =	sld [smem:$0x7DF]  }
0x353: {  	[sflag:s30] =	ssyncset.done $0x0  }
0x354: {  	s2 =	simm.s32 $0x0;
	[sflag:s30] =	ssyncadd.s32 $0xFFFFC000  }
0x355: {  	[tilespmem:s22], [sflag:$0x4] =	stream.linear.gather [hbm4b:s8+s0], $0x4000, $0x38;
	[tilespmem:$0x18000] =	vst v63  }
0x356: {  	s9 =	sand.u32 $0x1C00, s0;
	s3 =	sand.u32 $0x2000, s2;
	_ =	swait.ge [sflag:s23], $0x4000  }
0x357: {  	s10 =	sand.u32 $0x380, s0;
	s3 =	sor.u32 s3, s9;
	[sflag:s23] =	ssyncset.done $0x0  }
0x358: {  	s3 =	sor.u32 s10, s3;
	[sflag:s23] =	ssyncadd.s32 $0xFFFFC000  }
0x359: {  	v0 =	vld [tilespmem:s3+$0x10070]  }
0x35a: {  	v4 =	vld [tilespmem:s3+$0x10000]  }
0x35b: {  	v5 =	vld [tilespmem:s3+$0x10010]  }
0x35c: {  	v6 =	vld [tilespmem:s3+$0x10020]  }
0x35d: {  	v2 =	vld [tilespmem:s3+$0x10030]  }
0x35e: {  	v3 =	vld [tilespmem:s3+$0x10040]  }
0x35f: {  	s4 =	sor.u32 $0x8070, s3;
	v1 =	vld [tilespmem:s3+$0x10060]  }
0x360: {  	[tilespmem:s4+$0x0] =	vst.add.f32.msk $0xffff, v0  }
0x361: {  	s11 =	sor.u32 $0x8000, s3;
	v0 =	vld [tilespmem:s3+$0x10050]  }
0x362: {  	s12 =	sor.u32 $0x8010, s3;
	[tilespmem:s11+$0x0] =	vst.add.f32.msk $0xffff, v4  }
0x363: {  	s7 =	sor.u32 $0x8030, s3;
	s6 =	sor.u32 $0x8040, s3;
	s8 =	sor.u32 $0x8020, s3;
	[tilespmem:s12+$0x0] =	vst.add.f32.msk $0xffff, v5  }
0x364: {  	s5 =	sor.u32 $0x8060, s3;
	s4 =	sor.u32 $0x8050, s3;
	[tilespmem:s8+$0x0] =	vst.add.f32.msk $0xffff, v6;
	s3 =	simm.s32 $0x0  }
.LBB2_38:
0x365: {  	s2 =	sadd.s32 $0x80, s2;
	[tilespmem:s7+$0x0] =	vst.add.f32.msk $0xffff, v2;
	s0 =	sadd.s32 $0x400, s0  }
0x366: {  	s3 =	sadd.s32 $0x10, s3;
	s7 =	sand.u32 $0x2000, s2;
	s8 =	sand.u32 $0x1C00, s0;
	[tilespmem:s6+$0x0] =	vst.add.f32.msk $0xffff, v3  }
0x367: {  	p0 =	slt.u32 s2, $0x3F80;
	s6 =	sor.u32 s7, s8;
	s7 =	sand.u32 $0x380, s3;
	[tilespmem:s4+$0x0] =	vst.add.f32.msk $0xffff, v0  }
0x368: {  	s8 =	sor.u32 s7, s6;
	[tilespmem:s5+$0x0] =	vst.add.f32.msk $0xffff, v1  }
0x369: {  	s9 =	sor.u32 $0x8000, s8;
	s10 =	sor.u32 $0x8010, s8;
	s11 =	sor.u32 $0x8020, s8;
	v0 =	vld [tilespmem:s8+$0x10070]  }
0x36a: {  	s7 =	sor.u32 $0x8030, s8;
	s6 =	sor.u32 $0x8040, s8;
	s4 =	sor.u32 $0x8050, s8;
	v4 =	vld [tilespmem:s8+$0x10000]  }
0x36b: {  	s5 =	sor.u32 $0x8060, s8;
	v5 =	vld [tilespmem:s8+$0x10010]  }
0x36c: {  	v6 =	vld [tilespmem:s8+$0x10020]  }
0x36d: {  	s12 =	sor.u32 $0x8070, s8;
	v2 =	vld [tilespmem:s8+$0x10030]  }
0x36e: {  	[tilespmem:s12+$0x0] =	vst.add.f32.msk $0xffff, v0  }
0x36f: {  	v3 =	vld [tilespmem:s8+$0x10040]  }
.Ltmp18:
0x370: {  	v0 =	vld [tilespmem:s8+$0x10050];
	(pc) =	sbr.rel @p0 .LBB2_38-.Ltmp18, $4  }
0x371: {  	v1 =	vld [tilespmem:s8+$0x10060]  }
0x372: {  	[tilespmem:s9+$0x0] =	vst.add.f32.msk $0xffff, v4  }
0x373: {  	[tilespmem:s10+$0x0] =	vst.add.f32.msk $0xffff, v5  }
0x374: {  	[tilespmem:s11+$0x0] =	vst.add.f32.msk $0xffff, v6  }
0x375: {  	[tilespmem:s7+$0x0] =	vst.add.f32.msk $0xffff, v2  }
0x376: {  	[tilespmem:s6+$0x0] =	vst.add.f32.msk $0xffff, v3  }
0x377: {  	[tilespmem:s4+$0x0] =	vst.add.f32.msk $0xffff, v0  }
0x378: {  	[tilespmem:s5+$0x0] =	vst.add.f32.msk $0xffff, v1  }
0x379: {  	s2 =	sld [smem:$0x7DE];
	_ =	sdelay $0x1  }
0x37a: {  	s0 =	simm.s32 $0x0  }
0x37b: {  	[hbm4b:s2+s0] =	stream.linear.scatter [tilespmem:s20], [sflag:$0x7], $0x4000, $0x38;
	[tilespmem:$0x18000] =	vst v63  }
0x37c: {  	_ =	swait.ge [sflag:s24], $0x4000  }
0x37d: {  	s8 =	sld [smem:$0x7E2]  }
0x37e: {  	[sflag:s24] =	ssyncset.done $0x0  }
0x37f: {  	s2 =	simm.s32 $0x0;
	[sflag:s24] =	ssyncadd.s32 $0xFFFFC000  }
0x380: {  	[tilespmem:s0], [sflag:$0x1] =	stream.linear.gather [hbm4b:s8+s0], $0x4000, $0x38;
	[tilespmem:$0x18000] =	vst v63  }
0x381: {  	s9 =	sand.u32 $0x1C00, s0;
	s3 =	sand.u32 $0x2000, s2;
	_ =	swait.ge [sflag:s25], $0x4000  }
0x382: {  	s10 =	sand.u32 $0x380, s0;
	s3 =	sor.u32 s3, s9;
	[sflag:s25] =	ssyncset.done $0x0  }
0x383: {  	s3 =	sor.u32 s10, s3;
	[sflag:s25] =	ssyncadd.s32 $0xFFFFC000  }
0x384: {  	v0 =	vld [tilespmem:s3+$0x10070]  }
0x385: {  	v4 =	vld [tilespmem:s3+$0x10000]  }
0x386: {  	v5 =	vld [tilespmem:s3+$0x10010]  }
0x387: {  	v6 =	vld [tilespmem:s3+$0x10020]  }
0x388: {  	v2 =	vld [tilespmem:s3+$0x10030]  }
0x389: {  	v3 =	vld [tilespmem:s3+$0x10040]  }
0x38a: {  	s4 =	sor.u32 $0xC070, s3;
	v1 =	vld [tilespmem:s3+$0x10060]  }
0x38b: {  	[tilespmem:s4+$0x0] =	vst.add.f32.msk $0xffff, v0  }
0x38c: {  	s11 =	sor.u32 $0xC000, s3;
	v0 =	vld [tilespmem:s3+$0x10050]  }
0x38d: {  	s12 =	sor.u32 $0xC010, s3;
	[tilespmem:s11+$0x0] =	vst.add.f32.msk $0xffff, v4  }
0x38e: {  	s7 =	sor.u32 $0xC030, s3;
	s6 =	sor.u32 $0xC040, s3;
	s8 =	sor.u32 $0xC020, s3;
	[tilespmem:s12+$0x0] =	vst.add.f32.msk $0xffff, v5  }
0x38f: {  	s5 =	sor.u32 $0xC060, s3;
	s4 =	sor.u32 $0xC050, s3;
	[tilespmem:s8+$0x0] =	vst.add.f32.msk $0xffff, v6;
	s3 =	simm.s32 $0x0  }
.LBB2_40:
0x390: {  	s2 =	sadd.s32 $0x80, s2;
	[tilespmem:s7+$0x0] =	vst.add.f32.msk $0xffff, v2;
	s0 =	sadd.s32 $0x400, s0  }
0x391: {  	s3 =	sadd.s32 $0x10, s3;
	s7 =	sand.u32 $0x2000, s2;
	s8 =	sand.u32 $0x1C00, s0;
	[tilespmem:s6+$0x0] =	vst.add.f32.msk $0xffff, v3  }
0x392: {  	p0 =	slt.u32 s2, $0x3F80;
	s6 =	sor.u32 s7, s8;
	s7 =	sand.u32 $0x380, s3;
	[tilespmem:s4+$0x0] =	vst.add.f32.msk $0xffff, v0  }
0x393: {  	s8 =	sor.u32 s7, s6;
	[tilespmem:s5+$0x0] =	vst.add.f32.msk $0xffff, v1  }
0x394: {  	s9 =	sor.u32 $0xC000, s8;
	s10 =	sor.u32 $0xC010, s8;
	s11 =	sor.u32 $0xC020, s8;
	v0 =	vld [tilespmem:s8+$0x10070]  }
0x395: {  	s7 =	sor.u32 $0xC030, s8;
	s6 =	sor.u32 $0xC040, s8;
	s4 =	sor.u32 $0xC050, s8;
	v4 =	vld [tilespmem:s8+$0x10000]  }
0x396: {  	s5 =	sor.u32 $0xC060, s8;
	v5 =	vld [tilespmem:s8+$0x10010]  }
0x397: {  	v6 =	vld [tilespmem:s8+$0x10020]  }
0x398: {  	s12 =	sor.u32 $0xC070, s8;
	v2 =	vld [tilespmem:s8+$0x10030]  }
0x399: {  	[tilespmem:s12+$0x0] =	vst.add.f32.msk $0xffff, v0  }
0x39a: {  	v3 =	vld [tilespmem:s8+$0x10040]  }
.Ltmp19:
0x39b: {  	v0 =	vld [tilespmem:s8+$0x10050];
	(pc) =	sbr.rel @p0 .LBB2_40-.Ltmp19, $4  }
0x39c: {  	v1 =	vld [tilespmem:s8+$0x10060]  }
0x39d: {  	[tilespmem:s9+$0x0] =	vst.add.f32.msk $0xffff, v4  }
0x39e: {  	[tilespmem:s10+$0x0] =	vst.add.f32.msk $0xffff, v5  }
0x39f: {  	[tilespmem:s11+$0x0] =	vst.add.f32.msk $0xffff, v6  }
0x3a0: {  	[tilespmem:s7+$0x0] =	vst.add.f32.msk $0xffff, v2  }
0x3a1: {  	[tilespmem:s6+$0x0] =	vst.add.f32.msk $0xffff, v3  }
0x3a2: {  	[tilespmem:s4+$0x0] =	vst.add.f32.msk $0xffff, v0  }
0x3a3: {  	[tilespmem:s5+$0x0] =	vst.add.f32.msk $0xffff, v1  }
0x3a4: {  	s2 =	sld [smem:$0x7E0];
	_ =	sdelay $0x1  }
0x3a5: {  	s0 =	simm.s32 $0x0  }
0x3a6: {  	[hbm4b:s2+s0] =	stream.linear.scatter [tilespmem:s22], [sflag:$0x8], $0x4000, $0x38;
	[tilespmem:$0x18000] =	vst v63  }
0x3a7: {  	_ =	swait.ge [sflag:s26], $0x4000  }
0x3a8: {  	s8 =	sld [smem:$0x7E4]  }
0x3a9: {  	[sflag:s26] =	ssyncset.done $0x0  }
0x3aa: {  	[sflag:s26] =	ssyncadd.s32 $0xFFFFC000  }
0x3ab: {  	[tilespmem:s16], [sflag:$0x2] =	stream.linear.gather [hbm4b:s8+s0], $0x4000, $0x38;
	[tilespmem:$0x18000] =	vst v63  }
0x3ac: {  	_ =	swait.ge [sflag:s28], $0x4000  }
0x3ad: {  	s9 =	sld [smem:$0x7EB]  }
0x3ae: {  	[sflag:s28] =	ssyncset.done $0x0  }
0x3af: {  	s2 =	simm.s32 $0x0;
	[sflag:s28] =	ssyncadd.s32 $0xFFFFC000  }
0x3b0: {  	[tilespmem:s15], [sflag:$0x9] =	stream.linear.gather [hbm4b:s9+s0], $0x4000, $0x38;
	[tilespmem:$0x18000] =	vst v63  }
0x3b1: {  	s10 =	sand.u32 $0x1C00, s0;
	s3 =	sand.u32 $0x2000, s2;
	_ =	swait.ge [sflag:s19], $0x4000  }
0x3b2: {  	s11 =	sand.u32 $0x380, s0;
	s3 =	sor.u32 s3, s10;
	[sflag:s19] =	ssyncset.done $0x0  }
0x3b3: {  	s3 =	sor.u32 s11, s3;
	[sflag:s19] =	ssyncadd.s32 $0xFFFFC000  }
0x3b4: {  	v0 =	vld [tilespmem:s3+$0x14070]  }
0x3b5: {  	v4 =	vld [tilespmem:s3+$0x14000]  }
0x3b6: {  	v5 =	vld [tilespmem:s3+$0x14010]  }
0x3b7: {  	v6 =	vld [tilespmem:s3+$0x14020]  }
0x3b8: {  	v2 =	vld [tilespmem:s3+$0x14030]  }
0x3b9: {  	v3 =	vld [tilespmem:s3+$0x14040]  }
0x3ba: {  	s4 =	sor.u32 $0x70, s3;
	v1 =	vld [tilespmem:s3+$0x14050]  }
0x3bb: {  	[tilespmem:s4+$0x0] =	vst.add.f32.msk $0xffff, v0  }
0x3bc: {  	v0 =	vld [tilespmem:s3+$0x14060]  }
0x3bd: {  	s12 =	sor.u32 $0x10, s3;
	[tilespmem:s3+$0x0] =	vst.add.f32.msk $0xffff, v4  }
0x3be: {  	s7 =	sor.u32 $0x30, s3;
	s6 =	sor.u32 $0x40, s3;
	s8 =	sor.u32 $0x20, s3;
	[tilespmem:s12+$0x0] =	vst.add.f32.msk $0xffff, v5  }
0x3bf: {  	s5 =	sor.u32 $0x50, s3;
	s4 =	sor.u32 $0x60, s3;
	[tilespmem:s8+$0x0] =	vst.add.f32.msk $0xffff, v6;
	s3 =	simm.s32 $0x0  }
.LBB2_42:
0x3c0: {  	s2 =	sadd.s32 $0x80, s2;
	[tilespmem:s7+$0x0] =	vst.add.f32.msk $0xffff, v2;
	s0 =	sadd.s32 $0x400, s0  }
0x3c1: {  	s3 =	sadd.s32 $0x10, s3;
	s7 =	sand.u32 $0x2000, s2;
	s8 =	sand.u32 $0x1C00, s0;
	[tilespmem:s6+$0x0] =	vst.add.f32.msk $0xffff, v3  }
0x3c2: {  	p0 =	slt.u32 s2, $0x3F80;
	s6 =	sor.u32 s7, s8;
	s7 =	sand.u32 $0x380, s3;
	[tilespmem:s5+$0x0] =	vst.add.f32.msk $0xffff, v1  }
0x3c3: {  	s8 =	sor.u32 s7, s6;
	[tilespmem:s4+$0x0] =	vst.add.f32.msk $0xffff, v0  }
0x3c4: {  	s9 =	sor.u32 $0x10, s8;
	s10 =	sor.u32 $0x20, s8;
	s7 =	sor.u32 $0x30, s8;
	v0 =	vld [tilespmem:s8+$0x14070]  }
0x3c5: {  	s6 =	sor.u32 $0x40, s8;
	s5 =	sor.u32 $0x50, s8;
	s4 =	sor.u32 $0x60, s8;
	v4 =	vld [tilespmem:s8+$0x14000]  }
0x3c6: {  	v5 =	vld [tilespmem:s8+$0x14010]  }
0x3c7: {  	v6 =	vld [tilespmem:s8+$0x14020]  }
0x3c8: {  	s11 =	sor.u32 $0x70, s8;
	v2 =	vld [tilespmem:s8+$0x14030]  }
0x3c9: {  	[tilespmem:s11+$0x0] =	vst.add.f32.msk $0xffff, v0  }
0x3ca: {  	v3 =	vld [tilespmem:s8+$0x14040]  }
.Ltmp20:
0x3cb: {  	v1 =	vld [tilespmem:s8+$0x14050];
	(pc) =	sbr.rel @p0 .LBB2_42-.Ltmp20, $4  }
0x3cc: {  	v0 =	vld [tilespmem:s8+$0x14060]  }
0x3cd: {  	[tilespmem:s8+$0x0] =	vst.add.f32.msk $0xffff, v4  }
0x3ce: {  	[tilespmem:s9+$0x0] =	vst.add.f32.msk $0xffff, v5  }
0x3cf: {  	[tilespmem:s10+$0x0] =	vst.add.f32.msk $0xffff, v6  }
0x3d0: {  	[tilespmem:s7+$0x0] =	vst.add.f32.msk $0xffff, v2  }
0x3d1: {  	[tilespmem:s6+$0x0] =	vst.add.f32.msk $0xffff, v3  }
0x3d2: {  	[tilespmem:s5+$0x0] =	vst.add.f32.msk $0xffff, v1  }
0x3d3: {  	[tilespmem:s4+$0x0] =	vst.add.f32.msk $0xffff, v0  }
0x3d4: {  	s2 =	sld [smem:$0x7E3];
	_ =	sdelay $0x1  }
0x3d5: {  	s0 =	simm.s32 $0x0  }
0x3d6: {  	[hbm4b:s2+s0] =	stream.linear.scatter [tilespmem:s0], [sflag:$0x5], $0x4000, $0x38;
	[tilespmem:$0x18000] =	vst v63  }
0x3d7: {  	_ =	swait.ge [sflag:s29], $0x4000  }
0x3d8: {  	s8 =	sld [smem:$0x7E6]  }
0x3d9: {  	[sflag:s29] =	ssyncset.done $0x0  }
0x3da: {  	s2 =	simm.s32 $0x0;
	[sflag:s29] =	ssyncadd.s32 $0xFFFFC000  }
0x3db: {  	[tilespmem:s20], [sflag:$0x3] =	stream.linear.gather [hbm4b:s8+s0], $0x4000, $0x38;
	[tilespmem:$0x18000] =	vst v63  }
0x3dc: {  	s9 =	sand.u32 $0x1C00, s0;
	s3 =	sand.u32 $0x2000, s2;
	_ =	swait.ge [sflag:s21], $0x4000  }
0x3dd: {  	s10 =	sand.u32 $0x380, s0;
	s3 =	sor.u32 s3, s9;
	[sflag:s21] =	ssyncset.done $0x0  }
0x3de: {  	s3 =	sor.u32 s10, s3;
	[sflag:s21] =	ssyncadd.s32 $0xFFFFC000  }
0x3df: {  	v0 =	vld [tilespmem:s3+$0x14070]  }
0x3e0: {  	v4 =	vld [tilespmem:s3+$0x14000]  }
0x3e1: {  	v5 =	vld [tilespmem:s3+$0x14010]  }
0x3e2: {  	v6 =	vld [tilespmem:s3+$0x14020]  }
0x3e3: {  	v2 =	vld [tilespmem:s3+$0x14030]  }
0x3e4: {  	v3 =	vld [tilespmem:s3+$0x14040]  }
0x3e5: {  	s4 =	sor.u32 $0x4070, s3;
	v1 =	vld [tilespmem:s3+$0x14060]  }
0x3e6: {  	[tilespmem:s4+$0x0] =	vst.add.f32.msk $0xffff, v0  }
0x3e7: {  	s11 =	sor.u32 $0x4000, s3;
	v0 =	vld [tilespmem:s3+$0x14050]  }
0x3e8: {  	s12 =	sor.u32 $0x4010, s3;
	[tilespmem:s11+$0x0] =	vst.add.f32.msk $0xffff, v4  }
0x3e9: {  	s7 =	sor.u32 $0x4030, s3;
	s6 =	sor.u32 $0x4040, s3;
	s8 =	sor.u32 $0x4020, s3;
	[tilespmem:s12+$0x0] =	vst.add.f32.msk $0xffff, v5  }
0x3ea: {  	s5 =	sor.u32 $0x4060, s3;
	s4 =	sor.u32 $0x4050, s3;
	[tilespmem:s8+$0x0] =	vst.add.f32.msk $0xffff, v6;
	s3 =	simm.s32 $0x0  }
.LBB2_44:
0x3eb: {  	s2 =	sadd.s32 $0x80, s2;
	[tilespmem:s7+$0x0] =	vst.add.f32.msk $0xffff, v2;
	s0 =	sadd.s32 $0x400, s0  }
0x3ec: {  	s3 =	sadd.s32 $0x10, s3;
	s7 =	sand.u32 $0x2000, s2;
	s8 =	sand.u32 $0x1C00, s0;
	[tilespmem:s6+$0x0] =	vst.add.f32.msk $0xffff, v3  }
0x3ed: {  	p0 =	slt.u32 s2, $0x3F80;
	s6 =	sor.u32 s7, s8;
	s7 =	sand.u32 $0x380, s3;
	[tilespmem:s4+$0x0] =	vst.add.f32.msk $0xffff, v0  }
0x3ee: {  	s8 =	sor.u32 s7, s6;
	[tilespmem:s5+$0x0] =	vst.add.f32.msk $0xffff, v1  }
0x3ef: {  	s9 =	sor.u32 $0x4000, s8;
	s10 =	sor.u32 $0x4010, s8;
	s11 =	sor.u32 $0x4020, s8;
	v0 =	vld [tilespmem:s8+$0x14070]  }
0x3f0: {  	s7 =	sor.u32 $0x4030, s8;
	s6 =	sor.u32 $0x4040, s8;
	s4 =	sor.u32 $0x4050, s8;
	v4 =	vld [tilespmem:s8+$0x14000]  }
0x3f1: {  	s5 =	sor.u32 $0x4060, s8;
	v5 =	vld [tilespmem:s8+$0x14010]  }
0x3f2: {  	v6 =	vld [tilespmem:s8+$0x14020]  }
0x3f3: {  	s12 =	sor.u32 $0x4070, s8;
	v2 =	vld [tilespmem:s8+$0x14030]  }
0x3f4: {  	[tilespmem:s12+$0x0] =	vst.add.f32.msk $0xffff, v0  }
0x3f5: {  	v3 =	vld [tilespmem:s8+$0x14040]  }
.Ltmp21:
0x3f6: {  	v0 =	vld [tilespmem:s8+$0x14050];
	(pc) =	sbr.rel @p0 .LBB2_44-.Ltmp21, $4  }
0x3f7: {  	v1 =	vld [tilespmem:s8+$0x14060]  }
0x3f8: {  	[tilespmem:s9+$0x0] =	vst.add.f32.msk $0xffff, v4  }
0x3f9: {  	[tilespmem:s10+$0x0] =	vst.add.f32.msk $0xffff, v5  }
0x3fa: {  	[tilespmem:s11+$0x0] =	vst.add.f32.msk $0xffff, v6  }
0x3fb: {  	[tilespmem:s7+$0x0] =	vst.add.f32.msk $0xffff, v2  }
0x3fc: {  	[tilespmem:s6+$0x0] =	vst.add.f32.msk $0xffff, v3  }
0x3fd: {  	[tilespmem:s4+$0x0] =	vst.add.f32.msk $0xffff, v0  }
0x3fe: {  	[tilespmem:s5+$0x0] =	vst.add.f32.msk $0xffff, v1  }
0x3ff: {  	s2 =	sld [smem:$0x7E5];
	_ =	sdelay $0x1  }
0x400: {  	s0 =	simm.s32 $0x0  }
0x401: {  	[hbm4b:s2+s0] =	stream.linear.scatter [tilespmem:s16], [sflag:$0x6], $0x4000, $0x38;
	[tilespmem:$0x18000] =	vst v63  }
0x402: {  	_ =	swait.ge [sflag:s30], $0x4000  }
0x403: {  	s8 =	sld [smem:$0x7E8]  }
0x404: {  	[sflag:s30] =	ssyncset.done $0x0  }
0x405: {  	s2 =	simm.s32 $0x0;
	[sflag:s30] =	ssyncadd.s32 $0xFFFFC000  }
0x406: {  	[tilespmem:s22], [sflag:$0x4] =	stream.linear.gather [hbm4b:s8+s0], $0x4000, $0x38;
	[tilespmem:$0x18000] =	vst v63  }
0x407: {  	s9 =	sand.u32 $0x1C00, s0;
	s3 =	sand.u32 $0x2000, s2;
	_ =	swait.ge [sflag:s23], $0x4000  }
0x408: {  	s10 =	sand.u32 $0x380, s0;
	s3 =	sor.u32 s3, s9;
	[sflag:s23] =	ssyncset.done $0x0  }
0x409: {  	s3 =	sor.u32 s10, s3;
	[sflag:s23] =	ssyncadd.s32 $0xFFFFC000  }
0x40a: {  	v0 =	vld [tilespmem:s3+$0x14070]  }
0x40b: {  	v4 =	vld [tilespmem:s3+$0x14000]  }
0x40c: {  	v5 =	vld [tilespmem:s3+$0x14010]  }
0x40d: {  	v6 =	vld [tilespmem:s3+$0x14020]  }
0x40e: {  	v2 =	vld [tilespmem:s3+$0x14030]  }
0x40f: {  	v3 =	vld [tilespmem:s3+$0x14040]  }
0x410: {  	s4 =	sor.u32 $0x8070, s3;
	v1 =	vld [tilespmem:s3+$0x14060]  }
0x411: {  	[tilespmem:s4+$0x0] =	vst.add.f32.msk $0xffff, v0  }
0x412: {  	s11 =	sor.u32 $0x8000, s3;
	v0 =	vld [tilespmem:s3+$0x14050]  }
0x413: {  	s12 =	sor.u32 $0x8010, s3;
	[tilespmem:s11+$0x0] =	vst.add.f32.msk $0xffff, v4  }
0x414: {  	s7 =	sor.u32 $0x8030, s3;
	s6 =	sor.u32 $0x8040, s3;
	s8 =	sor.u32 $0x8020, s3;
	[tilespmem:s12+$0x0] =	vst.add.f32.msk $0xffff, v5  }
0x415: {  	s5 =	sor.u32 $0x8060, s3;
	s4 =	sor.u32 $0x8050, s3;
	[tilespmem:s8+$0x0] =	vst.add.f32.msk $0xffff, v6;
	s3 =	simm.s32 $0x0  }
.LBB2_46:
0x416: {  	s2 =	sadd.s32 $0x80, s2;
	[tilespmem:s7+$0x0] =	vst.add.f32.msk $0xffff, v2;
	s0 =	sadd.s32 $0x400, s0  }
0x417: {  	s3 =	sadd.s32 $0x10, s3;
	s7 =	sand.u32 $0x2000, s2;
	s8 =	sand.u32 $0x1C00, s0;
	[tilespmem:s6+$0x0] =	vst.add.f32.msk $0xffff, v3  }
0x418: {  	p0 =	slt.u32 s2, $0x3F80;
	s6 =	sor.u32 s7, s8;
	s7 =	sand.u32 $0x380, s3;
	[tilespmem:s4+$0x0] =	vst.add.f32.msk $0xffff, v0  }
0x419: {  	s8 =	sor.u32 s7, s6;
	[tilespmem:s5+$0x0] =	vst.add.f32.msk $0xffff, v1  }
0x41a: {  	s9 =	sor.u32 $0x8000, s8;
	s10 =	sor.u32 $0x8010, s8;
	s11 =	sor.u32 $0x8020, s8;
	v0 =	vld [tilespmem:s8+$0x14070]  }
0x41b: {  	s7 =	sor.u32 $0x8030, s8;
	s6 =	sor.u32 $0x8040, s8;
	s4 =	sor.u32 $0x8050, s8;
	v4 =	vld [tilespmem:s8+$0x14000]  }
0x41c: {  	s5 =	sor.u32 $0x8060, s8;
	v5 =	vld [tilespmem:s8+$0x14010]  }
0x41d: {  	v6 =	vld [tilespmem:s8+$0x14020]  }
0x41e: {  	s12 =	sor.u32 $0x8070, s8;
	v2 =	vld [tilespmem:s8+$0x14030]  }
0x41f: {  	[tilespmem:s12+$0x0] =	vst.add.f32.msk $0xffff, v0  }
0x420: {  	v3 =	vld [tilespmem:s8+$0x14040]  }
.Ltmp22:
0x421: {  	v0 =	vld [tilespmem:s8+$0x14050];
	(pc) =	sbr.rel @p0 .LBB2_46-.Ltmp22, $4  }
0x422: {  	v1 =	vld [tilespmem:s8+$0x14060]  }
0x423: {  	[tilespmem:s9+$0x0] =	vst.add.f32.msk $0xffff, v4  }
0x424: {  	[tilespmem:s10+$0x0] =	vst.add.f32.msk $0xffff, v5  }
0x425: {  	[tilespmem:s11+$0x0] =	vst.add.f32.msk $0xffff, v6  }
0x426: {  	[tilespmem:s7+$0x0] =	vst.add.f32.msk $0xffff, v2  }
0x427: {  	[tilespmem:s6+$0x0] =	vst.add.f32.msk $0xffff, v3  }
0x428: {  	[tilespmem:s4+$0x0] =	vst.add.f32.msk $0xffff, v0  }
0x429: {  	[tilespmem:s5+$0x0] =	vst.add.f32.msk $0xffff, v1  }
0x42a: {  	s2 =	sld [smem:$0x7E7];
	_ =	sdelay $0x1  }
0x42b: {  	s0 =	simm.s32 $0x0  }
0x42c: {  	[hbm4b:s2+s0] =	stream.linear.scatter [tilespmem:s20], [sflag:$0x7], $0x4000, $0x38;
	[tilespmem:$0x18000] =	vst v63  }
0x42d: {  	_ =	swait.ge [sflag:s24], $0x4000  }
0x42e: {  	s8 =	sld [smem:$0x7ED]  }
0x42f: {  	[sflag:s24] =	ssyncset.done $0x0  }
0x430: {  	s2 =	simm.s32 $0x0;
	[sflag:s24] =	ssyncadd.s32 $0xFFFFC000  }
0x431: {  	[tilespmem:s0], [sflag:$0x1] =	stream.linear.gather [hbm4b:s8+s0], $0x4000, $0x38;
	[tilespmem:$0x18000] =	vst v63  }
0x432: {  	s9 =	sand.u32 $0x1C00, s0;
	s3 =	sand.u32 $0x2000, s2;
	_ =	swait.ge [sflag:s25], $0x4000  }
0x433: {  	s10 =	sand.u32 $0x380, s0;
	s3 =	sor.u32 s3, s9;
	[sflag:s25] =	ssyncset.done $0x0  }
0x434: {  	s3 =	sor.u32 s10, s3;
	[sflag:s25] =	ssyncadd.s32 $0xFFFFC000  }
0x435: {  	v0 =	vld [tilespmem:s3+$0x14070]  }
0x436: {  	v4 =	vld [tilespmem:s3+$0x14000]  }
0x437: {  	v5 =	vld [tilespmem:s3+$0x14010]  }
0x438: {  	v6 =	vld [tilespmem:s3+$0x14020]  }
0x439: {  	v2 =	vld [tilespmem:s3+$0x14030]  }
0x43a: {  	v3 =	vld [tilespmem:s3+$0x14040]  }
0x43b: {  	s4 =	sor.u32 $0xC070, s3;
	v1 =	vld [tilespmem:s3+$0x14060]  }
0x43c: {  	[tilespmem:s4+$0x0] =	vst.add.f32.msk $0xffff, v0  }
0x43d: {  	s11 =	sor.u32 $0xC000, s3;
	v0 =	vld [tilespmem:s3+$0x14050]  }
0x43e: {  	s12 =	sor.u32 $0xC010, s3;
	[tilespmem:s11+$0x0] =	vst.add.f32.msk $0xffff, v4  }
0x43f: {  	s7 =	sor.u32 $0xC030, s3;
	s6 =	sor.u32 $0xC040, s3;
	s8 =	sor.u32 $0xC020, s3;
	[tilespmem:s12+$0x0] =	vst.add.f32.msk $0xffff, v5  }
0x440: {  	s5 =	sor.u32 $0xC060, s3;
	s4 =	sor.u32 $0xC050, s3;
	[tilespmem:s8+$0x0] =	vst.add.f32.msk $0xffff, v6;
	s3 =	simm.s32 $0x0  }
.LBB2_48:
0x441: {  	s2 =	sadd.s32 $0x80, s2;
	[tilespmem:s7+$0x0] =	vst.add.f32.msk $0xffff, v2;
	s0 =	sadd.s32 $0x400, s0  }
0x442: {  	s3 =	sadd.s32 $0x10, s3;
	s7 =	sand.u32 $0x2000, s2;
	s8 =	sand.u32 $0x1C00, s0;
	[tilespmem:s6+$0x0] =	vst.add.f32.msk $0xffff, v3  }
0x443: {  	p0 =	slt.u32 s2, $0x3F80;
	s6 =	sor.u32 s7, s8;
	s7 =	sand.u32 $0x380, s3;
	[tilespmem:s4+$0x0] =	vst.add.f32.msk $0xffff, v0  }
0x444: {  	s8 =	sor.u32 s7, s6;
	[tilespmem:s5+$0x0] =	vst.add.f32.msk $0xffff, v1  }
0x445: {  	s9 =	sor.u32 $0xC000, s8;
	s10 =	sor.u32 $0xC010, s8;
	s11 =	sor.u32 $0xC020, s8;
	v0 =	vld [tilespmem:s8+$0x14070]  }
0x446: {  	s7 =	sor.u32 $0xC030, s8;
	s6 =	sor.u32 $0xC040, s8;
	s4 =	sor.u32 $0xC050, s8;
	v4 =	vld [tilespmem:s8+$0x14000]  }
0x447: {  	s5 =	sor.u32 $0xC060, s8;
	v5 =	vld [tilespmem:s8+$0x14010]  }
0x448: {  	v6 =	vld [tilespmem:s8+$0x14020]  }
0x449: {  	s12 =	sor.u32 $0xC070, s8;
	v2 =	vld [tilespmem:s8+$0x14030]  }
0x44a: {  	[tilespmem:s12+$0x0] =	vst.add.f32.msk $0xffff, v0  }
0x44b: {  	v3 =	vld [tilespmem:s8+$0x14040]  }
.Ltmp23:
0x44c: {  	v0 =	vld [tilespmem:s8+$0x14050];
	(pc) =	sbr.rel @p0 .LBB2_48-.Ltmp23, $4  }
0x44d: {  	v1 =	vld [tilespmem:s8+$0x14060]  }
0x44e: {  	[tilespmem:s9+$0x0] =	vst.add.f32.msk $0xffff, v4  }
0x44f: {  	[tilespmem:s10+$0x0] =	vst.add.f32.msk $0xffff, v5  }
0x450: {  	[tilespmem:s11+$0x0] =	vst.add.f32.msk $0xffff, v6  }
0x451: {  	[tilespmem:s7+$0x0] =	vst.add.f32.msk $0xffff, v2  }
0x452: {  	[tilespmem:s6+$0x0] =	vst.add.f32.msk $0xffff, v3  }
0x453: {  	[tilespmem:s4+$0x0] =	vst.add.f32.msk $0xffff, v0  }
0x454: {  	[tilespmem:s5+$0x0] =	vst.add.f32.msk $0xffff, v1  }
0x455: {  	s2 =	sld [smem:$0x7E9];
	_ =	sdelay $0x1  }
0x456: {  	s0 =	simm.s32 $0x0  }
0x457: {  	[hbm4b:s2+s0] =	stream.linear.scatter [tilespmem:s22], [sflag:$0x8], $0x4000, $0x38;
	[tilespmem:$0x18000] =	vst v63  }
0x458: {  	_ =	swait.ge [sflag:s26], $0x4000  }
0x459: {  	s8 =	sld [smem:$0x7EF]  }
0x45a: {  	[sflag:s26] =	ssyncset.done $0x0  }
0x45b: {  	[sflag:s26] =	ssyncadd.s32 $0xFFFFC000  }
0x45c: {  	[tilespmem:s16], [sflag:$0x2] =	stream.linear.gather [hbm4b:s8+s0], $0x4000, $0x38;
	[tilespmem:$0x18000] =	vst v63  }
0x45d: {  	_ =	swait.ge [sflag:s17], $0x4000  }
0x45e: {  	s9 =	sld [smem:$0x7EC]  }
0x45f: {  	[sflag:s17] =	ssyncset.done $0x0  }
0x460: {  	s2 =	simm.s32 $0x0;
	[sflag:s17] =	ssyncadd.s32 $0xFFFFC000  }
0x461: {  	[tilespmem:s18], [sflag:$0xA] =	stream.linear.gather [hbm4b:s9+s0], $0x4000, $0x38;
	[tilespmem:$0x18000] =	vst v63  }
0x462: {  	s10 =	sand.u32 $0x1C00, s0;
	s3 =	sand.u32 $0x2000, s2;
	_ =	swait.ge [sflag:s19], $0x4000  }
0x463: {  	s11 =	sand.u32 $0x380, s0;
	s3 =	sor.u32 s3, s10;
	[sflag:s19] =	ssyncset.done $0x0  }
0x464: {  	s3 =	sor.u32 s11, s3;
	[sflag:s19] =	ssyncadd.s32 $0xFFFFC000  }
0x465: {  	v0 =	vld [tilespmem:s3+$0x10070]  }
0x466: {  	v4 =	vld [tilespmem:s3+$0x10000]  }
0x467: {  	v5 =	vld [tilespmem:s3+$0x10010]  }
0x468: {  	v6 =	vld [tilespmem:s3+$0x10020]  }
0x469: {  	v2 =	vld [tilespmem:s3+$0x10030]  }
0x46a: {  	v3 =	vld [tilespmem:s3+$0x10040]  }
0x46b: {  	s4 =	sor.u32 $0x70, s3;
	v1 =	vld [tilespmem:s3+$0x10050]  }
0x46c: {  	[tilespmem:s4+$0x0] =	vst.add.f32.msk $0xffff, v0  }
0x46d: {  	v0 =	vld [tilespmem:s3+$0x10060]  }
0x46e: {  	s12 =	sor.u32 $0x10, s3;
	[tilespmem:s3+$0x0] =	vst.add.f32.msk $0xffff, v4  }
0x46f: {  	s7 =	sor.u32 $0x30, s3;
	s6 =	sor.u32 $0x40, s3;
	s8 =	sor.u32 $0x20, s3;
	[tilespmem:s12+$0x0] =	vst.add.f32.msk $0xffff, v5  }
0x470: {  	s5 =	sor.u32 $0x50, s3;
	s4 =	sor.u32 $0x60, s3;
	[tilespmem:s8+$0x0] =	vst.add.f32.msk $0xffff, v6;
	s3 =	simm.s32 $0x0  }
.LBB2_50:
0x471: {  	s2 =	sadd.s32 $0x80, s2;
	[tilespmem:s7+$0x0] =	vst.add.f32.msk $0xffff, v2;
	s0 =	sadd.s32 $0x400, s0  }
0x472: {  	s3 =	sadd.s32 $0x10, s3;
	s7 =	sand.u32 $0x2000, s2;
	s8 =	sand.u32 $0x1C00, s0;
	[tilespmem:s6+$0x0] =	vst.add.f32.msk $0xffff, v3  }
0x473: {  	p0 =	slt.u32 s2, $0x3F80;
	s6 =	sor.u32 s7, s8;
	s7 =	sand.u32 $0x380, s3;
	[tilespmem:s5+$0x0] =	vst.add.f32.msk $0xffff, v1  }
0x474: {  	s8 =	sor.u32 s7, s6;
	[tilespmem:s4+$0x0] =	vst.add.f32.msk $0xffff, v0  }
0x475: {  	s9 =	sor.u32 $0x10, s8;
	s10 =	sor.u32 $0x20, s8;
	s7 =	sor.u32 $0x30, s8;
	v0 =	vld [tilespmem:s8+$0x10070]  }
0x476: {  	s6 =	sor.u32 $0x40, s8;
	s5 =	sor.u32 $0x50, s8;
	s4 =	sor.u32 $0x60, s8;
	v4 =	vld [tilespmem:s8+$0x10000]  }
0x477: {  	v5 =	vld [tilespmem:s8+$0x10010]  }
0x478: {  	v6 =	vld [tilespmem:s8+$0x10020]  }
0x479: {  	s11 =	sor.u32 $0x70, s8;
	v2 =	vld [tilespmem:s8+$0x10030]  }
0x47a: {  	[tilespmem:s11+$0x0] =	vst.add.f32.msk $0xffff, v0  }
0x47b: {  	v3 =	vld [tilespmem:s8+$0x10040]  }
.Ltmp24:
0x47c: {  	v1 =	vld [tilespmem:s8+$0x10050];
	(pc) =	sbr.rel @p0 .LBB2_50-.Ltmp24, $4  }
0x47d: {  	v0 =	vld [tilespmem:s8+$0x10060]  }
0x47e: {  	[tilespmem:s8+$0x0] =	vst.add.f32.msk $0xffff, v4  }
0x47f: {  	[tilespmem:s9+$0x0] =	vst.add.f32.msk $0xffff, v5  }
0x480: {  	[tilespmem:s10+$0x0] =	vst.add.f32.msk $0xffff, v6  }
0x481: {  	[tilespmem:s7+$0x0] =	vst.add.f32.msk $0xffff, v2  }
0x482: {  	[tilespmem:s6+$0x0] =	vst.add.f32.msk $0xffff, v3  }
0x483: {  	[tilespmem:s5+$0x0] =	vst.add.f32.msk $0xffff, v1  }
0x484: {  	[tilespmem:s4+$0x0] =	vst.add.f32.msk $0xffff, v0  }
0x485: {  	s2 =	sld [smem:$0x7EE];
	_ =	sdelay $0x1  }
0x486: {  	s0 =	simm.s32 $0x0  }
0x487: {  	[hbm4b:s2+s0] =	stream.linear.scatter [tilespmem:s0], [sflag:$0x5], $0x4000, $0x38;
	[tilespmem:$0x18000] =	vst v63  }
0x488: {  	_ =	swait.ge [sflag:s29], $0x4000  }
0x489: {  	s8 =	sld [smem:$0x7F1]  }
0x48a: {  	[sflag:s29] =	ssyncset.done $0x0  }
0x48b: {  	s2 =	simm.s32 $0x0;
	[sflag:s29] =	ssyncadd.s32 $0xFFFFC000  }
0x48c: {  	[tilespmem:s20], [sflag:$0x3] =	stream.linear.gather [hbm4b:s8+s0], $0x4000, $0x38;
	[tilespmem:$0x18000] =	vst v63  }
0x48d: {  	s9 =	sand.u32 $0x1C00, s0;
	s3 =	sand.u32 $0x2000, s2;
	_ =	swait.ge [sflag:s21], $0x4000  }
0x48e: {  	s10 =	sand.u32 $0x380, s0;
	s3 =	sor.u32 s3, s9;
	[sflag:s21] =	ssyncset.done $0x0  }
0x48f: {  	s3 =	sor.u32 s10, s3;
	[sflag:s21] =	ssyncadd.s32 $0xFFFFC000  }
0x490: {  	v0 =	vld [tilespmem:s3+$0x10070]  }
0x491: {  	v4 =	vld [tilespmem:s3+$0x10000]  }
0x492: {  	v5 =	vld [tilespmem:s3+$0x10010]  }
0x493: {  	v6 =	vld [tilespmem:s3+$0x10020]  }
0x494: {  	v2 =	vld [tilespmem:s3+$0x10030]  }
0x495: {  	v3 =	vld [tilespmem:s3+$0x10040]  }
0x496: {  	s4 =	sor.u32 $0x4070, s3;
	v1 =	vld [tilespmem:s3+$0x10060]  }
0x497: {  	[tilespmem:s4+$0x0] =	vst.add.f32.msk $0xffff, v0  }
0x498: {  	s11 =	sor.u32 $0x4000, s3;
	v0 =	vld [tilespmem:s3+$0x10050]  }
0x499: {  	s12 =	sor.u32 $0x4010, s3;
	[tilespmem:s11+$0x0] =	vst.add.f32.msk $0xffff, v4  }
0x49a: {  	s7 =	sor.u32 $0x4030, s3;
	s6 =	sor.u32 $0x4040, s3;
	s8 =	sor.u32 $0x4020, s3;
	[tilespmem:s12+$0x0] =	vst.add.f32.msk $0xffff, v5  }
0x49b: {  	s5 =	sor.u32 $0x4060, s3;
	s4 =	sor.u32 $0x4050, s3;
	[tilespmem:s8+$0x0] =	vst.add.f32.msk $0xffff, v6;
	s3 =	simm.s32 $0x0  }
.LBB2_52:
0x49c: {  	s2 =	sadd.s32 $0x80, s2;
	[tilespmem:s7+$0x0] =	vst.add.f32.msk $0xffff, v2;
	s0 =	sadd.s32 $0x400, s0  }
0x49d: {  	s3 =	sadd.s32 $0x10, s3;
	s7 =	sand.u32 $0x2000, s2;
	s8 =	sand.u32 $0x1C00, s0;
	[tilespmem:s6+$0x0] =	vst.add.f32.msk $0xffff, v3  }
0x49e: {  	p0 =	slt.u32 s2, $0x3F80;
	s6 =	sor.u32 s7, s8;
	s7 =	sand.u32 $0x380, s3;
	[tilespmem:s4+$0x0] =	vst.add.f32.msk $0xffff, v0  }
0x49f: {  	s8 =	sor.u32 s7, s6;
	[tilespmem:s5+$0x0] =	vst.add.f32.msk $0xffff, v1  }
0x4a0: {  	s9 =	sor.u32 $0x4000, s8;
	s10 =	sor.u32 $0x4010, s8;
	s11 =	sor.u32 $0x4020, s8;
	v0 =	vld [tilespmem:s8+$0x10070]  }
0x4a1: {  	s7 =	sor.u32 $0x4030, s8;
	s6 =	sor.u32 $0x4040, s8;
	s4 =	sor.u32 $0x4050, s8;
	v4 =	vld [tilespmem:s8+$0x10000]  }
0x4a2: {  	s5 =	sor.u32 $0x4060, s8;
	v5 =	vld [tilespmem:s8+$0x10010]  }
0x4a3: {  	v6 =	vld [tilespmem:s8+$0x10020]  }
0x4a4: {  	s12 =	sor.u32 $0x4070, s8;
	v2 =	vld [tilespmem:s8+$0x10030]  }
0x4a5: {  	[tilespmem:s12+$0x0] =	vst.add.f32.msk $0xffff, v0  }
0x4a6: {  	v3 =	vld [tilespmem:s8+$0x10040]  }
.Ltmp25:
0x4a7: {  	v0 =	vld [tilespmem:s8+$0x10050];
	(pc) =	sbr.rel @p0 .LBB2_52-.Ltmp25, $4  }
0x4a8: {  	v1 =	vld [tilespmem:s8+$0x10060]  }
0x4a9: {  	[tilespmem:s9+$0x0] =	vst.add.f32.msk $0xffff, v4  }
0x4aa: {  	[tilespmem:s10+$0x0] =	vst.add.f32.msk $0xffff, v5  }
0x4ab: {  	[tilespmem:s11+$0x0] =	vst.add.f32.msk $0xffff, v6  }
0x4ac: {  	[tilespmem:s7+$0x0] =	vst.add.f32.msk $0xffff, v2  }
0x4ad: {  	[tilespmem:s6+$0x0] =	vst.add.f32.msk $0xffff, v3  }
0x4ae: {  	[tilespmem:s4+$0x0] =	vst.add.f32.msk $0xffff, v0  }
0x4af: {  	[tilespmem:s5+$0x0] =	vst.add.f32.msk $0xffff, v1  }
0x4b0: {  	s2 =	sld [smem:$0x7F0];
	_ =	sdelay $0x1  }
0x4b1: {  	s0 =	simm.s32 $0x0  }
0x4b2: {  	[hbm4b:s2+s0] =	stream.linear.scatter [tilespmem:s16], [sflag:$0x6], $0x4000, $0x38;
	[tilespmem:$0x18000] =	vst v63  }
0x4b3: {  	_ =	swait.ge [sflag:s30], $0x4000  }
0x4b4: {  	s8 =	sld [smem:$0x7F3]  }
0x4b5: {  	[sflag:s30] =	ssyncset.done $0x0  }
0x4b6: {  	s2 =	simm.s32 $0x0;
	[sflag:s30] =	ssyncadd.s32 $0xFFFFC000  }
0x4b7: {  	[tilespmem:s22], [sflag:$0x4] =	stream.linear.gather [hbm4b:s8+s0], $0x4000, $0x38;
	[tilespmem:$0x18000] =	vst v63  }
0x4b8: {  	s9 =	sand.u32 $0x1C00, s0;
	s3 =	sand.u32 $0x2000, s2;
	_ =	swait.ge [sflag:s23], $0x4000  }
0x4b9: {  	s10 =	sand.u32 $0x380, s0;
	s3 =	sor.u32 s3, s9;
	[sflag:s23] =	ssyncset.done $0x0  }
0x4ba: {  	s3 =	sor.u32 s10, s3;
	[sflag:s23] =	ssyncadd.s32 $0xFFFFC000  }
0x4bb: {  	v0 =	vld [tilespmem:s3+$0x10070]  }
0x4bc: {  	v4 =	vld [tilespmem:s3+$0x10000]  }
0x4bd: {  	v5 =	vld [tilespmem:s3+$0x10010]  }
0x4be: {  	v6 =	vld [tilespmem:s3+$0x10020]  }
0x4bf: {  	v2 =	vld [tilespmem:s3+$0x10030]  }
0x4c0: {  	v3 =	vld [tilespmem:s3+$0x10040]  }
0x4c1: {  	s4 =	sor.u32 $0x8070, s3;
	v1 =	vld [tilespmem:s3+$0x10060]  }
0x4c2: {  	[tilespmem:s4+$0x0] =	vst.add.f32.msk $0xffff, v0  }
0x4c3: {  	s11 =	sor.u32 $0x8000, s3;
	v0 =	vld [tilespmem:s3+$0x10050]  }
0x4c4: {  	s12 =	sor.u32 $0x8010, s3;
	[tilespmem:s11+$0x0] =	vst.add.f32.msk $0xffff, v4  }
0x4c5: {  	s7 =	sor.u32 $0x8030, s3;
	s6 =	sor.u32 $0x8040, s3;
	s8 =	sor.u32 $0x8020, s3;
	[tilespmem:s12+$0x0] =	vst.add.f32.msk $0xffff, v5  }
0x4c6: {  	s5 =	sor.u32 $0x8060, s3;
	s4 =	sor.u32 $0x8050, s3;
	[tilespmem:s8+$0x0] =	vst.add.f32.msk $0xffff, v6;
	s3 =	simm.s32 $0x0  }
.LBB2_54:
0x4c7: {  	s2 =	sadd.s32 $0x80, s2;
	[tilespmem:s7+$0x0] =	vst.add.f32.msk $0xffff, v2;
	s0 =	sadd.s32 $0x400, s0  }
0x4c8: {  	s3 =	sadd.s32 $0x10, s3;
	s7 =	sand.u32 $0x2000, s2;
	s8 =	sand.u32 $0x1C00, s0;
	[tilespmem:s6+$0x0] =	vst.add.f32.msk $0xffff, v3  }
0x4c9: {  	p0 =	slt.u32 s2, $0x3F80;
	s6 =	sor.u32 s7, s8;
	s7 =	sand.u32 $0x380, s3;
	[tilespmem:s4+$0x0] =	vst.add.f32.msk $0xffff, v0  }
0x4ca: {  	s8 =	sor.u32 s7, s6;
	[tilespmem:s5+$0x0] =	vst.add.f32.msk $0xffff, v1  }
0x4cb: {  	s9 =	sor.u32 $0x8000, s8;
	s10 =	sor.u32 $0x8010, s8;
	s11 =	sor.u32 $0x8020, s8;
	v0 =	vld [tilespmem:s8+$0x10070]  }
0x4cc: {  	s7 =	sor.u32 $0x8030, s8;
	s6 =	sor.u32 $0x8040, s8;
	s4 =	sor.u32 $0x8050, s8;
	v4 =	vld [tilespmem:s8+$0x10000]  }
0x4cd: {  	s5 =	sor.u32 $0x8060, s8;
	v5 =	vld [tilespmem:s8+$0x10010]  }
0x4ce: {  	v6 =	vld [tilespmem:s8+$0x10020]  }
0x4cf: {  	s12 =	sor.u32 $0x8070, s8;
	v2 =	vld [tilespmem:s8+$0x10030]  }
0x4d0: {  	[tilespmem:s12+$0x0] =	vst.add.f32.msk $0xffff, v0  }
0x4d1: {  	v3 =	vld [tilespmem:s8+$0x10040]  }
.Ltmp26:
0x4d2: {  	v0 =	vld [tilespmem:s8+$0x10050];
	(pc) =	sbr.rel @p0 .LBB2_54-.Ltmp26, $4  }
0x4d3: {  	v1 =	vld [tilespmem:s8+$0x10060]  }
0x4d4: {  	[tilespmem:s9+$0x0] =	vst.add.f32.msk $0xffff, v4  }
0x4d5: {  	[tilespmem:s10+$0x0] =	vst.add.f32.msk $0xffff, v5  }
0x4d6: {  	[tilespmem:s11+$0x0] =	vst.add.f32.msk $0xffff, v6  }
0x4d7: {  	[tilespmem:s7+$0x0] =	vst.add.f32.msk $0xffff, v2  }
0x4d8: {  	[tilespmem:s6+$0x0] =	vst.add.f32.msk $0xffff, v3  }
0x4d9: {  	[tilespmem:s4+$0x0] =	vst.add.f32.msk $0xffff, v0  }
0x4da: {  	[tilespmem:s5+$0x0] =	vst.add.f32.msk $0xffff, v1  }
0x4db: {  	s2 =	sld [smem:$0x7F2];
	_ =	sdelay $0x1  }
0x4dc: {  	s0 =	simm.s32 $0x0  }
0x4dd: {  	[hbm4b:s2+s0] =	stream.linear.scatter [tilespmem:s20], [sflag:$0x7], $0x4000, $0x38;
	[tilespmem:$0x18000] =	vst v63  }
0x4de: {  	_ =	swait.ge [sflag:s24], $0x4000  }
0x4df: {  	s8 =	sld [smem:$0x7F5]  }
0x4e0: {  	[sflag:s24] =	ssyncset.done $0x0  }
0x4e1: {  	s2 =	simm.s32 $0x0;
	[sflag:s24] =	ssyncadd.s32 $0xFFFFC000  }
0x4e2: {  	[tilespmem:s0], [sflag:$0x1] =	stream.linear.gather [hbm4b:s8+s0], $0x4000, $0x38;
	[tilespmem:$0x18000] =	vst v63  }
0x4e3: {  	s9 =	sand.u32 $0x1C00, s0;
	s3 =	sand.u32 $0x2000, s2;
	_ =	swait.ge [sflag:s25], $0x4000  }
0x4e4: {  	s10 =	sand.u32 $0x380, s0;
	s3 =	sor.u32 s3, s9;
	[sflag:s25] =	ssyncset.done $0x0  }
0x4e5: {  	s3 =	sor.u32 s10, s3;
	[sflag:s25] =	ssyncadd.s32 $0xFFFFC000  }
0x4e6: {  	v0 =	vld [tilespmem:s3+$0x10070]  }
0x4e7: {  	v4 =	vld [tilespmem:s3+$0x10000]  }
0x4e8: {  	v5 =	vld [tilespmem:s3+$0x10010]  }
0x4e9: {  	v6 =	vld [tilespmem:s3+$0x10020]  }
0x4ea: {  	v2 =	vld [tilespmem:s3+$0x10030]  }
0x4eb: {  	v3 =	vld [tilespmem:s3+$0x10040]  }
0x4ec: {  	s4 =	sor.u32 $0xC070, s3;
	v1 =	vld [tilespmem:s3+$0x10060]  }
0x4ed: {  	[tilespmem:s4+$0x0] =	vst.add.f32.msk $0xffff, v0  }
0x4ee: {  	s11 =	sor.u32 $0xC000, s3;
	v0 =	vld [tilespmem:s3+$0x10050]  }
0x4ef: {  	s12 =	sor.u32 $0xC010, s3;
	[tilespmem:s11+$0x0] =	vst.add.f32.msk $0xffff, v4  }
0x4f0: {  	s7 =	sor.u32 $0xC030, s3;
	s6 =	sor.u32 $0xC040, s3;
	s8 =	sor.u32 $0xC020, s3;
	[tilespmem:s12+$0x0] =	vst.add.f32.msk $0xffff, v5  }
0x4f1: {  	s5 =	sor.u32 $0xC060, s3;
	s4 =	sor.u32 $0xC050, s3;
	[tilespmem:s8+$0x0] =	vst.add.f32.msk $0xffff, v6;
	s3 =	simm.s32 $0x0  }
.LBB2_56:
0x4f2: {  	s2 =	sadd.s32 $0x80, s2;
	[tilespmem:s7+$0x0] =	vst.add.f32.msk $0xffff, v2;
	s0 =	sadd.s32 $0x400, s0  }
0x4f3: {  	s3 =	sadd.s32 $0x10, s3;
	s7 =	sand.u32 $0x2000, s2;
	s8 =	sand.u32 $0x1C00, s0;
	[tilespmem:s6+$0x0] =	vst.add.f32.msk $0xffff, v3  }
0x4f4: {  	p0 =	slt.u32 s2, $0x3F80;
	s6 =	sor.u32 s7, s8;
	s7 =	sand.u32 $0x380, s3;
	[tilespmem:s4+$0x0] =	vst.add.f32.msk $0xffff, v0  }
0x4f5: {  	s8 =	sor.u32 s7, s6;
	[tilespmem:s5+$0x0] =	vst.add.f32.msk $0xffff, v1  }
0x4f6: {  	s9 =	sor.u32 $0xC000, s8;
	s10 =	sor.u32 $0xC010, s8;
	s11 =	sor.u32 $0xC020, s8;
	v0 =	vld [tilespmem:s8+$0x10070]  }
0x4f7: {  	s7 =	sor.u32 $0xC030, s8;
	s6 =	sor.u32 $0xC040, s8;
	s4 =	sor.u32 $0xC050, s8;
	v4 =	vld [tilespmem:s8+$0x10000]  }
0x4f8: {  	s5 =	sor.u32 $0xC060, s8;
	v5 =	vld [tilespmem:s8+$0x10010]  }
0x4f9: {  	v6 =	vld [tilespmem:s8+$0x10020]  }
0x4fa: {  	s12 =	sor.u32 $0xC070, s8;
	v2 =	vld [tilespmem:s8+$0x10030]  }
0x4fb: {  	[tilespmem:s12+$0x0] =	vst.add.f32.msk $0xffff, v0  }
0x4fc: {  	v3 =	vld [tilespmem:s8+$0x10040]  }
.Ltmp27:
0x4fd: {  	v0 =	vld [tilespmem:s8+$0x10050];
	(pc) =	sbr.rel @p0 .LBB2_56-.Ltmp27, $4  }
0x4fe: {  	v1 =	vld [tilespmem:s8+$0x10060]  }
0x4ff: {  	[tilespmem:s9+$0x0] =	vst.add.f32.msk $0xffff, v4  }
0x500: {  	[tilespmem:s10+$0x0] =	vst.add.f32.msk $0xffff, v5  }
0x501: {  	[tilespmem:s11+$0x0] =	vst.add.f32.msk $0xffff, v6  }
0x502: {  	[tilespmem:s7+$0x0] =	vst.add.f32.msk $0xffff, v2  }
0x503: {  	[tilespmem:s6+$0x0] =	vst.add.f32.msk $0xffff, v3  }
0x504: {  	[tilespmem:s4+$0x0] =	vst.add.f32.msk $0xffff, v0  }
0x505: {  	[tilespmem:s5+$0x0] =	vst.add.f32.msk $0xffff, v1  }
0x506: {  	s2 =	sld [smem:$0x7F4];
	_ =	sdelay $0x1  }
0x507: {  	s0 =	simm.s32 $0x0  }
0x508: {  	[hbm4b:s2+s0] =	stream.linear.scatter [tilespmem:s22], [sflag:$0x8], $0x4000, $0x38;
	[tilespmem:$0x18000] =	vst v63  }
0x509: {  	_ =	swait.ge [sflag:s26], $0x4000  }
0x50a: {  	s9 =	sld [smem:$0x7F9]  }
0x50b: {  	[sflag:s26] =	ssyncset.done $0x0  }
0x50c: {  	[sflag:s26] =	ssyncadd.s32 $0xFFFFC000  }
0x50d: {  	[tilespmem:s16], [sflag:$0x2] =	stream.linear.gather [hbm4b:s9+s0], $0x4000, $0x38;
	[tilespmem:$0x18000] =	vst v63  }
0x50e: {  	_ =	swait.ge [sflag:s28], $0x4000  }
0x50f: {  	[sflag:s28] =	ssyncset.done $0x0  }
0x510: {  	s2 =	simm.s32 $0x0;
	[sflag:s28] =	ssyncadd.s32 $0xFFFFC000  }
0x511: {  	s10 =	sand.u32 $0x1C00, s0;
	s3 =	sand.u32 $0x2000, s2;
	_ =	swait.ge [sflag:s19], $0x4000  }
0x512: {  	s11 =	sand.u32 $0x380, s0;
	s3 =	sor.u32 s3, s10;
	[sflag:s19] =	ssyncset.done $0x0  }
0x513: {  	s3 =	sor.u32 s11, s3;
	[sflag:s19] =	ssyncadd.s32 $0xFFFFC000  }
0x514: {  	v0 =	vld [tilespmem:s3+$0x14070]  }
0x515: {  	v4 =	vld [tilespmem:s3+$0x14000]  }
0x516: {  	v5 =	vld [tilespmem:s3+$0x14010]  }
0x517: {  	v6 =	vld [tilespmem:s3+$0x14020]  }
0x518: {  	v2 =	vld [tilespmem:s3+$0x14030]  }
0x519: {  	v3 =	vld [tilespmem:s3+$0x14040]  }
0x51a: {  	s4 =	sor.u32 $0x70, s3;
	v1 =	vld [tilespmem:s3+$0x14050]  }
0x51b: {  	[tilespmem:s4+$0x0] =	vst.add.f32.msk $0xffff, v0  }
0x51c: {  	v0 =	vld [tilespmem:s3+$0x14060]  }
0x51d: {  	s12 =	sor.u32 $0x10, s3;
	[tilespmem:s3+$0x0] =	vst.add.f32.msk $0xffff, v4  }
0x51e: {  	s8 =	sor.u32 $0x20, s3;
	s7 =	sor.u32 $0x30, s3;
	s6 =	sor.u32 $0x40, s3;
	[tilespmem:s12+$0x0] =	vst.add.f32.msk $0xffff, v5  }
0x51f: {  	s5 =	sor.u32 $0x50, s3;
	s4 =	sor.u32 $0x60, s3;
	[tilespmem:s8+$0x0] =	vst.add.f32.msk $0xffff, v6;
	s3 =	simm.s32 $0x0  }
.LBB2_58:
0x520: {  	s2 =	sadd.s32 $0x80, s2;
	[tilespmem:s7+$0x0] =	vst.add.f32.msk $0xffff, v2;
	s0 =	sadd.s32 $0x400, s0  }
0x521: {  	s3 =	sadd.s32 $0x10, s3;
	s7 =	sand.u32 $0x2000, s2;
	s8 =	sand.u32 $0x1C00, s0;
	[tilespmem:s6+$0x0] =	vst.add.f32.msk $0xffff, v3  }
0x522: {  	p0 =	slt.u32 s2, $0x3F80;
	s6 =	sor.u32 s7, s8;
	s7 =	sand.u32 $0x380, s3;
	[tilespmem:s5+$0x0] =	vst.add.f32.msk $0xffff, v1  }
0x523: {  	s8 =	sor.u32 s7, s6;
	[tilespmem:s4+$0x0] =	vst.add.f32.msk $0xffff, v0  }
0x524: {  	s9 =	sor.u32 $0x10, s8;
	s10 =	sor.u32 $0x20, s8;
	s7 =	sor.u32 $0x30, s8;
	v0 =	vld [tilespmem:s8+$0x14070]  }
0x525: {  	s6 =	sor.u32 $0x40, s8;
	s5 =	sor.u32 $0x50, s8;
	s4 =	sor.u32 $0x60, s8;
	v4 =	vld [tilespmem:s8+$0x14000]  }
0x526: {  	v5 =	vld [tilespmem:s8+$0x14010]  }
0x527: {  	v6 =	vld [tilespmem:s8+$0x14020]  }
0x528: {  	s11 =	sor.u32 $0x70, s8;
	v2 =	vld [tilespmem:s8+$0x14030]  }
0x529: {  	[tilespmem:s11+$0x0] =	vst.add.f32.msk $0xffff, v0  }
0x52a: {  	v3 =	vld [tilespmem:s8+$0x14040]  }
.Ltmp28:
0x52b: {  	v1 =	vld [tilespmem:s8+$0x14050];
	(pc) =	sbr.rel @p0 .LBB2_58-.Ltmp28, $4  }
0x52c: {  	v0 =	vld [tilespmem:s8+$0x14060]  }
0x52d: {  	[tilespmem:s8+$0x0] =	vst.add.f32.msk $0xffff, v4  }
0x52e: {  	[tilespmem:s9+$0x0] =	vst.add.f32.msk $0xffff, v5  }
0x52f: {  	[tilespmem:s10+$0x0] =	vst.add.f32.msk $0xffff, v6  }
0x530: {  	[tilespmem:s7+$0x0] =	vst.add.f32.msk $0xffff, v2  }
0x531: {  	[tilespmem:s6+$0x0] =	vst.add.f32.msk $0xffff, v3  }
0x532: {  	[tilespmem:s5+$0x0] =	vst.add.f32.msk $0xffff, v1  }
0x533: {  	[tilespmem:s4+$0x0] =	vst.add.f32.msk $0xffff, v0  }
0x534: {  	s2 =	sld [smem:$0x7F6];
	_ =	sdelay $0x1  }
0x535: {  	s0 =	simm.s32 $0x0  }
0x536: {  	[hbm4b:s2+s0] =	stream.linear.scatter [tilespmem:s0], [sflag:$0x5], $0x4000, $0x38;
	[tilespmem:$0x18000] =	vst v63  }
0x537: {  	_ =	swait.ge [sflag:s29], $0x4000  }
0x538: {  	s8 =	sld [smem:$0x7FB]  }
0x539: {  	[sflag:s29] =	ssyncset.done $0x0  }
0x53a: {  	s2 =	simm.s32 $0x0;
	[sflag:s29] =	ssyncadd.s32 $0xFFFFC000  }
0x53b: {  	[tilespmem:s20], [sflag:$0x3] =	stream.linear.gather [hbm4b:s8+s0], $0x4000, $0x38;
	[tilespmem:$0x18000] =	vst v63  }
0x53c: {  	s9 =	sand.u32 $0x1C00, s0;
	s3 =	sand.u32 $0x2000, s2;
	_ =	swait.ge [sflag:s21], $0x4000  }
0x53d: {  	s10 =	sand.u32 $0x380, s0;
	s3 =	sor.u32 s3, s9;
	[sflag:s21] =	ssyncset.done $0x0  }
0x53e: {  	s3 =	sor.u32 s10, s3;
	[sflag:s21] =	ssyncadd.s32 $0xFFFFC000  }
0x53f: {  	v0 =	vld [tilespmem:s3+$0x14070]  }
0x540: {  	v4 =	vld [tilespmem:s3+$0x14000]  }
0x541: {  	v5 =	vld [tilespmem:s3+$0x14010]  }
0x542: {  	v6 =	vld [tilespmem:s3+$0x14020]  }
0x543: {  	v2 =	vld [tilespmem:s3+$0x14030]  }
0x544: {  	v3 =	vld [tilespmem:s3+$0x14040]  }
0x545: {  	s4 =	sor.u32 $0x4070, s3;
	v1 =	vld [tilespmem:s3+$0x14060]  }
0x546: {  	[tilespmem:s4+$0x0] =	vst.add.f32.msk $0xffff, v0  }
0x547: {  	s11 =	sor.u32 $0x4000, s3;
	v0 =	vld [tilespmem:s3+$0x14050]  }
0x548: {  	s12 =	sor.u32 $0x4010, s3;
	[tilespmem:s11+$0x0] =	vst.add.f32.msk $0xffff, v4  }
0x549: {  	s7 =	sor.u32 $0x4030, s3;
	s6 =	sor.u32 $0x4040, s3;
	s8 =	sor.u32 $0x4020, s3;
	[tilespmem:s12+$0x0] =	vst.add.f32.msk $0xffff, v5  }
0x54a: {  	s5 =	sor.u32 $0x4060, s3;
	s4 =	sor.u32 $0x4050, s3;
	[tilespmem:s8+$0x0] =	vst.add.f32.msk $0xffff, v6;
	s3 =	simm.s32 $0x0  }
.LBB2_60:
0x54b: {  	s2 =	sadd.s32 $0x80, s2;
	[tilespmem:s7+$0x0] =	vst.add.f32.msk $0xffff, v2;
	s0 =	sadd.s32 $0x400, s0  }
0x54c: {  	s3 =	sadd.s32 $0x10, s3;
	s7 =	sand.u32 $0x2000, s2;
	s8 =	sand.u32 $0x1C00, s0;
	[tilespmem:s6+$0x0] =	vst.add.f32.msk $0xffff, v3  }
0x54d: {  	p0 =	slt.u32 s2, $0x3F80;
	s6 =	sor.u32 s7, s8;
	s7 =	sand.u32 $0x380, s3;
	[tilespmem:s4+$0x0] =	vst.add.f32.msk $0xffff, v0  }
0x54e: {  	s8 =	sor.u32 s7, s6;
	[tilespmem:s5+$0x0] =	vst.add.f32.msk $0xffff, v1  }
0x54f: {  	s9 =	sor.u32 $0x4000, s8;
	s10 =	sor.u32 $0x4010, s8;
	s11 =	sor.u32 $0x4020, s8;
	v0 =	vld [tilespmem:s8+$0x14070]  }
0x550: {  	s7 =	sor.u32 $0x4030, s8;
	s6 =	sor.u32 $0x4040, s8;
	s4 =	sor.u32 $0x4050, s8;
	v4 =	vld [tilespmem:s8+$0x14000]  }
0x551: {  	s5 =	sor.u32 $0x4060, s8;
	v5 =	vld [tilespmem:s8+$0x14010]  }
0x552: {  	v6 =	vld [tilespmem:s8+$0x14020]  }
0x553: {  	s12 =	sor.u32 $0x4070, s8;
	v2 =	vld [tilespmem:s8+$0x14030]  }
0x554: {  	[tilespmem:s12+$0x0] =	vst.add.f32.msk $0xffff, v0  }
0x555: {  	v3 =	vld [tilespmem:s8+$0x14040]  }
.Ltmp29:
0x556: {  	v0 =	vld [tilespmem:s8+$0x14050];
	(pc) =	sbr.rel @p0 .LBB2_60-.Ltmp29, $4  }
0x557: {  	v1 =	vld [tilespmem:s8+$0x14060]  }
0x558: {  	[tilespmem:s9+$0x0] =	vst.add.f32.msk $0xffff, v4  }
0x559: {  	[tilespmem:s10+$0x0] =	vst.add.f32.msk $0xffff, v5  }
0x55a: {  	[tilespmem:s11+$0x0] =	vst.add.f32.msk $0xffff, v6  }
0x55b: {  	[tilespmem:s7+$0x0] =	vst.add.f32.msk $0xffff, v2  }
0x55c: {  	[tilespmem:s6+$0x0] =	vst.add.f32.msk $0xffff, v3  }
0x55d: {  	[tilespmem:s4+$0x0] =	vst.add.f32.msk $0xffff, v0  }
0x55e: {  	[tilespmem:s5+$0x0] =	vst.add.f32.msk $0xffff, v1  }
0x55f: {  	s2 =	sld [smem:$0x7FA];
	_ =	sdelay $0x1  }
0x560: {  	s0 =	simm.s32 $0x0  }
0x561: {  	[hbm4b:s2+s0] =	stream.linear.scatter [tilespmem:s16], [sflag:$0x6], $0x4000, $0x38;
	[tilespmem:$0x18000] =	vst v63  }
0x562: {  	_ =	swait.ge [sflag:s30], $0x4000  }
0x563: {  	s8 =	sld [smem:$0x7FC]  }
0x564: {  	[sflag:s30] =	ssyncset.done $0x0  }
0x565: {  	s2 =	simm.s32 $0x0;
	[sflag:s30] =	ssyncadd.s32 $0xFFFFC000  }
0x566: {  	[tilespmem:s22], [sflag:$0x4] =	stream.linear.gather [hbm4b:s8+s0], $0x4000, $0x38;
	[tilespmem:$0x18000] =	vst v63  }
0x567: {  	s9 =	sand.u32 $0x1C00, s0;
	s3 =	sand.u32 $0x2000, s2;
	_ =	swait.ge [sflag:s23], $0x4000  }
0x568: {  	s10 =	sand.u32 $0x380, s0;
	s3 =	sor.u32 s3, s9;
	[sflag:s23] =	ssyncset.done $0x0  }
0x569: {  	s3 =	sor.u32 s10, s3;
	[sflag:s23] =	ssyncadd.s32 $0xFFFFC000  }
0x56a: {  	v0 =	vld [tilespmem:s3+$0x14070]  }
0x56b: {  	v4 =	vld [tilespmem:s3+$0x14000]  }
0x56c: {  	v5 =	vld [tilespmem:s3+$0x14010]  }
0x56d: {  	v6 =	vld [tilespmem:s3+$0x14020]  }
0x56e: {  	v2 =	vld [tilespmem:s3+$0x14030]  }
0x56f: {  	v3 =	vld [tilespmem:s3+$0x14040]  }
0x570: {  	s4 =	sor.u32 $0x8070, s3;
	v1 =	vld [tilespmem:s3+$0x14060]  }
0x571: {  	[tilespmem:s4+$0x0] =	vst.add.f32.msk $0xffff, v0  }
0x572: {  	s11 =	sor.u32 $0x8000, s3;
	v0 =	vld [tilespmem:s3+$0x14050]  }
0x573: {  	s12 =	sor.u32 $0x8010, s3;
	[tilespmem:s11+$0x0] =	vst.add.f32.msk $0xffff, v4  }
0x574: {  	s7 =	sor.u32 $0x8030, s3;
	s6 =	sor.u32 $0x8040, s3;
	s8 =	sor.u32 $0x8020, s3;
	[tilespmem:s12+$0x0] =	vst.add.f32.msk $0xffff, v5  }
0x575: {  	s5 =	sor.u32 $0x8060, s3;
	s4 =	sor.u32 $0x8050, s3;
	[tilespmem:s8+$0x0] =	vst.add.f32.msk $0xffff, v6;
	s3 =	simm.s32 $0x0  }
.LBB2_62:
0x576: {  	s2 =	sadd.s32 $0x80, s2;
	[tilespmem:s7+$0x0] =	vst.add.f32.msk $0xffff, v2;
	s0 =	sadd.s32 $0x400, s0  }
0x577: {  	s3 =	sadd.s32 $0x10, s3;
	s7 =	sand.u32 $0x2000, s2;
	s8 =	sand.u32 $0x1C00, s0;
	[tilespmem:s6+$0x0] =	vst.add.f32.msk $0xffff, v3  }
0x578: {  	p0 =	slt.u32 s2, $0x3F80;
	s6 =	sor.u32 s7, s8;
	s7 =	sand.u32 $0x380, s3;
	[tilespmem:s4+$0x0] =	vst.add.f32.msk $0xffff, v0  }
0x579: {  	s8 =	sor.u32 s7, s6;
	[tilespmem:s5+$0x0] =	vst.add.f32.msk $0xffff, v1  }
0x57a: {  	s9 =	sor.u32 $0x8000, s8;
	s10 =	sor.u32 $0x8010, s8;
	s11 =	sor.u32 $0x8020, s8;
	v0 =	vld [tilespmem:s8+$0x14070]  }
0x57b: {  	s7 =	sor.u32 $0x8030, s8;
	s6 =	sor.u32 $0x8040, s8;
	s4 =	sor.u32 $0x8050, s8;
	v4 =	vld [tilespmem:s8+$0x14000]  }
0x57c: {  	s5 =	sor.u32 $0x8060, s8;
	v5 =	vld [tilespmem:s8+$0x14010]  }
0x57d: {  	v6 =	vld [tilespmem:s8+$0x14020]  }
0x57e: {  	s12 =	sor.u32 $0x8070, s8;
	v2 =	vld [tilespmem:s8+$0x14030]  }
0x57f: {  	[tilespmem:s12+$0x0] =	vst.add.f32.msk $0xffff, v0  }
0x580: {  	v3 =	vld [tilespmem:s8+$0x14040]  }
.Ltmp30:
0x581: {  	v0 =	vld [tilespmem:s8+$0x14050];
	(pc) =	sbr.rel @p0 .LBB2_62-.Ltmp30, $4  }
0x582: {  	v1 =	vld [tilespmem:s8+$0x14060]  }
0x583: {  	[tilespmem:s9+$0x0] =	vst.add.f32.msk $0xffff, v4  }
0x584: {  	[tilespmem:s10+$0x0] =	vst.add.f32.msk $0xffff, v5  }
0x585: {  	[tilespmem:s11+$0x0] =	vst.add.f32.msk $0xffff, v6  }
0x586: {  	[tilespmem:s7+$0x0] =	vst.add.f32.msk $0xffff, v2  }
0x587: {  	[tilespmem:s6+$0x0] =	vst.add.f32.msk $0xffff, v3  }
0x588: {  	[tilespmem:s4+$0x0] =	vst.add.f32.msk $0xffff, v0  }
0x589: {  	[tilespmem:s5+$0x0] =	vst.add.f32.msk $0xffff, v1  }
0x58a: {  	s2 =	sld [smem:$0x7FD];
	_ =	sdelay $0x1  }
0x58b: {  	s0 =	simm.s32 $0x0  }
0x58c: {  	[hbm4b:s2+s0] =	stream.linear.scatter [tilespmem:s20], [sflag:$0x7], $0x4000, $0x38;
	[tilespmem:$0x18000] =	vst v63  }
0x58d: {  	_ =	swait.ge [sflag:s24], $0x4000  }
0x58e: {  	[sflag:s24] =	ssyncset.done $0x0  }
0x58f: {  	s2 =	simm.s32 $0x0;
	[sflag:s24] =	ssyncadd.s32 $0xFFFFC000  }
0x590: {  	s9 =	sand.u32 $0x1C00, s0;
	s3 =	sand.u32 $0x2000, s2;
	_ =	swait.ge [sflag:s25], $0x4000  }
0x591: {  	s10 =	sand.u32 $0x380, s0;
	s3 =	sor.u32 s3, s9;
	[sflag:s25] =	ssyncset.done $0x0  }
0x592: {  	s3 =	sor.u32 s10, s3;
	[sflag:s25] =	ssyncadd.s32 $0xFFFFC000  }
0x593: {  	v0 =	vld [tilespmem:s3+$0x14070]  }
0x594: {  	v4 =	vld [tilespmem:s3+$0x14000]  }
0x595: {  	v5 =	vld [tilespmem:s3+$0x14010]  }
0x596: {  	v6 =	vld [tilespmem:s3+$0x14020]  }
0x597: {  	v2 =	vld [tilespmem:s3+$0x14030]  }
0x598: {  	v3 =	vld [tilespmem:s3+$0x14040]  }
0x599: {  	s4 =	sor.u32 $0xC070, s3;
	v1 =	vld [tilespmem:s3+$0x14060]  }
0x59a: {  	[tilespmem:s4+$0x0] =	vst.add.f32.msk $0xffff, v0  }
0x59b: {  	s11 =	sor.u32 $0xC000, s3;
	v0 =	vld [tilespmem:s3+$0x14050]  }
0x59c: {  	s12 =	sor.u32 $0xC010, s3;
	[tilespmem:s11+$0x0] =	vst.add.f32.msk $0xffff, v4  }
0x59d: {  	s8 =	sor.u32 $0xC020, s3;
	s7 =	sor.u32 $0xC030, s3;
	s6 =	sor.u32 $0xC040, s3;
	[tilespmem:s12+$0x0] =	vst.add.f32.msk $0xffff, v5  }
0x59e: {  	s5 =	sor.u32 $0xC060, s3;
	s4 =	sor.u32 $0xC050, s3;
	[tilespmem:s8+$0x0] =	vst.add.f32.msk $0xffff, v6;
	s3 =	simm.s32 $0x0  }
.LBB2_64:
0x59f: {  	s2 =	sadd.s32 $0x80, s2;
	[tilespmem:s7+$0x0] =	vst.add.f32.msk $0xffff, v2;
	s0 =	sadd.s32 $0x400, s0  }
0x5a0: {  	s3 =	sadd.s32 $0x10, s3;
	s7 =	sand.u32 $0x2000, s2;
	s8 =	sand.u32 $0x1C00, s0;
	[tilespmem:s6+$0x0] =	vst.add.f32.msk $0xffff, v3  }
0x5a1: {  	p0 =	slt.u32 s2, $0x3F80;
	s6 =	sor.u32 s7, s8;
	s7 =	sand.u32 $0x380, s3;
	[tilespmem:s4+$0x0] =	vst.add.f32.msk $0xffff, v0  }
0x5a2: {  	s8 =	sor.u32 s7, s6;
	[tilespmem:s5+$0x0] =	vst.add.f32.msk $0xffff, v1  }
0x5a3: {  	s9 =	sor.u32 $0xC000, s8;
	s10 =	sor.u32 $0xC010, s8;
	s11 =	sor.u32 $0xC020, s8;
	v0 =	vld [tilespmem:s8+$0x14070]  }
0x5a4: {  	s7 =	sor.u32 $0xC030, s8;
	s6 =	sor.u32 $0xC040, s8;
	s4 =	sor.u32 $0xC050, s8;
	v4 =	vld [tilespmem:s8+$0x14000]  }
0x5a5: {  	s5 =	sor.u32 $0xC060, s8;
	v5 =	vld [tilespmem:s8+$0x14010]  }
0x5a6: {  	v6 =	vld [tilespmem:s8+$0x14020]  }
0x5a7: {  	s12 =	sor.u32 $0xC070, s8;
	v2 =	vld [tilespmem:s8+$0x14030]  }
0x5a8: {  	[tilespmem:s12+$0x0] =	vst.add.f32.msk $0xffff, v0  }
0x5a9: {  	v3 =	vld [tilespmem:s8+$0x14040]  }
.Ltmp31:
0x5aa: {  	v0 =	vld [tilespmem:s8+$0x14050];
	(pc) =	sbr.rel @p0 .LBB2_64-.Ltmp31, $4  }
0x5ab: {  	v1 =	vld [tilespmem:s8+$0x14060]  }
0x5ac: {  	[tilespmem:s9+$0x0] =	vst.add.f32.msk $0xffff, v4  }
0x5ad: {  	[tilespmem:s10+$0x0] =	vst.add.f32.msk $0xffff, v5  }
0x5ae: {  	[tilespmem:s11+$0x0] =	vst.add.f32.msk $0xffff, v6  }
0x5af: {  	[tilespmem:s7+$0x0] =	vst.add.f32.msk $0xffff, v2  }
0x5b0: {  	[tilespmem:s6+$0x0] =	vst.add.f32.msk $0xffff, v3  }
0x5b1: {  	[tilespmem:s4+$0x0] =	vst.add.f32.msk $0xffff, v0  }
0x5b2: {  	[tilespmem:s5+$0x0] =	vst.add.f32.msk $0xffff, v1  }
0x5b3: {  	[hbm4b:s13+s1] =	stream.linear.scatter [tilespmem:s22], [sflag:$0x8], $0x4000, $0x38;
	[tilespmem:$0x18000] =	vst v63  }
0x5b4: {  	_ =	swait.ge [sflag:s26], $0x4000  }
0x5b5: {  	[sflag:s26] =	ssyncset.done $0x0  }
0x5b6: {  	s31 =	sadd.s32 $0x1, s31;
	[sflag:s26] =	ssyncadd.s32 $0xFFFFC000  }
0x5b7: {  	p0 =	sne.s32 s31, s14;
	_ =	swait.ge [sflag:s29], $0x4000  }
.Ltmp32:
0x5b8: {  	[sflag:s29] =	ssyncset.done $0x0;
	(pc) =	sbr.rel @p0 .LBB2_1-.Ltmp32, $4  }
0x5b9: {  	[sflag:s29] =	ssyncadd.s32 $0xFFFFC000  }
0x5ba: {  	_ =	swait.ge [sflag:s30], $0x4000  }
0x5bb: {  	[sflag:s30] =	ssyncset.done $0x0  }
0x5bc: {  	[sflag:s30] =	ssyncadd.s32 $0xFFFFC000  }
0x5bd: {  	_ =	sfence.sel $0x180000  }
0x5be: {  	[bflag:$0x0] =	sbarrier.arrive $0xFFFF  }
0x5bf: {  	_ =	strace $0x90000047  }
0x5c0: {  	s0 =	stileid.u32;
	[bflag:$0x2] =	sbarrier.arrive $0xFFFF  }
0x5c1: {  	p0 =	sne.s32 s0, $0x0;
	s0 =	rddreg [dreg:$0x3]  }
0x5c2: {  	s0 =	sadd.s32 @!p0 $0x100000, s0  }
0x5c3: {  	[sflag:s0] =	ssyncadd.tile.s32 @!p0 $0x1;
	_ =	shalt  }
.Lfunc_end2:
_tile_overlayer_lowered:
.L_overlay_start_2:
0x5c4: {  	(tag) =	ssettag $0x2  }
0x5c5: {  	s0 =	rddreg [dreg:$0x0];
	s2 =	stileid.u32  }
0x5c6: {  	s1 =	rddreg [dreg:$0x1];
	p0 =	sne.s32 s2, $0x0  }
0x5c7: {  	s3 =	rddreg [dreg:$0x2];
	[bflag:$0x3] =	sbarrier.arrive $0xFFFF;
	s2 =	simm.s32 @!p0 $0x1C0B  }
0x5c8: {  	[timem:s3], [sflag:s2] =	dma.local @!p0 [hbm:s0], s1  }
0x5c9: {  	s0 =	simm.s32 @!p0 $0xB  }
0x5ca: {  	_ =	swait.ge @!p0 [sflag:s0], s1  }
0x5cb: {  	s1 =	ssub.s32 @!p0 $0x0, s1;
	[sflag:s0] =	ssyncset.done @!p0 $0x0  }
0x5cc: {  	[sflag:s0] =	ssyncadd.s32 @!p0 s1  }
0x5cd: {  	[bflag:$0x3] =	sbarrier.arrive $0xFFFF  }
0x5ce: {  	_ =	shalt  }

</sc_bundles>
